<compile_context>
chip_gen: v7x
topology: tpu7x:2x2x1
jax: 0.10.2.dev20260603
libtpu: 0.0.44.dev20260713+nightly
codegen_flags: <defaults>
</compile_context>

<pallas_src>
import functools

import jax
import jax.numpy as jnp
from jax import lax
from jax.experimental import pallas as pl
from jax.experimental.pallas import tpu as pltpu
from jax.experimental.pallas import tpu_sc as plsc

N = 10000
C = 128
HEADS = 6
E = 320000
TRASH = N
NPAD = 10240
ROWS_PER_TILE = NPAD // 16

DCH = 128
DCPT = 79

ACH = 80

_mesh = plsc.VectorSubcoreMesh(core_axis_name="c", subcore_axis_name="s")


def _fill(ref, nvec, value, dtype):
    v = jnp.full((16,), value, dtype)
    for j in range(nvec):
        ref[pl.ds(j * 16, 16)] = v


def _masked_targets(rv, cv, av, nvec):
    for j in range(nvec):
        r = rv[pl.ds(j * 16, 16)]
        c = cv[pl.ds(j * 16, 16)]
        d = r - c
        t = jnp.right_shift(d | (-d), 31)
        av[pl.ds(j * 16, 16)] = (c & t) | (TRASH & ~t)


def _deg_body(row_hbm, col_hbm, deg_out,
              rbig, cbig, av0, av1, ones_v, zrow_v, acc, ss0, ss1):
    cid = lax.axis_index("c")
    sid = lax.axis_index("s")
    wid = cid * 16 + sid
    is31 = wid == 31
    n = jnp.where(is31, 51, DCPT)
    nq = jnp.where(is31, 24, 38)
    in_base = wid * (DCPT * DCH)
    load_base = jnp.minimum(in_base, E - DCPT * DCH)
    shift = in_base - load_base

    _fill(ones_v, DCH // 16, 1.0, jnp.float32)
    _fill(zrow_v, ROWS_PER_TILE // 16, 0.0, jnp.float32)
    pltpu.sync_copy(row_hbm.at[pl.ds(load_base, DCPT * DCH)], rbig)
    pltpu.sync_copy(col_hbm.at[pl.ds(load_base, DCPT * DCH)], cbig)
    pltpu.sync_copy(zrow_v, acc.at[pl.ds(sid * ROWS_PER_TILE, ROWS_PER_TILE)])
    plsc.subcore_barrier()

    av = (av0, av1)
    ss = (ss0, ss1)

    def do_chunk(i, b, first):
        if not first:
            pltpu.make_async_copy(ones_v, acc.at[av[b]], ss[b]).wait()
        for j in range(DCH // 16):
            o = shift + i * DCH + j * 16
            r = rbig[pl.ds(o, 16)]
            c = cbig[pl.ds(o, 16)]
            d = r - c
            t = jnp.right_shift(d | (-d), 31)
            av[b][pl.ds(j * 16, 16)] = (c & t) | (TRASH & ~t)
        pltpu.async_copy(ones_v, acc.at[av[b]], ss[b], add=True)

    do_chunk(0, 0, True)
    do_chunk(1, 1, True)

    def pair_body(m, carry):
        for b in range(2):
            do_chunk(m * 2 + b, b, False)
        return carry

    lax.fori_loop(1, 1 + nq, pair_body, 0)
    do_chunk(n - 1, 0, False)
    pltpu.make_async_copy(ones_v, acc.at[av[1]], ss1).wait()
    pltpu.make_async_copy(ones_v, acc.at[av[0]], ss0).wait()
    plsc.subcore_barrier()
    pltpu.sync_copy(acc.at[pl.ds(sid * ROWS_PER_TILE, ROWS_PER_TILE)],
                    deg_out.at[cid, pl.ds(sid * ROWS_PER_TILE, ROWS_PER_TILE)])


_deg_call = functools.partial(
    pl.kernel,
    out_type=jax.ShapeDtypeStruct((2, NPAD), jnp.float32),
    mesh=_mesh,
    scratch_types=[
        pltpu.VMEM((DCPT * DCH,), jnp.int32),
        pltpu.VMEM((DCPT * DCH,), jnp.int32),
        pltpu.VMEM((DCH,), jnp.int32),
        pltpu.VMEM((DCH,), jnp.int32),
        pltpu.VMEM((DCH,), jnp.float32),
        pltpu.VMEM((ROWS_PER_TILE,), jnp.float32),
        pltpu.VMEM_SHARED((NPAD,), jnp.float32),
        pltpu.SemaphoreType.DMA,
        pltpu.SemaphoreType.DMA,
    ],
)(_deg_body)


def _agg_body(g_hbm, row_hbm, col_hbm, out_hbm,
              rv0, rv1, rv2, rv3, cv0, cv1, cv2, cv3, av0, av1, av2, av3,
              b0, b1, b2, b3, acc,
              sg0, sg1, sg2, sg3, ss0, ss1, ss2, ss3):
    cid = lax.axis_index("c")
    sid = lax.axis_index("s")
    n = jnp.where(cid == 0, 144, jnp.where(sid < 8, 108, 104))
    base_chunk = jnp.where(cid == 0,
                           sid * 144,
                           2304 + sid * 104 + 4 * jnp.minimum(sid, 8))
    base = base_chunk * ACH

    rv = (rv0, rv1, rv2, rv3)
    cv = (cv0, cv1, cv2, cv3)
    av = (av0, av1, av2, av3)
    bufs = (b0, b1, b2, b3)
    sg = (sg0, sg1, sg2, sg3)
    ss = (ss0, ss1, ss2, ss3)

    zeros16 = jnp.zeros((16,), jnp.float32)

    def zrow(i, carry):
        for j in range(C // 16):
            b0[i, pl.ds(j * 16, 16)] = zeros16
        return carry

    lax.fori_loop(0, ACH, zrow, 0)

    def zacc(k, carry):
        pltpu.sync_copy(
            b0, acc.at[pl.ds(sid * ROWS_PER_TILE + k * ACH, ACH)])
        return carry

    lax.fori_loop(0, ROWS_PER_TILE // ACH, zacc, 0)
    plsc.subcore_barrier()

    def load_and_gather(j, q):
        pltpu.sync_copy(row_hbm.at[pl.ds(base + j * ACH, ACH)], rv[q])
        pltpu.sync_copy(col_hbm.at[pl.ds(base + j * ACH, ACH)], cv[q])
        _masked_targets(rv[q], cv[q], av[q], ACH // 16)
        pltpu.async_copy(g_hbm.at[rv[q]], bufs[q], sg[q])

    def finish_chunk(i, q):
        pltpu.make_async_copy(g_hbm.at[rv[q]], bufs[q], sg[q]).wait()
        pltpu.async_copy(bufs[q], acc.at[av[q]], ss[q], add=True)

    load_and_gather(0, 0)
    load_and_gather(1, 1)
    for q in range(4):
        i = q
        q2 = (q + 2) % 4
        if q >= 2:
            pltpu.make_async_copy(bufs[q2], acc.at[av[q2]], ss[q2]).wait()
        load_and_gather(i + 2, q2)
        finish_chunk(i, q)

    def quad_body(m, carry):
        for q in range(4):
            i = m * 4 + q
            q2 = (q + 2) % 4
            pltpu.make_async_copy(bufs[q2], acc.at[av[q2]], ss[q2]).wait()
            load_and_gather(i + 2, q2)
            finish_chunk(i, q)
        return carry

    lax.fori_loop(1, n // 4 - 1, quad_body, 0)
    for q in range(4):
        i = n - 4 + q
        q2 = (q + 2) % 4
        pltpu.make_async_copy(bufs[q2], acc.at[av[q2]], ss[q2]).wait()
        if q < 2:
            load_and_gather(i + 2, q2)
        finish_chunk(i, q)
    for q in (2, 3):
        pltpu.make_async_copy(bufs[q], acc.at[av[q]], ss[q]).wait()

    plsc.subcore_barrier()
    pltpu.sync_copy(acc.at[pl.ds(sid * ROWS_PER_TILE, ROWS_PER_TILE)],
                    out_hbm.at[cid, pl.ds(sid * ROWS_PER_TILE, ROWS_PER_TILE)])


_agg_call = functools.partial(
    pl.kernel,
    out_type=jax.ShapeDtypeStruct((2, NPAD, C), jnp.float32),
    mesh=_mesh,
    scratch_types=(
        [pltpu.VMEM((ACH,), jnp.int32)] * 12
        + [pltpu.VMEM((ACH, C), jnp.float32)] * 4
        + [pltpu.VMEM_SHARED((NPAD, C), jnp.float32)]
        + [pltpu.SemaphoreType.DMA] * 8
    ),
)(_agg_body)


_RB = 640


def _g_body(deg_ref, x_ref, w_ref, g_ref):
    p = deg_ref[...]
    s = lax.rsqrt(p[0] + p[1] + 1.0)
    h = jnp.dot(x_ref[...], w_ref[...], preferred_element_type=jnp.float32)
    g_ref[...] = s[:, None] * h


def _g_call(deg_parts, x, W_gcn):
    return pl.pallas_call(
        _g_body,
        grid=(NPAD // _RB,),
        in_specs=[
            pl.BlockSpec((2, _RB), lambda i: (0, i)),
            pl.BlockSpec((_RB, C), lambda i: (i, 0)),
            pl.BlockSpec((C, C), lambda i: (0, 0)),
        ],
        out_specs=pl.BlockSpec((_RB, C), lambda i: (i, 0)),
        out_shape=jax.ShapeDtypeStruct((NPAD, C), jnp.float32),
    )(deg_parts, x, W_gcn)


def _out_body(deg_ref, a_ref, g_ref, b_ref, w_ref, o_ref):
    p = deg_ref[...]
    a = a_ref[...]
    s = lax.rsqrt(p[0] + p[1] + 1.0)
    out1 = s[:, None] * (a[0] + a[1] + g_ref[...]) + b_ref[...]
    o = jnp.dot(out1, w_ref[...], preferred_element_type=jnp.float32)
    o_ref[...] = o.reshape(_RB, HEADS, C)


def _out_call(deg_parts, a_parts, g, b2d, weight):
    return pl.pallas_call(
        _out_body,
        grid=(NPAD // _RB,),
        in_specs=[
            pl.BlockSpec((2, _RB), lambda i: (0, i)),
            pl.BlockSpec((2, _RB, C), lambda i: (0, i, 0)),
            pl.BlockSpec((_RB, C), lambda i: (i, 0)),
            pl.BlockSpec((1, C), lambda i: (0, 0)),
            pl.BlockSpec((C, HEADS * C), lambda i: (0, 0)),
        ],
        out_specs=pl.BlockSpec((_RB, HEADS, C), lambda i: (i, 0, 0)),
        out_shape=jax.ShapeDtypeStruct((N, HEADS, C), jnp.float32),
    )(deg_parts, a_parts, g, b2d, weight)


@jax.jit
def kernel(x, edge_index, old_index, W_gcn, b_gcn, weight):
    row1d = edge_index[0]
    col1d = edge_index[1]
    deg_parts = _deg_call(row1d, col1d)
    g = _g_call(deg_parts, x, W_gcn)
    a_parts = _agg_call(g, row1d, col1d)
    return _out_call(deg_parts, a_parts, g, b_gcn.reshape(1, C), weight)

# --- scband reference (transcript-rebuilt; emitter-appended) ---
"""Pipeline reference for scband-ricci-curvature-pooling-36962488550043 (READ-ONLY COPY).

The authoritative reference and input builder live on the scoring server;
editing this copy changes nothing except your own understanding.
"""

import jax, jax.numpy as jnp
import numpy as np

N_NODES = 10000
N_EDGES = 320000
IN_CH = 128
HEADS = 6


def _glorot(key, shape):
    stdv = float(np.sqrt(6.0 / (shape[-2] + shape[-1])))
    return jax.random.uniform(key, shape, minval=-stdv, maxval=stdv, dtype=jnp.float32)


def setup_inputs(seed: int = 0) -> dict:
    key = jax.random.key(seed)
    ks = jax.random.split(key, 6)
    x = jax.random.normal(ks[0], (N_NODES, IN_CH), dtype=jnp.float32)
    edge_index = jax.random.randint(ks[1], (2, N_EDGES), 0, N_NODES, dtype=jnp.int32)
    old_index = jax.random.randint(ks[2], (2, N_EDGES), 0, N_NODES, dtype=jnp.int32)
    # GCNConv (gnn_intra_cluster) parameters: Linear(in_channels, in_channels) + bias
    W_gcn = _glorot(ks[3], (IN_CH, IN_CH))
    b_gcn = jnp.zeros((IN_CH,), dtype=jnp.float32)
    # multi-head attention projection weight: Parameter(in_channels, heads*in_channels), glorot init
    weight = _glorot(ks[4], (IN_CH, HEADS * IN_CH))
    return {"x": x, "edge_index": edge_index, "old_index": old_index,
            "W_gcn": W_gcn, "b_gcn": b_gcn, "weight": weight}


def reference(x, edge_index, old_index, W_gcn, b_gcn, weight):
    N = x.shape[0]
    x = x if x.ndim > 1 else x[:, None]
    # add_remaining_self_loops(edge_index, fill_value=1, num_nodes=N):
    # drop existing self loops, append one self loop per node (edge weights all 1)
    row0, col0 = edge_index[0], edge_index[1]
    mask = row0 != col0
    loop = jnp.arange(N, dtype=row0.dtype)
    row = jnp.concatenate([row0, loop])
    col = jnp.concatenate([col0, loop])
    w = jnp.concatenate([mask.astype(x.dtype), jnp.ones(N, dtype=x.dtype)])
    x_pool = x
    # gnn_intra_cluster = GCNConv(in_channels, in_channels)
    h = x @ W_gcn
    deg = jax.ops.segment_sum(w, col, num_segments=N)
    dinv = jnp.where(deg > 0, deg ** -0.5, 0.0)
    norm = dinv[row] * dinv[col] * w
    x_pool_j = jax.ops.segment_sum(h[row] * norm[:, None], col, num_segments=N) + b_gcn
    # use_attention branch: project to heads*in_channels and reshape per head
    x_pool_j = x_pool_j @ weight
    x_pool_j = x_pool_j.reshape(-1, HEADS, x.shape[1])
    return x_pool_j

if __name__ == "__main__":
    import jax
    _d = setup_inputs()
    print(jax.jit(kernel)(*tuple(_d.values())))

</pallas_src>

<mosaic_0001>
#map = affine_map<(d0, d1) -> (0)>
#map1 = affine_map<(d0, d1) -> (0, 0)>
module attributes {stable_mosaic.version = 14 : i64} {
  func.func @_deg_body(%arg0: i32, %arg1: i32, %arg2: memref<320000xi32, #tpu.memory_space<hbm>>, %arg3: memref<320000xi32, #tpu.memory_space<hbm>>, %arg4: memref<2x10240xf32, #tpu.memory_space<hbm>>, %arg5: memref<10112xi32, #tpu.memory_space<vmem>>, %arg6: memref<10112xi32, #tpu.memory_space<vmem>>, %arg7: memref<128xi32, #tpu.memory_space<vmem>>, %arg8: memref<128xi32, #tpu.memory_space<vmem>>, %arg9: memref<128xf32, #tpu.memory_space<vmem>>, %arg10: memref<640xf32, #tpu.memory_space<vmem>>, %arg11: memref<10240xf32, #tpu.memory_space<vmem_shared>>, %arg12: memref<!tpu.dma_semaphore, #tpu.memory_space<semaphore_mem>>, %arg13: memref<!tpu.dma_semaphore, #tpu.memory_space<semaphore_mem>>) attributes {dimension_semantics = [#tpu.dimension_semantics<core_parallel>, #tpu.dimension_semantics<subcore_parallel>], iteration_bounds = array<i64: 2, 16>, scalar_prefetch = 0 : i64, scratch_operands = 9 : i64, tpu.core_type = #tpu.core_type<sc_vector_subcore>, window_params = [{transform_indices = #map}, {transform_indices = #map}, {transform_indices = #map1}]} {
    %mul3A = arith.constant 16 : i32
    %mul3A_0 = arith.muli %arg0, %mul3A : i32
    %add3A = arith.addi %mul3A_0, %arg1 : i32
    %eq3A = arith.constant 31 : i32
    %eq3A_1 = arith.cmpi eq, %add3A, %eq3A : i32
    %jit3A = arith.constant 51 : i32
    %jit3A_2 = arith.constant 79 : i32
    %select_n3A = arith.select %eq3A_1, %jit3A, %jit3A_2 : i32
    %jit3A_3 = arith.constant 24 : i32
    %jit3A_4 = arith.constant 38 : i32
    %select_n3A_5 = arith.select %eq3A_1, %jit3A_3, %jit3A_4 : i32
    %mul3A_6 = arith.constant 10112 : i32
    %mul3A_7 = arith.muli %add3A, %mul3A_6 : i32
    %min3A = arith.constant 309888 : i32
    %min3A_8 = arith.minsi %mul3A_7, %min3A : i32
    %sub3A = arith.subi %mul3A_7, %min3A_8 : i32
    %broadcast_in_dim3A = arith.constant 1.000000e+00 : f32
    %broadcast_in_dim3A_9 = vector.broadcast %broadcast_in_dim3A : f32 to vector<16xf32>
    %swap3A = arith.constant 0 : index
    %swap3A_10 = tpu.vector_load %arg9[%swap3A] {strides = array<i32>} : memref<128xf32, #tpu.memory_space<vmem>>, vector<16xf32>,
    %swap3A_11 = vector.shape_cast %swap3A_10 : vector<16xf32> to vector<16xf32>
    %swap3A_12 = vector.shape_cast %broadcast_in_dim3A_9 : vector<16xf32> to vector<16xf32>
    tpu.vector_store %arg9[%swap3A], %swap3A_12 {strides = array<i32>} : memref<128xf32, #tpu.memory_space<vmem>>, vector<16xf32>,
    %swap3A_13 = arith.constant 16 : index
    %swap3A_14 = tpu.vector_load %arg9[%swap3A_13] {strides = array<i32>} : memref<128xf32, #tpu.memory_space<vmem>>, vector<16xf32>,
    %swap3A_15 = vector.shape_cast %swap3A_14 : vector<16xf32> to vector<16xf32>
    %swap3A_16 = vector.shape_cast %broadcast_in_dim3A_9 : vector<16xf32> to vector<16xf32>
    tpu.vector_store %arg9[%swap3A_13], %swap3A_16 {strides = array<i32>} : memref<128xf32, #tpu.memory_space<vmem>>, vector<16xf32>,
    %swap3A_17 = arith.constant 32 : index
    %swap3A_18 = tpu.vector_load %arg9[%swap3A_17] {strides = array<i32>} : memref<128xf32, #tpu.memory_space<vmem>>, vector<16xf32>,
    %swap3A_19 = vector.shape_cast %swap3A_18 : vector<16xf32> to vector<16xf32>
    %swap3A_20 = vector.shape_cast %broadcast_in_dim3A_9 : vector<16xf32> to vector<16xf32>
    tpu.vector_store %arg9[%swap3A_17], %swap3A_20 {strides = array<i32>} : memref<128xf32, #tpu.memory_space<vmem>>, vector<16xf32>,
    %swap3A_21 = arith.constant 48 : index
    %swap3A_22 = tpu.vector_load %arg9[%swap3A_21] {strides = array<i32>} : memref<128xf32, #tpu.memory_space<vmem>>, vector<16xf32>,
    %swap3A_23 = vector.shape_cast %swap3A_22 : vector<16xf32> to vector<16xf32>
    %swap3A_24 = vector.shape_cast %broadcast_in_dim3A_9 : vector<16xf32> to vector<16xf32>
    tpu.vector_store %arg9[%swap3A_21], %swap3A_24 {strides = array<i32>} : memref<128xf32, #tpu.memory_space<vmem>>, vector<16xf32>,
    %swap3A_25 = arith.constant 64 : index
    %swap3A_26 = tpu.vector_load %arg9[%swap3A_25] {strides = array<i32>} : memref<128xf32, #tpu.memory_space<vmem>>, vector<16xf32>,
    %swap3A_27 = vector.shape_cast %swap3A_26 : vector<16xf32> to vector<16xf32>
    %swap3A_28 = vector.shape_cast %broadcast_in_dim3A_9 : vector<16xf32> to vector<16xf32>
    tpu.vector_store %arg9[%swap3A_25], %swap3A_28 {strides = array<i32>} : memref<128xf32, #tpu.memory_space<vmem>>, vector<16xf32>,
    %swap3A_29 = arith.constant 80 : index
    %swap3A_30 = tpu.vector_load %arg9[%swap3A_29] {strides = array<i32>} : memref<128xf32, #tpu.memory_space<vmem>>, vector<16xf32>,
    %swap3A_31 = vector.shape_cast %swap3A_30 : vector<16xf32> to vector<16xf32>
    %swap3A_32 = vector.shape_cast %broadcast_in_dim3A_9 : vector<16xf32> to vector<16xf32>
    tpu.vector_store %arg9[%swap3A_29], %swap3A_32 {strides = array<i32>} : memref<128xf32, #tpu.memory_space<vmem>>, vector<16xf32>,
    %swap3A_33 = arith.constant 96 : index
    %swap3A_34 = tpu.vector_load %arg9[%swap3A_33] {strides = array<i32>} : memref<128xf32, #tpu.memory_space<vmem>>, vector<16xf32>,
    %swap3A_35 = vector.shape_cast %swap3A_34 : vector<16xf32> to vector<16xf32>
    %swap3A_36 = vector.shape_cast %broadcast_in_dim3A_9 : vector<16xf32> to vector<16xf32>
    tpu.vector_store %arg9[%swap3A_33], %swap3A_36 {strides = array<i32>} : memref<128xf32, #tpu.memory_space<vmem>>, vector<16xf32>,
    %swap3A_37 = arith.constant 112 : index
    %swap3A_38 = tpu.vector_load %arg9[%swap3A_37] {strides = array<i32>} : memref<128xf32, #tpu.memory_space<vmem>>, vector<16xf32>,
    %swap3A_39 = vector.shape_cast %swap3A_38 : vector<16xf32> to vector<16xf32>
    %swap3A_40 = vector.shape_cast %broadcast_in_dim3A_9 : vector<16xf32> to vector<16xf32>
    tpu.vector_store %arg9[%swap3A_37], %swap3A_40 {strides = array<i32>} : memref<128xf32, #tpu.memory_space<vmem>>, vector<16xf32>,
    %broadcast_in_dim3A_41 = arith.constant 0.000000e+00 : f32
    %broadcast_in_dim3A_42 = vector.broadcast %broadcast_in_dim3A_41 : f32 to vector<16xf32>
    %swap3A_43 = arith.constant 0 : index
    %swap3A_44 = tpu.vector_load %arg10[%swap3A_43] {strides = array<i32>} : memref<640xf32, #tpu.memory_space<vmem>>, vector<16xf32>,
    %swap3A_45 = vector.shape_cast %swap3A_44 : vector<16xf32> to vector<16xf32>
    %swap3A_46 = vector.shape_cast %broadcast_in_dim3A_42 : vector<16xf32> to vector<16xf32>
    tpu.vector_store %arg10[%swap3A_43], %swap3A_46 {strides = array<i32>} : memref<640xf32, #tpu.memory_space<vmem>>, vector<16xf32>,
    %swap3A_47 = arith.constant 16 : index
    %swap3A_48 = tpu.vector_load %arg10[%swap3A_47] {strides = array<i32>} : memref<640xf32, #tpu.memory_space<vmem>>, vector<16xf32>,
    %swap3A_49 = vector.shape_cast %swap3A_48 : vector<16xf32> to vector<16xf32>
    %swap3A_50 = vector.shape_cast %broadcast_in_dim3A_42 : vector<16xf32> to vector<16xf32>
    tpu.vector_store %arg10[%swap3A_47], %swap3A_50 {strides = array<i32>} : memref<640xf32, #tpu.memory_space<vmem>>, vector<16xf32>,
    %swap3A_51 = arith.constant 32 : index
    %swap3A_52 = tpu.vector_load %arg10[%swap3A_51] {strides = array<i32>} : memref<640xf32, #tpu.memory_space<vmem>>, vector<16xf32>,
    %swap3A_53 = vector.shape_cast %swap3A_52 : vector<16xf32> to vector<16xf32>
    %swap3A_54 = vector.shape_cast %broadcast_in_dim3A_42 : vector<16xf32> to vector<16xf32>
    tpu.vector_store %arg10[%swap3A_51], %swap3A_54 {strides = array<i32>} : memref<640xf32, #tpu.memory_space<vmem>>, vector<16xf32>,
    %swap3A_55 = arith.constant 48 : index
    %swap3A_56 = tpu.vector_load %arg10[%swap3A_55] {strides = array<i32>} : memref<640xf32, #tpu.memory_space<vmem>>, vector<16xf32>,
    %swap3A_57 = vector.shape_cast %swap3A_56 : vector<16xf32> to vector<16xf32>
    %swap3A_58 = vector.shape_cast %broadcast_in_dim3A_42 : vector<16xf32> to vector<16xf32>
    tpu.vector_store %arg10[%swap3A_55], %swap3A_58 {strides = array<i32>} : memref<640xf32, #tpu.memory_space<vmem>>, vector<16xf32>,
    %swap3A_59 = arith.constant 64 : index
    %swap3A_60 = tpu.vector_load %arg10[%swap3A_59] {strides = array<i32>} : memref<640xf32, #tpu.memory_space<vmem>>, vector<16xf32>,
    %swap3A_61 = vector.shape_cast %swap3A_60 : vector<16xf32> to vector<16xf32>
    %swap3A_62 = vector.shape_cast %broadcast_in_dim3A_42 : vector<16xf32> to vector<16xf32>
    tpu.vector_store %arg10[%swap3A_59], %swap3A_62 {strides = array<i32>} : memref<640xf32, #tpu.memory_space<vmem>>, vector<16xf32>,
    %swap3A_63 = arith.constant 80 : index
    %swap3A_64 = tpu.vector_load %arg10[%swap3A_63] {strides = array<i32>} : memref<640xf32, #tpu.memory_space<vmem>>, vector<16xf32>,
    %swap3A_65 = vector.shape_cast %swap3A_64 : vector<16xf32> to vector<16xf32>
    %swap3A_66 = vector.shape_cast %broadcast_in_dim3A_42 : vector<16xf32> to vector<16xf32>
    tpu.vector_store %arg10[%swap3A_63], %swap3A_66 {strides = array<i32>} : memref<640xf32, #tpu.memory_space<vmem>>, vector<16xf32>,
    %swap3A_67 = arith.constant 96 : index
    %swap3A_68 = tpu.vector_load %arg10[%swap3A_67] {strides = array<i32>} : memref<640xf32, #tpu.memory_space<vmem>>, vector<16xf32>,
    %swap3A_69 = vector.shape_cast %swap3A_68 : vector<16xf32> to vector<16xf32>
    %swap3A_70 = vector.shape_cast %broadcast_in_dim3A_42 : vector<16xf32> to vector<16xf32>
    tpu.vector_store %arg10[%swap3A_67], %swap3A_70 {strides = array<i32>} : memref<640xf32, #tpu.memory_space<vmem>>, vector<16xf32>,
    %swap3A_71 = arith.constant 112 : index
    %swap3A_72 = tpu.vector_load %arg10[%swap3A_71] {strides = array<i32>} : memref<640xf32, #tpu.memory_space<vmem>>, vector<16xf32>,
    %swap3A_73 = vector.shape_cast %swap3A_72 : vector<16xf32> to vector<16xf32>
    %swap3A_74 = vector.shape_cast %broadcast_in_dim3A_42 : vector<16xf32> to vector<16xf32>
    tpu.vector_store %arg10[%swap3A_71], %swap3A_74 {strides = array<i32>} : memref<640xf32, #tpu.memory_space<vmem>>, vector<16xf32>,
    %swap3A_75 = arith.constant 128 : index
    %swap3A_76 = tpu.vector_load %arg10[%swap3A_75] {strides = array<i32>} : memref<640xf32, #tpu.memory_space<vmem>>, vector<16xf32>,
    %swap3A_77 = vector.shape_cast %swap3A_76 : vector<16xf32> to vector<16xf32>
    %swap3A_78 = vector.shape_cast %broadcast_in_dim3A_42 : vector<16xf32> to vector<16xf32>
    tpu.vector_store %arg10[%swap3A_75], %swap3A_78 {strides = array<i32>} : memref<640xf32, #tpu.memory_space<vmem>>, vector<16xf32>,
    %swap3A_79 = arith.constant 144 : index
    %swap3A_80 = tpu.vector_load %arg10[%swap3A_79] {strides = array<i32>} : memref<640xf32, #tpu.memory_space<vmem>>, vector<16xf32>,
    %swap3A_81 = vector.shape_cast %swap3A_80 : vector<16xf32> to vector<16xf32>
    %swap3A_82 = vector.shape_cast %broadcast_in_dim3A_42 : vector<16xf32> to vector<16xf32>
    tpu.vector_store %arg10[%swap3A_79], %swap3A_82 {strides = array<i32>} : memref<640xf32, #tpu.memory_space<vmem>>, vector<16xf32>,
    %swap3A_83 = arith.constant 160 : index
    %swap3A_84 = tpu.vector_load %arg10[%swap3A_83] {strides = array<i32>} : memref<640xf32, #tpu.memory_space<vmem>>, vector<16xf32>,
    %swap3A_85 = vector.shape_cast %swap3A_84 : vector<16xf32> to vector<16xf32>
    %swap3A_86 = vector.shape_cast %broadcast_in_dim3A_42 : vector<16xf32> to vector<16xf32>
    tpu.vector_store %arg10[%swap3A_83], %swap3A_86 {strides = array<i32>} : memref<640xf32, #tpu.memory_space<vmem>>, vector<16xf32>,
    %swap3A_87 = arith.constant 176 : index
    %swap3A_88 = tpu.vector_load %arg10[%swap3A_87] {strides = array<i32>} : memref<640xf32, #tpu.memory_space<vmem>>, vector<16xf32>,
    %swap3A_89 = vector.shape_cast %swap3A_88 : vector<16xf32> to vector<16xf32>
    %swap3A_90 = vector.shape_cast %broadcast_in_dim3A_42 : vector<16xf32> to vector<16xf32>
    tpu.vector_store %arg10[%swap3A_87], %swap3A_90 {strides = array<i32>} : memref<640xf32, #tpu.memory_space<vmem>>, vector<16xf32>,
    %swap3A_91 = arith.constant 192 : index
    %swap3A_92 = tpu.vector_load %arg10[%swap3A_91] {strides = array<i32>} : memref<640xf32, #tpu.memory_space<vmem>>, vector<16xf32>,
    %swap3A_93 = vector.shape_cast %swap3A_92 : vector<16xf32> to vector<16xf32>
    %swap3A_94 = vector.shape_cast %broadcast_in_dim3A_42 : vector<16xf32> to vector<16xf32>
    tpu.vector_store %arg10[%swap3A_91], %swap3A_94 {strides = array<i32>} : memref<640xf32, #tpu.memory_space<vmem>>, vector<16xf32>,
    %swap3A_95 = arith.constant 208 : index
    %swap3A_96 = tpu.vector_load %arg10[%swap3A_95] {strides = array<i32>} : memref<640xf32, #tpu.memory_space<vmem>>, vector<16xf32>,
    %swap3A_97 = vector.shape_cast %swap3A_96 : vector<16xf32> to vector<16xf32>
    %swap3A_98 = vector.shape_cast %broadcast_in_dim3A_42 : vector<16xf32> to vector<16xf32>
    tpu.vector_store %arg10[%swap3A_95], %swap3A_98 {strides = array<i32>} : memref<640xf32, #tpu.memory_space<vmem>>, vector<16xf32>,
    %swap3A_99 = arith.constant 224 : index
    %swap3A_100 = tpu.vector_load %arg10[%swap3A_99] {strides = array<i32>} : memref<640xf32, #tpu.memory_space<vmem>>, vector<16xf32>,
    %swap3A_101 = vector.shape_cast %swap3A_100 : vector<16xf32> to vector<16xf32>
    %swap3A_102 = vector.shape_cast %broadcast_in_dim3A_42 : vector<16xf32> to vector<16xf32>
    tpu.vector_store %arg10[%swap3A_99], %swap3A_102 {strides = array<i32>} : memref<640xf32, #tpu.memory_space<vmem>>, vector<16xf32>,
    %swap3A_103 = arith.constant 240 : index
    %swap3A_104 = tpu.vector_load %arg10[%swap3A_103] {strides = array<i32>} : memref<640xf32, #tpu.memory_space<vmem>>, vector<16xf32>,
    %swap3A_105 = vector.shape_cast %swap3A_104 : vector<16xf32> to vector<16xf32>
    %swap3A_106 = vector.shape_cast %broadcast_in_dim3A_42 : vector<16xf32> to vector<16xf32>
    tpu.vector_store %arg10[%swap3A_103], %swap3A_106 {strides = array<i32>} : memref<640xf32, #tpu.memory_space<vmem>>, vector<16xf32>,
    %swap3A_107 = arith.constant 256 : index
    %swap3A_108 = tpu.vector_load %arg10[%swap3A_107] {strides = array<i32>} : memref<640xf32, #tpu.memory_space<vmem>>, vector<16xf32>,
    %swap3A_109 = vector.shape_cast %swap3A_108 : vector<16xf32> to vector<16xf32>
    %swap3A_110 = vector.shape_cast %broadcast_in_dim3A_42 : vector<16xf32> to vector<16xf32>
    tpu.vector_store %arg10[%swap3A_107], %swap3A_110 {strides = array<i32>} : memref<640xf32, #tpu.memory_space<vmem>>, vector<16xf32>,
    %swap3A_111 = arith.constant 272 : index
    %swap3A_112 = tpu.vector_load %arg10[%swap3A_111] {strides = array<i32>} : memref<640xf32, #tpu.memory_space<vmem>>, vector<16xf32>,
    %swap3A_113 = vector.shape_cast %swap3A_112 : vector<16xf32> to vector<16xf32>
    %swap3A_114 = vector.shape_cast %broadcast_in_dim3A_42 : vector<16xf32> to vector<16xf32>
    tpu.vector_store %arg10[%swap3A_111], %swap3A_114 {strides = array<i32>} : memref<640xf32, #tpu.memory_space<vmem>>, vector<16xf32>,
    %swap3A_115 = arith.constant 288 : index
    %swap3A_116 = tpu.vector_load %arg10[%swap3A_115] {strides = array<i32>} : memref<640xf32, #tpu.memory_space<vmem>>, vector<16xf32>,
    %swap3A_117 = vector.shape_cast %swap3A_116 : vector<16xf32> to vector<16xf32>
    %swap3A_118 = vector.shape_cast %broadcast_in_dim3A_42 : vector<16xf32> to vector<16xf32>
    tpu.vector_store %arg10[%swap3A_115], %swap3A_118 {strides = array<i32>} : memref<640xf32, #tpu.memory_space<vmem>>, vector<16xf32>,
    %swap3A_119 = arith.constant 304 : index
    %swap3A_120 = tpu.vector_load %arg10[%swap3A_119] {strides = array<i32>} : memref<640xf32, #tpu.memory_space<vmem>>, vector<16xf32>,
    %swap3A_121 = vector.shape_cast %swap3A_120 : vector<16xf32> to vector<16xf32>
    %swap3A_122 = vector.shape_cast %broadcast_in_dim3A_42 : vector<16xf32> to vector<16xf32>
    tpu.vector_store %arg10[%swap3A_119], %swap3A_122 {strides = array<i32>} : memref<640xf32, #tpu.memory_space<vmem>>, vector<16xf32>,
    %swap3A_123 = arith.constant 320 : index
    %swap3A_124 = tpu.vector_load %arg10[%swap3A_123] {strides = array<i32>} : memref<640xf32, #tpu.memory_space<vmem>>, vector<16xf32>,
    %swap3A_125 = vector.shape_cast %swap3A_124 : vector<16xf32> to vector<16xf32>
    %swap3A_126 = vector.shape_cast %broadcast_in_dim3A_42 : vector<16xf32> to vector<16xf32>
    tpu.vector_store %arg10[%swap3A_123], %swap3A_126 {strides = array<i32>} : memref<640xf32, #tpu.memory_space<vmem>>, vector<16xf32>,
    %swap3A_127 = arith.constant 336 : index
    %swap3A_128 = tpu.vector_load %arg10[%swap3A_127] {strides = array<i32>} : memref<640xf32, #tpu.memory_space<vmem>>, vector<16xf32>,
    %swap3A_129 = vector.shape_cast %swap3A_128 : vector<16xf32> to vector<16xf32>
    %swap3A_130 = vector.shape_cast %broadcast_in_dim3A_42 : vector<16xf32> to vector<16xf32>
    tpu.vector_store %arg10[%swap3A_127], %swap3A_130 {strides = array<i32>} : memref<640xf32, #tpu.memory_space<vmem>>, vector<16xf32>,
    %swap3A_131 = arith.constant 352 : index
    %swap3A_132 = tpu.vector_load %arg10[%swap3A_131] {strides = array<i32>} : memref<640xf32, #tpu.memory_space<vmem>>, vector<16xf32>,
    %swap3A_133 = vector.shape_cast %swap3A_132 : vector<16xf32> to vector<16xf32>
    %swap3A_134 = vector.shape_cast %broadcast_in_dim3A_42 : vector<16xf32> to vector<16xf32>
    tpu.vector_store %arg10[%swap3A_131], %swap3A_134 {strides = array<i32>} : memref<640xf32, #tpu.memory_space<vmem>>, vector<16xf32>,
    %swap3A_135 = arith.constant 368 : index
    %swap3A_136 = tpu.vector_load %arg10[%swap3A_135] {strides = array<i32>} : memref<640xf32, #tpu.memory_space<vmem>>, vector<16xf32>,
    %swap3A_137 = vector.shape_cast %swap3A_136 : vector<16xf32> to vector<16xf32>
    %swap3A_138 = vector.shape_cast %broadcast_in_dim3A_42 : vector<16xf32> to vector<16xf32>
    tpu.vector_store %arg10[%swap3A_135], %swap3A_138 {strides = array<i32>} : memref<640xf32, #tpu.memory_space<vmem>>, vector<16xf32>,
    %swap3A_139 = arith.constant 384 : index
    %swap3A_140 = tpu.vector_load %arg10[%swap3A_139] {strides = array<i32>} : memref<640xf32, #tpu.memory_space<vmem>>, vector<16xf32>,
    %swap3A_141 = vector.shape_cast %swap3A_140 : vector<16xf32> to vector<16xf32>
    %swap3A_142 = vector.shape_cast %broadcast_in_dim3A_42 : vector<16xf32> to vector<16xf32>
    tpu.vector_store %arg10[%swap3A_139], %swap3A_142 {strides = array<i32>} : memref<640xf32, #tpu.memory_space<vmem>>, vector<16xf32>,
    %swap3A_143 = arith.constant 400 : index
    %swap3A_144 = tpu.vector_load %arg10[%swap3A_143] {strides = array<i32>} : memref<640xf32, #tpu.memory_space<vmem>>, vector<16xf32>,
    %swap3A_145 = vector.shape_cast %swap3A_144 : vector<16xf32> to vector<16xf32>
    %swap3A_146 = vector.shape_cast %broadcast_in_dim3A_42 : vector<16xf32> to vector<16xf32>
    tpu.vector_store %arg10[%swap3A_143], %swap3A_146 {strides = array<i32>} : memref<640xf32, #tpu.memory_space<vmem>>, vector<16xf32>,
    %swap3A_147 = arith.constant 416 : index
    %swap3A_148 = tpu.vector_load %arg10[%swap3A_147] {strides = array<i32>} : memref<640xf32, #tpu.memory_space<vmem>>, vector<16xf32>,
    %swap3A_149 = vector.shape_cast %swap3A_148 : vector<16xf32> to vector<16xf32>
    %swap3A_150 = vector.shape_cast %broadcast_in_dim3A_42 : vector<16xf32> to vector<16xf32>
    tpu.vector_store %arg10[%swap3A_147], %swap3A_150 {strides = array<i32>} : memref<640xf32, #tpu.memory_space<vmem>>, vector<16xf32>,
    %swap3A_151 = arith.constant 432 : index
    %swap3A_152 = tpu.vector_load %arg10[%swap3A_151] {strides = array<i32>} : memref<640xf32, #tpu.memory_space<vmem>>, vector<16xf32>,
    %swap3A_153 = vector.shape_cast %swap3A_152 : vector<16xf32> to vector<16xf32>
    %swap3A_154 = vector.shape_cast %broadcast_in_dim3A_42 : vector<16xf32> to vector<16xf32>
    tpu.vector_store %arg10[%swap3A_151], %swap3A_154 {strides = array<i32>} : memref<640xf32, #tpu.memory_space<vmem>>, vector<16xf32>,
    %swap3A_155 = arith.constant 448 : index
    %swap3A_156 = tpu.vector_load %arg10[%swap3A_155] {strides = array<i32>} : memref<640xf32, #tpu.memory_space<vmem>>, vector<16xf32>,
    %swap3A_157 = vector.shape_cast %swap3A_156 : vector<16xf32> to vector<16xf32>
    %swap3A_158 = vector.shape_cast %broadcast_in_dim3A_42 : vector<16xf32> to vector<16xf32>
    tpu.vector_store %arg10[%swap3A_155], %swap3A_158 {strides = array<i32>} : memref<640xf32, #tpu.memory_space<vmem>>, vector<16xf32>,
    %swap3A_159 = arith.constant 464 : index
    %swap3A_160 = tpu.vector_load %arg10[%swap3A_159] {strides = array<i32>} : memref<640xf32, #tpu.memory_space<vmem>>, vector<16xf32>,
    %swap3A_161 = vector.shape_cast %swap3A_160 : vector<16xf32> to vector<16xf32>
    %swap3A_162 = vector.shape_cast %broadcast_in_dim3A_42 : vector<16xf32> to vector<16xf32>
    tpu.vector_store %arg10[%swap3A_159], %swap3A_162 {strides = array<i32>} : memref<640xf32, #tpu.memory_space<vmem>>, vector<16xf32>,
    %swap3A_163 = arith.constant 480 : index
    %swap3A_164 = tpu.vector_load %arg10[%swap3A_163] {strides = array<i32>} : memref<640xf32, #tpu.memory_space<vmem>>, vector<16xf32>,
    %swap3A_165 = vector.shape_cast %swap3A_164 : vector<16xf32> to vector<16xf32>
    %swap3A_166 = vector.shape_cast %broadcast_in_dim3A_42 : vector<16xf32> to vector<16xf32>
    tpu.vector_store %arg10[%swap3A_163], %swap3A_166 {strides = array<i32>} : memref<640xf32, #tpu.memory_space<vmem>>, vector<16xf32>,
    %swap3A_167 = arith.constant 496 : index
    %swap3A_168 = tpu.vector_load %arg10[%swap3A_167] {strides = array<i32>} : memref<640xf32, #tpu.memory_space<vmem>>, vector<16xf32>,
    %swap3A_169 = vector.shape_cast %swap3A_168 : vector<16xf32> to vector<16xf32>
    %swap3A_170 = vector.shape_cast %broadcast_in_dim3A_42 : vector<16xf32> to vector<16xf32>
    tpu.vector_store %arg10[%swap3A_167], %swap3A_170 {strides = array<i32>} : memref<640xf32, #tpu.memory_space<vmem>>, vector<16xf32>,
    %swap3A_171 = arith.constant 512 : index
    %swap3A_172 = tpu.vector_load %arg10[%swap3A_171] {strides = array<i32>} : memref<640xf32, #tpu.memory_space<vmem>>, vector<16xf32>,
    %swap3A_173 = vector.shape_cast %swap3A_172 : vector<16xf32> to vector<16xf32>
    %swap3A_174 = vector.shape_cast %broadcast_in_dim3A_42 : vector<16xf32> to vector<16xf32>
    tpu.vector_store %arg10[%swap3A_171], %swap3A_174 {strides = array<i32>} : memref<640xf32, #tpu.memory_space<vmem>>, vector<16xf32>,
    %swap3A_175 = arith.constant 528 : index
    %swap3A_176 = tpu.vector_load %arg10[%swap3A_175] {strides = array<i32>} : memref<640xf32, #tpu.memory_space<vmem>>, vector<16xf32>,
    %swap3A_177 = vector.shape_cast %swap3A_176 : vector<16xf32> to vector<16xf32>
    %swap3A_178 = vector.shape_cast %broadcast_in_dim3A_42 : vector<16xf32> to vector<16xf32>
    tpu.vector_store %arg10[%swap3A_175], %swap3A_178 {strides = array<i32>} : memref<640xf32, #tpu.memory_space<vmem>>, vector<16xf32>,
    %swap3A_179 = arith.constant 544 : index
    %swap3A_180 = tpu.vector_load %arg10[%swap3A_179] {strides = array<i32>} : memref<640xf32, #tpu.memory_space<vmem>>, vector<16xf32>,
    %swap3A_181 = vector.shape_cast %swap3A_180 : vector<16xf32> to vector<16xf32>
    %swap3A_182 = vector.shape_cast %broadcast_in_dim3A_42 : vector<16xf32> to vector<16xf32>
    tpu.vector_store %arg10[%swap3A_179], %swap3A_182 {strides = array<i32>} : memref<640xf32, #tpu.memory_space<vmem>>, vector<16xf32>,
    %swap3A_183 = arith.constant 560 : index
    %swap3A_184 = tpu.vector_load %arg10[%swap3A_183] {strides = array<i32>} : memref<640xf32, #tpu.memory_space<vmem>>, vector<16xf32>,
    %swap3A_185 = vector.shape_cast %swap3A_184 : vector<16xf32> to vector<16xf32>
    %swap3A_186 = vector.shape_cast %broadcast_in_dim3A_42 : vector<16xf32> to vector<16xf32>
    tpu.vector_store %arg10[%swap3A_183], %swap3A_186 {strides = array<i32>} : memref<640xf32, #tpu.memory_space<vmem>>, vector<16xf32>,
    %swap3A_187 = arith.constant 576 : index
    %swap3A_188 = tpu.vector_load %arg10[%swap3A_187] {strides = array<i32>} : memref<640xf32, #tpu.memory_space<vmem>>, vector<16xf32>,
    %swap3A_189 = vector.shape_cast %swap3A_188 : vector<16xf32> to vector<16xf32>
    %swap3A_190 = vector.shape_cast %broadcast_in_dim3A_42 : vector<16xf32> to vector<16xf32>
    tpu.vector_store %arg10[%swap3A_187], %swap3A_190 {strides = array<i32>} : memref<640xf32, #tpu.memory_space<vmem>>, vector<16xf32>,
    %swap3A_191 = arith.constant 592 : index
    %swap3A_192 = tpu.vector_load %arg10[%swap3A_191] {strides = array<i32>} : memref<640xf32, #tpu.memory_space<vmem>>, vector<16xf32>,
    %swap3A_193 = vector.shape_cast %swap3A_192 : vector<16xf32> to vector<16xf32>
    %swap3A_194 = vector.shape_cast %broadcast_in_dim3A_42 : vector<16xf32> to vector<16xf32>
    tpu.vector_store %arg10[%swap3A_191], %swap3A_194 {strides = array<i32>} : memref<640xf32, #tpu.memory_space<vmem>>, vector<16xf32>,
    %swap3A_195 = arith.constant 608 : index
    %swap3A_196 = tpu.vector_load %arg10[%swap3A_195] {strides = array<i32>} : memref<640xf32, #tpu.memory_space<vmem>>, vector<16xf32>,
    %swap3A_197 = vector.shape_cast %swap3A_196 : vector<16xf32> to vector<16xf32>
    %swap3A_198 = vector.shape_cast %broadcast_in_dim3A_42 : vector<16xf32> to vector<16xf32>
    tpu.vector_store %arg10[%swap3A_195], %swap3A_198 {strides = array<i32>} : memref<640xf32, #tpu.memory_space<vmem>>, vector<16xf32>,
    %swap3A_199 = arith.constant 624 : index
    %swap3A_200 = tpu.vector_load %arg10[%swap3A_199] {strides = array<i32>} : memref<640xf32, #tpu.memory_space<vmem>>, vector<16xf32>,
    %swap3A_201 = vector.shape_cast %swap3A_200 : vector<16xf32> to vector<16xf32>
    %swap3A_202 = vector.shape_cast %broadcast_in_dim3A_42 : vector<16xf32> to vector<16xf32>
    tpu.vector_store %arg10[%swap3A_199], %swap3A_202 {strides = array<i32>} : memref<640xf32, #tpu.memory_space<vmem>>, vector<16xf32>,
    "tpu.region"() ({
      %run_scoped3A = tpu.sem_alloc : memref<!tpu.dma_semaphore, #tpu.memory_space<semaphore_mem>>
      %dma_start3A_931 = tpu.memref_slice %arg2[%min3A_8] : memref<320000xi32, #tpu.memory_space<hbm>> -> memref<10112xi32, #tpu.memory_space<hbm>>
      %dma_start3A_932 = tpu.memref_slice %arg2[%min3A_8] : memref<320000xi32, #tpu.memory_space<hbm>> -> memref<10112xi32, #tpu.memory_space<hbm>>
      tpu.enqueue_dma source(%dma_start3A_932 : memref<10112xi32, #tpu.memory_space<hbm>>) target(%arg5 : memref<10112xi32, #tpu.memory_space<vmem>>) target_semaphore(%run_scoped3A : memref<!tpu.dma_semaphore, #tpu.memory_space<semaphore_mem>>)
      %dma_wait3A_933 = tpu.memref_slice %arg2[%min3A_8] : memref<320000xi32, #tpu.memory_space<hbm>> -> memref<10112xi32, #tpu.memory_space<hbm>>
      %dma_wait3A_934 = tpu.memref_slice %arg2[%min3A_8] : memref<320000xi32, #tpu.memory_space<hbm>> -> memref<10112xi32, #tpu.memory_space<hbm>>
      tpu.wait_dma2 semaphore(%run_scoped3A : memref<!tpu.dma_semaphore, #tpu.memory_space<semaphore_mem>>) src(%dma_wait3A_934 : memref<10112xi32, #tpu.memory_space<hbm>>) dst(%arg5 : memref<10112xi32, #tpu.memory_space<vmem>>)
      tpu.yield
    }) : () -> ()
    "tpu.region"() ({
      %run_scoped3A = tpu.sem_alloc : memref<!tpu.dma_semaphore, #tpu.memory_space<semaphore_mem>>
      %dma_start3A_931 = tpu.memref_slice %arg3[%min3A_8] : memref<320000xi32, #tpu.memory_space<hbm>> -> memref<10112xi32, #tpu.memory_space<hbm>>
      %dma_start3A_932 = tpu.memref_slice %arg3[%min3A_8] : memref<320000xi32, #tpu.memory_space<hbm>> -> memref<10112xi32, #tpu.memory_space<hbm>>
      tpu.enqueue_dma source(%dma_start3A_932 : memref<10112xi32, #tpu.memory_space<hbm>>) target(%arg6 : memref<10112xi32, #tpu.memory_space<vmem>>) target_semaphore(%run_scoped3A : memref<!tpu.dma_semaphore, #tpu.memory_space<semaphore_mem>>)
      %dma_wait3A_933 = tpu.memref_slice %arg3[%min3A_8] : memref<320000xi32, #tpu.memory_space<hbm>> -> memref<10112xi32, #tpu.memory_space<hbm>>
      %dma_wait3A_934 = tpu.memref_slice %arg3[%min3A_8] : memref<320000xi32, #tpu.memory_space<hbm>> -> memref<10112xi32, #tpu.memory_space<hbm>>
      tpu.wait_dma2 semaphore(%run_scoped3A : memref<!tpu.dma_semaphore, #tpu.memory_space<semaphore_mem>>) src(%dma_wait3A_934 : memref<10112xi32, #tpu.memory_space<hbm>>) dst(%arg6 : memref<10112xi32, #tpu.memory_space<vmem>>)
      tpu.yield
    }) : () -> ()
    %mul3A_203 = arith.constant 640 : i32
    %mul3A_204 = arith.muli %arg1, %mul3A_203 : i32
    "tpu.region"() ({
      %run_scoped3A = tpu.sem_alloc : memref<!tpu.dma_semaphore, #tpu.memory_space<semaphore_mem>>
      %dma_start3A_931 = tpu.memref_slice %arg11[%mul3A_204] : memref<10240xf32, #tpu.memory_space<vmem_shared>> -> memref<640xf32, #tpu.memory_space<vmem_shared>>
      %dma_start3A_932 = tpu.memref_slice %arg11[%mul3A_204] : memref<10240xf32, #tpu.memory_space<vmem_shared>> -> memref<640xf32, #tpu.memory_space<vmem_shared>>
      tpu.enqueue_dma source(%arg10 : memref<640xf32, #tpu.memory_space<vmem>>) target(%dma_start3A_932 : memref<640xf32, #tpu.memory_space<vmem_shared>>) target_semaphore(%run_scoped3A : memref<!tpu.dma_semaphore, #tpu.memory_space<semaphore_mem>>)
      %dma_wait3A_933 = tpu.memref_slice %arg11[%mul3A_204] : memref<10240xf32, #tpu.memory_space<vmem_shared>> -> memref<640xf32, #tpu.memory_space<vmem_shared>>
      %dma_wait3A_934 = tpu.memref_slice %arg11[%mul3A_204] : memref<10240xf32, #tpu.memory_space<vmem_shared>> -> memref<640xf32, #tpu.memory_space<vmem_shared>>
      tpu.wait_dma2 semaphore(%run_scoped3A : memref<!tpu.dma_semaphore, #tpu.memory_space<semaphore_mem>>) src(%arg10 : memref<640xf32, #tpu.memory_space<vmem>>) dst(%dma_wait3A_934 : memref<640xf32, #tpu.memory_space<vmem_shared>>)
      tpu.yield
    }) : () -> ()
    %barrier3A = arith.constant 0 : index
    tpu.barrier barrier_id(%barrier3A)
    %add3A_205 = arith.constant 0 : i32
    %add3A_206 = arith.addi %sub3A, %add3A_205 : i32
    %add3A_207 = arith.constant 0 : i32
    %add3A_208 = arith.addi %add3A_206, %add3A_207 : i32
    %get3A = arith.index_cast %add3A_208 : i32 to index
    %get3A_209 = tpu.vector_load %arg5[%get3A] {strides = array<i32>} : memref<10112xi32, #tpu.memory_space<vmem>>, vector<16xi32>,
    %get3A_210 = vector.shape_cast %get3A_209 : vector<16xi32> to vector<16xi32>
    %get3A_211 = arith.index_cast %add3A_208 : i32 to index
    %get3A_212 = tpu.vector_load %arg6[%get3A_211] {strides = array<i32>} : memref<10112xi32, #tpu.memory_space<vmem>>, vector<16xi32>,
    %get3A_213 = vector.shape_cast %get3A_212 : vector<16xi32> to vector<16xi32>
    %sub3A_214 = arith.subi %get3A_210, %get3A_213 : vector<16xi32>
    %neg3A = arith.constant 0 : i32
    %neg3A_215 = vector.broadcast %neg3A : i32 to vector<16xi32>
    %neg3A_216 = arith.subi %neg3A_215, %sub3A_214 : vector<16xi32>
    %or3A = arith.ori %sub3A_214, %neg3A_216 : vector<16xi32>
    %shift_right_arithmetic3A = arith.constant 31 : i32
    %shift_right_arithmetic3A_217 = vector.broadcast %shift_right_arithmetic3A : i32 to vector<16xi32>
    %shift_right_arithmetic3A_218 = arith.shrsi %or3A, %shift_right_arithmetic3A_217 : vector<16xi32>
    %and3A = arith.andi %get3A_213, %shift_right_arithmetic3A_218 : vector<16xi32>
    %not3A = arith.constant dense<-1> : vector<16xi32>
    %not3A_219 = arith.xori %shift_right_arithmetic3A_218, %not3A : vector<16xi32>
    %and3A_220 = arith.constant 10000 : i32
    %and3A_221 = vector.broadcast %and3A_220 : i32 to vector<16xi32>
    %and3A_222 = arith.andi %and3A_221, %not3A_219 : vector<16xi32>
    %or3A_223 = arith.ori %and3A, %and3A_222 : vector<16xi32>
    %swap3A_224 = arith.constant 0 : index
    %swap3A_225 = tpu.vector_load %arg7[%swap3A_224] {strides = array<i32>} : memref<128xi32, #tpu.memory_space<vmem>>, vector<16xi32>,
    %swap3A_226 = vector.shape_cast %swap3A_225 : vector<16xi32> to vector<16xi32>
    %swap3A_227 = vector.shape_cast %or3A_223 : vector<16xi32> to vector<16xi32>
    tpu.vector_store %arg7[%swap3A_224], %swap3A_227 {strides = array<i32>} : memref<128xi32, #tpu.memory_space<vmem>>, vector<16xi32>,
    %add3A_228 = arith.constant 0 : i32
    %add3A_229 = arith.addi %sub3A, %add3A_228 : i32
    %add3A_230 = arith.constant 16 : i32
    %add3A_231 = arith.addi %add3A_229, %add3A_230 : i32
    %get3A_232 = arith.index_cast %add3A_231 : i32 to index
    %get3A_233 = tpu.vector_load %arg5[%get3A_232] {strides = array<i32>} : memref<10112xi32, #tpu.memory_space<vmem>>, vector<16xi32>,
    %get3A_234 = vector.shape_cast %get3A_233 : vector<16xi32> to vector<16xi32>
    %get3A_235 = arith.index_cast %add3A_231 : i32 to index
    %get3A_236 = tpu.vector_load %arg6[%get3A_235] {strides = array<i32>} : memref<10112xi32, #tpu.memory_space<vmem>>, vector<16xi32>,
    %get3A_237 = vector.shape_cast %get3A_236 : vector<16xi32> to vector<16xi32>
    %sub3A_238 = arith.subi %get3A_234, %get3A_237 : vector<16xi32>
    %neg3A_239 = arith.constant 0 : i32
    %neg3A_240 = vector.broadcast %neg3A_239 : i32 to vector<16xi32>
    %neg3A_241 = arith.subi %neg3A_240, %sub3A_238 : vector<16xi32>
    %or3A_242 = arith.ori %sub3A_238, %neg3A_241 : vector<16xi32>
    %shift_right_arithmetic3A_243 = arith.constant 31 : i32
    %shift_right_arithmetic3A_244 = vector.broadcast %shift_right_arithmetic3A_243 : i32 to vector<16xi32>
    %shift_right_arithmetic3A_245 = arith.shrsi %or3A_242, %shift_right_arithmetic3A_244 : vector<16xi32>
    %and3A_246 = arith.andi %get3A_237, %shift_right_arithmetic3A_245 : vector<16xi32>
    %not3A_247 = arith.constant dense<-1> : vector<16xi32>
    %not3A_248 = arith.xori %shift_right_arithmetic3A_245, %not3A_247 : vector<16xi32>
    %and3A_249 = arith.constant 10000 : i32
    %and3A_250 = vector.broadcast %and3A_249 : i32 to vector<16xi32>
    %and3A_251 = arith.andi %and3A_250, %not3A_248 : vector<16xi32>
    %or3A_252 = arith.ori %and3A_246, %and3A_251 : vector<16xi32>
    %swap3A_253 = arith.constant 16 : index
    %swap3A_254 = tpu.vector_load %arg7[%swap3A_253] {strides = array<i32>} : memref<128xi32, #tpu.memory_space<vmem>>, vector<16xi32>,
    %swap3A_255 = vector.shape_cast %swap3A_254 : vector<16xi32> to vector<16xi32>
    %swap3A_256 = vector.shape_cast %or3A_252 : vector<16xi32> to vector<16xi32>
    tpu.vector_store %arg7[%swap3A_253], %swap3A_256 {strides = array<i32>} : memref<128xi32, #tpu.memory_space<vmem>>, vector<16xi32>,
    %add3A_257 = arith.constant 0 : i32
    %add3A_258 = arith.addi %sub3A, %add3A_257 : i32
    %add3A_259 = arith.constant 32 : i32
    %add3A_260 = arith.addi %add3A_258, %add3A_259 : i32
    %get3A_261 = arith.index_cast %add3A_260 : i32 to index
    %get3A_262 = tpu.vector_load %arg5[%get3A_261] {strides = array<i32>} : memref<10112xi32, #tpu.memory_space<vmem>>, vector<16xi32>,
    %get3A_263 = vector.shape_cast %get3A_262 : vector<16xi32> to vector<16xi32>
    %get3A_264 = arith.index_cast %add3A_260 : i32 to index
    %get3A_265 = tpu.vector_load %arg6[%get3A_264] {strides = array<i32>} : memref<10112xi32, #tpu.memory_space<vmem>>, vector<16xi32>,
    %get3A_266 = vector.shape_cast %get3A_265 : vector<16xi32> to vector<16xi32>
    %sub3A_267 = arith.subi %get3A_263, %get3A_266 : vector<16xi32>
    %neg3A_268 = arith.constant 0 : i32
    %neg3A_269 = vector.broadcast %neg3A_268 : i32 to vector<16xi32>
    %neg3A_270 = arith.subi %neg3A_269, %sub3A_267 : vector<16xi32>
    %or3A_271 = arith.ori %sub3A_267, %neg3A_270 : vector<16xi32>
    %shift_right_arithmetic3A_272 = arith.constant 31 : i32
    %shift_right_arithmetic3A_273 = vector.broadcast %shift_right_arithmetic3A_272 : i32 to vector<16xi32>
    %shift_right_arithmetic3A_274 = arith.shrsi %or3A_271, %shift_right_arithmetic3A_273 : vector<16xi32>
    %and3A_275 = arith.andi %get3A_266, %shift_right_arithmetic3A_274 : vector<16xi32>
    %not3A_276 = arith.constant dense<-1> : vector<16xi32>
    %not3A_277 = arith.xori %shift_right_arithmetic3A_274, %not3A_276 : vector<16xi32>
    %and3A_278 = arith.constant 10000 : i32
    %and3A_279 = vector.broadcast %and3A_278 : i32 to vector<16xi32>
    %and3A_280 = arith.andi %and3A_279, %not3A_277 : vector<16xi32>
    %or3A_281 = arith.ori %and3A_275, %and3A_280 : vector<16xi32>
    %swap3A_282 = arith.constant 32 : index
    %swap3A_283 = tpu.vector_load %arg7[%swap3A_282] {strides = array<i32>} : memref<128xi32, #tpu.memory_space<vmem>>, vector<16xi32>,
    %swap3A_284 = vector.shape_cast %swap3A_283 : vector<16xi32> to vector<16xi32>
    %swap3A_285 = vector.shape_cast %or3A_281 : vector<16xi32> to vector<16xi32>
    tpu.vector_store %arg7[%swap3A_282], %swap3A_285 {strides = array<i32>} : memref<128xi32, #tpu.memory_space<vmem>>, vector<16xi32>,
    %add3A_286 = arith.constant 0 : i32
    %add3A_287 = arith.addi %sub3A, %add3A_286 : i32
    %add3A_288 = arith.constant 48 : i32
    %add3A_289 = arith.addi %add3A_287, %add3A_288 : i32
    %get3A_290 = arith.index_cast %add3A_289 : i32 to index
    %get3A_291 = tpu.vector_load %arg5[%get3A_290] {strides = array<i32>} : memref<10112xi32, #tpu.memory_space<vmem>>, vector<16xi32>,
    %get3A_292 = vector.shape_cast %get3A_291 : vector<16xi32> to vector<16xi32>
    %get3A_293 = arith.index_cast %add3A_289 : i32 to index
    %get3A_294 = tpu.vector_load %arg6[%get3A_293] {strides = array<i32>} : memref<10112xi32, #tpu.memory_space<vmem>>, vector<16xi32>,
    %get3A_295 = vector.shape_cast %get3A_294 : vector<16xi32> to vector<16xi32>
    %sub3A_296 = arith.subi %get3A_292, %get3A_295 : vector<16xi32>
    %neg3A_297 = arith.constant 0 : i32
    %neg3A_298 = vector.broadcast %neg3A_297 : i32 to vector<16xi32>
    %neg3A_299 = arith.subi %neg3A_298, %sub3A_296 : vector<16xi32>
    %or3A_300 = arith.ori %sub3A_296, %neg3A_299 : vector<16xi32>
    %shift_right_arithmetic3A_301 = arith.constant 31 : i32
    %shift_right_arithmetic3A_302 = vector.broadcast %shift_right_arithmetic3A_301 : i32 to vector<16xi32>
    %shift_right_arithmetic3A_303 = arith.shrsi %or3A_300, %shift_right_arithmetic3A_302 : vector<16xi32>
    %and3A_304 = arith.andi %get3A_295, %shift_right_arithmetic3A_303 : vector<16xi32>
    %not3A_305 = arith.constant dense<-1> : vector<16xi32>
    %not3A_306 = arith.xori %shift_right_arithmetic3A_303, %not3A_305 : vector<16xi32>
    %and3A_307 = arith.constant 10000 : i32
    %and3A_308 = vector.broadcast %and3A_307 : i32 to vector<16xi32>
    %and3A_309 = arith.andi %and3A_308, %not3A_306 : vector<16xi32>
    %or3A_310 = arith.ori %and3A_304, %and3A_309 : vector<16xi32>
    %swap3A_311 = arith.constant 48 : index
    %swap3A_312 = tpu.vector_load %arg7[%swap3A_311] {strides = array<i32>} : memref<128xi32, #tpu.memory_space<vmem>>, vector<16xi32>,
    %swap3A_313 = vector.shape_cast %swap3A_312 : vector<16xi32> to vector<16xi32>
    %swap3A_314 = vector.shape_cast %or3A_310 : vector<16xi32> to vector<16xi32>
    tpu.vector_store %arg7[%swap3A_311], %swap3A_314 {strides = array<i32>} : memref<128xi32, #tpu.memory_space<vmem>>, vector<16xi32>,
    %add3A_315 = arith.constant 0 : i32
    %add3A_316 = arith.addi %sub3A, %add3A_315 : i32
    %add3A_317 = arith.constant 64 : i32
    %add3A_318 = arith.addi %add3A_316, %add3A_317 : i32
    %get3A_319 = arith.index_cast %add3A_318 : i32 to index
    %get3A_320 = tpu.vector_load %arg5[%get3A_319] {strides = array<i32>} : memref<10112xi32, #tpu.memory_space<vmem>>, vector<16xi32>,
    %get3A_321 = vector.shape_cast %get3A_320 : vector<16xi32> to vector<16xi32>
    %get3A_322 = arith.index_cast %add3A_318 : i32 to index
    %get3A_323 = tpu.vector_load %arg6[%get3A_322] {strides = array<i32>} : memref<10112xi32, #tpu.memory_space<vmem>>, vector<16xi32>,
    %get3A_324 = vector.shape_cast %get3A_323 : vector<16xi32> to vector<16xi32>
    %sub3A_325 = arith.subi %get3A_321, %get3A_324 : vector<16xi32>
    %neg3A_326 = arith.constant 0 : i32
    %neg3A_327 = vector.broadcast %neg3A_326 : i32 to vector<16xi32>
    %neg3A_328 = arith.subi %neg3A_327, %sub3A_325 : vector<16xi32>
    %or3A_329 = arith.ori %sub3A_325, %neg3A_328 : vector<16xi32>
    %shift_right_arithmetic3A_330 = arith.constant 31 : i32
    %shift_right_arithmetic3A_331 = vector.broadcast %shift_right_arithmetic3A_330 : i32 to vector<16xi32>
    %shift_right_arithmetic3A_332 = arith.shrsi %or3A_329, %shift_right_arithmetic3A_331 : vector<16xi32>
    %and3A_333 = arith.andi %get3A_324, %shift_right_arithmetic3A_332 : vector<16xi32>
    %not3A_334 = arith.constant dense<-1> : vector<16xi32>
    %not3A_335 = arith.xori %shift_right_arithmetic3A_332, %not3A_334 : vector<16xi32>
    %and3A_336 = arith.constant 10000 : i32
    %and3A_337 = vector.broadcast %and3A_336 : i32 to vector<16xi32>
    %and3A_338 = arith.andi %and3A_337, %not3A_335 : vector<16xi32>
    %or3A_339 = arith.ori %and3A_333, %and3A_338 : vector<16xi32>
    %swap3A_340 = arith.constant 64 : index
    %swap3A_341 = tpu.vector_load %arg7[%swap3A_340] {strides = array<i32>} : memref<128xi32, #tpu.memory_space<vmem>>, vector<16xi32>,
    %swap3A_342 = vector.shape_cast %swap3A_341 : vector<16xi32> to vector<16xi32>
    %swap3A_343 = vector.shape_cast %or3A_339 : vector<16xi32> to vector<16xi32>
    tpu.vector_store %arg7[%swap3A_340], %swap3A_343 {strides = array<i32>} : memref<128xi32, #tpu.memory_space<vmem>>, vector<16xi32>,
    %add3A_344 = arith.constant 0 : i32
    %add3A_345 = arith.addi %sub3A, %add3A_344 : i32
    %add3A_346 = arith.constant 80 : i32
    %add3A_347 = arith.addi %add3A_345, %add3A_346 : i32
    %get3A_348 = arith.index_cast %add3A_347 : i32 to index
    %get3A_349 = tpu.vector_load %arg5[%get3A_348] {strides = array<i32>} : memref<10112xi32, #tpu.memory_space<vmem>>, vector<16xi32>,
    %get3A_350 = vector.shape_cast %get3A_349 : vector<16xi32> to vector<16xi32>
    %get3A_351 = arith.index_cast %add3A_347 : i32 to index
    %get3A_352 = tpu.vector_load %arg6[%get3A_351] {strides = array<i32>} : memref<10112xi32, #tpu.memory_space<vmem>>, vector<16xi32>,
    %get3A_353 = vector.shape_cast %get3A_352 : vector<16xi32> to vector<16xi32>
    %sub3A_354 = arith.subi %get3A_350, %get3A_353 : vector<16xi32>
    %neg3A_355 = arith.constant 0 : i32
    %neg3A_356 = vector.broadcast %neg3A_355 : i32 to vector<16xi32>
    %neg3A_357 = arith.subi %neg3A_356, %sub3A_354 : vector<16xi32>
    %or3A_358 = arith.ori %sub3A_354, %neg3A_357 : vector<16xi32>
    %shift_right_arithmetic3A_359 = arith.constant 31 : i32
    %shift_right_arithmetic3A_360 = vector.broadcast %shift_right_arithmetic3A_359 : i32 to vector<16xi32>
    %shift_right_arithmetic3A_361 = arith.shrsi %or3A_358, %shift_right_arithmetic3A_360 : vector<16xi32>
    %and3A_362 = arith.andi %get3A_353, %shift_right_arithmetic3A_361 : vector<16xi32>
    %not3A_363 = arith.constant dense<-1> : vector<16xi32>
    %not3A_364 = arith.xori %shift_right_arithmetic3A_361, %not3A_363 : vector<16xi32>
    %and3A_365 = arith.constant 10000 : i32
    %and3A_366 = vector.broadcast %and3A_365 : i32 to vector<16xi32>
    %and3A_367 = arith.andi %and3A_366, %not3A_364 : vector<16xi32>
    %or3A_368 = arith.ori %and3A_362, %and3A_367 : vector<16xi32>
    %swap3A_369 = arith.constant 80 : index
    %swap3A_370 = tpu.vector_load %arg7[%swap3A_369] {strides = array<i32>} : memref<128xi32, #tpu.memory_space<vmem>>, vector<16xi32>,
    %swap3A_371 = vector.shape_cast %swap3A_370 : vector<16xi32> to vector<16xi32>
    %swap3A_372 = vector.shape_cast %or3A_368 : vector<16xi32> to vector<16xi32>
    tpu.vector_store %arg7[%swap3A_369], %swap3A_372 {strides = array<i32>} : memref<128xi32, #tpu.memory_space<vmem>>, vector<16xi32>,
    %add3A_373 = arith.constant 0 : i32
    %add3A_374 = arith.addi %sub3A, %add3A_373 : i32
    %add3A_375 = arith.constant 96 : i32
    %add3A_376 = arith.addi %add3A_374, %add3A_375 : i32
    %get3A_377 = arith.index_cast %add3A_376 : i32 to index
    %get3A_378 = tpu.vector_load %arg5[%get3A_377] {strides = array<i32>} : memref<10112xi32, #tpu.memory_space<vmem>>, vector<16xi32>,
    %get3A_379 = vector.shape_cast %get3A_378 : vector<16xi32> to vector<16xi32>
    %get3A_380 = arith.index_cast %add3A_376 : i32 to index
    %get3A_381 = tpu.vector_load %arg6[%get3A_380] {strides = array<i32>} : memref<10112xi32, #tpu.memory_space<vmem>>, vector<16xi32>,
    %get3A_382 = vector.shape_cast %get3A_381 : vector<16xi32> to vector<16xi32>
    %sub3A_383 = arith.subi %get3A_379, %get3A_382 : vector<16xi32>
    %neg3A_384 = arith.constant 0 : i32
    %neg3A_385 = vector.broadcast %neg3A_384 : i32 to vector<16xi32>
    %neg3A_386 = arith.subi %neg3A_385, %sub3A_383 : vector<16xi32>
    %or3A_387 = arith.ori %sub3A_383, %neg3A_386 : vector<16xi32>
    %shift_right_arithmetic3A_388 = arith.constant 31 : i32
    %shift_right_arithmetic3A_389 = vector.broadcast %shift_right_arithmetic3A_388 : i32 to vector<16xi32>
    %shift_right_arithmetic3A_390 = arith.shrsi %or3A_387, %shift_right_arithmetic3A_389 : vector<16xi32>
    %and3A_391 = arith.andi %get3A_382, %shift_right_arithmetic3A_390 : vector<16xi32>
    %not3A_392 = arith.constant dense<-1> : vector<16xi32>
    %not3A_393 = arith.xori %shift_right_arithmetic3A_390, %not3A_392 : vector<16xi32>
    %and3A_394 = arith.constant 10000 : i32
    %and3A_395 = vector.broadcast %and3A_394 : i32 to vector<16xi32>
    %and3A_396 = arith.andi %and3A_395, %not3A_393 : vector<16xi32>
    %or3A_397 = arith.ori %and3A_391, %and3A_396 : vector<16xi32>
    %swap3A_398 = arith.constant 96 : index
    %swap3A_399 = tpu.vector_load %arg7[%swap3A_398] {strides = array<i32>} : memref<128xi32, #tpu.memory_space<vmem>>, vector<16xi32>,
    %swap3A_400 = vector.shape_cast %swap3A_399 : vector<16xi32> to vector<16xi32>
    %swap3A_401 = vector.shape_cast %or3A_397 : vector<16xi32> to vector<16xi32>
    tpu.vector_store %arg7[%swap3A_398], %swap3A_401 {strides = array<i32>} : memref<128xi32, #tpu.memory_space<vmem>>, vector<16xi32>,
    %add3A_402 = arith.constant 0 : i32
    %add3A_403 = arith.addi %sub3A, %add3A_402 : i32
    %add3A_404 = arith.constant 112 : i32
    %add3A_405 = arith.addi %add3A_403, %add3A_404 : i32
    %get3A_406 = arith.index_cast %add3A_405 : i32 to index
    %get3A_407 = tpu.vector_load %arg5[%get3A_406] {strides = array<i32>} : memref<10112xi32, #tpu.memory_space<vmem>>, vector<16xi32>,
    %get3A_408 = vector.shape_cast %get3A_407 : vector<16xi32> to vector<16xi32>
    %get3A_409 = arith.index_cast %add3A_405 : i32 to index
    %get3A_410 = tpu.vector_load %arg6[%get3A_409] {strides = array<i32>} : memref<10112xi32, #tpu.memory_space<vmem>>, vector<16xi32>,
    %get3A_411 = vector.shape_cast %get3A_410 : vector<16xi32> to vector<16xi32>
    %sub3A_412 = arith.subi %get3A_408, %get3A_411 : vector<16xi32>
    %neg3A_413 = arith.constant 0 : i32
    %neg3A_414 = vector.broadcast %neg3A_413 : i32 to vector<16xi32>
    %neg3A_415 = arith.subi %neg3A_414, %sub3A_412 : vector<16xi32>
    %or3A_416 = arith.ori %sub3A_412, %neg3A_415 : vector<16xi32>
    %shift_right_arithmetic3A_417 = arith.constant 31 : i32
    %shift_right_arithmetic3A_418 = vector.broadcast %shift_right_arithmetic3A_417 : i32 to vector<16xi32>
    %shift_right_arithmetic3A_419 = arith.shrsi %or3A_416, %shift_right_arithmetic3A_418 : vector<16xi32>
    %and3A_420 = arith.andi %get3A_411, %shift_right_arithmetic3A_419 : vector<16xi32>
    %not3A_421 = arith.constant dense<-1> : vector<16xi32>
    %not3A_422 = arith.xori %shift_right_arithmetic3A_419, %not3A_421 : vector<16xi32>
    %and3A_423 = arith.constant 10000 : i32
    %and3A_424 = vector.broadcast %and3A_423 : i32 to vector<16xi32>
    %and3A_425 = arith.andi %and3A_424, %not3A_422 : vector<16xi32>
    %or3A_426 = arith.ori %and3A_420, %and3A_425 : vector<16xi32>
    %swap3A_427 = arith.constant 112 : index
    %swap3A_428 = tpu.vector_load %arg7[%swap3A_427] {strides = array<i32>} : memref<128xi32, #tpu.memory_space<vmem>>, vector<16xi32>,
    %swap3A_429 = vector.shape_cast %swap3A_428 : vector<16xi32> to vector<16xi32>
    %swap3A_430 = vector.shape_cast %or3A_426 : vector<16xi32> to vector<16xi32>
    tpu.vector_store %arg7[%swap3A_427], %swap3A_430 {strides = array<i32>} : memref<128xi32, #tpu.memory_space<vmem>>, vector<16xi32>,
    %dma_start3A = arith.constant 0 : i32
    %dma_start3A_431 = tpu.memref_slice %arg11[%dma_start3A] : memref<10240xf32, #tpu.memory_space<vmem_shared>> -> memref<10240xf32, #tpu.memory_space<vmem_shared>>
    tpu.enqueue_indirect_dma source(%arg9 : memref<128xf32, #tpu.memory_space<vmem>>) target(%dma_start3A_431 : memref<10240xf32, #tpu.memory_space<vmem_shared>>) offsets(%arg7 : memref<128xi32, #tpu.memory_space<vmem>>) semaphore(%arg12 : memref<!tpu.dma_semaphore, #tpu.memory_space<semaphore_mem>>) {add = true}
    %add3A_432 = arith.constant 128 : i32
    %add3A_433 = arith.addi %sub3A, %add3A_432 : i32
    %add3A_434 = arith.constant 0 : i32
    %add3A_435 = arith.addi %add3A_433, %add3A_434 : i32
    %get3A_436 = arith.index_cast %add3A_435 : i32 to index
    %get3A_437 = tpu.vector_load %arg5[%get3A_436] {strides = array<i32>} : memref<10112xi32, #tpu.memory_space<vmem>>, vector<16xi32>,
    %get3A_438 = vector.shape_cast %get3A_437 : vector<16xi32> to vector<16xi32>
    %get3A_439 = arith.index_cast %add3A_435 : i32 to index
    %get3A_440 = tpu.vector_load %arg6[%get3A_439] {strides = array<i32>} : memref<10112xi32, #tpu.memory_space<vmem>>, vector<16xi32>,
    %get3A_441 = vector.shape_cast %get3A_440 : vector<16xi32> to vector<16xi32>
    %sub3A_442 = arith.subi %get3A_438, %get3A_441 : vector<16xi32>
    %neg3A_443 = arith.constant 0 : i32
    %neg3A_444 = vector.broadcast %neg3A_443 : i32 to vector<16xi32>
    %neg3A_445 = arith.subi %neg3A_444, %sub3A_442 : vector<16xi32>
    %or3A_446 = arith.ori %sub3A_442, %neg3A_445 : vector<16xi32>
    %shift_right_arithmetic3A_447 = arith.constant 31 : i32
    %shift_right_arithmetic3A_448 = vector.broadcast %shift_right_arithmetic3A_447 : i32 to vector<16xi32>
    %shift_right_arithmetic3A_449 = arith.shrsi %or3A_446, %shift_right_arithmetic3A_448 : vector<16xi32>
    %and3A_450 = arith.andi %get3A_441, %shift_right_arithmetic3A_449 : vector<16xi32>
    %not3A_451 = arith.constant dense<-1> : vector<16xi32>
    %not3A_452 = arith.xori %shift_right_arithmetic3A_449, %not3A_451 : vector<16xi32>
    %and3A_453 = arith.constant 10000 : i32
    %and3A_454 = vector.broadcast %and3A_453 : i32 to vector<16xi32>
    %and3A_455 = arith.andi %and3A_454, %not3A_452 : vector<16xi32>
    %or3A_456 = arith.ori %and3A_450, %and3A_455 : vector<16xi32>
    %swap3A_457 = arith.constant 0 : index
    %swap3A_458 = tpu.vector_load %arg8[%swap3A_457] {strides = array<i32>} : memref<128xi32, #tpu.memory_space<vmem>>, vector<16xi32>,
    %swap3A_459 = vector.shape_cast %swap3A_458 : vector<16xi32> to vector<16xi32>
    %swap3A_460 = vector.shape_cast %or3A_456 : vector<16xi32> to vector<16xi32>
    tpu.vector_store %arg8[%swap3A_457], %swap3A_460 {strides = array<i32>} : memref<128xi32, #tpu.memory_space<vmem>>, vector<16xi32>,
    %add3A_461 = arith.constant 128 : i32
    %add3A_462 = arith.addi %sub3A, %add3A_461 : i32
    %add3A_463 = arith.constant 16 : i32
    %add3A_464 = arith.addi %add3A_462, %add3A_463 : i32
    %get3A_465 = arith.index_cast %add3A_464 : i32 to index
    %get3A_466 = tpu.vector_load %arg5[%get3A_465] {strides = array<i32>} : memref<10112xi32, #tpu.memory_space<vmem>>, vector<16xi32>,
    %get3A_467 = vector.shape_cast %get3A_466 : vector<16xi32> to vector<16xi32>
    %get3A_468 = arith.index_cast %add3A_464 : i32 to index
    %get3A_469 = tpu.vector_load %arg6[%get3A_468] {strides = array<i32>} : memref<10112xi32, #tpu.memory_space<vmem>>, vector<16xi32>,
    %get3A_470 = vector.shape_cast %get3A_469 : vector<16xi32> to vector<16xi32>
    %sub3A_471 = arith.subi %get3A_467, %get3A_470 : vector<16xi32>
    %neg3A_472 = arith.constant 0 : i32
    %neg3A_473 = vector.broadcast %neg3A_472 : i32 to vector<16xi32>
    %neg3A_474 = arith.subi %neg3A_473, %sub3A_471 : vector<16xi32>
    %or3A_475 = arith.ori %sub3A_471, %neg3A_474 : vector<16xi32>
    %shift_right_arithmetic3A_476 = arith.constant 31 : i32
    %shift_right_arithmetic3A_477 = vector.broadcast %shift_right_arithmetic3A_476 : i32 to vector<16xi32>
    %shift_right_arithmetic3A_478 = arith.shrsi %or3A_475, %shift_right_arithmetic3A_477 : vector<16xi32>
    %and3A_479 = arith.andi %get3A_470, %shift_right_arithmetic3A_478 : vector<16xi32>
    %not3A_480 = arith.constant dense<-1> : vector<16xi32>
    %not3A_481 = arith.xori %shift_right_arithmetic3A_478, %not3A_480 : vector<16xi32>
    %and3A_482 = arith.constant 10000 : i32
    %and3A_483 = vector.broadcast %and3A_482 : i32 to vector<16xi32>
    %and3A_484 = arith.andi %and3A_483, %not3A_481 : vector<16xi32>
    %or3A_485 = arith.ori %and3A_479, %and3A_484 : vector<16xi32>
    %swap3A_486 = arith.constant 16 : index
    %swap3A_487 = tpu.vector_load %arg8[%swap3A_486] {strides = array<i32>} : memref<128xi32, #tpu.memory_space<vmem>>, vector<16xi32>,
    %swap3A_488 = vector.shape_cast %swap3A_487 : vector<16xi32> to vector<16xi32>
    %swap3A_489 = vector.shape_cast %or3A_485 : vector<16xi32> to vector<16xi32>
    tpu.vector_store %arg8[%swap3A_486], %swap3A_489 {strides = array<i32>} : memref<128xi32, #tpu.memory_space<vmem>>, vector<16xi32>,
    %add3A_490 = arith.constant 128 : i32
    %add3A_491 = arith.addi %sub3A, %add3A_490 : i32
    %add3A_492 = arith.constant 32 : i32
    %add3A_493 = arith.addi %add3A_491, %add3A_492 : i32
    %get3A_494 = arith.index_cast %add3A_493 : i32 to index
    %get3A_495 = tpu.vector_load %arg5[%get3A_494] {strides = array<i32>} : memref<10112xi32, #tpu.memory_space<vmem>>, vector<16xi32>,
    %get3A_496 = vector.shape_cast %get3A_495 : vector<16xi32> to vector<16xi32>
    %get3A_497 = arith.index_cast %add3A_493 : i32 to index
    %get3A_498 = tpu.vector_load %arg6[%get3A_497] {strides = array<i32>} : memref<10112xi32, #tpu.memory_space<vmem>>, vector<16xi32>,
    %get3A_499 = vector.shape_cast %get3A_498 : vector<16xi32> to vector<16xi32>
    %sub3A_500 = arith.subi %get3A_496, %get3A_499 : vector<16xi32>
    %neg3A_501 = arith.constant 0 : i32
    %neg3A_502 = vector.broadcast %neg3A_501 : i32 to vector<16xi32>
    %neg3A_503 = arith.subi %neg3A_502, %sub3A_500 : vector<16xi32>
    %or3A_504 = arith.ori %sub3A_500, %neg3A_503 : vector<16xi32>
    %shift_right_arithmetic3A_505 = arith.constant 31 : i32
    %shift_right_arithmetic3A_506 = vector.broadcast %shift_right_arithmetic3A_505 : i32 to vector<16xi32>
    %shift_right_arithmetic3A_507 = arith.shrsi %or3A_504, %shift_right_arithmetic3A_506 : vector<16xi32>
    %and3A_508 = arith.andi %get3A_499, %shift_right_arithmetic3A_507 : vector<16xi32>
    %not3A_509 = arith.constant dense<-1> : vector<16xi32>
    %not3A_510 = arith.xori %shift_right_arithmetic3A_507, %not3A_509 : vector<16xi32>
    %and3A_511 = arith.constant 10000 : i32
    %and3A_512 = vector.broadcast %and3A_511 : i32 to vector<16xi32>
    %and3A_513 = arith.andi %and3A_512, %not3A_510 : vector<16xi32>
    %or3A_514 = arith.ori %and3A_508, %and3A_513 : vector<16xi32>
    %swap3A_515 = arith.constant 32 : index
    %swap3A_516 = tpu.vector_load %arg8[%swap3A_515] {strides = array<i32>} : memref<128xi32, #tpu.memory_space<vmem>>, vector<16xi32>,
    %swap3A_517 = vector.shape_cast %swap3A_516 : vector<16xi32> to vector<16xi32>
    %swap3A_518 = vector.shape_cast %or3A_514 : vector<16xi32> to vector<16xi32>
    tpu.vector_store %arg8[%swap3A_515], %swap3A_518 {strides = array<i32>} : memref<128xi32, #tpu.memory_space<vmem>>, vector<16xi32>,
    %add3A_519 = arith.constant 128 : i32
    %add3A_520 = arith.addi %sub3A, %add3A_519 : i32
    %add3A_521 = arith.constant 48 : i32
    %add3A_522 = arith.addi %add3A_520, %add3A_521 : i32
    %get3A_523 = arith.index_cast %add3A_522 : i32 to index
    %get3A_524 = tpu.vector_load %arg5[%get3A_523] {strides = array<i32>} : memref<10112xi32, #tpu.memory_space<vmem>>, vector<16xi32>,
    %get3A_525 = vector.shape_cast %get3A_524 : vector<16xi32> to vector<16xi32>
    %get3A_526 = arith.index_cast %add3A_522 : i32 to index
    %get3A_527 = tpu.vector_load %arg6[%get3A_526] {strides = array<i32>} : memref<10112xi32, #tpu.memory_space<vmem>>, vector<16xi32>,
    %get3A_528 = vector.shape_cast %get3A_527 : vector<16xi32> to vector<16xi32>
    %sub3A_529 = arith.subi %get3A_525, %get3A_528 : vector<16xi32>
    %neg3A_530 = arith.constant 0 : i32
    %neg3A_531 = vector.broadcast %neg3A_530 : i32 to vector<16xi32>
    %neg3A_532 = arith.subi %neg3A_531, %sub3A_529 : vector<16xi32>
    %or3A_533 = arith.ori %sub3A_529, %neg3A_532 : vector<16xi32>
    %shift_right_arithmetic3A_534 = arith.constant 31 : i32
    %shift_right_arithmetic3A_535 = vector.broadcast %shift_right_arithmetic3A_534 : i32 to vector<16xi32>
    %shift_right_arithmetic3A_536 = arith.shrsi %or3A_533, %shift_right_arithmetic3A_535 : vector<16xi32>
    %and3A_537 = arith.andi %get3A_528, %shift_right_arithmetic3A_536 : vector<16xi32>
    %not3A_538 = arith.constant dense<-1> : vector<16xi32>
    %not3A_539 = arith.xori %shift_right_arithmetic3A_536, %not3A_538 : vector<16xi32>
    %and3A_540 = arith.constant 10000 : i32
    %and3A_541 = vector.broadcast %and3A_540 : i32 to vector<16xi32>
    %and3A_542 = arith.andi %and3A_541, %not3A_539 : vector<16xi32>
    %or3A_543 = arith.ori %and3A_537, %and3A_542 : vector<16xi32>
    %swap3A_544 = arith.constant 48 : index
    %swap3A_545 = tpu.vector_load %arg8[%swap3A_544] {strides = array<i32>} : memref<128xi32, #tpu.memory_space<vmem>>, vector<16xi32>,
    %swap3A_546 = vector.shape_cast %swap3A_545 : vector<16xi32> to vector<16xi32>
    %swap3A_547 = vector.shape_cast %or3A_543 : vector<16xi32> to vector<16xi32>
    tpu.vector_store %arg8[%swap3A_544], %swap3A_547 {strides = array<i32>} : memref<128xi32, #tpu.memory_space<vmem>>, vector<16xi32>,
    %add3A_548 = arith.constant 128 : i32
    %add3A_549 = arith.addi %sub3A, %add3A_548 : i32
    %add3A_550 = arith.constant 64 : i32
    %add3A_551 = arith.addi %add3A_549, %add3A_550 : i32
    %get3A_552 = arith.index_cast %add3A_551 : i32 to index
    %get3A_553 = tpu.vector_load %arg5[%get3A_552] {strides = array<i32>} : memref<10112xi32, #tpu.memory_space<vmem>>, vector<16xi32>,
    %get3A_554 = vector.shape_cast %get3A_553 : vector<16xi32> to vector<16xi32>
    %get3A_555 = arith.index_cast %add3A_551 : i32 to index
    %get3A_556 = tpu.vector_load %arg6[%get3A_555] {strides = array<i32>} : memref<10112xi32, #tpu.memory_space<vmem>>, vector<16xi32>,
    %get3A_557 = vector.shape_cast %get3A_556 : vector<16xi32> to vector<16xi32>
    %sub3A_558 = arith.subi %get3A_554, %get3A_557 : vector<16xi32>
    %neg3A_559 = arith.constant 0 : i32
    %neg3A_560 = vector.broadcast %neg3A_559 : i32 to vector<16xi32>
    %neg3A_561 = arith.subi %neg3A_560, %sub3A_558 : vector<16xi32>
    %or3A_562 = arith.ori %sub3A_558, %neg3A_561 : vector<16xi32>
    %shift_right_arithmetic3A_563 = arith.constant 31 : i32
    %shift_right_arithmetic3A_564 = vector.broadcast %shift_right_arithmetic3A_563 : i32 to vector<16xi32>
    %shift_right_arithmetic3A_565 = arith.shrsi %or3A_562, %shift_right_arithmetic3A_564 : vector<16xi32>
    %and3A_566 = arith.andi %get3A_557, %shift_right_arithmetic3A_565 : vector<16xi32>
    %not3A_567 = arith.constant dense<-1> : vector<16xi32>
    %not3A_568 = arith.xori %shift_right_arithmetic3A_565, %not3A_567 : vector<16xi32>
    %and3A_569 = arith.constant 10000 : i32
    %and3A_570 = vector.broadcast %and3A_569 : i32 to vector<16xi32>
    %and3A_571 = arith.andi %and3A_570, %not3A_568 : vector<16xi32>
    %or3A_572 = arith.ori %and3A_566, %and3A_571 : vector<16xi32>
    %swap3A_573 = arith.constant 64 : index
    %swap3A_574 = tpu.vector_load %arg8[%swap3A_573] {strides = array<i32>} : memref<128xi32, #tpu.memory_space<vmem>>, vector<16xi32>,
    %swap3A_575 = vector.shape_cast %swap3A_574 : vector<16xi32> to vector<16xi32>
    %swap3A_576 = vector.shape_cast %or3A_572 : vector<16xi32> to vector<16xi32>
    tpu.vector_store %arg8[%swap3A_573], %swap3A_576 {strides = array<i32>} : memref<128xi32, #tpu.memory_space<vmem>>, vector<16xi32>,
    %add3A_577 = arith.constant 128 : i32
    %add3A_578 = arith.addi %sub3A, %add3A_577 : i32
    %add3A_579 = arith.constant 80 : i32
    %add3A_580 = arith.addi %add3A_578, %add3A_579 : i32
    %get3A_581 = arith.index_cast %add3A_580 : i32 to index
    %get3A_582 = tpu.vector_load %arg5[%get3A_581] {strides = array<i32>} : memref<10112xi32, #tpu.memory_space<vmem>>, vector<16xi32>,
    %get3A_583 = vector.shape_cast %get3A_582 : vector<16xi32> to vector<16xi32>
    %get3A_584 = arith.index_cast %add3A_580 : i32 to index
    %get3A_585 = tpu.vector_load %arg6[%get3A_584] {strides = array<i32>} : memref<10112xi32, #tpu.memory_space<vmem>>, vector<16xi32>,
    %get3A_586 = vector.shape_cast %get3A_585 : vector<16xi32> to vector<16xi32>
    %sub3A_587 = arith.subi %get3A_583, %get3A_586 : vector<16xi32>
    %neg3A_588 = arith.constant 0 : i32
    %neg3A_589 = vector.broadcast %neg3A_588 : i32 to vector<16xi32>
    %neg3A_590 = arith.subi %neg3A_589, %sub3A_587 : vector<16xi32>
    %or3A_591 = arith.ori %sub3A_587, %neg3A_590 : vector<16xi32>
    %shift_right_arithmetic3A_592 = arith.constant 31 : i32
    %shift_right_arithmetic3A_593 = vector.broadcast %shift_right_arithmetic3A_592 : i32 to vector<16xi32>
    %shift_right_arithmetic3A_594 = arith.shrsi %or3A_591, %shift_right_arithmetic3A_593 : vector<16xi32>
    %and3A_595 = arith.andi %get3A_586, %shift_right_arithmetic3A_594 : vector<16xi32>
    %not3A_596 = arith.constant dense<-1> : vector<16xi32>
    %not3A_597 = arith.xori %shift_right_arithmetic3A_594, %not3A_596 : vector<16xi32>
    %and3A_598 = arith.constant 10000 : i32
    %and3A_599 = vector.broadcast %and3A_598 : i32 to vector<16xi32>
    %and3A_600 = arith.andi %and3A_599, %not3A_597 : vector<16xi32>
    %or3A_601 = arith.ori %and3A_595, %and3A_600 : vector<16xi32>
    %swap3A_602 = arith.constant 80 : index
    %swap3A_603 = tpu.vector_load %arg8[%swap3A_602] {strides = array<i32>} : memref<128xi32, #tpu.memory_space<vmem>>, vector<16xi32>,
    %swap3A_604 = vector.shape_cast %swap3A_603 : vector<16xi32> to vector<16xi32>
    %swap3A_605 = vector.shape_cast %or3A_601 : vector<16xi32> to vector<16xi32>
    tpu.vector_store %arg8[%swap3A_602], %swap3A_605 {strides = array<i32>} : memref<128xi32, #tpu.memory_space<vmem>>, vector<16xi32>,
    %add3A_606 = arith.constant 128 : i32
    %add3A_607 = arith.addi %sub3A, %add3A_606 : i32
    %add3A_608 = arith.constant 96 : i32
    %add3A_609 = arith.addi %add3A_607, %add3A_608 : i32
    %get3A_610 = arith.index_cast %add3A_609 : i32 to index
    %get3A_611 = tpu.vector_load %arg5[%get3A_610] {strides = array<i32>} : memref<10112xi32, #tpu.memory_space<vmem>>, vector<16xi32>,
    %get3A_612 = vector.shape_cast %get3A_611 : vector<16xi32> to vector<16xi32>
    %get3A_613 = arith.index_cast %add3A_609 : i32 to index
    %get3A_614 = tpu.vector_load %arg6[%get3A_613] {strides = array<i32>} : memref<10112xi32, #tpu.memory_space<vmem>>, vector<16xi32>,
    %get3A_615 = vector.shape_cast %get3A_614 : vector<16xi32> to vector<16xi32>
    %sub3A_616 = arith.subi %get3A_612, %get3A_615 : vector<16xi32>
    %neg3A_617 = arith.constant 0 : i32
    %neg3A_618 = vector.broadcast %neg3A_617 : i32 to vector<16xi32>
    %neg3A_619 = arith.subi %neg3A_618, %sub3A_616 : vector<16xi32>
    %or3A_620 = arith.ori %sub3A_616, %neg3A_619 : vector<16xi32>
    %shift_right_arithmetic3A_621 = arith.constant 31 : i32
    %shift_right_arithmetic3A_622 = vector.broadcast %shift_right_arithmetic3A_621 : i32 to vector<16xi32>
    %shift_right_arithmetic3A_623 = arith.shrsi %or3A_620, %shift_right_arithmetic3A_622 : vector<16xi32>
    %and3A_624 = arith.andi %get3A_615, %shift_right_arithmetic3A_623 : vector<16xi32>
    %not3A_625 = arith.constant dense<-1> : vector<16xi32>
    %not3A_626 = arith.xori %shift_right_arithmetic3A_623, %not3A_625 : vector<16xi32>
    %and3A_627 = arith.constant 10000 : i32
    %and3A_628 = vector.broadcast %and3A_627 : i32 to vector<16xi32>
    %and3A_629 = arith.andi %and3A_628, %not3A_626 : vector<16xi32>
    %or3A_630 = arith.ori %and3A_624, %and3A_629 : vector<16xi32>
    %swap3A_631 = arith.constant 96 : index
    %swap3A_632 = tpu.vector_load %arg8[%swap3A_631] {strides = array<i32>} : memref<128xi32, #tpu.memory_space<vmem>>, vector<16xi32>,
    %swap3A_633 = vector.shape_cast %swap3A_632 : vector<16xi32> to vector<16xi32>
    %swap3A_634 = vector.shape_cast %or3A_630 : vector<16xi32> to vector<16xi32>
    tpu.vector_store %arg8[%swap3A_631], %swap3A_634 {strides = array<i32>} : memref<128xi32, #tpu.memory_space<vmem>>, vector<16xi32>,
    %add3A_635 = arith.constant 128 : i32
    %add3A_636 = arith.addi %sub3A, %add3A_635 : i32
    %add3A_637 = arith.constant 112 : i32
    %add3A_638 = arith.addi %add3A_636, %add3A_637 : i32
    %get3A_639 = arith.index_cast %add3A_638 : i32 to index
    %get3A_640 = tpu.vector_load %arg5[%get3A_639] {strides = array<i32>} : memref<10112xi32, #tpu.memory_space<vmem>>, vector<16xi32>,
    %get3A_641 = vector.shape_cast %get3A_640 : vector<16xi32> to vector<16xi32>
    %get3A_642 = arith.index_cast %add3A_638 : i32 to index
    %get3A_643 = tpu.vector_load %arg6[%get3A_642] {strides = array<i32>} : memref<10112xi32, #tpu.memory_space<vmem>>, vector<16xi32>,
    %get3A_644 = vector.shape_cast %get3A_643 : vector<16xi32> to vector<16xi32>
    %sub3A_645 = arith.subi %get3A_641, %get3A_644 : vector<16xi32>
    %neg3A_646 = arith.constant 0 : i32
    %neg3A_647 = vector.broadcast %neg3A_646 : i32 to vector<16xi32>
    %neg3A_648 = arith.subi %neg3A_647, %sub3A_645 : vector<16xi32>
    %or3A_649 = arith.ori %sub3A_645, %neg3A_648 : vector<16xi32>
    %shift_right_arithmetic3A_650 = arith.constant 31 : i32
    %shift_right_arithmetic3A_651 = vector.broadcast %shift_right_arithmetic3A_650 : i32 to vector<16xi32>
    %shift_right_arithmetic3A_652 = arith.shrsi %or3A_649, %shift_right_arithmetic3A_651 : vector<16xi32>
    %and3A_653 = arith.andi %get3A_644, %shift_right_arithmetic3A_652 : vector<16xi32>
    %not3A_654 = arith.constant dense<-1> : vector<16xi32>
    %not3A_655 = arith.xori %shift_right_arithmetic3A_652, %not3A_654 : vector<16xi32>
    %and3A_656 = arith.constant 10000 : i32
    %and3A_657 = vector.broadcast %and3A_656 : i32 to vector<16xi32>
    %and3A_658 = arith.andi %and3A_657, %not3A_655 : vector<16xi32>
    %or3A_659 = arith.ori %and3A_653, %and3A_658 : vector<16xi32>
    %swap3A_660 = arith.constant 112 : index
    %swap3A_661 = tpu.vector_load %arg8[%swap3A_660] {strides = array<i32>} : memref<128xi32, #tpu.memory_space<vmem>>, vector<16xi32>,
    %swap3A_662 = vector.shape_cast %swap3A_661 : vector<16xi32> to vector<16xi32>
    %swap3A_663 = vector.shape_cast %or3A_659 : vector<16xi32> to vector<16xi32>
    tpu.vector_store %arg8[%swap3A_660], %swap3A_663 {strides = array<i32>} : memref<128xi32, #tpu.memory_space<vmem>>, vector<16xi32>,
    %dma_start3A_664 = arith.constant 0 : i32
    %dma_start3A_665 = tpu.memref_slice %arg11[%dma_start3A_664] : memref<10240xf32, #tpu.memory_space<vmem_shared>> -> memref<10240xf32, #tpu.memory_space<vmem_shared>>
    tpu.enqueue_indirect_dma source(%arg9 : memref<128xf32, #tpu.memory_space<vmem>>) target(%dma_start3A_665 : memref<10240xf32, #tpu.memory_space<vmem_shared>>) offsets(%arg8 : memref<128xi32, #tpu.memory_space<vmem>>) semaphore(%arg13 : memref<!tpu.dma_semaphore, #tpu.memory_space<semaphore_mem>>) {add = true}
    %add3A_666 = arith.constant 1 : i32
    %add3A_667 = arith.addi %add3A_666, %select_n3A_5 : i32
    %while3A = arith.constant 0 : i32
    %while3A_668 = arith.constant 1 : i32
    %while3A_669 = arith.subi %add3A_667, %while3A_668 : i32
    %while3A_670 = arith.addi %while3A_668, %while3A_669 : i32
    %while3A_671 = arith.constant 1 : i32
    %while3A_672 = arith.divsi %while3A_669, %while3A_671 : i32
    %while3A_673 = arith.muli %while3A_672, %while3A_671 : i32
    %while3A_674 = arith.addi %while3A_668, %while3A_673 : i32
    %while3A_675 = arith.constant 1 : i32
    scf.for %while3A_931 = %while3A_668 to %while3A_674 step %while3A_675  : i32 {
      %mul3A_932 = arith.constant 2 : i32
      %mul3A_933 = arith.muli %while3A_931, %mul3A_932 : i32
      %add3A_934 = arith.constant 0 : i32
      %add3A_935 = arith.addi %mul3A_933, %add3A_934 : i32
      %dma_wait3A_936 = arith.constant 0 : i32
      %dma_wait3A_937 = tpu.memref_slice %arg11[%dma_wait3A_936] : memref<10240xf32, #tpu.memory_space<vmem_shared>> -> memref<10240xf32, #tpu.memory_space<vmem_shared>>
      tpu.wait_indirect_dma semaphore(%arg12 : memref<!tpu.dma_semaphore, #tpu.memory_space<semaphore_mem>>) src(%arg9 : memref<128xf32, #tpu.memory_space<vmem>>) dst(%dma_wait3A_937 : memref<10240xf32, #tpu.memory_space<vmem_shared>>)
      %mul3A_938 = arith.constant 128 : i32
      %mul3A_939 = arith.muli %add3A_935, %mul3A_938 : i32
      %add3A_940 = arith.addi %sub3A, %mul3A_939 : i32
      %add3A_941 = arith.constant 0 : i32
      %add3A_942 = arith.addi %add3A_940, %add3A_941 : i32
      %get3A_943 = arith.index_cast %add3A_942 : i32 to index
      %get3A_944 = tpu.vector_load %arg5[%get3A_943] {strides = array<i32>} : memref<10112xi32, #tpu.memory_space<vmem>>, vector<16xi32>,
      %get3A_945 = vector.shape_cast %get3A_944 : vector<16xi32> to vector<16xi32>
      %get3A_946 = arith.index_cast %add3A_942 : i32 to index
      %get3A_947 = tpu.vector_load %arg6[%get3A_946] {strides = array<i32>} : memref<10112xi32, #tpu.memory_space<vmem>>, vector<16xi32>,
      %get3A_948 = vector.shape_cast %get3A_947 : vector<16xi32> to vector<16xi32>
      %sub3A_949 = arith.subi %get3A_945, %get3A_948 : vector<16xi32>
      %neg3A_950 = arith.constant 0 : i32
      %neg3A_951 = vector.broadcast %neg3A_950 : i32 to vector<16xi32>
      %neg3A_952 = arith.subi %neg3A_951, %sub3A_949 : vector<16xi32>
      %or3A_953 = arith.ori %sub3A_949, %neg3A_952 : vector<16xi32>
      %shift_right_arithmetic3A_954 = arith.constant 31 : i32
      %shift_right_arithmetic3A_955 = vector.broadcast %shift_right_arithmetic3A_954 : i32 to vector<16xi32>
      %shift_right_arithmetic3A_956 = arith.shrsi %or3A_953, %shift_right_arithmetic3A_955 : vector<16xi32>
      %and3A_957 = arith.andi %get3A_948, %shift_right_arithmetic3A_956 : vector<16xi32>
      %not3A_958 = arith.constant dense<-1> : vector<16xi32>
      %not3A_959 = arith.xori %shift_right_arithmetic3A_956, %not3A_958 : vector<16xi32>
      %and3A_960 = arith.constant 10000 : i32
      %and3A_961 = vector.broadcast %and3A_960 : i32 to vector<16xi32>
      %and3A_962 = arith.andi %and3A_961, %not3A_959 : vector<16xi32>
      %or3A_963 = arith.ori %and3A_957, %and3A_962 : vector<16xi32>
      %swap3A_964 = arith.constant 0 : index
      %swap3A_965 = tpu.vector_load %arg7[%swap3A_964] {strides = array<i32>} : memref<128xi32, #tpu.memory_space<vmem>>, vector<16xi32>,
      %swap3A_966 = vector.shape_cast %swap3A_965 : vector<16xi32> to vector<16xi32>
      %swap3A_967 = vector.shape_cast %or3A_963 : vector<16xi32> to vector<16xi32>
      tpu.vector_store %arg7[%swap3A_964], %swap3A_967 {strides = array<i32>} : memref<128xi32, #tpu.memory_space<vmem>>, vector<16xi32>,
      %mul3A_968 = arith.constant 128 : i32
      %mul3A_969 = arith.muli %add3A_935, %mul3A_968 : i32
      %add3A_970 = arith.addi %sub3A, %mul3A_969 : i32
      %add3A_971 = arith.constant 16 : i32
      %add3A_972 = arith.addi %add3A_970, %add3A_971 : i32
      %get3A_973 = arith.index_cast %add3A_972 : i32 to index
      %get3A_974 = tpu.vector_load %arg5[%get3A_973] {strides = array<i32>} : memref<10112xi32, #tpu.memory_space<vmem>>, vector<16xi32>,
      %get3A_975 = vector.shape_cast %get3A_974 : vector<16xi32> to vector<16xi32>
      %get3A_976 = arith.index_cast %add3A_972 : i32 to index
      %get3A_977 = tpu.vector_load %arg6[%get3A_976] {strides = array<i32>} : memref<10112xi32, #tpu.memory_space<vmem>>, vector<16xi32>,
      %get3A_978 = vector.shape_cast %get3A_977 : vector<16xi32> to vector<16xi32>
      %sub3A_979 = arith.subi %get3A_975, %get3A_978 : vector<16xi32>
      %neg3A_980 = arith.constant 0 : i32
      %neg3A_981 = vector.broadcast %neg3A_980 : i32 to vector<16xi32>
      %neg3A_982 = arith.subi %neg3A_981, %sub3A_979 : vector<16xi32>
      %or3A_983 = arith.ori %sub3A_979, %neg3A_982 : vector<16xi32>
      %shift_right_arithmetic3A_984 = arith.constant 31 : i32
      %shift_right_arithmetic3A_985 = vector.broadcast %shift_right_arithmetic3A_984 : i32 to vector<16xi32>
      %shift_right_arithmetic3A_986 = arith.shrsi %or3A_983, %shift_right_arithmetic3A_985 : vector<16xi32>
      %and3A_987 = arith.andi %get3A_978, %shift_right_arithmetic3A_986 : vector<16xi32>
      %not3A_988 = arith.constant dense<-1> : vector<16xi32>
      %not3A_989 = arith.xori %shift_right_arithmetic3A_986, %not3A_988 : vector<16xi32>
      %and3A_990 = arith.constant 10000 : i32
      %and3A_991 = vector.broadcast %and3A_990 : i32 to vector<16xi32>
      %and3A_992 = arith.andi %and3A_991, %not3A_989 : vector<16xi32>
      %or3A_993 = arith.ori %and3A_987, %and3A_992 : vector<16xi32>
      %swap3A_994 = arith.constant 16 : index
      %swap3A_995 = tpu.vector_load %arg7[%swap3A_994] {strides = array<i32>} : memref<128xi32, #tpu.memory_space<vmem>>, vector<16xi32>,
      %swap3A_996 = vector.shape_cast %swap3A_995 : vector<16xi32> to vector<16xi32>
      %swap3A_997 = vector.shape_cast %or3A_993 : vector<16xi32> to vector<16xi32>
      tpu.vector_store %arg7[%swap3A_994], %swap3A_997 {strides = array<i32>} : memref<128xi32, #tpu.memory_space<vmem>>, vector<16xi32>,
      %mul3A_998 = arith.constant 128 : i32
      %mul3A_999 = arith.muli %add3A_935, %mul3A_998 : i32
      %add3A_1000 = arith.addi %sub3A, %mul3A_999 : i32
      %add3A_1001 = arith.constant 32 : i32
      %add3A_1002 = arith.addi %add3A_1000, %add3A_1001 : i32
      %get3A_1003 = arith.index_cast %add3A_1002 : i32 to index
      %get3A_1004 = tpu.vector_load %arg5[%get3A_1003] {strides = array<i32>} : memref<10112xi32, #tpu.memory_space<vmem>>, vector<16xi32>,
      %get3A_1005 = vector.shape_cast %get3A_1004 : vector<16xi32> to vector<16xi32>
      %get3A_1006 = arith.index_cast %add3A_1002 : i32 to index
      %get3A_1007 = tpu.vector_load %arg6[%get3A_1006] {strides = array<i32>} : memref<10112xi32, #tpu.memory_space<vmem>>, vector<16xi32>,
      %get3A_1008 = vector.shape_cast %get3A_1007 : vector<16xi32> to vector<16xi32>
      %sub3A_1009 = arith.subi %get3A_1005, %get3A_1008 : vector<16xi32>
      %neg3A_1010 = arith.constant 0 : i32
      %neg3A_1011 = vector.broadcast %neg3A_1010 : i32 to vector<16xi32>
      %neg3A_1012 = arith.subi %neg3A_1011, %sub3A_1009 : vector<16xi32>
      %or3A_1013 = arith.ori %sub3A_1009, %neg3A_1012 : vector<16xi32>
      %shift_right_arithmetic3A_1014 = arith.constant 31 : i32
      %shift_right_arithmetic3A_1015 = vector.broadcast %shift_right_arithmetic3A_1014 : i32 to vector<16xi32>
      %shift_right_arithmetic3A_1016 = arith.shrsi %or3A_1013, %shift_right_arithmetic3A_1015 : vector<16xi32>
      %and3A_1017 = arith.andi %get3A_1008, %shift_right_arithmetic3A_1016 : vector<16xi32>
      %not3A_1018 = arith.constant dense<-1> : vector<16xi32>
      %not3A_1019 = arith.xori %shift_right_arithmetic3A_1016, %not3A_1018 : vector<16xi32>
      %and3A_1020 = arith.constant 10000 : i32
      %and3A_1021 = vector.broadcast %and3A_1020 : i32 to vector<16xi32>
      %and3A_1022 = arith.andi %and3A_1021, %not3A_1019 : vector<16xi32>
      %or3A_1023 = arith.ori %and3A_1017, %and3A_1022 : vector<16xi32>
      %swap3A_1024 = arith.constant 32 : index
      %swap3A_1025 = tpu.vector_load %arg7[%swap3A_1024] {strides = array<i32>} : memref<128xi32, #tpu.memory_space<vmem>>, vector<16xi32>,
      %swap3A_1026 = vector.shape_cast %swap3A_1025 : vector<16xi32> to vector<16xi32>
      %swap3A_1027 = vector.shape_cast %or3A_1023 : vector<16xi32> to vector<16xi32>
      tpu.vector_store %arg7[%swap3A_1024], %swap3A_1027 {strides = array<i32>} : memref<128xi32, #tpu.memory_space<vmem>>, vector<16xi32>,
      %mul3A_1028 = arith.constant 128 : i32
      %mul3A_1029 = arith.muli %add3A_935, %mul3A_1028 : i32
      %add3A_1030 = arith.addi %sub3A, %mul3A_1029 : i32
      %add3A_1031 = arith.constant 48 : i32
      %add3A_1032 = arith.addi %add3A_1030, %add3A_1031 : i32
      %get3A_1033 = arith.index_cast %add3A_1032 : i32 to index
      %get3A_1034 = tpu.vector_load %arg5[%get3A_1033] {strides = array<i32>} : memref<10112xi32, #tpu.memory_space<vmem>>, vector<16xi32>,
      %get3A_1035 = vector.shape_cast %get3A_1034 : vector<16xi32> to vector<16xi32>
      %get3A_1036 = arith.index_cast %add3A_1032 : i32 to index
      %get3A_1037 = tpu.vector_load %arg6[%get3A_1036] {strides = array<i32>} : memref<10112xi32, #tpu.memory_space<vmem>>, vector<16xi32>,
      %get3A_1038 = vector.shape_cast %get3A_1037 : vector<16xi32> to vector<16xi32>
      %sub3A_1039 = arith.subi %get3A_1035, %get3A_1038 : vector<16xi32>
      %neg3A_1040 = arith.constant 0 : i32
      %neg3A_1041 = vector.broadcast %neg3A_1040 : i32 to vector<16xi32>
      %neg3A_1042 = arith.subi %neg3A_1041, %sub3A_1039 : vector<16xi32>
      %or3A_1043 = arith.ori %sub3A_1039, %neg3A_1042 : vector<16xi32>
      %shift_right_arithmetic3A_1044 = arith.constant 31 : i32
      %shift_right_arithmetic3A_1045 = vector.broadcast %shift_right_arithmetic3A_1044 : i32 to vector<16xi32>
      %shift_right_arithmetic3A_1046 = arith.shrsi %or3A_1043, %shift_right_arithmetic3A_1045 : vector<16xi32>
      %and3A_1047 = arith.andi %get3A_1038, %shift_right_arithmetic3A_1046 : vector<16xi32>
      %not3A_1048 = arith.constant dense<-1> : vector<16xi32>
      %not3A_1049 = arith.xori %shift_right_arithmetic3A_1046, %not3A_1048 : vector<16xi32>
      %and3A_1050 = arith.constant 10000 : i32
      %and3A_1051 = vector.broadcast %and3A_1050 : i32 to vector<16xi32>
      %and3A_1052 = arith.andi %and3A_1051, %not3A_1049 : vector<16xi32>
      %or3A_1053 = arith.ori %and3A_1047, %and3A_1052 : vector<16xi32>
      %swap3A_1054 = arith.constant 48 : index
      %swap3A_1055 = tpu.vector_load %arg7[%swap3A_1054] {strides = array<i32>} : memref<128xi32, #tpu.memory_space<vmem>>, vector<16xi32>,
      %swap3A_1056 = vector.shape_cast %swap3A_1055 : vector<16xi32> to vector<16xi32>
      %swap3A_1057 = vector.shape_cast %or3A_1053 : vector<16xi32> to vector<16xi32>
      tpu.vector_store %arg7[%swap3A_1054], %swap3A_1057 {strides = array<i32>} : memref<128xi32, #tpu.memory_space<vmem>>, vector<16xi32>,
      %mul3A_1058 = arith.constant 128 : i32
      %mul3A_1059 = arith.muli %add3A_935, %mul3A_1058 : i32
      %add3A_1060 = arith.addi %sub3A, %mul3A_1059 : i32
      %add3A_1061 = arith.constant 64 : i32
      %add3A_1062 = arith.addi %add3A_1060, %add3A_1061 : i32
      %get3A_1063 = arith.index_cast %add3A_1062 : i32 to index
      %get3A_1064 = tpu.vector_load %arg5[%get3A_1063] {strides = array<i32>} : memref<10112xi32, #tpu.memory_space<vmem>>, vector<16xi32>,
      %get3A_1065 = vector.shape_cast %get3A_1064 : vector<16xi32> to vector<16xi32>
      %get3A_1066 = arith.index_cast %add3A_1062 : i32 to index
      %get3A_1067 = tpu.vector_load %arg6[%get3A_1066] {strides = array<i32>} : memref<10112xi32, #tpu.memory_space<vmem>>, vector<16xi32>,
      %get3A_1068 = vector.shape_cast %get3A_1067 : vector<16xi32> to vector<16xi32>
      %sub3A_1069 = arith.subi %get3A_1065, %get3A_1068 : vector<16xi32>
      %neg3A_1070 = arith.constant 0 : i32
      %neg3A_1071 = vector.broadcast %neg3A_1070 : i32 to vector<16xi32>
      %neg3A_1072 = arith.subi %neg3A_1071, %sub3A_1069 : vector<16xi32>
      %or3A_1073 = arith.ori %sub3A_1069, %neg3A_1072 : vector<16xi32>
      %shift_right_arithmetic3A_1074 = arith.constant 31 : i32
      %shift_right_arithmetic3A_1075 = vector.broadcast %shift_right_arithmetic3A_1074 : i32 to vector<16xi32>
      %shift_right_arithmetic3A_1076 = arith.shrsi %or3A_1073, %shift_right_arithmetic3A_1075 : vector<16xi32>
      %and3A_1077 = arith.andi %get3A_1068, %shift_right_arithmetic3A_1076 : vector<16xi32>
      %not3A_1078 = arith.constant dense<-1> : vector<16xi32>
      %not3A_1079 = arith.xori %shift_right_arithmetic3A_1076, %not3A_1078 : vector<16xi32>
      %and3A_1080 = arith.constant 10000 : i32
      %and3A_1081 = vector.broadcast %and3A_1080 : i32 to vector<16xi32>
      %and3A_1082 = arith.andi %and3A_1081, %not3A_1079 : vector<16xi32>
      %or3A_1083 = arith.ori %and3A_1077, %and3A_1082 : vector<16xi32>
      %swap3A_1084 = arith.constant 64 : index
      %swap3A_1085 = tpu.vector_load %arg7[%swap3A_1084] {strides = array<i32>} : memref<128xi32, #tpu.memory_space<vmem>>, vector<16xi32>,
      %swap3A_1086 = vector.shape_cast %swap3A_1085 : vector<16xi32> to vector<16xi32>
      %swap3A_1087 = vector.shape_cast %or3A_1083 : vector<16xi32> to vector<16xi32>
      tpu.vector_store %arg7[%swap3A_1084], %swap3A_1087 {strides = array<i32>} : memref<128xi32, #tpu.memory_space<vmem>>, vector<16xi32>,
      %mul3A_1088 = arith.constant 128 : i32
      %mul3A_1089 = arith.muli %add3A_935, %mul3A_1088 : i32
      %add3A_1090 = arith.addi %sub3A, %mul3A_1089 : i32
      %add3A_1091 = arith.constant 80 : i32
      %add3A_1092 = arith.addi %add3A_1090, %add3A_1091 : i32
      %get3A_1093 = arith.index_cast %add3A_1092 : i32 to index
      %get3A_1094 = tpu.vector_load %arg5[%get3A_1093] {strides = array<i32>} : memref<10112xi32, #tpu.memory_space<vmem>>, vector<16xi32>,
      %get3A_1095 = vector.shape_cast %get3A_1094 : vector<16xi32> to vector<16xi32>
      %get3A_1096 = arith.index_cast %add3A_1092 : i32 to index
      %get3A_1097 = tpu.vector_load %arg6[%get3A_1096] {strides = array<i32>} : memref<10112xi32, #tpu.memory_space<vmem>>, vector<16xi32>,
      %get3A_1098 = vector.shape_cast %get3A_1097 : vector<16xi32> to vector<16xi32>
      %sub3A_1099 = arith.subi %get3A_1095, %get3A_1098 : vector<16xi32>
      %neg3A_1100 = arith.constant 0 : i32
      %neg3A_1101 = vector.broadcast %neg3A_1100 : i32 to vector<16xi32>
      %neg3A_1102 = arith.subi %neg3A_1101, %sub3A_1099 : vector<16xi32>
      %or3A_1103 = arith.ori %sub3A_1099, %neg3A_1102 : vector<16xi32>
      %shift_right_arithmetic3A_1104 = arith.constant 31 : i32
      %shift_right_arithmetic3A_1105 = vector.broadcast %shift_right_arithmetic3A_1104 : i32 to vector<16xi32>
      %shift_right_arithmetic3A_1106 = arith.shrsi %or3A_1103, %shift_right_arithmetic3A_1105 : vector<16xi32>
      %and3A_1107 = arith.andi %get3A_1098, %shift_right_arithmetic3A_1106 : vector<16xi32>
      %not3A_1108 = arith.constant dense<-1> : vector<16xi32>
      %not3A_1109 = arith.xori %shift_right_arithmetic3A_1106, %not3A_1108 : vector<16xi32>
      %and3A_1110 = arith.constant 10000 : i32
      %and3A_1111 = vector.broadcast %and3A_1110 : i32 to vector<16xi32>
      %and3A_1112 = arith.andi %and3A_1111, %not3A_1109 : vector<16xi32>
      %or3A_1113 = arith.ori %and3A_1107, %and3A_1112 : vector<16xi32>
      %swap3A_1114 = arith.constant 80 : index
      %swap3A_1115 = tpu.vector_load %arg7[%swap3A_1114] {strides = array<i32>} : memref<128xi32, #tpu.memory_space<vmem>>, vector<16xi32>,
      %swap3A_1116 = vector.shape_cast %swap3A_1115 : vector<16xi32> to vector<16xi32>
      %swap3A_1117 = vector.shape_cast %or3A_1113 : vector<16xi32> to vector<16xi32>
      tpu.vector_store %arg7[%swap3A_1114], %swap3A_1117 {strides = array<i32>} : memref<128xi32, #tpu.memory_space<vmem>>, vector<16xi32>,
      %mul3A_1118 = arith.constant 128 : i32
      %mul3A_1119 = arith.muli %add3A_935, %mul3A_1118 : i32
      %add3A_1120 = arith.addi %sub3A, %mul3A_1119 : i32
      %add3A_1121 = arith.constant 96 : i32
      %add3A_1122 = arith.addi %add3A_1120, %add3A_1121 : i32
      %get3A_1123 = arith.index_cast %add3A_1122 : i32 to index
      %get3A_1124 = tpu.vector_load %arg5[%get3A_1123] {strides = array<i32>} : memref<10112xi32, #tpu.memory_space<vmem>>, vector<16xi32>,
      %get3A_1125 = vector.shape_cast %get3A_1124 : vector<16xi32> to vector<16xi32>
      %get3A_1126 = arith.index_cast %add3A_1122 : i32 to index
      %get3A_1127 = tpu.vector_load %arg6[%get3A_1126] {strides = array<i32>} : memref<10112xi32, #tpu.memory_space<vmem>>, vector<16xi32>,
      %get3A_1128 = vector.shape_cast %get3A_1127 : vector<16xi32> to vector<16xi32>
      %sub3A_1129 = arith.subi %get3A_1125, %get3A_1128 : vector<16xi32>
      %neg3A_1130 = arith.constant 0 : i32
      %neg3A_1131 = vector.broadcast %neg3A_1130 : i32 to vector<16xi32>
      %neg3A_1132 = arith.subi %neg3A_1131, %sub3A_1129 : vector<16xi32>
      %or3A_1133 = arith.ori %sub3A_1129, %neg3A_1132 : vector<16xi32>
      %shift_right_arithmetic3A_1134 = arith.constant 31 : i32
      %shift_right_arithmetic3A_1135 = vector.broadcast %shift_right_arithmetic3A_1134 : i32 to vector<16xi32>
      %shift_right_arithmetic3A_1136 = arith.shrsi %or3A_1133, %shift_right_arithmetic3A_1135 : vector<16xi32>
      %and3A_1137 = arith.andi %get3A_1128, %shift_right_arithmetic3A_1136 : vector<16xi32>
      %not3A_1138 = arith.constant dense<-1> : vector<16xi32>
      %not3A_1139 = arith.xori %shift_right_arithmetic3A_1136, %not3A_1138 : vector<16xi32>
      %and3A_1140 = arith.constant 10000 : i32
      %and3A_1141 = vector.broadcast %and3A_1140 : i32 to vector<16xi32>
      %and3A_1142 = arith.andi %and3A_1141, %not3A_1139 : vector<16xi32>
      %or3A_1143 = arith.ori %and3A_1137, %and3A_1142 : vector<16xi32>
      %swap3A_1144 = arith.constant 96 : index
      %swap3A_1145 = tpu.vector_load %arg7[%swap3A_1144] {strides = array<i32>} : memref<128xi32, #tpu.memory_space<vmem>>, vector<16xi32>,
      %swap3A_1146 = vector.shape_cast %swap3A_1145 : vector<16xi32> to vector<16xi32>
      %swap3A_1147 = vector.shape_cast %or3A_1143 : vector<16xi32> to vector<16xi32>
      tpu.vector_store %arg7[%swap3A_1144], %swap3A_1147 {strides = array<i32>} : memref<128xi32, #tpu.memory_space<vmem>>, vector<16xi32>,
      %mul3A_1148 = arith.constant 128 : i32
      %mul3A_1149 = arith.muli %add3A_935, %mul3A_1148 : i32
      %add3A_1150 = arith.addi %sub3A, %mul3A_1149 : i32
      %add3A_1151 = arith.constant 112 : i32
      %add3A_1152 = arith.addi %add3A_1150, %add3A_1151 : i32
      %get3A_1153 = arith.index_cast %add3A_1152 : i32 to index
      %get3A_1154 = tpu.vector_load %arg5[%get3A_1153] {strides = array<i32>} : memref<10112xi32, #tpu.memory_space<vmem>>, vector<16xi32>,
      %get3A_1155 = vector.shape_cast %get3A_1154 : vector<16xi32> to vector<16xi32>
      %get3A_1156 = arith.index_cast %add3A_1152 : i32 to index
      %get3A_1157 = tpu.vector_load %arg6[%get3A_1156] {strides = array<i32>} : memref<10112xi32, #tpu.memory_space<vmem>>, vector<16xi32>,
      %get3A_1158 = vector.shape_cast %get3A_1157 : vector<16xi32> to vector<16xi32>
      %sub3A_1159 = arith.subi %get3A_1155, %get3A_1158 : vector<16xi32>
      %neg3A_1160 = arith.constant 0 : i32
      %neg3A_1161 = vector.broadcast %neg3A_1160 : i32 to vector<16xi32>
      %neg3A_1162 = arith.subi %neg3A_1161, %sub3A_1159 : vector<16xi32>
      %or3A_1163 = arith.ori %sub3A_1159, %neg3A_1162 : vector<16xi32>
      %shift_right_arithmetic3A_1164 = arith.constant 31 : i32
      %shift_right_arithmetic3A_1165 = vector.broadcast %shift_right_arithmetic3A_1164 : i32 to vector<16xi32>
      %shift_right_arithmetic3A_1166 = arith.shrsi %or3A_1163, %shift_right_arithmetic3A_1165 : vector<16xi32>
      %and3A_1167 = arith.andi %get3A_1158, %shift_right_arithmetic3A_1166 : vector<16xi32>
      %not3A_1168 = arith.constant dense<-1> : vector<16xi32>
      %not3A_1169 = arith.xori %shift_right_arithmetic3A_1166, %not3A_1168 : vector<16xi32>
      %and3A_1170 = arith.constant 10000 : i32
      %and3A_1171 = vector.broadcast %and3A_1170 : i32 to vector<16xi32>
      %and3A_1172 = arith.andi %and3A_1171, %not3A_1169 : vector<16xi32>
      %or3A_1173 = arith.ori %and3A_1167, %and3A_1172 : vector<16xi32>
      %swap3A_1174 = arith.constant 112 : index
      %swap3A_1175 = tpu.vector_load %arg7[%swap3A_1174] {strides = array<i32>} : memref<128xi32, #tpu.memory_space<vmem>>, vector<16xi32>,
      %swap3A_1176 = vector.shape_cast %swap3A_1175 : vector<16xi32> to vector<16xi32>
      %swap3A_1177 = vector.shape_cast %or3A_1173 : vector<16xi32> to vector<16xi32>
      tpu.vector_store %arg7[%swap3A_1174], %swap3A_1177 {strides = array<i32>} : memref<128xi32, #tpu.memory_space<vmem>>, vector<16xi32>,
      %dma_start3A_1178 = arith.constant 0 : i32
      %dma_start3A_1179 = tpu.memref_slice %arg11[%dma_start3A_1178] : memref<10240xf32, #tpu.memory_space<vmem_shared>> -> memref<10240xf32, #tpu.memory_space<vmem_shared>>
      tpu.enqueue_indirect_dma source(%arg9 : memref<128xf32, #tpu.memory_space<vmem>>) target(%dma_start3A_1179 : memref<10240xf32, #tpu.memory_space<vmem_shared>>) offsets(%arg7 : memref<128xi32, #tpu.memory_space<vmem>>) semaphore(%arg12 : memref<!tpu.dma_semaphore, #tpu.memory_space<semaphore_mem>>) {add = true}
      %mul3A_1180 = arith.constant 2 : i32
      %mul3A_1181 = arith.muli %while3A_931, %mul3A_1180 : i32
      %add3A_1182 = arith.constant 1 : i32
      %add3A_1183 = arith.addi %mul3A_1181, %add3A_1182 : i32
      %dma_wait3A_1184 = arith.constant 0 : i32
      %dma_wait3A_1185 = tpu.memref_slice %arg11[%dma_wait3A_1184] : memref<10240xf32, #tpu.memory_space<vmem_shared>> -> memref<10240xf32, #tpu.memory_space<vmem_shared>>
      tpu.wait_indirect_dma semaphore(%arg13 : memref<!tpu.dma_semaphore, #tpu.memory_space<semaphore_mem>>) src(%arg9 : memref<128xf32, #tpu.memory_space<vmem>>) dst(%dma_wait3A_1185 : memref<10240xf32, #tpu.memory_space<vmem_shared>>)
      %mul3A_1186 = arith.constant 128 : i32
      %mul3A_1187 = arith.muli %add3A_1183, %mul3A_1186 : i32
      %add3A_1188 = arith.addi %sub3A, %mul3A_1187 : i32
      %add3A_1189 = arith.constant 0 : i32
      %add3A_1190 = arith.addi %add3A_1188, %add3A_1189 : i32
      %get3A_1191 = arith.index_cast %add3A_1190 : i32 to index
      %get3A_1192 = tpu.vector_load %arg5[%get3A_1191] {strides = array<i32>} : memref<10112xi32, #tpu.memory_space<vmem>>, vector<16xi32>,
      %get3A_1193 = vector.shape_cast %get3A_1192 : vector<16xi32> to vector<16xi32>
      %get3A_1194 = arith.index_cast %add3A_1190 : i32 to index
      %get3A_1195 = tpu.vector_load %arg6[%get3A_1194] {strides = array<i32>} : memref<10112xi32, #tpu.memory_space<vmem>>, vector<16xi32>,
      %get3A_1196 = vector.shape_cast %get3A_1195 : vector<16xi32> to vector<16xi32>
      %sub3A_1197 = arith.subi %get3A_1193, %get3A_1196 : vector<16xi32>
      %neg3A_1198 = arith.constant 0 : i32
      %neg3A_1199 = vector.broadcast %neg3A_1198 : i32 to vector<16xi32>
      %neg3A_1200 = arith.subi %neg3A_1199, %sub3A_1197 : vector<16xi32>
      %or3A_1201 = arith.ori %sub3A_1197, %neg3A_1200 : vector<16xi32>
      %shift_right_arithmetic3A_1202 = arith.constant 31 : i32
      %shift_right_arithmetic3A_1203 = vector.broadcast %shift_right_arithmetic3A_1202 : i32 to vector<16xi32>
      %shift_right_arithmetic3A_1204 = arith.shrsi %or3A_1201, %shift_right_arithmetic3A_1203 : vector<16xi32>
      %and3A_1205 = arith.andi %get3A_1196, %shift_right_arithmetic3A_1204 : vector<16xi32>
      %not3A_1206 = arith.constant dense<-1> : vector<16xi32>
      %not3A_1207 = arith.xori %shift_right_arithmetic3A_1204, %not3A_1206 : vector<16xi32>
      %and3A_1208 = arith.constant 10000 : i32
      %and3A_1209 = vector.broadcast %and3A_1208 : i32 to vector<16xi32>
      %and3A_1210 = arith.andi %and3A_1209, %not3A_1207 : vector<16xi32>
      %or3A_1211 = arith.ori %and3A_1205, %and3A_1210 : vector<16xi32>
      %swap3A_1212 = arith.constant 0 : index
      %swap3A_1213 = tpu.vector_load %arg8[%swap3A_1212] {strides = array<i32>} : memref<128xi32, #tpu.memory_space<vmem>>, vector<16xi32>,
      %swap3A_1214 = vector.shape_cast %swap3A_1213 : vector<16xi32> to vector<16xi32>
      %swap3A_1215 = vector.shape_cast %or3A_1211 : vector<16xi32> to vector<16xi32>
      tpu.vector_store %arg8[%swap3A_1212], %swap3A_1215 {strides = array<i32>} : memref<128xi32, #tpu.memory_space<vmem>>, vector<16xi32>,
      %mul3A_1216 = arith.constant 128 : i32
      %mul3A_1217 = arith.muli %add3A_1183, %mul3A_1216 : i32
      %add3A_1218 = arith.addi %sub3A, %mul3A_1217 : i32
      %add3A_1219 = arith.constant 16 : i32
      %add3A_1220 = arith.addi %add3A_1218, %add3A_1219 : i32
      %get3A_1221 = arith.index_cast %add3A_1220 : i32 to index
      %get3A_1222 = tpu.vector_load %arg5[%get3A_1221] {strides = array<i32>} : memref<10112xi32, #tpu.memory_space<vmem>>, vector<16xi32>,
      %get3A_1223 = vector.shape_cast %get3A_1222 : vector<16xi32> to vector<16xi32>
      %get3A_1224 = arith.index_cast %add3A_1220 : i32 to index
      %get3A_1225 = tpu.vector_load %arg6[%get3A_1224] {strides = array<i32>} : memref<10112xi32, #tpu.memory_space<vmem>>, vector<16xi32>,
      %get3A_1226 = vector.shape_cast %get3A_1225 : vector<16xi32> to vector<16xi32>
      %sub3A_1227 = arith.subi %get3A_1223, %get3A_1226 : vector<16xi32>
      %neg3A_1228 = arith.constant 0 : i32
      %neg3A_1229 = vector.broadcast %neg3A_1228 : i32 to vector<16xi32>
      %neg3A_1230 = arith.subi %neg3A_1229, %sub3A_1227 : vector<16xi32>
      %or3A_1231 = arith.ori %sub3A_1227, %neg3A_1230 : vector<16xi32>
      %shift_right_arithmetic3A_1232 = arith.constant 31 : i32
      %shift_right_arithmetic3A_1233 = vector.broadcast %shift_right_arithmetic3A_1232 : i32 to vector<16xi32>
      %shift_right_arithmetic3A_1234 = arith.shrsi %or3A_1231, %shift_right_arithmetic3A_1233 : vector<16xi32>
      %and3A_1235 = arith.andi %get3A_1226, %shift_right_arithmetic3A_1234 : vector<16xi32>
      %not3A_1236 = arith.constant dense<-1> : vector<16xi32>
      %not3A_1237 = arith.xori %shift_right_arithmetic3A_1234, %not3A_1236 : vector<16xi32>
      %and3A_1238 = arith.constant 10000 : i32
      %and3A_1239 = vector.broadcast %and3A_1238 : i32 to vector<16xi32>
      %and3A_1240 = arith.andi %and3A_1239, %not3A_1237 : vector<16xi32>
      %or3A_1241 = arith.ori %and3A_1235, %and3A_1240 : vector<16xi32>
      %swap3A_1242 = arith.constant 16 : index
      %swap3A_1243 = tpu.vector_load %arg8[%swap3A_1242] {strides = array<i32>} : memref<128xi32, #tpu.memory_space<vmem>>, vector<16xi32>,
      %swap3A_1244 = vector.shape_cast %swap3A_1243 : vector<16xi32> to vector<16xi32>
      %swap3A_1245 = vector.shape_cast %or3A_1241 : vector<16xi32> to vector<16xi32>
      tpu.vector_store %arg8[%swap3A_1242], %swap3A_1245 {strides = array<i32>} : memref<128xi32, #tpu.memory_space<vmem>>, vector<16xi32>,
      %mul3A_1246 = arith.constant 128 : i32
      %mul3A_1247 = arith.muli %add3A_1183, %mul3A_1246 : i32
      %add3A_1248 = arith.addi %sub3A, %mul3A_1247 : i32
      %add3A_1249 = arith.constant 32 : i32
      %add3A_1250 = arith.addi %add3A_1248, %add3A_1249 : i32
      %get3A_1251 = arith.index_cast %add3A_1250 : i32 to index
      %get3A_1252 = tpu.vector_load %arg5[%get3A_1251] {strides = array<i32>} : memref<10112xi32, #tpu.memory_space<vmem>>, vector<16xi32>,
      %get3A_1253 = vector.shape_cast %get3A_1252 : vector<16xi32> to vector<16xi32>
      %get3A_1254 = arith.index_cast %add3A_1250 : i32 to index
      %get3A_1255 = tpu.vector_load %arg6[%get3A_1254] {strides = array<i32>} : memref<10112xi32, #tpu.memory_space<vmem>>, vector<16xi32>,
      %get3A_1256 = vector.shape_cast %get3A_1255 : vector<16xi32> to vector<16xi32>
      %sub3A_1257 = arith.subi %get3A_1253, %get3A_1256 : vector<16xi32>
      %neg3A_1258 = arith.constant 0 : i32
      %neg3A_1259 = vector.broadcast %neg3A_1258 : i32 to vector<16xi32>
      %neg3A_1260 = arith.subi %neg3A_1259, %sub3A_1257 : vector<16xi32>
      %or3A_1261 = arith.ori %sub3A_1257, %neg3A_1260 : vector<16xi32>
      %shift_right_arithmetic3A_1262 = arith.constant 31 : i32
      %shift_right_arithmetic3A_1263 = vector.broadcast %shift_right_arithmetic3A_1262 : i32 to vector<16xi32>
      %shift_right_arithmetic3A_1264 = arith.shrsi %or3A_1261, %shift_right_arithmetic3A_1263 : vector<16xi32>
      %and3A_1265 = arith.andi %get3A_1256, %shift_right_arithmetic3A_1264 : vector<16xi32>
      %not3A_1266 = arith.constant dense<-1> : vector<16xi32>
      %not3A_1267 = arith.xori %shift_right_arithmetic3A_1264, %not3A_1266 : vector<16xi32>
      %and3A_1268 = arith.constant 10000 : i32
      %and3A_1269 = vector.broadcast %and3A_1268 : i32 to vector<16xi32>
      %and3A_1270 = arith.andi %and3A_1269, %not3A_1267 : vector<16xi32>
      %or3A_1271 = arith.ori %and3A_1265, %and3A_1270 : vector<16xi32>
      %swap3A_1272 = arith.constant 32 : index
      %swap3A_1273 = tpu.vector_load %arg8[%swap3A_1272] {strides = array<i32>} : memref<128xi32, #tpu.memory_space<vmem>>, vector<16xi32>,
      %swap3A_1274 = vector.shape_cast %swap3A_1273 : vector<16xi32> to vector<16xi32>
      %swap3A_1275 = vector.shape_cast %or3A_1271 : vector<16xi32> to vector<16xi32>
      tpu.vector_store %arg8[%swap3A_1272], %swap3A_1275 {strides = array<i32>} : memref<128xi32, #tpu.memory_space<vmem>>, vector<16xi32>,
      %mul3A_1276 = arith.constant 128 : i32
      %mul3A_1277 = arith.muli %add3A_1183, %mul3A_1276 : i32
      %add3A_1278 = arith.addi %sub3A, %mul3A_1277 : i32
      %add3A_1279 = arith.constant 48 : i32
      %add3A_1280 = arith.addi %add3A_1278, %add3A_1279 : i32
      %get3A_1281 = arith.index_cast %add3A_1280 : i32 to index
      %get3A_1282 = tpu.vector_load %arg5[%get3A_1281] {strides = array<i32>} : memref<10112xi32, #tpu.memory_space<vmem>>, vector<16xi32>,
      %get3A_1283 = vector.shape_cast %get3A_1282 : vector<16xi32> to vector<16xi32>
      %get3A_1284 = arith.index_cast %add3A_1280 : i32 to index
      %get3A_1285 = tpu.vector_load %arg6[%get3A_1284] {strides = array<i32>} : memref<10112xi32, #tpu.memory_space<vmem>>, vector<16xi32>,
      %get3A_1286 = vector.shape_cast %get3A_1285 : vector<16xi32> to vector<16xi32>
      %sub3A_1287 = arith.subi %get3A_1283, %get3A_1286 : vector<16xi32>
      %neg3A_1288 = arith.constant 0 : i32
      %neg3A_1289 = vector.broadcast %neg3A_1288 : i32 to vector<16xi32>
      %neg3A_1290 = arith.subi %neg3A_1289, %sub3A_1287 : vector<16xi32>
      %or3A_1291 = arith.ori %sub3A_1287, %neg3A_1290 : vector<16xi32>
      %shift_right_arithmetic3A_1292 = arith.constant 31 : i32
      %shift_right_arithmetic3A_1293 = vector.broadcast %shift_right_arithmetic3A_1292 : i32 to vector<16xi32>
      %shift_right_arithmetic3A_1294 = arith.shrsi %or3A_1291, %shift_right_arithmetic3A_1293 : vector<16xi32>
      %and3A_1295 = arith.andi %get3A_1286, %shift_right_arithmetic3A_1294 : vector<16xi32>
      %not3A_1296 = arith.constant dense<-1> : vector<16xi32>
      %not3A_1297 = arith.xori %shift_right_arithmetic3A_1294, %not3A_1296 : vector<16xi32>
      %and3A_1298 = arith.constant 10000 : i32
      %and3A_1299 = vector.broadcast %and3A_1298 : i32 to vector<16xi32>
      %and3A_1300 = arith.andi %and3A_1299, %not3A_1297 : vector<16xi32>
      %or3A_1301 = arith.ori %and3A_1295, %and3A_1300 : vector<16xi32>
      %swap3A_1302 = arith.constant 48 : index
      %swap3A_1303 = tpu.vector_load %arg8[%swap3A_1302] {strides = array<i32>} : memref<128xi32, #tpu.memory_space<vmem>>, vector<16xi32>,
      %swap3A_1304 = vector.shape_cast %swap3A_1303 : vector<16xi32> to vector<16xi32>
      %swap3A_1305 = vector.shape_cast %or3A_1301 : vector<16xi32> to vector<16xi32>
      tpu.vector_store %arg8[%swap3A_1302], %swap3A_1305 {strides = array<i32>} : memref<128xi32, #tpu.memory_space<vmem>>, vector<16xi32>,
      %mul3A_1306 = arith.constant 128 : i32
      %mul3A_1307 = arith.muli %add3A_1183, %mul3A_1306 : i32
      %add3A_1308 = arith.addi %sub3A, %mul3A_1307 : i32
      %add3A_1309 = arith.constant 64 : i32
      %add3A_1310 = arith.addi %add3A_1308, %add3A_1309 : i32
      %get3A_1311 = arith.index_cast %add3A_1310 : i32 to index
      %get3A_1312 = tpu.vector_load %arg5[%get3A_1311] {strides = array<i32>} : memref<10112xi32, #tpu.memory_space<vmem>>, vector<16xi32>,
      %get3A_1313 = vector.shape_cast %get3A_1312 : vector<16xi32> to vector<16xi32>
      %get3A_1314 = arith.index_cast %add3A_1310 : i32 to index
      %get3A_1315 = tpu.vector_load %arg6[%get3A_1314] {strides = array<i32>} : memref<10112xi32, #tpu.memory_space<vmem>>, vector<16xi32>,
      %get3A_1316 = vector.shape_cast %get3A_1315 : vector<16xi32> to vector<16xi32>
      %sub3A_1317 = arith.subi %get3A_1313, %get3A_1316 : vector<16xi32>
      %neg3A_1318 = arith.constant 0 : i32
      %neg3A_1319 = vector.broadcast %neg3A_1318 : i32 to vector<16xi32>
      %neg3A_1320 = arith.subi %neg3A_1319, %sub3A_1317 : vector<16xi32>
      %or3A_1321 = arith.ori %sub3A_1317, %neg3A_1320 : vector<16xi32>
      %shift_right_arithmetic3A_1322 = arith.constant 31 : i32
      %shift_right_arithmetic3A_1323 = vector.broadcast %shift_right_arithmetic3A_1322 : i32 to vector<16xi32>
      %shift_right_arithmetic3A_1324 = arith.shrsi %or3A_1321, %shift_right_arithmetic3A_1323 : vector<16xi32>
      %and3A_1325 = arith.andi %get3A_1316, %shift_right_arithmetic3A_1324 : vector<16xi32>
      %not3A_1326 = arith.constant dense<-1> : vector<16xi32>
      %not3A_1327 = arith.xori %shift_right_arithmetic3A_1324, %not3A_1326 : vector<16xi32>
      %and3A_1328 = arith.constant 10000 : i32
      %and3A_1329 = vector.broadcast %and3A_1328 : i32 to vector<16xi32>
      %and3A_1330 = arith.andi %and3A_1329, %not3A_1327 : vector<16xi32>
      %or3A_1331 = arith.ori %and3A_1325, %and3A_1330 : vector<16xi32>
      %swap3A_1332 = arith.constant 64 : index
      %swap3A_1333 = tpu.vector_load %arg8[%swap3A_1332] {strides = array<i32>} : memref<128xi32, #tpu.memory_space<vmem>>, vector<16xi32>,
      %swap3A_1334 = vector.shape_cast %swap3A_1333 : vector<16xi32> to vector<16xi32>
      %swap3A_1335 = vector.shape_cast %or3A_1331 : vector<16xi32> to vector<16xi32>
      tpu.vector_store %arg8[%swap3A_1332], %swap3A_1335 {strides = array<i32>} : memref<128xi32, #tpu.memory_space<vmem>>, vector<16xi32>,
      %mul3A_1336 = arith.constant 128 : i32
      %mul3A_1337 = arith.muli %add3A_1183, %mul3A_1336 : i32
      %add3A_1338 = arith.addi %sub3A, %mul3A_1337 : i32
      %add3A_1339 = arith.constant 80 : i32
      %add3A_1340 = arith.addi %add3A_1338, %add3A_1339 : i32
      %get3A_1341 = arith.index_cast %add3A_1340 : i32 to index
      %get3A_1342 = tpu.vector_load %arg5[%get3A_1341] {strides = array<i32>} : memref<10112xi32, #tpu.memory_space<vmem>>, vector<16xi32>,
      %get3A_1343 = vector.shape_cast %get3A_1342 : vector<16xi32> to vector<16xi32>
      %get3A_1344 = arith.index_cast %add3A_1340 : i32 to index
      %get3A_1345 = tpu.vector_load %arg6[%get3A_1344] {strides = array<i32>} : memref<10112xi32, #tpu.memory_space<vmem>>, vector<16xi32>,
      %get3A_1346 = vector.shape_cast %get3A_1345 : vector<16xi32> to vector<16xi32>
      %sub3A_1347 = arith.subi %get3A_1343, %get3A_1346 : vector<16xi32>
      %neg3A_1348 = arith.constant 0 : i32
      %neg3A_1349 = vector.broadcast %neg3A_1348 : i32 to vector<16xi32>
      %neg3A_1350 = arith.subi %neg3A_1349, %sub3A_1347 : vector<16xi32>
      %or3A_1351 = arith.ori %sub3A_1347, %neg3A_1350 : vector<16xi32>
      %shift_right_arithmetic3A_1352 = arith.constant 31 : i32
      %shift_right_arithmetic3A_1353 = vector.broadcast %shift_right_arithmetic3A_1352 : i32 to vector<16xi32>
      %shift_right_arithmetic3A_1354 = arith.shrsi %or3A_1351, %shift_right_arithmetic3A_1353 : vector<16xi32>
      %and3A_1355 = arith.andi %get3A_1346, %shift_right_arithmetic3A_1354 : vector<16xi32>
      %not3A_1356 = arith.constant dense<-1> : vector<16xi32>
      %not3A_1357 = arith.xori %shift_right_arithmetic3A_1354, %not3A_1356 : vector<16xi32>
      %and3A_1358 = arith.constant 10000 : i32
      %and3A_1359 = vector.broadcast %and3A_1358 : i32 to vector<16xi32>
      %and3A_1360 = arith.andi %and3A_1359, %not3A_1357 : vector<16xi32>
      %or3A_1361 = arith.ori %and3A_1355, %and3A_1360 : vector<16xi32>
      %swap3A_1362 = arith.constant 80 : index
      %swap3A_1363 = tpu.vector_load %arg8[%swap3A_1362] {strides = array<i32>} : memref<128xi32, #tpu.memory_space<vmem>>, vector<16xi32>,
      %swap3A_1364 = vector.shape_cast %swap3A_1363 : vector<16xi32> to vector<16xi32>
      %swap3A_1365 = vector.shape_cast %or3A_1361 : vector<16xi32> to vector<16xi32>
      tpu.vector_store %arg8[%swap3A_1362], %swap3A_1365 {strides = array<i32>} : memref<128xi32, #tpu.memory_space<vmem>>, vector<16xi32>,
      %mul3A_1366 = arith.constant 128 : i32
      %mul3A_1367 = arith.muli %add3A_1183, %mul3A_1366 : i32
      %add3A_1368 = arith.addi %sub3A, %mul3A_1367 : i32
      %add3A_1369 = arith.constant 96 : i32
      %add3A_1370 = arith.addi %add3A_1368, %add3A_1369 : i32
      %get3A_1371 = arith.index_cast %add3A_1370 : i32 to index
      %get3A_1372 = tpu.vector_load %arg5[%get3A_1371] {strides = array<i32>} : memref<10112xi32, #tpu.memory_space<vmem>>, vector<16xi32>,
      %get3A_1373 = vector.shape_cast %get3A_1372 : vector<16xi32> to vector<16xi32>
      %get3A_1374 = arith.index_cast %add3A_1370 : i32 to index
      %get3A_1375 = tpu.vector_load %arg6[%get3A_1374] {strides = array<i32>} : memref<10112xi32, #tpu.memory_space<vmem>>, vector<16xi32>,
      %get3A_1376 = vector.shape_cast %get3A_1375 : vector<16xi32> to vector<16xi32>
      %sub3A_1377 = arith.subi %get3A_1373, %get3A_1376 : vector<16xi32>
      %neg3A_1378 = arith.constant 0 : i32
      %neg3A_1379 = vector.broadcast %neg3A_1378 : i32 to vector<16xi32>
      %neg3A_1380 = arith.subi %neg3A_1379, %sub3A_1377 : vector<16xi32>
      %or3A_1381 = arith.ori %sub3A_1377, %neg3A_1380 : vector<16xi32>
      %shift_right_arithmetic3A_1382 = arith.constant 31 : i32
      %shift_right_arithmetic3A_1383 = vector.broadcast %shift_right_arithmetic3A_1382 : i32 to vector<16xi32>
      %shift_right_arithmetic3A_1384 = arith.shrsi %or3A_1381, %shift_right_arithmetic3A_1383 : vector<16xi32>
      %and3A_1385 = arith.andi %get3A_1376, %shift_right_arithmetic3A_1384 : vector<16xi32>
      %not3A_1386 = arith.constant dense<-1> : vector<16xi32>
      %not3A_1387 = arith.xori %shift_right_arithmetic3A_1384, %not3A_1386 : vector<16xi32>
      %and3A_1388 = arith.constant 10000 : i32
      %and3A_1389 = vector.broadcast %and3A_1388 : i32 to vector<16xi32>
      %and3A_1390 = arith.andi %and3A_1389, %not3A_1387 : vector<16xi32>
      %or3A_1391 = arith.ori %and3A_1385, %and3A_1390 : vector<16xi32>
      %swap3A_1392 = arith.constant 96 : index
      %swap3A_1393 = tpu.vector_load %arg8[%swap3A_1392] {strides = array<i32>} : memref<128xi32, #tpu.memory_space<vmem>>, vector<16xi32>,
      %swap3A_1394 = vector.shape_cast %swap3A_1393 : vector<16xi32> to vector<16xi32>
      %swap3A_1395 = vector.shape_cast %or3A_1391 : vector<16xi32> to vector<16xi32>
      tpu.vector_store %arg8[%swap3A_1392], %swap3A_1395 {strides = array<i32>} : memref<128xi32, #tpu.memory_space<vmem>>, vector<16xi32>,
      %mul3A_1396 = arith.constant 128 : i32
      %mul3A_1397 = arith.muli %add3A_1183, %mul3A_1396 : i32
      %add3A_1398 = arith.addi %sub3A, %mul3A_1397 : i32
      %add3A_1399 = arith.constant 112 : i32
      %add3A_1400 = arith.addi %add3A_1398, %add3A_1399 : i32
      %get3A_1401 = arith.index_cast %add3A_1400 : i32 to index
      %get3A_1402 = tpu.vector_load %arg5[%get3A_1401] {strides = array<i32>} : memref<10112xi32, #tpu.memory_space<vmem>>, vector<16xi32>,
      %get3A_1403 = vector.shape_cast %get3A_1402 : vector<16xi32> to vector<16xi32>
      %get3A_1404 = arith.index_cast %add3A_1400 : i32 to index
      %get3A_1405 = tpu.vector_load %arg6[%get3A_1404] {strides = array<i32>} : memref<10112xi32, #tpu.memory_space<vmem>>, vector<16xi32>,
      %get3A_1406 = vector.shape_cast %get3A_1405 : vector<16xi32> to vector<16xi32>
      %sub3A_1407 = arith.subi %get3A_1403, %get3A_1406 : vector<16xi32>
      %neg3A_1408 = arith.constant 0 : i32
      %neg3A_1409 = vector.broadcast %neg3A_1408 : i32 to vector<16xi32>
      %neg3A_1410 = arith.subi %neg3A_1409, %sub3A_1407 : vector<16xi32>
      %or3A_1411 = arith.ori %sub3A_1407, %neg3A_1410 : vector<16xi32>
      %shift_right_arithmetic3A_1412 = arith.constant 31 : i32
      %shift_right_arithmetic3A_1413 = vector.broadcast %shift_right_arithmetic3A_1412 : i32 to vector<16xi32>
      %shift_right_arithmetic3A_1414 = arith.shrsi %or3A_1411, %shift_right_arithmetic3A_1413 : vector<16xi32>
      %and3A_1415 = arith.andi %get3A_1406, %shift_right_arithmetic3A_1414 : vector<16xi32>
      %not3A_1416 = arith.constant dense<-1> : vector<16xi32>
      %not3A_1417 = arith.xori %shift_right_arithmetic3A_1414, %not3A_1416 : vector<16xi32>
      %and3A_1418 = arith.constant 10000 : i32
      %and3A_1419 = vector.broadcast %and3A_1418 : i32 to vector<16xi32>
      %and3A_1420 = arith.andi %and3A_1419, %not3A_1417 : vector<16xi32>
      %or3A_1421 = arith.ori %and3A_1415, %and3A_1420 : vector<16xi32>
      %swap3A_1422 = arith.constant 112 : index
      %swap3A_1423 = tpu.vector_load %arg8[%swap3A_1422] {strides = array<i32>} : memref<128xi32, #tpu.memory_space<vmem>>, vector<16xi32>,
      %swap3A_1424 = vector.shape_cast %swap3A_1423 : vector<16xi32> to vector<16xi32>
      %swap3A_1425 = vector.shape_cast %or3A_1421 : vector<16xi32> to vector<16xi32>
      tpu.vector_store %arg8[%swap3A_1422], %swap3A_1425 {strides = array<i32>} : memref<128xi32, #tpu.memory_space<vmem>>, vector<16xi32>,
      %dma_start3A_1426 = arith.constant 0 : i32
      %dma_start3A_1427 = tpu.memref_slice %arg11[%dma_start3A_1426] : memref<10240xf32, #tpu.memory_space<vmem_shared>> -> memref<10240xf32, #tpu.memory_space<vmem_shared>>
      tpu.enqueue_indirect_dma source(%arg9 : memref<128xf32, #tpu.memory_space<vmem>>) target(%dma_start3A_1427 : memref<10240xf32, #tpu.memory_space<vmem_shared>>) offsets(%arg8 : memref<128xi32, #tpu.memory_space<vmem>>) semaphore(%arg13 : memref<!tpu.dma_semaphore, #tpu.memory_space<semaphore_mem>>) {add = true}
    }
    %while3A_676 = arith.constant 1 : i32
    scf.for %while3A_931 = %while3A_674 to %while3A_670 step %while3A_676  : i32 {
      %mul3A_932 = arith.constant 2 : i32
      %mul3A_933 = arith.muli %while3A_931, %mul3A_932 : i32
      %add3A_934 = arith.constant 0 : i32
      %add3A_935 = arith.addi %mul3A_933, %add3A_934 : i32
      %dma_wait3A_936 = arith.constant 0 : i32
      %dma_wait3A_937 = tpu.memref_slice %arg11[%dma_wait3A_936] : memref<10240xf32, #tpu.memory_space<vmem_shared>> -> memref<10240xf32, #tpu.memory_space<vmem_shared>>
      tpu.wait_indirect_dma semaphore(%arg12 : memref<!tpu.dma_semaphore, #tpu.memory_space<semaphore_mem>>) src(%arg9 : memref<128xf32, #tpu.memory_space<vmem>>) dst(%dma_wait3A_937 : memref<10240xf32, #tpu.memory_space<vmem_shared>>)
      %mul3A_938 = arith.constant 128 : i32
      %mul3A_939 = arith.muli %add3A_935, %mul3A_938 : i32
      %add3A_940 = arith.addi %sub3A, %mul3A_939 : i32
      %add3A_941 = arith.constant 0 : i32
      %add3A_942 = arith.addi %add3A_940, %add3A_941 : i32
      %get3A_943 = arith.index_cast %add3A_942 : i32 to index
      %get3A_944 = tpu.vector_load %arg5[%get3A_943] {strides = array<i32>} : memref<10112xi32, #tpu.memory_space<vmem>>, vector<16xi32>,
      %get3A_945 = vector.shape_cast %get3A_944 : vector<16xi32> to vector<16xi32>
      %get3A_946 = arith.index_cast %add3A_942 : i32 to index
      %get3A_947 = tpu.vector_load %arg6[%get3A_946] {strides = array<i32>} : memref<10112xi32, #tpu.memory_space<vmem>>, vector<16xi32>,
      %get3A_948 = vector.shape_cast %get3A_947 : vector<16xi32> to vector<16xi32>
      %sub3A_949 = arith.subi %get3A_945, %get3A_948 : vector<16xi32>
      %neg3A_950 = arith.constant 0 : i32
      %neg3A_951 = vector.broadcast %neg3A_950 : i32 to vector<16xi32>
      %neg3A_952 = arith.subi %neg3A_951, %sub3A_949 : vector<16xi32>
      %or3A_953 = arith.ori %sub3A_949, %neg3A_952 : vector<16xi32>
      %shift_right_arithmetic3A_954 = arith.constant 31 : i32
      %shift_right_arithmetic3A_955 = vector.broadcast %shift_right_arithmetic3A_954 : i32 to vector<16xi32>
      %shift_right_arithmetic3A_956 = arith.shrsi %or3A_953, %shift_right_arithmetic3A_955 : vector<16xi32>
      %and3A_957 = arith.andi %get3A_948, %shift_right_arithmetic3A_956 : vector<16xi32>
      %not3A_958 = arith.constant dense<-1> : vector<16xi32>
      %not3A_959 = arith.xori %shift_right_arithmetic3A_956, %not3A_958 : vector<16xi32>
      %and3A_960 = arith.constant 10000 : i32
      %and3A_961 = vector.broadcast %and3A_960 : i32 to vector<16xi32>
      %and3A_962 = arith.andi %and3A_961, %not3A_959 : vector<16xi32>
      %or3A_963 = arith.ori %and3A_957, %and3A_962 : vector<16xi32>
      %swap3A_964 = arith.constant 0 : index
      %swap3A_965 = tpu.vector_load %arg7[%swap3A_964] {strides = array<i32>} : memref<128xi32, #tpu.memory_space<vmem>>, vector<16xi32>,
      %swap3A_966 = vector.shape_cast %swap3A_965 : vector<16xi32> to vector<16xi32>
      %swap3A_967 = vector.shape_cast %or3A_963 : vector<16xi32> to vector<16xi32>
      tpu.vector_store %arg7[%swap3A_964], %swap3A_967 {strides = array<i32>} : memref<128xi32, #tpu.memory_space<vmem>>, vector<16xi32>,
      %mul3A_968 = arith.constant 128 : i32
      %mul3A_969 = arith.muli %add3A_935, %mul3A_968 : i32
      %add3A_970 = arith.addi %sub3A, %mul3A_969 : i32
      %add3A_971 = arith.constant 16 : i32
      %add3A_972 = arith.addi %add3A_970, %add3A_971 : i32
      %get3A_973 = arith.index_cast %add3A_972 : i32 to index
      %get3A_974 = tpu.vector_load %arg5[%get3A_973] {strides = array<i32>} : memref<10112xi32, #tpu.memory_space<vmem>>, vector<16xi32>,
      %get3A_975 = vector.shape_cast %get3A_974 : vector<16xi32> to vector<16xi32>
      %get3A_976 = arith.index_cast %add3A_972 : i32 to index
      %get3A_977 = tpu.vector_load %arg6[%get3A_976] {strides = array<i32>} : memref<10112xi32, #tpu.memory_space<vmem>>, vector<16xi32>,
      %get3A_978 = vector.shape_cast %get3A_977 : vector<16xi32> to vector<16xi32>
      %sub3A_979 = arith.subi %get3A_975, %get3A_978 : vector<16xi32>
      %neg3A_980 = arith.constant 0 : i32
      %neg3A_981 = vector.broadcast %neg3A_980 : i32 to vector<16xi32>
      %neg3A_982 = arith.subi %neg3A_981, %sub3A_979 : vector<16xi32>
      %or3A_983 = arith.ori %sub3A_979, %neg3A_982 : vector<16xi32>
      %shift_right_arithmetic3A_984 = arith.constant 31 : i32
      %shift_right_arithmetic3A_985 = vector.broadcast %shift_right_arithmetic3A_984 : i32 to vector<16xi32>
      %shift_right_arithmetic3A_986 = arith.shrsi %or3A_983, %shift_right_arithmetic3A_985 : vector<16xi32>
      %and3A_987 = arith.andi %get3A_978, %shift_right_arithmetic3A_986 : vector<16xi32>
      %not3A_988 = arith.constant dense<-1> : vector<16xi32>
      %not3A_989 = arith.xori %shift_right_arithmetic3A_986, %not3A_988 : vector<16xi32>
      %and3A_990 = arith.constant 10000 : i32
      %and3A_991 = vector.broadcast %and3A_990 : i32 to vector<16xi32>
      %and3A_992 = arith.andi %and3A_991, %not3A_989 : vector<16xi32>
      %or3A_993 = arith.ori %and3A_987, %and3A_992 : vector<16xi32>
      %swap3A_994 = arith.constant 16 : index
      %swap3A_995 = tpu.vector_load %arg7[%swap3A_994] {strides = array<i32>} : memref<128xi32, #tpu.memory_space<vmem>>, vector<16xi32>,
      %swap3A_996 = vector.shape_cast %swap3A_995 : vector<16xi32> to vector<16xi32>
      %swap3A_997 = vector.shape_cast %or3A_993 : vector<16xi32> to vector<16xi32>
      tpu.vector_store %arg7[%swap3A_994], %swap3A_997 {strides = array<i32>} : memref<128xi32, #tpu.memory_space<vmem>>, vector<16xi32>,
      %mul3A_998 = arith.constant 128 : i32
      %mul3A_999 = arith.muli %add3A_935, %mul3A_998 : i32
      %add3A_1000 = arith.addi %sub3A, %mul3A_999 : i32
      %add3A_1001 = arith.constant 32 : i32
      %add3A_1002 = arith.addi %add3A_1000, %add3A_1001 : i32
      %get3A_1003 = arith.index_cast %add3A_1002 : i32 to index
      %get3A_1004 = tpu.vector_load %arg5[%get3A_1003] {strides = array<i32>} : memref<10112xi32, #tpu.memory_space<vmem>>, vector<16xi32>,
      %get3A_1005 = vector.shape_cast %get3A_1004 : vector<16xi32> to vector<16xi32>
      %get3A_1006 = arith.index_cast %add3A_1002 : i32 to index
      %get3A_1007 = tpu.vector_load %arg6[%get3A_1006] {strides = array<i32>} : memref<10112xi32, #tpu.memory_space<vmem>>, vector<16xi32>,
      %get3A_1008 = vector.shape_cast %get3A_1007 : vector<16xi32> to vector<16xi32>
      %sub3A_1009 = arith.subi %get3A_1005, %get3A_1008 : vector<16xi32>
      %neg3A_1010 = arith.constant 0 : i32
      %neg3A_1011 = vector.broadcast %neg3A_1010 : i32 to vector<16xi32>
      %neg3A_1012 = arith.subi %neg3A_1011, %sub3A_1009 : vector<16xi32>
      %or3A_1013 = arith.ori %sub3A_1009, %neg3A_1012 : vector<16xi32>
      %shift_right_arithmetic3A_1014 = arith.constant 31 : i32
      %shift_right_arithmetic3A_1015 = vector.broadcast %shift_right_arithmetic3A_1014 : i32 to vector<16xi32>
      %shift_right_arithmetic3A_1016 = arith.shrsi %or3A_1013, %shift_right_arithmetic3A_1015 : vector<16xi32>
      %and3A_1017 = arith.andi %get3A_1008, %shift_right_arithmetic3A_1016 : vector<16xi32>
      %not3A_1018 = arith.constant dense<-1> : vector<16xi32>
      %not3A_1019 = arith.xori %shift_right_arithmetic3A_1016, %not3A_1018 : vector<16xi32>
      %and3A_1020 = arith.constant 10000 : i32
      %and3A_1021 = vector.broadcast %and3A_1020 : i32 to vector<16xi32>
      %and3A_1022 = arith.andi %and3A_1021, %not3A_1019 : vector<16xi32>
      %or3A_1023 = arith.ori %and3A_1017, %and3A_1022 : vector<16xi32>
      %swap3A_1024 = arith.constant 32 : index
      %swap3A_1025 = tpu.vector_load %arg7[%swap3A_1024] {strides = array<i32>} : memref<128xi32, #tpu.memory_space<vmem>>, vector<16xi32>,
      %swap3A_1026 = vector.shape_cast %swap3A_1025 : vector<16xi32> to vector<16xi32>
      %swap3A_1027 = vector.shape_cast %or3A_1023 : vector<16xi32> to vector<16xi32>
      tpu.vector_store %arg7[%swap3A_1024], %swap3A_1027 {strides = array<i32>} : memref<128xi32, #tpu.memory_space<vmem>>, vector<16xi32>,
      %mul3A_1028 = arith.constant 128 : i32
      %mul3A_1029 = arith.muli %add3A_935, %mul3A_1028 : i32
      %add3A_1030 = arith.addi %sub3A, %mul3A_1029 : i32
      %add3A_1031 = arith.constant 48 : i32
      %add3A_1032 = arith.addi %add3A_1030, %add3A_1031 : i32
      %get3A_1033 = arith.index_cast %add3A_1032 : i32 to index
      %get3A_1034 = tpu.vector_load %arg5[%get3A_1033] {strides = array<i32>} : memref<10112xi32, #tpu.memory_space<vmem>>, vector<16xi32>,
      %get3A_1035 = vector.shape_cast %get3A_1034 : vector<16xi32> to vector<16xi32>
      %get3A_1036 = arith.index_cast %add3A_1032 : i32 to index
      %get3A_1037 = tpu.vector_load %arg6[%get3A_1036] {strides = array<i32>} : memref<10112xi32, #tpu.memory_space<vmem>>, vector<16xi32>,
      %get3A_1038 = vector.shape_cast %get3A_1037 : vector<16xi32> to vector<16xi32>
      %sub3A_1039 = arith.subi %get3A_1035, %get3A_1038 : vector<16xi32>
      %neg3A_1040 = arith.constant 0 : i32
      %neg3A_1041 = vector.broadcast %neg3A_1040 : i32 to vector<16xi32>
      %neg3A_1042 = arith.subi %neg3A_1041, %sub3A_1039 : vector<16xi32>
      %or3A_1043 = arith.ori %sub3A_1039, %neg3A_1042 : vector<16xi32>
      %shift_right_arithmetic3A_1044 = arith.constant 31 : i32
      %shift_right_arithmetic3A_1045 = vector.broadcast %shift_right_arithmetic3A_1044 : i32 to vector<16xi32>
      %shift_right_arithmetic3A_1046 = arith.shrsi %or3A_1043, %shift_right_arithmetic3A_1045 : vector<16xi32>
      %and3A_1047 = arith.andi %get3A_1038, %shift_right_arithmetic3A_1046 : vector<16xi32>
      %not3A_1048 = arith.constant dense<-1> : vector<16xi32>
      %not3A_1049 = arith.xori %shift_right_arithmetic3A_1046, %not3A_1048 : vector<16xi32>
      %and3A_1050 = arith.constant 10000 : i32
      %and3A_1051 = vector.broadcast %and3A_1050 : i32 to vector<16xi32>
      %and3A_1052 = arith.andi %and3A_1051, %not3A_1049 : vector<16xi32>
      %or3A_1053 = arith.ori %and3A_1047, %and3A_1052 : vector<16xi32>
      %swap3A_1054 = arith.constant 48 : index
      %swap3A_1055 = tpu.vector_load %arg7[%swap3A_1054] {strides = array<i32>} : memref<128xi32, #tpu.memory_space<vmem>>, vector<16xi32>,
      %swap3A_1056 = vector.shape_cast %swap3A_1055 : vector<16xi32> to vector<16xi32>
      %swap3A_1057 = vector.shape_cast %or3A_1053 : vector<16xi32> to vector<16xi32>
      tpu.vector_store %arg7[%swap3A_1054], %swap3A_1057 {strides = array<i32>} : memref<128xi32, #tpu.memory_space<vmem>>, vector<16xi32>,
      %mul3A_1058 = arith.constant 128 : i32
      %mul3A_1059 = arith.muli %add3A_935, %mul3A_1058 : i32
      %add3A_1060 = arith.addi %sub3A, %mul3A_1059 : i32
      %add3A_1061 = arith.constant 64 : i32
      %add3A_1062 = arith.addi %add3A_1060, %add3A_1061 : i32
      %get3A_1063 = arith.index_cast %add3A_1062 : i32 to index
      %get3A_1064 = tpu.vector_load %arg5[%get3A_1063] {strides = array<i32>} : memref<10112xi32, #tpu.memory_space<vmem>>, vector<16xi32>,
      %get3A_1065 = vector.shape_cast %get3A_1064 : vector<16xi32> to vector<16xi32>
      %get3A_1066 = arith.index_cast %add3A_1062 : i32 to index
      %get3A_1067 = tpu.vector_load %arg6[%get3A_1066] {strides = array<i32>} : memref<10112xi32, #tpu.memory_space<vmem>>, vector<16xi32>,
      %get3A_1068 = vector.shape_cast %get3A_1067 : vector<16xi32> to vector<16xi32>
      %sub3A_1069 = arith.subi %get3A_1065, %get3A_1068 : vector<16xi32>
      %neg3A_1070 = arith.constant 0 : i32
      %neg3A_1071 = vector.broadcast %neg3A_1070 : i32 to vector<16xi32>
      %neg3A_1072 = arith.subi %neg3A_1071, %sub3A_1069 : vector<16xi32>
      %or3A_1073 = arith.ori %sub3A_1069, %neg3A_1072 : vector<16xi32>
      %shift_right_arithmetic3A_1074 = arith.constant 31 : i32
      %shift_right_arithmetic3A_1075 = vector.broadcast %shift_right_arithmetic3A_1074 : i32 to vector<16xi32>
      %shift_right_arithmetic3A_1076 = arith.shrsi %or3A_1073, %shift_right_arithmetic3A_1075 : vector<16xi32>
      %and3A_1077 = arith.andi %get3A_1068, %shift_right_arithmetic3A_1076 : vector<16xi32>
      %not3A_1078 = arith.constant dense<-1> : vector<16xi32>
      %not3A_1079 = arith.xori %shift_right_arithmetic3A_1076, %not3A_1078 : vector<16xi32>
      %and3A_1080 = arith.constant 10000 : i32
      %and3A_1081 = vector.broadcast %and3A_1080 : i32 to vector<16xi32>
      %and3A_1082 = arith.andi %and3A_1081, %not3A_1079 : vector<16xi32>
      %or3A_1083 = arith.ori %and3A_1077, %and3A_1082 : vector<16xi32>
      %swap3A_1084 = arith.constant 64 : index
      %swap3A_1085 = tpu.vector_load %arg7[%swap3A_1084] {strides = array<i32>} : memref<128xi32, #tpu.memory_space<vmem>>, vector<16xi32>,
      %swap3A_1086 = vector.shape_cast %swap3A_1085 : vector<16xi32> to vector<16xi32>
      %swap3A_1087 = vector.shape_cast %or3A_1083 : vector<16xi32> to vector<16xi32>
      tpu.vector_store %arg7[%swap3A_1084], %swap3A_1087 {strides = array<i32>} : memref<128xi32, #tpu.memory_space<vmem>>, vector<16xi32>,
      %mul3A_1088 = arith.constant 128 : i32
      %mul3A_1089 = arith.muli %add3A_935, %mul3A_1088 : i32
      %add3A_1090 = arith.addi %sub3A, %mul3A_1089 : i32
      %add3A_1091 = arith.constant 80 : i32
      %add3A_1092 = arith.addi %add3A_1090, %add3A_1091 : i32
      %get3A_1093 = arith.index_cast %add3A_1092 : i32 to index
      %get3A_1094 = tpu.vector_load %arg5[%get3A_1093] {strides = array<i32>} : memref<10112xi32, #tpu.memory_space<vmem>>, vector<16xi32>,
      %get3A_1095 = vector.shape_cast %get3A_1094 : vector<16xi32> to vector<16xi32>
      %get3A_1096 = arith.index_cast %add3A_1092 : i32 to index
      %get3A_1097 = tpu.vector_load %arg6[%get3A_1096] {strides = array<i32>} : memref<10112xi32, #tpu.memory_space<vmem>>, vector<16xi32>,
      %get3A_1098 = vector.shape_cast %get3A_1097 : vector<16xi32> to vector<16xi32>
      %sub3A_1099 = arith.subi %get3A_1095, %get3A_1098 : vector<16xi32>
      %neg3A_1100 = arith.constant 0 : i32
      %neg3A_1101 = vector.broadcast %neg3A_1100 : i32 to vector<16xi32>
      %neg3A_1102 = arith.subi %neg3A_1101, %sub3A_1099 : vector<16xi32>
      %or3A_1103 = arith.ori %sub3A_1099, %neg3A_1102 : vector<16xi32>
      %shift_right_arithmetic3A_1104 = arith.constant 31 : i32
      %shift_right_arithmetic3A_1105 = vector.broadcast %shift_right_arithmetic3A_1104 : i32 to vector<16xi32>
      %shift_right_arithmetic3A_1106 = arith.shrsi %or3A_1103, %shift_right_arithmetic3A_1105 : vector<16xi32>
      %and3A_1107 = arith.andi %get3A_1098, %shift_right_arithmetic3A_1106 : vector<16xi32>
      %not3A_1108 = arith.constant dense<-1> : vector<16xi32>
      %not3A_1109 = arith.xori %shift_right_arithmetic3A_1106, %not3A_1108 : vector<16xi32>
      %and3A_1110 = arith.constant 10000 : i32
      %and3A_1111 = vector.broadcast %and3A_1110 : i32 to vector<16xi32>
      %and3A_1112 = arith.andi %and3A_1111, %not3A_1109 : vector<16xi32>
      %or3A_1113 = arith.ori %and3A_1107, %and3A_1112 : vector<16xi32>
      %swap3A_1114 = arith.constant 80 : index
      %swap3A_1115 = tpu.vector_load %arg7[%swap3A_1114] {strides = array<i32>} : memref<128xi32, #tpu.memory_space<vmem>>, vector<16xi32>,
      %swap3A_1116 = vector.shape_cast %swap3A_1115 : vector<16xi32> to vector<16xi32>
      %swap3A_1117 = vector.shape_cast %or3A_1113 : vector<16xi32> to vector<16xi32>
      tpu.vector_store %arg7[%swap3A_1114], %swap3A_1117 {strides = array<i32>} : memref<128xi32, #tpu.memory_space<vmem>>, vector<16xi32>,
      %mul3A_1118 = arith.constant 128 : i32
      %mul3A_1119 = arith.muli %add3A_935, %mul3A_1118 : i32
      %add3A_1120 = arith.addi %sub3A, %mul3A_1119 : i32
      %add3A_1121 = arith.constant 96 : i32
      %add3A_1122 = arith.addi %add3A_1120, %add3A_1121 : i32
      %get3A_1123 = arith.index_cast %add3A_1122 : i32 to index
      %get3A_1124 = tpu.vector_load %arg5[%get3A_1123] {strides = array<i32>} : memref<10112xi32, #tpu.memory_space<vmem>>, vector<16xi32>,
      %get3A_1125 = vector.shape_cast %get3A_1124 : vector<16xi32> to vector<16xi32>
      %get3A_1126 = arith.index_cast %add3A_1122 : i32 to index
      %get3A_1127 = tpu.vector_load %arg6[%get3A_1126] {strides = array<i32>} : memref<10112xi32, #tpu.memory_space<vmem>>, vector<16xi32>,
      %get3A_1128 = vector.shape_cast %get3A_1127 : vector<16xi32> to vector<16xi32>
      %sub3A_1129 = arith.subi %get3A_1125, %get3A_1128 : vector<16xi32>
      %neg3A_1130 = arith.constant 0 : i32
      %neg3A_1131 = vector.broadcast %neg3A_1130 : i32 to vector<16xi32>
      %neg3A_1132 = arith.subi %neg3A_1131, %sub3A_1129 : vector<16xi32>
      %or3A_1133 = arith.ori %sub3A_1129, %neg3A_1132 : vector<16xi32>
      %shift_right_arithmetic3A_1134 = arith.constant 31 : i32
      %shift_right_arithmetic3A_1135 = vector.broadcast %shift_right_arithmetic3A_1134 : i32 to vector<16xi32>
      %shift_right_arithmetic3A_1136 = arith.shrsi %or3A_1133, %shift_right_arithmetic3A_1135 : vector<16xi32>
      %and3A_1137 = arith.andi %get3A_1128, %shift_right_arithmetic3A_1136 : vector<16xi32>
      %not3A_1138 = arith.constant dense<-1> : vector<16xi32>
      %not3A_1139 = arith.xori %shift_right_arithmetic3A_1136, %not3A_1138 : vector<16xi32>
      %and3A_1140 = arith.constant 10000 : i32
      %and3A_1141 = vector.broadcast %and3A_1140 : i32 to vector<16xi32>
      %and3A_1142 = arith.andi %and3A_1141, %not3A_1139 : vector<16xi32>
      %or3A_1143 = arith.ori %and3A_1137, %and3A_1142 : vector<16xi32>
      %swap3A_1144 = arith.constant 96 : index
      %swap3A_1145 = tpu.vector_load %arg7[%swap3A_1144] {strides = array<i32>} : memref<128xi32, #tpu.memory_space<vmem>>, vector<16xi32>,
      %swap3A_1146 = vector.shape_cast %swap3A_1145 : vector<16xi32> to vector<16xi32>
      %swap3A_1147 = vector.shape_cast %or3A_1143 : vector<16xi32> to vector<16xi32>
      tpu.vector_store %arg7[%swap3A_1144], %swap3A_1147 {strides = array<i32>} : memref<128xi32, #tpu.memory_space<vmem>>, vector<16xi32>,
      %mul3A_1148 = arith.constant 128 : i32
      %mul3A_1149 = arith.muli %add3A_935, %mul3A_1148 : i32
      %add3A_1150 = arith.addi %sub3A, %mul3A_1149 : i32
      %add3A_1151 = arith.constant 112 : i32
      %add3A_1152 = arith.addi %add3A_1150, %add3A_1151 : i32
      %get3A_1153 = arith.index_cast %add3A_1152 : i32 to index
      %get3A_1154 = tpu.vector_load %arg5[%get3A_1153] {strides = array<i32>} : memref<10112xi32, #tpu.memory_space<vmem>>, vector<16xi32>,
      %get3A_1155 = vector.shape_cast %get3A_1154 : vector<16xi32> to vector<16xi32>
      %get3A_1156 = arith.index_cast %add3A_1152 : i32 to index
      %get3A_1157 = tpu.vector_load %arg6[%get3A_1156] {strides = array<i32>} : memref<10112xi32, #tpu.memory_space<vmem>>, vector<16xi32>,
      %get3A_1158 = vector.shape_cast %get3A_1157 : vector<16xi32> to vector<16xi32>
      %sub3A_1159 = arith.subi %get3A_1155, %get3A_1158 : vector<16xi32>
      %neg3A_1160 = arith.constant 0 : i32
      %neg3A_1161 = vector.broadcast %neg3A_1160 : i32 to vector<16xi32>
      %neg3A_1162 = arith.subi %neg3A_1161, %sub3A_1159 : vector<16xi32>
      %or3A_1163 = arith.ori %sub3A_1159, %neg3A_1162 : vector<16xi32>
      %shift_right_arithmetic3A_1164 = arith.constant 31 : i32
      %shift_right_arithmetic3A_1165 = vector.broadcast %shift_right_arithmetic3A_1164 : i32 to vector<16xi32>
      %shift_right_arithmetic3A_1166 = arith.shrsi %or3A_1163, %shift_right_arithmetic3A_1165 : vector<16xi32>
      %and3A_1167 = arith.andi %get3A_1158, %shift_right_arithmetic3A_1166 : vector<16xi32>
      %not3A_1168 = arith.constant dense<-1> : vector<16xi32>
      %not3A_1169 = arith.xori %shift_right_arithmetic3A_1166, %not3A_1168 : vector<16xi32>
      %and3A_1170 = arith.constant 10000 : i32
      %and3A_1171 = vector.broadcast %and3A_1170 : i32 to vector<16xi32>
      %and3A_1172 = arith.andi %and3A_1171, %not3A_1169 : vector<16xi32>
      %or3A_1173 = arith.ori %and3A_1167, %and3A_1172 : vector<16xi32>
      %swap3A_1174 = arith.constant 112 : index
      %swap3A_1175 = tpu.vector_load %arg7[%swap3A_1174] {strides = array<i32>} : memref<128xi32, #tpu.memory_space<vmem>>, vector<16xi32>,
      %swap3A_1176 = vector.shape_cast %swap3A_1175 : vector<16xi32> to vector<16xi32>
      %swap3A_1177 = vector.shape_cast %or3A_1173 : vector<16xi32> to vector<16xi32>
      tpu.vector_store %arg7[%swap3A_1174], %swap3A_1177 {strides = array<i32>} : memref<128xi32, #tpu.memory_space<vmem>>, vector<16xi32>,
      %dma_start3A_1178 = arith.constant 0 : i32
      %dma_start3A_1179 = tpu.memref_slice %arg11[%dma_start3A_1178] : memref<10240xf32, #tpu.memory_space<vmem_shared>> -> memref<10240xf32, #tpu.memory_space<vmem_shared>>
      tpu.enqueue_indirect_dma source(%arg9 : memref<128xf32, #tpu.memory_space<vmem>>) target(%dma_start3A_1179 : memref<10240xf32, #tpu.memory_space<vmem_shared>>) offsets(%arg7 : memref<128xi32, #tpu.memory_space<vmem>>) semaphore(%arg12 : memref<!tpu.dma_semaphore, #tpu.memory_space<semaphore_mem>>) {add = true}
      %mul3A_1180 = arith.constant 2 : i32
      %mul3A_1181 = arith.muli %while3A_931, %mul3A_1180 : i32
      %add3A_1182 = arith.constant 1 : i32
      %add3A_1183 = arith.addi %mul3A_1181, %add3A_1182 : i32
      %dma_wait3A_1184 = arith.constant 0 : i32
      %dma_wait3A_1185 = tpu.memref_slice %arg11[%dma_wait3A_1184] : memref<10240xf32, #tpu.memory_space<vmem_shared>> -> memref<10240xf32, #tpu.memory_space<vmem_shared>>
      tpu.wait_indirect_dma semaphore(%arg13 : memref<!tpu.dma_semaphore, #tpu.memory_space<semaphore_mem>>) src(%arg9 : memref<128xf32, #tpu.memory_space<vmem>>) dst(%dma_wait3A_1185 : memref<10240xf32, #tpu.memory_space<vmem_shared>>)
      %mul3A_1186 = arith.constant 128 : i32
      %mul3A_1187 = arith.muli %add3A_1183, %mul3A_1186 : i32
      %add3A_1188 = arith.addi %sub3A, %mul3A_1187 : i32
      %add3A_1189 = arith.constant 0 : i32
      %add3A_1190 = arith.addi %add3A_1188, %add3A_1189 : i32
      %get3A_1191 = arith.index_cast %add3A_1190 : i32 to index
      %get3A_1192 = tpu.vector_load %arg5[%get3A_1191] {strides = array<i32>} : memref<10112xi32, #tpu.memory_space<vmem>>, vector<16xi32>,
      %get3A_1193 = vector.shape_cast %get3A_1192 : vector<16xi32> to vector<16xi32>
      %get3A_1194 = arith.index_cast %add3A_1190 : i32 to index
      %get3A_1195 = tpu.vector_load %arg6[%get3A_1194] {strides = array<i32>} : memref<10112xi32, #tpu.memory_space<vmem>>, vector<16xi32>,
      %get3A_1196 = vector.shape_cast %get3A_1195 : vector<16xi32> to vector<16xi32>
      %sub3A_1197 = arith.subi %get3A_1193, %get3A_1196 : vector<16xi32>
      %neg3A_1198 = arith.constant 0 : i32
      %neg3A_1199 = vector.broadcast %neg3A_1198 : i32 to vector<16xi32>
      %neg3A_1200 = arith.subi %neg3A_1199, %sub3A_1197 : vector<16xi32>
      %or3A_1201 = arith.ori %sub3A_1197, %neg3A_1200 : vector<16xi32>
      %shift_right_arithmetic3A_1202 = arith.constant 31 : i32
      %shift_right_arithmetic3A_1203 = vector.broadcast %shift_right_arithmetic3A_1202 : i32 to vector<16xi32>
      %shift_right_arithmetic3A_1204 = arith.shrsi %or3A_1201, %shift_right_arithmetic3A_1203 : vector<16xi32>
      %and3A_1205 = arith.andi %get3A_1196, %shift_right_arithmetic3A_1204 : vector<16xi32>
      %not3A_1206 = arith.constant dense<-1> : vector<16xi32>
      %not3A_1207 = arith.xori %shift_right_arithmetic3A_1204, %not3A_1206 : vector<16xi32>
      %and3A_1208 = arith.constant 10000 : i32
      %and3A_1209 = vector.broadcast %and3A_1208 : i32 to vector<16xi32>
      %and3A_1210 = arith.andi %and3A_1209, %not3A_1207 : vector<16xi32>
      %or3A_1211 = arith.ori %and3A_1205, %and3A_1210 : vector<16xi32>
      %swap3A_1212 = arith.constant 0 : index
      %swap3A_1213 = tpu.vector_load %arg8[%swap3A_1212] {strides = array<i32>} : memref<128xi32, #tpu.memory_space<vmem>>, vector<16xi32>,
      %swap3A_1214 = vector.shape_cast %swap3A_1213 : vector<16xi32> to vector<16xi32>
      %swap3A_1215 = vector.shape_cast %or3A_1211 : vector<16xi32> to vector<16xi32>
      tpu.vector_store %arg8[%swap3A_1212], %swap3A_1215 {strides = array<i32>} : memref<128xi32, #tpu.memory_space<vmem>>, vector<16xi32>,
      %mul3A_1216 = arith.constant 128 : i32
      %mul3A_1217 = arith.muli %add3A_1183, %mul3A_1216 : i32
      %add3A_1218 = arith.addi %sub3A, %mul3A_1217 : i32
      %add3A_1219 = arith.constant 16 : i32
      %add3A_1220 = arith.addi %add3A_1218, %add3A_1219 : i32
      %get3A_1221 = arith.index_cast %add3A_1220 : i32 to index
      %get3A_1222 = tpu.vector_load %arg5[%get3A_1221] {strides = array<i32>} : memref<10112xi32, #tpu.memory_space<vmem>>, vector<16xi32>,
      %get3A_1223 = vector.shape_cast %get3A_1222 : vector<16xi32> to vector<16xi32>
      %get3A_1224 = arith.index_cast %add3A_1220 : i32 to index
      %get3A_1225 = tpu.vector_load %arg6[%get3A_1224] {strides = array<i32>} : memref<10112xi32, #tpu.memory_space<vmem>>, vector<16xi32>,
      %get3A_1226 = vector.shape_cast %get3A_1225 : vector<16xi32> to vector<16xi32>
      %sub3A_1227 = arith.subi %get3A_1223, %get3A_1226 : vector<16xi32>
      %neg3A_1228 = arith.constant 0 : i32
      %neg3A_1229 = vector.broadcast %neg3A_1228 : i32 to vector<16xi32>
      %neg3A_1230 = arith.subi %neg3A_1229, %sub3A_1227 : vector<16xi32>
      %or3A_1231 = arith.ori %sub3A_1227, %neg3A_1230 : vector<16xi32>
      %shift_right_arithmetic3A_1232 = arith.constant 31 : i32
      %shift_right_arithmetic3A_1233 = vector.broadcast %shift_right_arithmetic3A_1232 : i32 to vector<16xi32>
      %shift_right_arithmetic3A_1234 = arith.shrsi %or3A_1231, %shift_right_arithmetic3A_1233 : vector<16xi32>
      %and3A_1235 = arith.andi %get3A_1226, %shift_right_arithmetic3A_1234 : vector<16xi32>
      %not3A_1236 = arith.constant dense<-1> : vector<16xi32>
      %not3A_1237 = arith.xori %shift_right_arithmetic3A_1234, %not3A_1236 : vector<16xi32>
      %and3A_1238 = arith.constant 10000 : i32
      %and3A_1239 = vector.broadcast %and3A_1238 : i32 to vector<16xi32>
      %and3A_1240 = arith.andi %and3A_1239, %not3A_1237 : vector<16xi32>
      %or3A_1241 = arith.ori %and3A_1235, %and3A_1240 : vector<16xi32>
      %swap3A_1242 = arith.constant 16 : index
      %swap3A_1243 = tpu.vector_load %arg8[%swap3A_1242] {strides = array<i32>} : memref<128xi32, #tpu.memory_space<vmem>>, vector<16xi32>,
      %swap3A_1244 = vector.shape_cast %swap3A_1243 : vector<16xi32> to vector<16xi32>
      %swap3A_1245 = vector.shape_cast %or3A_1241 : vector<16xi32> to vector<16xi32>
      tpu.vector_store %arg8[%swap3A_1242], %swap3A_1245 {strides = array<i32>} : memref<128xi32, #tpu.memory_space<vmem>>, vector<16xi32>,
      %mul3A_1246 = arith.constant 128 : i32
      %mul3A_1247 = arith.muli %add3A_1183, %mul3A_1246 : i32
      %add3A_1248 = arith.addi %sub3A, %mul3A_1247 : i32
      %add3A_1249 = arith.constant 32 : i32
      %add3A_1250 = arith.addi %add3A_1248, %add3A_1249 : i32
      %get3A_1251 = arith.index_cast %add3A_1250 : i32 to index
      %get3A_1252 = tpu.vector_load %arg5[%get3A_1251] {strides = array<i32>} : memref<10112xi32, #tpu.memory_space<vmem>>, vector<16xi32>,
      %get3A_1253 = vector.shape_cast %get3A_1252 : vector<16xi32> to vector<16xi32>
      %get3A_1254 = arith.index_cast %add3A_1250 : i32 to index
      %get3A_1255 = tpu.vector_load %arg6[%get3A_1254] {strides = array<i32>} : memref<10112xi32, #tpu.memory_space<vmem>>, vector<16xi32>,
      %get3A_1256 = vector.shape_cast %get3A_1255 : vector<16xi32> to vector<16xi32>
      %sub3A_1257 = arith.subi %get3A_1253, %get3A_1256 : vector<16xi32>
      %neg3A_1258 = arith.constant 0 : i32
      %neg3A_1259 = vector.broadcast %neg3A_1258 : i32 to vector<16xi32>
      %neg3A_1260 = arith.subi %neg3A_1259, %sub3A_1257 : vector<16xi32>
      %or3A_1261 = arith.ori %sub3A_1257, %neg3A_1260 : vector<16xi32>
      %shift_right_arithmetic3A_1262 = arith.constant 31 : i32
      %shift_right_arithmetic3A_1263 = vector.broadcast %shift_right_arithmetic3A_1262 : i32 to vector<16xi32>
      %shift_right_arithmetic3A_1264 = arith.shrsi %or3A_1261, %shift_right_arithmetic3A_1263 : vector<16xi32>
      %and3A_1265 = arith.andi %get3A_1256, %shift_right_arithmetic3A_1264 : vector<16xi32>
      %not3A_1266 = arith.constant dense<-1> : vector<16xi32>
      %not3A_1267 = arith.xori %shift_right_arithmetic3A_1264, %not3A_1266 : vector<16xi32>
      %and3A_1268 = arith.constant 10000 : i32
      %and3A_1269 = vector.broadcast %and3A_1268 : i32 to vector<16xi32>
      %and3A_1270 = arith.andi %and3A_1269, %not3A_1267 : vector<16xi32>
      %or3A_1271 = arith.ori %and3A_1265, %and3A_1270 : vector<16xi32>
      %swap3A_1272 = arith.constant 32 : index
      %swap3A_1273 = tpu.vector_load %arg8[%swap3A_1272] {strides = array<i32>} : memref<128xi32, #tpu.memory_space<vmem>>, vector<16xi32>,
      %swap3A_1274 = vector.shape_cast %swap3A_1273 : vector<16xi32> to vector<16xi32>
      %swap3A_1275 = vector.shape_cast %or3A_1271 : vector<16xi32> to vector<16xi32>
      tpu.vector_store %arg8[%swap3A_1272], %swap3A_1275 {strides = array<i32>} : memref<128xi32, #tpu.memory_space<vmem>>, vector<16xi32>,
      %mul3A_1276 = arith.constant 128 : i32
      %mul3A_1277 = arith.muli %add3A_1183, %mul3A_1276 : i32
      %add3A_1278 = arith.addi %sub3A, %mul3A_1277 : i32
      %add3A_1279 = arith.constant 48 : i32
      %add3A_1280 = arith.addi %add3A_1278, %add3A_1279 : i32
      %get3A_1281 = arith.index_cast %add3A_1280 : i32 to index
      %get3A_1282 = tpu.vector_load %arg5[%get3A_1281] {strides = array<i32>} : memref<10112xi32, #tpu.memory_space<vmem>>, vector<16xi32>,
      %get3A_1283 = vector.shape_cast %get3A_1282 : vector<16xi32> to vector<16xi32>
      %get3A_1284 = arith.index_cast %add3A_1280 : i32 to index
      %get3A_1285 = tpu.vector_load %arg6[%get3A_1284] {strides = array<i32>} : memref<10112xi32, #tpu.memory_space<vmem>>, vector<16xi32>,
      %get3A_1286 = vector.shape_cast %get3A_1285 : vector<16xi32> to vector<16xi32>
      %sub3A_1287 = arith.subi %get3A_1283, %get3A_1286 : vector<16xi32>
      %neg3A_1288 = arith.constant 0 : i32
      %neg3A_1289 = vector.broadcast %neg3A_1288 : i32 to vector<16xi32>
      %neg3A_1290 = arith.subi %neg3A_1289, %sub3A_1287 : vector<16xi32>
      %or3A_1291 = arith.ori %sub3A_1287, %neg3A_1290 : vector<16xi32>
      %shift_right_arithmetic3A_1292 = arith.constant 31 : i32
      %shift_right_arithmetic3A_1293 = vector.broadcast %shift_right_arithmetic3A_1292 : i32 to vector<16xi32>
      %shift_right_arithmetic3A_1294 = arith.shrsi %or3A_1291, %shift_right_arithmetic3A_1293 : vector<16xi32>
      %and3A_1295 = arith.andi %get3A_1286, %shift_right_arithmetic3A_1294 : vector<16xi32>
      %not3A_1296 = arith.constant dense<-1> : vector<16xi32>
      %not3A_1297 = arith.xori %shift_right_arithmetic3A_1294, %not3A_1296 : vector<16xi32>
      %and3A_1298 = arith.constant 10000 : i32
      %and3A_1299 = vector.broadcast %and3A_1298 : i32 to vector<16xi32>
      %and3A_1300 = arith.andi %and3A_1299, %not3A_1297 : vector<16xi32>
      %or3A_1301 = arith.ori %and3A_1295, %and3A_1300 : vector<16xi32>
      %swap3A_1302 = arith.constant 48 : index
      %swap3A_1303 = tpu.vector_load %arg8[%swap3A_1302] {strides = array<i32>} : memref<128xi32, #tpu.memory_space<vmem>>, vector<16xi32>,
      %swap3A_1304 = vector.shape_cast %swap3A_1303 : vector<16xi32> to vector<16xi32>
      %swap3A_1305 = vector.shape_cast %or3A_1301 : vector<16xi32> to vector<16xi32>
      tpu.vector_store %arg8[%swap3A_1302], %swap3A_1305 {strides = array<i32>} : memref<128xi32, #tpu.memory_space<vmem>>, vector<16xi32>,
      %mul3A_1306 = arith.constant 128 : i32
      %mul3A_1307 = arith.muli %add3A_1183, %mul3A_1306 : i32
      %add3A_1308 = arith.addi %sub3A, %mul3A_1307 : i32
      %add3A_1309 = arith.constant 64 : i32
      %add3A_1310 = arith.addi %add3A_1308, %add3A_1309 : i32
      %get3A_1311 = arith.index_cast %add3A_1310 : i32 to index
      %get3A_1312 = tpu.vector_load %arg5[%get3A_1311] {strides = array<i32>} : memref<10112xi32, #tpu.memory_space<vmem>>, vector<16xi32>,
      %get3A_1313 = vector.shape_cast %get3A_1312 : vector<16xi32> to vector<16xi32>
      %get3A_1314 = arith.index_cast %add3A_1310 : i32 to index
      %get3A_1315 = tpu.vector_load %arg6[%get3A_1314] {strides = array<i32>} : memref<10112xi32, #tpu.memory_space<vmem>>, vector<16xi32>,
      %get3A_1316 = vector.shape_cast %get3A_1315 : vector<16xi32> to vector<16xi32>
      %sub3A_1317 = arith.subi %get3A_1313, %get3A_1316 : vector<16xi32>
      %neg3A_1318 = arith.constant 0 : i32
      %neg3A_1319 = vector.broadcast %neg3A_1318 : i32 to vector<16xi32>
      %neg3A_1320 = arith.subi %neg3A_1319, %sub3A_1317 : vector<16xi32>
      %or3A_1321 = arith.ori %sub3A_1317, %neg3A_1320 : vector<16xi32>
      %shift_right_arithmetic3A_1322 = arith.constant 31 : i32
      %shift_right_arithmetic3A_1323 = vector.broadcast %shift_right_arithmetic3A_1322 : i32 to vector<16xi32>
      %shift_right_arithmetic3A_1324 = arith.shrsi %or3A_1321, %shift_right_arithmetic3A_1323 : vector<16xi32>
      %and3A_1325 = arith.andi %get3A_1316, %shift_right_arithmetic3A_1324 : vector<16xi32>
      %not3A_1326 = arith.constant dense<-1> : vector<16xi32>
      %not3A_1327 = arith.xori %shift_right_arithmetic3A_1324, %not3A_1326 : vector<16xi32>
      %and3A_1328 = arith.constant 10000 : i32
      %and3A_1329 = vector.broadcast %and3A_1328 : i32 to vector<16xi32>
      %and3A_1330 = arith.andi %and3A_1329, %not3A_1327 : vector<16xi32>
      %or3A_1331 = arith.ori %and3A_1325, %and3A_1330 : vector<16xi32>
      %swap3A_1332 = arith.constant 64 : index
      %swap3A_1333 = tpu.vector_load %arg8[%swap3A_1332] {strides = array<i32>} : memref<128xi32, #tpu.memory_space<vmem>>, vector<16xi32>,
      %swap3A_1334 = vector.shape_cast %swap3A_1333 : vector<16xi32> to vector<16xi32>
      %swap3A_1335 = vector.shape_cast %or3A_1331 : vector<16xi32> to vector<16xi32>
      tpu.vector_store %arg8[%swap3A_1332], %swap3A_1335 {strides = array<i32>} : memref<128xi32, #tpu.memory_space<vmem>>, vector<16xi32>,
      %mul3A_1336 = arith.constant 128 : i32
      %mul3A_1337 = arith.muli %add3A_1183, %mul3A_1336 : i32
      %add3A_1338 = arith.addi %sub3A, %mul3A_1337 : i32
      %add3A_1339 = arith.constant 80 : i32
      %add3A_1340 = arith.addi %add3A_1338, %add3A_1339 : i32
      %get3A_1341 = arith.index_cast %add3A_1340 : i32 to index
      %get3A_1342 = tpu.vector_load %arg5[%get3A_1341] {strides = array<i32>} : memref<10112xi32, #tpu.memory_space<vmem>>, vector<16xi32>,
      %get3A_1343 = vector.shape_cast %get3A_1342 : vector<16xi32> to vector<16xi32>
      %get3A_1344 = arith.index_cast %add3A_1340 : i32 to index
      %get3A_1345 = tpu.vector_load %arg6[%get3A_1344] {strides = array<i32>} : memref<10112xi32, #tpu.memory_space<vmem>>, vector<16xi32>,
      %get3A_1346 = vector.shape_cast %get3A_1345 : vector<16xi32> to vector<16xi32>
      %sub3A_1347 = arith.subi %get3A_1343, %get3A_1346 : vector<16xi32>
      %neg3A_1348 = arith.constant 0 : i32
      %neg3A_1349 = vector.broadcast %neg3A_1348 : i32 to vector<16xi32>
      %neg3A_1350 = arith.subi %neg3A_1349, %sub3A_1347 : vector<16xi32>
      %or3A_1351 = arith.ori %sub3A_1347, %neg3A_1350 : vector<16xi32>
      %shift_right_arithmetic3A_1352 = arith.constant 31 : i32
      %shift_right_arithmetic3A_1353 = vector.broadcast %shift_right_arithmetic3A_1352 : i32 to vector<16xi32>
      %shift_right_arithmetic3A_1354 = arith.shrsi %or3A_1351, %shift_right_arithmetic3A_1353 : vector<16xi32>
      %and3A_1355 = arith.andi %get3A_1346, %shift_right_arithmetic3A_1354 : vector<16xi32>
      %not3A_1356 = arith.constant dense<-1> : vector<16xi32>
      %not3A_1357 = arith.xori %shift_right_arithmetic3A_1354, %not3A_1356 : vector<16xi32>
      %and3A_1358 = arith.constant 10000 : i32
      %and3A_1359 = vector.broadcast %and3A_1358 : i32 to vector<16xi32>
      %and3A_1360 = arith.andi %and3A_1359, %not3A_1357 : vector<16xi32>
      %or3A_1361 = arith.ori %and3A_1355, %and3A_1360 : vector<16xi32>
      %swap3A_1362 = arith.constant 80 : index
      %swap3A_1363 = tpu.vector_load %arg8[%swap3A_1362] {strides = array<i32>} : memref<128xi32, #tpu.memory_space<vmem>>, vector<16xi32>,
      %swap3A_1364 = vector.shape_cast %swap3A_1363 : vector<16xi32> to vector<16xi32>
      %swap3A_1365 = vector.shape_cast %or3A_1361 : vector<16xi32> to vector<16xi32>
      tpu.vector_store %arg8[%swap3A_1362], %swap3A_1365 {strides = array<i32>} : memref<128xi32, #tpu.memory_space<vmem>>, vector<16xi32>,
      %mul3A_1366 = arith.constant 128 : i32
      %mul3A_1367 = arith.muli %add3A_1183, %mul3A_1366 : i32
      %add3A_1368 = arith.addi %sub3A, %mul3A_1367 : i32
      %add3A_1369 = arith.constant 96 : i32
      %add3A_1370 = arith.addi %add3A_1368, %add3A_1369 : i32
      %get3A_1371 = arith.index_cast %add3A_1370 : i32 to index
      %get3A_1372 = tpu.vector_load %arg5[%get3A_1371] {strides = array<i32>} : memref<10112xi32, #tpu.memory_space<vmem>>, vector<16xi32>,
      %get3A_1373 = vector.shape_cast %get3A_1372 : vector<16xi32> to vector<16xi32>
      %get3A_1374 = arith.index_cast %add3A_1370 : i32 to index
      %get3A_1375 = tpu.vector_load %arg6[%get3A_1374] {strides = array<i32>} : memref<10112xi32, #tpu.memory_space<vmem>>, vector<16xi32>,
      %get3A_1376 = vector.shape_cast %get3A_1375 : vector<16xi32> to vector<16xi32>
      %sub3A_1377 = arith.subi %get3A_1373, %get3A_1376 : vector<16xi32>
      %neg3A_1378 = arith.constant 0 : i32
      %neg3A_1379 = vector.broadcast %neg3A_1378 : i32 to vector<16xi32>
      %neg3A_1380 = arith.subi %neg3A_1379, %sub3A_1377 : vector<16xi32>
      %or3A_1381 = arith.ori %sub3A_1377, %neg3A_1380 : vector<16xi32>
      %shift_right_arithmetic3A_1382 = arith.constant 31 : i32
      %shift_right_arithmetic3A_1383 = vector.broadcast %shift_right_arithmetic3A_1382 : i32 to vector<16xi32>
      %shift_right_arithmetic3A_1384 = arith.shrsi %or3A_1381, %shift_right_arithmetic3A_1383 : vector<16xi32>
      %and3A_1385 = arith.andi %get3A_1376, %shift_right_arithmetic3A_1384 : vector<16xi32>
      %not3A_1386 = arith.constant dense<-1> : vector<16xi32>
      %not3A_1387 = arith.xori %shift_right_arithmetic3A_1384, %not3A_1386 : vector<16xi32>
      %and3A_1388 = arith.constant 10000 : i32
      %and3A_1389 = vector.broadcast %and3A_1388 : i32 to vector<16xi32>
      %and3A_1390 = arith.andi %and3A_1389, %not3A_1387 : vector<16xi32>
      %or3A_1391 = arith.ori %and3A_1385, %and3A_1390 : vector<16xi32>
      %swap3A_1392 = arith.constant 96 : index
      %swap3A_1393 = tpu.vector_load %arg8[%swap3A_1392] {strides = array<i32>} : memref<128xi32, #tpu.memory_space<vmem>>, vector<16xi32>,
      %swap3A_1394 = vector.shape_cast %swap3A_1393 : vector<16xi32> to vector<16xi32>
      %swap3A_1395 = vector.shape_cast %or3A_1391 : vector<16xi32> to vector<16xi32>
      tpu.vector_store %arg8[%swap3A_1392], %swap3A_1395 {strides = array<i32>} : memref<128xi32, #tpu.memory_space<vmem>>, vector<16xi32>,
      %mul3A_1396 = arith.constant 128 : i32
      %mul3A_1397 = arith.muli %add3A_1183, %mul3A_1396 : i32
      %add3A_1398 = arith.addi %sub3A, %mul3A_1397 : i32
      %add3A_1399 = arith.constant 112 : i32
      %add3A_1400 = arith.addi %add3A_1398, %add3A_1399 : i32
      %get3A_1401 = arith.index_cast %add3A_1400 : i32 to index
      %get3A_1402 = tpu.vector_load %arg5[%get3A_1401] {strides = array<i32>} : memref<10112xi32, #tpu.memory_space<vmem>>, vector<16xi32>,
      %get3A_1403 = vector.shape_cast %get3A_1402 : vector<16xi32> to vector<16xi32>
      %get3A_1404 = arith.index_cast %add3A_1400 : i32 to index
      %get3A_1405 = tpu.vector_load %arg6[%get3A_1404] {strides = array<i32>} : memref<10112xi32, #tpu.memory_space<vmem>>, vector<16xi32>,
      %get3A_1406 = vector.shape_cast %get3A_1405 : vector<16xi32> to vector<16xi32>
      %sub3A_1407 = arith.subi %get3A_1403, %get3A_1406 : vector<16xi32>
      %neg3A_1408 = arith.constant 0 : i32
      %neg3A_1409 = vector.broadcast %neg3A_1408 : i32 to vector<16xi32>
      %neg3A_1410 = arith.subi %neg3A_1409, %sub3A_1407 : vector<16xi32>
      %or3A_1411 = arith.ori %sub3A_1407, %neg3A_1410 : vector<16xi32>
      %shift_right_arithmetic3A_1412 = arith.constant 31 : i32
      %shift_right_arithmetic3A_1413 = vector.broadcast %shift_right_arithmetic3A_1412 : i32 to vector<16xi32>
      %shift_right_arithmetic3A_1414 = arith.shrsi %or3A_1411, %shift_right_arithmetic3A_1413 : vector<16xi32>
      %and3A_1415 = arith.andi %get3A_1406, %shift_right_arithmetic3A_1414 : vector<16xi32>
      %not3A_1416 = arith.constant dense<-1> : vector<16xi32>
      %not3A_1417 = arith.xori %shift_right_arithmetic3A_1414, %not3A_1416 : vector<16xi32>
      %and3A_1418 = arith.constant 10000 : i32
      %and3A_1419 = vector.broadcast %and3A_1418 : i32 to vector<16xi32>
      %and3A_1420 = arith.andi %and3A_1419, %not3A_1417 : vector<16xi32>
      %or3A_1421 = arith.ori %and3A_1415, %and3A_1420 : vector<16xi32>
      %swap3A_1422 = arith.constant 112 : index
      %swap3A_1423 = tpu.vector_load %arg8[%swap3A_1422] {strides = array<i32>} : memref<128xi32, #tpu.memory_space<vmem>>, vector<16xi32>,
      %swap3A_1424 = vector.shape_cast %swap3A_1423 : vector<16xi32> to vector<16xi32>
      %swap3A_1425 = vector.shape_cast %or3A_1421 : vector<16xi32> to vector<16xi32>
      tpu.vector_store %arg8[%swap3A_1422], %swap3A_1425 {strides = array<i32>} : memref<128xi32, #tpu.memory_space<vmem>>, vector<16xi32>,
      %dma_start3A_1426 = arith.constant 0 : i32
      %dma_start3A_1427 = tpu.memref_slice %arg11[%dma_start3A_1426] : memref<10240xf32, #tpu.memory_space<vmem_shared>> -> memref<10240xf32, #tpu.memory_space<vmem_shared>>
      tpu.enqueue_indirect_dma source(%arg9 : memref<128xf32, #tpu.memory_space<vmem>>) target(%dma_start3A_1427 : memref<10240xf32, #tpu.memory_space<vmem_shared>>) offsets(%arg8 : memref<128xi32, #tpu.memory_space<vmem>>) semaphore(%arg13 : memref<!tpu.dma_semaphore, #tpu.memory_space<semaphore_mem>>) {add = true}
    }
    %sub3A_677 = arith.constant 1 : i32
    %sub3A_678 = arith.subi %select_n3A, %sub3A_677 : i32
    %dma_wait3A = arith.constant 0 : i32
    %dma_wait3A_679 = tpu.memref_slice %arg11[%dma_wait3A] : memref<10240xf32, #tpu.memory_space<vmem_shared>> -> memref<10240xf32, #tpu.memory_space<vmem_shared>>
    tpu.wait_indirect_dma semaphore(%arg12 : memref<!tpu.dma_semaphore, #tpu.memory_space<semaphore_mem>>) src(%arg9 : memref<128xf32, #tpu.memory_space<vmem>>) dst(%dma_wait3A_679 : memref<10240xf32, #tpu.memory_space<vmem_shared>>)
    %mul3A_680 = arith.constant 128 : i32
    %mul3A_681 = arith.muli %sub3A_678, %mul3A_680 : i32
    %add3A_682 = arith.addi %sub3A, %mul3A_681 : i32
    %add3A_683 = arith.constant 0 : i32
    %add3A_684 = arith.addi %add3A_682, %add3A_683 : i32
    %get3A_685 = arith.index_cast %add3A_684 : i32 to index
    %get3A_686 = tpu.vector_load %arg5[%get3A_685] {strides = array<i32>} : memref<10112xi32, #tpu.memory_space<vmem>>, vector<16xi32>,
    %get3A_687 = vector.shape_cast %get3A_686 : vector<16xi32> to vector<16xi32>
    %get3A_688 = arith.index_cast %add3A_684 : i32 to index
    %get3A_689 = tpu.vector_load %arg6[%get3A_688] {strides = array<i32>} : memref<10112xi32, #tpu.memory_space<vmem>>, vector<16xi32>,
    %get3A_690 = vector.shape_cast %get3A_689 : vector<16xi32> to vector<16xi32>
    %sub3A_691 = arith.subi %get3A_687, %get3A_690 : vector<16xi32>
    %neg3A_692 = arith.constant 0 : i32
    %neg3A_693 = vector.broadcast %neg3A_692 : i32 to vector<16xi32>
    %neg3A_694 = arith.subi %neg3A_693, %sub3A_691 : vector<16xi32>
    %or3A_695 = arith.ori %sub3A_691, %neg3A_694 : vector<16xi32>
    %shift_right_arithmetic3A_696 = arith.constant 31 : i32
    %shift_right_arithmetic3A_697 = vector.broadcast %shift_right_arithmetic3A_696 : i32 to vector<16xi32>
    %shift_right_arithmetic3A_698 = arith.shrsi %or3A_695, %shift_right_arithmetic3A_697 : vector<16xi32>
    %and3A_699 = arith.andi %get3A_690, %shift_right_arithmetic3A_698 : vector<16xi32>
    %not3A_700 = arith.constant dense<-1> : vector<16xi32>
    %not3A_701 = arith.xori %shift_right_arithmetic3A_698, %not3A_700 : vector<16xi32>
    %and3A_702 = arith.constant 10000 : i32
    %and3A_703 = vector.broadcast %and3A_702 : i32 to vector<16xi32>
    %and3A_704 = arith.andi %and3A_703, %not3A_701 : vector<16xi32>
    %or3A_705 = arith.ori %and3A_699, %and3A_704 : vector<16xi32>
    %swap3A_706 = arith.constant 0 : index
    %swap3A_707 = tpu.vector_load %arg7[%swap3A_706] {strides = array<i32>} : memref<128xi32, #tpu.memory_space<vmem>>, vector<16xi32>,
    %swap3A_708 = vector.shape_cast %swap3A_707 : vector<16xi32> to vector<16xi32>
    %swap3A_709 = vector.shape_cast %or3A_705 : vector<16xi32> to vector<16xi32>
    tpu.vector_store %arg7[%swap3A_706], %swap3A_709 {strides = array<i32>} : memref<128xi32, #tpu.memory_space<vmem>>, vector<16xi32>,
    %mul3A_710 = arith.constant 128 : i32
    %mul3A_711 = arith.muli %sub3A_678, %mul3A_710 : i32
    %add3A_712 = arith.addi %sub3A, %mul3A_711 : i32
    %add3A_713 = arith.constant 16 : i32
    %add3A_714 = arith.addi %add3A_712, %add3A_713 : i32
    %get3A_715 = arith.index_cast %add3A_714 : i32 to index
    %get3A_716 = tpu.vector_load %arg5[%get3A_715] {strides = array<i32>} : memref<10112xi32, #tpu.memory_space<vmem>>, vector<16xi32>,
    %get3A_717 = vector.shape_cast %get3A_716 : vector<16xi32> to vector<16xi32>
    %get3A_718 = arith.index_cast %add3A_714 : i32 to index
    %get3A_719 = tpu.vector_load %arg6[%get3A_718] {strides = array<i32>} : memref<10112xi32, #tpu.memory_space<vmem>>, vector<16xi32>,
    %get3A_720 = vector.shape_cast %get3A_719 : vector<16xi32> to vector<16xi32>
    %sub3A_721 = arith.subi %get3A_717, %get3A_720 : vector<16xi32>
    %neg3A_722 = arith.constant 0 : i32
    %neg3A_723 = vector.broadcast %neg3A_722 : i32 to vector<16xi32>
    %neg3A_724 = arith.subi %neg3A_723, %sub3A_721 : vector<16xi32>
    %or3A_725 = arith.ori %sub3A_721, %neg3A_724 : vector<16xi32>
    %shift_right_arithmetic3A_726 = arith.constant 31 : i32
    %shift_right_arithmetic3A_727 = vector.broadcast %shift_right_arithmetic3A_726 : i32 to vector<16xi32>
    %shift_right_arithmetic3A_728 = arith.shrsi %or3A_725, %shift_right_arithmetic3A_727 : vector<16xi32>
    %and3A_729 = arith.andi %get3A_720, %shift_right_arithmetic3A_728 : vector<16xi32>
    %not3A_730 = arith.constant dense<-1> : vector<16xi32>
    %not3A_731 = arith.xori %shift_right_arithmetic3A_728, %not3A_730 : vector<16xi32>
    %and3A_732 = arith.constant 10000 : i32
    %and3A_733 = vector.broadcast %and3A_732 : i32 to vector<16xi32>
    %and3A_734 = arith.andi %and3A_733, %not3A_731 : vector<16xi32>
    %or3A_735 = arith.ori %and3A_729, %and3A_734 : vector<16xi32>
    %swap3A_736 = arith.constant 16 : index
    %swap3A_737 = tpu.vector_load %arg7[%swap3A_736] {strides = array<i32>} : memref<128xi32, #tpu.memory_space<vmem>>, vector<16xi32>,
    %swap3A_738 = vector.shape_cast %swap3A_737 : vector<16xi32> to vector<16xi32>
    %swap3A_739 = vector.shape_cast %or3A_735 : vector<16xi32> to vector<16xi32>
    tpu.vector_store %arg7[%swap3A_736], %swap3A_739 {strides = array<i32>} : memref<128xi32, #tpu.memory_space<vmem>>, vector<16xi32>,
    %mul3A_740 = arith.constant 128 : i32
    %mul3A_741 = arith.muli %sub3A_678, %mul3A_740 : i32
    %add3A_742 = arith.addi %sub3A, %mul3A_741 : i32
    %add3A_743 = arith.constant 32 : i32
    %add3A_744 = arith.addi %add3A_742, %add3A_743 : i32
    %get3A_745 = arith.index_cast %add3A_744 : i32 to index
    %get3A_746 = tpu.vector_load %arg5[%get3A_745] {strides = array<i32>} : memref<10112xi32, #tpu.memory_space<vmem>>, vector<16xi32>,
    %get3A_747 = vector.shape_cast %get3A_746 : vector<16xi32> to vector<16xi32>
    %get3A_748 = arith.index_cast %add3A_744 : i32 to index
    %get3A_749 = tpu.vector_load %arg6[%get3A_748] {strides = array<i32>} : memref<10112xi32, #tpu.memory_space<vmem>>, vector<16xi32>,
    %get3A_750 = vector.shape_cast %get3A_749 : vector<16xi32> to vector<16xi32>
    %sub3A_751 = arith.subi %get3A_747, %get3A_750 : vector<16xi32>
    %neg3A_752 = arith.constant 0 : i32
    %neg3A_753 = vector.broadcast %neg3A_752 : i32 to vector<16xi32>
    %neg3A_754 = arith.subi %neg3A_753, %sub3A_751 : vector<16xi32>
    %or3A_755 = arith.ori %sub3A_751, %neg3A_754 : vector<16xi32>
    %shift_right_arithmetic3A_756 = arith.constant 31 : i32
    %shift_right_arithmetic3A_757 = vector.broadcast %shift_right_arithmetic3A_756 : i32 to vector<16xi32>
    %shift_right_arithmetic3A_758 = arith.shrsi %or3A_755, %shift_right_arithmetic3A_757 : vector<16xi32>
    %and3A_759 = arith.andi %get3A_750, %shift_right_arithmetic3A_758 : vector<16xi32>
    %not3A_760 = arith.constant dense<-1> : vector<16xi32>
    %not3A_761 = arith.xori %shift_right_arithmetic3A_758, %not3A_760 : vector<16xi32>
    %and3A_762 = arith.constant 10000 : i32
    %and3A_763 = vector.broadcast %and3A_762 : i32 to vector<16xi32>
    %and3A_764 = arith.andi %and3A_763, %not3A_761 : vector<16xi32>
    %or3A_765 = arith.ori %and3A_759, %and3A_764 : vector<16xi32>
    %swap3A_766 = arith.constant 32 : index
    %swap3A_767 = tpu.vector_load %arg7[%swap3A_766] {strides = array<i32>} : memref<128xi32, #tpu.memory_space<vmem>>, vector<16xi32>,
    %swap3A_768 = vector.shape_cast %swap3A_767 : vector<16xi32> to vector<16xi32>
    %swap3A_769 = vector.shape_cast %or3A_765 : vector<16xi32> to vector<16xi32>
    tpu.vector_store %arg7[%swap3A_766], %swap3A_769 {strides = array<i32>} : memref<128xi32, #tpu.memory_space<vmem>>, vector<16xi32>,
    %mul3A_770 = arith.constant 128 : i32
    %mul3A_771 = arith.muli %sub3A_678, %mul3A_770 : i32
    %add3A_772 = arith.addi %sub3A, %mul3A_771 : i32
    %add3A_773 = arith.constant 48 : i32
    %add3A_774 = arith.addi %add3A_772, %add3A_773 : i32
    %get3A_775 = arith.index_cast %add3A_774 : i32 to index
    %get3A_776 = tpu.vector_load %arg5[%get3A_775] {strides = array<i32>} : memref<10112xi32, #tpu.memory_space<vmem>>, vector<16xi32>,
    %get3A_777 = vector.shape_cast %get3A_776 : vector<16xi32> to vector<16xi32>
    %get3A_778 = arith.index_cast %add3A_774 : i32 to index
    %get3A_779 = tpu.vector_load %arg6[%get3A_778] {strides = array<i32>} : memref<10112xi32, #tpu.memory_space<vmem>>, vector<16xi32>,
    %get3A_780 = vector.shape_cast %get3A_779 : vector<16xi32> to vector<16xi32>
    %sub3A_781 = arith.subi %get3A_777, %get3A_780 : vector<16xi32>
    %neg3A_782 = arith.constant 0 : i32
    %neg3A_783 = vector.broadcast %neg3A_782 : i32 to vector<16xi32>
    %neg3A_784 = arith.subi %neg3A_783, %sub3A_781 : vector<16xi32>
    %or3A_785 = arith.ori %sub3A_781, %neg3A_784 : vector<16xi32>
    %shift_right_arithmetic3A_786 = arith.constant 31 : i32
    %shift_right_arithmetic3A_787 = vector.broadcast %shift_right_arithmetic3A_786 : i32 to vector<16xi32>
    %shift_right_arithmetic3A_788 = arith.shrsi %or3A_785, %shift_right_arithmetic3A_787 : vector<16xi32>
    %and3A_789 = arith.andi %get3A_780, %shift_right_arithmetic3A_788 : vector<16xi32>
    %not3A_790 = arith.constant dense<-1> : vector<16xi32>
    %not3A_791 = arith.xori %shift_right_arithmetic3A_788, %not3A_790 : vector<16xi32>
    %and3A_792 = arith.constant 10000 : i32
    %and3A_793 = vector.broadcast %and3A_792 : i32 to vector<16xi32>
    %and3A_794 = arith.andi %and3A_793, %not3A_791 : vector<16xi32>
    %or3A_795 = arith.ori %and3A_789, %and3A_794 : vector<16xi32>
    %swap3A_796 = arith.constant 48 : index
    %swap3A_797 = tpu.vector_load %arg7[%swap3A_796] {strides = array<i32>} : memref<128xi32, #tpu.memory_space<vmem>>, vector<16xi32>,
    %swap3A_798 = vector.shape_cast %swap3A_797 : vector<16xi32> to vector<16xi32>
    %swap3A_799 = vector.shape_cast %or3A_795 : vector<16xi32> to vector<16xi32>
    tpu.vector_store %arg7[%swap3A_796], %swap3A_799 {strides = array<i32>} : memref<128xi32, #tpu.memory_space<vmem>>, vector<16xi32>,
    %mul3A_800 = arith.constant 128 : i32
    %mul3A_801 = arith.muli %sub3A_678, %mul3A_800 : i32
    %add3A_802 = arith.addi %sub3A, %mul3A_801 : i32
    %add3A_803 = arith.constant 64 : i32
    %add3A_804 = arith.addi %add3A_802, %add3A_803 : i32
    %get3A_805 = arith.index_cast %add3A_804 : i32 to index
    %get3A_806 = tpu.vector_load %arg5[%get3A_805] {strides = array<i32>} : memref<10112xi32, #tpu.memory_space<vmem>>, vector<16xi32>,
    %get3A_807 = vector.shape_cast %get3A_806 : vector<16xi32> to vector<16xi32>
    %get3A_808 = arith.index_cast %add3A_804 : i32 to index
    %get3A_809 = tpu.vector_load %arg6[%get3A_808] {strides = array<i32>} : memref<10112xi32, #tpu.memory_space<vmem>>, vector<16xi32>,
    %get3A_810 = vector.shape_cast %get3A_809 : vector<16xi32> to vector<16xi32>
    %sub3A_811 = arith.subi %get3A_807, %get3A_810 : vector<16xi32>
    %neg3A_812 = arith.constant 0 : i32
    %neg3A_813 = vector.broadcast %neg3A_812 : i32 to vector<16xi32>
    %neg3A_814 = arith.subi %neg3A_813, %sub3A_811 : vector<16xi32>
    %or3A_815 = arith.ori %sub3A_811, %neg3A_814 : vector<16xi32>
    %shift_right_arithmetic3A_816 = arith.constant 31 : i32
    %shift_right_arithmetic3A_817 = vector.broadcast %shift_right_arithmetic3A_816 : i32 to vector<16xi32>
    %shift_right_arithmetic3A_818 = arith.shrsi %or3A_815, %shift_right_arithmetic3A_817 : vector<16xi32>
    %and3A_819 = arith.andi %get3A_810, %shift_right_arithmetic3A_818 : vector<16xi32>
    %not3A_820 = arith.constant dense<-1> : vector<16xi32>
    %not3A_821 = arith.xori %shift_right_arithmetic3A_818, %not3A_820 : vector<16xi32>
    %and3A_822 = arith.constant 10000 : i32
    %and3A_823 = vector.broadcast %and3A_822 : i32 to vector<16xi32>
    %and3A_824 = arith.andi %and3A_823, %not3A_821 : vector<16xi32>
    %or3A_825 = arith.ori %and3A_819, %and3A_824 : vector<16xi32>
    %swap3A_826 = arith.constant 64 : index
    %swap3A_827 = tpu.vector_load %arg7[%swap3A_826] {strides = array<i32>} : memref<128xi32, #tpu.memory_space<vmem>>, vector<16xi32>,
    %swap3A_828 = vector.shape_cast %swap3A_827 : vector<16xi32> to vector<16xi32>
    %swap3A_829 = vector.shape_cast %or3A_825 : vector<16xi32> to vector<16xi32>
    tpu.vector_store %arg7[%swap3A_826], %swap3A_829 {strides = array<i32>} : memref<128xi32, #tpu.memory_space<vmem>>, vector<16xi32>,
    %mul3A_830 = arith.constant 128 : i32
    %mul3A_831 = arith.muli %sub3A_678, %mul3A_830 : i32
    %add3A_832 = arith.addi %sub3A, %mul3A_831 : i32
    %add3A_833 = arith.constant 80 : i32
    %add3A_834 = arith.addi %add3A_832, %add3A_833 : i32
    %get3A_835 = arith.index_cast %add3A_834 : i32 to index
    %get3A_836 = tpu.vector_load %arg5[%get3A_835] {strides = array<i32>} : memref<10112xi32, #tpu.memory_space<vmem>>, vector<16xi32>,
    %get3A_837 = vector.shape_cast %get3A_836 : vector<16xi32> to vector<16xi32>
    %get3A_838 = arith.index_cast %add3A_834 : i32 to index
    %get3A_839 = tpu.vector_load %arg6[%get3A_838] {strides = array<i32>} : memref<10112xi32, #tpu.memory_space<vmem>>, vector<16xi32>,
    %get3A_840 = vector.shape_cast %get3A_839 : vector<16xi32> to vector<16xi32>
    %sub3A_841 = arith.subi %get3A_837, %get3A_840 : vector<16xi32>
    %neg3A_842 = arith.constant 0 : i32
    %neg3A_843 = vector.broadcast %neg3A_842 : i32 to vector<16xi32>
    %neg3A_844 = arith.subi %neg3A_843, %sub3A_841 : vector<16xi32>
    %or3A_845 = arith.ori %sub3A_841, %neg3A_844 : vector<16xi32>
    %shift_right_arithmetic3A_846 = arith.constant 31 : i32
    %shift_right_arithmetic3A_847 = vector.broadcast %shift_right_arithmetic3A_846 : i32 to vector<16xi32>
    %shift_right_arithmetic3A_848 = arith.shrsi %or3A_845, %shift_right_arithmetic3A_847 : vector<16xi32>
    %and3A_849 = arith.andi %get3A_840, %shift_right_arithmetic3A_848 : vector<16xi32>
    %not3A_850 = arith.constant dense<-1> : vector<16xi32>
    %not3A_851 = arith.xori %shift_right_arithmetic3A_848, %not3A_850 : vector<16xi32>
    %and3A_852 = arith.constant 10000 : i32
    %and3A_853 = vector.broadcast %and3A_852 : i32 to vector<16xi32>
    %and3A_854 = arith.andi %and3A_853, %not3A_851 : vector<16xi32>
    %or3A_855 = arith.ori %and3A_849, %and3A_854 : vector<16xi32>
    %swap3A_856 = arith.constant 80 : index
    %swap3A_857 = tpu.vector_load %arg7[%swap3A_856] {strides = array<i32>} : memref<128xi32, #tpu.memory_space<vmem>>, vector<16xi32>,
    %swap3A_858 = vector.shape_cast %swap3A_857 : vector<16xi32> to vector<16xi32>
    %swap3A_859 = vector.shape_cast %or3A_855 : vector<16xi32> to vector<16xi32>
    tpu.vector_store %arg7[%swap3A_856], %swap3A_859 {strides = array<i32>} : memref<128xi32, #tpu.memory_space<vmem>>, vector<16xi32>,
    %mul3A_860 = arith.constant 128 : i32
    %mul3A_861 = arith.muli %sub3A_678, %mul3A_860 : i32
    %add3A_862 = arith.addi %sub3A, %mul3A_861 : i32
    %add3A_863 = arith.constant 96 : i32
    %add3A_864 = arith.addi %add3A_862, %add3A_863 : i32
    %get3A_865 = arith.index_cast %add3A_864 : i32 to index
    %get3A_866 = tpu.vector_load %arg5[%get3A_865] {strides = array<i32>} : memref<10112xi32, #tpu.memory_space<vmem>>, vector<16xi32>,
    %get3A_867 = vector.shape_cast %get3A_866 : vector<16xi32> to vector<16xi32>
    %get3A_868 = arith.index_cast %add3A_864 : i32 to index
    %get3A_869 = tpu.vector_load %arg6[%get3A_868] {strides = array<i32>} : memref<10112xi32, #tpu.memory_space<vmem>>, vector<16xi32>,
    %get3A_870 = vector.shape_cast %get3A_869 : vector<16xi32> to vector<16xi32>
    %sub3A_871 = arith.subi %get3A_867, %get3A_870 : vector<16xi32>
    %neg3A_872 = arith.constant 0 : i32
    %neg3A_873 = vector.broadcast %neg3A_872 : i32 to vector<16xi32>
    %neg3A_874 = arith.subi %neg3A_873, %sub3A_871 : vector<16xi32>
    %or3A_875 = arith.ori %sub3A_871, %neg3A_874 : vector<16xi32>
    %shift_right_arithmetic3A_876 = arith.constant 31 : i32
    %shift_right_arithmetic3A_877 = vector.broadcast %shift_right_arithmetic3A_876 : i32 to vector<16xi32>
    %shift_right_arithmetic3A_878 = arith.shrsi %or3A_875, %shift_right_arithmetic3A_877 : vector<16xi32>
    %and3A_879 = arith.andi %get3A_870, %shift_right_arithmetic3A_878 : vector<16xi32>
    %not3A_880 = arith.constant dense<-1> : vector<16xi32>
    %not3A_881 = arith.xori %shift_right_arithmetic3A_878, %not3A_880 : vector<16xi32>
    %and3A_882 = arith.constant 10000 : i32
    %and3A_883 = vector.broadcast %and3A_882 : i32 to vector<16xi32>
    %and3A_884 = arith.andi %and3A_883, %not3A_881 : vector<16xi32>
    %or3A_885 = arith.ori %and3A_879, %and3A_884 : vector<16xi32>
    %swap3A_886 = arith.constant 96 : index
    %swap3A_887 = tpu.vector_load %arg7[%swap3A_886] {strides = array<i32>} : memref<128xi32, #tpu.memory_space<vmem>>, vector<16xi32>,
    %swap3A_888 = vector.shape_cast %swap3A_887 : vector<16xi32> to vector<16xi32>
    %swap3A_889 = vector.shape_cast %or3A_885 : vector<16xi32> to vector<16xi32>
    tpu.vector_store %arg7[%swap3A_886], %swap3A_889 {strides = array<i32>} : memref<128xi32, #tpu.memory_space<vmem>>, vector<16xi32>,
    %mul3A_890 = arith.constant 128 : i32
    %mul3A_891 = arith.muli %sub3A_678, %mul3A_890 : i32
    %add3A_892 = arith.addi %sub3A, %mul3A_891 : i32
    %add3A_893 = arith.constant 112 : i32
    %add3A_894 = arith.addi %add3A_892, %add3A_893 : i32
    %get3A_895 = arith.index_cast %add3A_894 : i32 to index
    %get3A_896 = tpu.vector_load %arg5[%get3A_895] {strides = array<i32>} : memref<10112xi32, #tpu.memory_space<vmem>>, vector<16xi32>,
    %get3A_897 = vector.shape_cast %get3A_896 : vector<16xi32> to vector<16xi32>
    %get3A_898 = arith.index_cast %add3A_894 : i32 to index
    %get3A_899 = tpu.vector_load %arg6[%get3A_898] {strides = array<i32>} : memref<10112xi32, #tpu.memory_space<vmem>>, vector<16xi32>,
    %get3A_900 = vector.shape_cast %get3A_899 : vector<16xi32> to vector<16xi32>
    %sub3A_901 = arith.subi %get3A_897, %get3A_900 : vector<16xi32>
    %neg3A_902 = arith.constant 0 : i32
    %neg3A_903 = vector.broadcast %neg3A_902 : i32 to vector<16xi32>
    %neg3A_904 = arith.subi %neg3A_903, %sub3A_901 : vector<16xi32>
    %or3A_905 = arith.ori %sub3A_901, %neg3A_904 : vector<16xi32>
    %shift_right_arithmetic3A_906 = arith.constant 31 : i32
    %shift_right_arithmetic3A_907 = vector.broadcast %shift_right_arithmetic3A_906 : i32 to vector<16xi32>
    %shift_right_arithmetic3A_908 = arith.shrsi %or3A_905, %shift_right_arithmetic3A_907 : vector<16xi32>
    %and3A_909 = arith.andi %get3A_900, %shift_right_arithmetic3A_908 : vector<16xi32>
    %not3A_910 = arith.constant dense<-1> : vector<16xi32>
    %not3A_911 = arith.xori %shift_right_arithmetic3A_908, %not3A_910 : vector<16xi32>
    %and3A_912 = arith.constant 10000 : i32
    %and3A_913 = vector.broadcast %and3A_912 : i32 to vector<16xi32>
    %and3A_914 = arith.andi %and3A_913, %not3A_911 : vector<16xi32>
    %or3A_915 = arith.ori %and3A_909, %and3A_914 : vector<16xi32>
    %swap3A_916 = arith.constant 112 : index
    %swap3A_917 = tpu.vector_load %arg7[%swap3A_916] {strides = array<i32>} : memref<128xi32, #tpu.memory_space<vmem>>, vector<16xi32>,
    %swap3A_918 = vector.shape_cast %swap3A_917 : vector<16xi32> to vector<16xi32>
    %swap3A_919 = vector.shape_cast %or3A_915 : vector<16xi32> to vector<16xi32>
    tpu.vector_store %arg7[%swap3A_916], %swap3A_919 {strides = array<i32>} : memref<128xi32, #tpu.memory_space<vmem>>, vector<16xi32>,
    %dma_start3A_920 = arith.constant 0 : i32
    %dma_start3A_921 = tpu.memref_slice %arg11[%dma_start3A_920] : memref<10240xf32, #tpu.memory_space<vmem_shared>> -> memref<10240xf32, #tpu.memory_space<vmem_shared>>
    tpu.enqueue_indirect_dma source(%arg9 : memref<128xf32, #tpu.memory_space<vmem>>) target(%dma_start3A_921 : memref<10240xf32, #tpu.memory_space<vmem_shared>>) offsets(%arg7 : memref<128xi32, #tpu.memory_space<vmem>>) semaphore(%arg12 : memref<!tpu.dma_semaphore, #tpu.memory_space<semaphore_mem>>) {add = true}
    %dma_wait3A_922 = arith.constant 0 : i32
    %dma_wait3A_923 = tpu.memref_slice %arg11[%dma_wait3A_922] : memref<10240xf32, #tpu.memory_space<vmem_shared>> -> memref<10240xf32, #tpu.memory_space<vmem_shared>>
    tpu.wait_indirect_dma semaphore(%arg13 : memref<!tpu.dma_semaphore, #tpu.memory_space<semaphore_mem>>) src(%arg9 : memref<128xf32, #tpu.memory_space<vmem>>) dst(%dma_wait3A_923 : memref<10240xf32, #tpu.memory_space<vmem_shared>>)
    %dma_wait3A_924 = arith.constant 0 : i32
    %dma_wait3A_925 = tpu.memref_slice %arg11[%dma_wait3A_924] : memref<10240xf32, #tpu.memory_space<vmem_shared>> -> memref<10240xf32, #tpu.memory_space<vmem_shared>>
    tpu.wait_indirect_dma semaphore(%arg12 : memref<!tpu.dma_semaphore, #tpu.memory_space<semaphore_mem>>) src(%arg9 : memref<128xf32, #tpu.memory_space<vmem>>) dst(%dma_wait3A_925 : memref<10240xf32, #tpu.memory_space<vmem_shared>>)
    %barrier3A_926 = arith.constant 0 : index
    tpu.barrier barrier_id(%barrier3A_926)
    %mul3A_927 = arith.constant 640 : i32
    %mul3A_928 = arith.muli %arg1, %mul3A_927 : i32
    %mul3A_929 = arith.constant 640 : i32
    %mul3A_930 = arith.muli %arg1, %mul3A_929 : i32
    "tpu.region"() ({
      %run_scoped3A = tpu.sem_alloc : memref<!tpu.dma_semaphore, #tpu.memory_space<semaphore_mem>>
      %dma_start3A_931 = tpu.memref_slice %arg4[%arg0, %mul3A_930] : memref<2x10240xf32, #tpu.memory_space<hbm>> -> memref<1x640xf32, #tpu.memory_space<hbm>>
      %dma_start3A_932 = tpu.memref_squeeze %dma_start3A_931 : memref<1x640xf32, #tpu.memory_space<hbm>> -> memref<640xf32, #tpu.memory_space<hbm>>
      %dma_start3A_933 = tpu.memref_slice %arg11[%mul3A_928] : memref<10240xf32, #tpu.memory_space<vmem_shared>> -> memref<640xf32, #tpu.memory_space<vmem_shared>>
      tpu.enqueue_dma source(%dma_start3A_933 : memref<640xf32, #tpu.memory_space<vmem_shared>>) target(%dma_start3A_932 : memref<640xf32, #tpu.memory_space<hbm>>) target_semaphore(%run_scoped3A : memref<!tpu.dma_semaphore, #tpu.memory_space<semaphore_mem>>)
      %dma_wait3A_934 = tpu.memref_slice %arg4[%arg0, %mul3A_930] : memref<2x10240xf32, #tpu.memory_space<hbm>> -> memref<1x640xf32, #tpu.memory_space<hbm>>
      %dma_wait3A_935 = tpu.memref_squeeze %dma_wait3A_934 : memref<1x640xf32, #tpu.memory_space<hbm>> -> memref<640xf32, #tpu.memory_space<hbm>>
      %dma_wait3A_936 = tpu.memref_slice %arg11[%mul3A_928] : memref<10240xf32, #tpu.memory_space<vmem_shared>> -> memref<640xf32, #tpu.memory_space<vmem_shared>>
      tpu.wait_dma2 semaphore(%run_scoped3A : memref<!tpu.dma_semaphore, #tpu.memory_space<semaphore_mem>>) src(%dma_wait3A_936 : memref<640xf32, #tpu.memory_space<vmem_shared>>) dst(%dma_wait3A_935 : memref<640xf32, #tpu.memory_space<hbm>>)
      tpu.yield
    }) : () -> ()
    return
  }
}

#map = affine_map<(d0, d1) -> (0, 0)>
#map1 = affine_map<(d0, d1) -> (0)>
#map2 = affine_map<(d0, d1) -> (0, 0, 0)>
module attributes {stable_mosaic.version = 14 : i64} {
  func.func @_agg_body(%arg0: i32, %arg1: i32, %arg2: memref<10240x128xf32, #tpu.memory_space<hbm>>, %arg3: memref<320000xi32, #tpu.memory_space<hbm>>, %arg4: memref<320000xi32, #tpu.memory_space<hbm>>, %arg5: memref<2x10240x128xf32, #tpu.memory_space<hbm>>, %arg6: memref<80xi32, #tpu.memory_space<vmem>>, %arg7: memref<80xi32, #tpu.memory_space<vmem>>, %arg8: memref<80xi32, #tpu.memory_space<vmem>>, %arg9: memref<80xi32, #tpu.memory_space<vmem>>, %arg10: memref<80xi32, #tpu.memory_space<vmem>>, %arg11: memref<80xi32, #tpu.memory_space<vmem>>, %arg12: memref<80xi32, #tpu.memory_space<vmem>>, %arg13: memref<80xi32, #tpu.memory_space<vmem>>, %arg14: memref<80xi32, #tpu.memory_space<vmem>>, %arg15: memref<80xi32, #tpu.memory_space<vmem>>, %arg16: memref<80xi32, #tpu.memory_space<vmem>>, %arg17: memref<80xi32, #tpu.memory_space<vmem>>, %arg18: memref<80x128xf32, #tpu.memory_space<vmem>>, %arg19: memref<80x128xf32, #tpu.memory_space<vmem>>, %arg20: memref<80x128xf32, #tpu.memory_space<vmem>>, %arg21: memref<80x128xf32, #tpu.memory_space<vmem>>, %arg22: memref<10240x128xf32, #tpu.memory_space<vmem_shared>>, %arg23: memref<!tpu.dma_semaphore, #tpu.memory_space<semaphore_mem>>, %arg24: memref<!tpu.dma_semaphore, #tpu.memory_space<semaphore_mem>>, %arg25: memref<!tpu.dma_semaphore, #tpu.memory_space<semaphore_mem>>, %arg26: memref<!tpu.dma_semaphore, #tpu.memory_space<semaphore_mem>>, %arg27: memref<!tpu.dma_semaphore, #tpu.memory_space<semaphore_mem>>, %arg28: memref<!tpu.dma_semaphore, #tpu.memory_space<semaphore_mem>>, %arg29: memref<!tpu.dma_semaphore, #tpu.memory_space<semaphore_mem>>, %arg30: memref<!tpu.dma_semaphore, #tpu.memory_space<semaphore_mem>>) attributes {dimension_semantics = [#tpu.dimension_semantics<core_parallel>, #tpu.dimension_semantics<subcore_parallel>], iteration_bounds = array<i64: 2, 16>, scalar_prefetch = 0 : i64, scratch_operands = 25 : i64, tpu.core_type = #tpu.core_type<sc_vector_subcore>, window_params = [{transform_indices = #map}, {transform_indices = #map1}, {transform_indices = #map1}, {transform_indices = #map2}]} {
    %eq3A = arith.constant 0 : i32
    %eq3A_0 = arith.cmpi eq, %arg0, %eq3A : i32
    %lt3A = arith.constant 8 : i32
    %lt3A_1 = arith.cmpi slt, %arg1, %lt3A : i32
    %jit3A = arith.constant 108 : i32
    %jit3A_2 = arith.constant 104 : i32
    %select_n3A = arith.select %lt3A_1, %jit3A, %jit3A_2 : i32
    %jit3A_3 = arith.constant 144 : i32
    %select_n3A_4 = arith.select %eq3A_0, %jit3A_3, %select_n3A : i32
    %eq3A_5 = arith.constant 0 : i32
    %eq3A_6 = arith.cmpi eq, %arg0, %eq3A_5 : i32
    %mul3A = arith.constant 144 : i32
    %mul3A_7 = arith.muli %arg1, %mul3A : i32
    %mul3A_8 = arith.constant 104 : i32
    %mul3A_9 = arith.muli %arg1, %mul3A_8 : i32
    %add3A = arith.constant 2304 : i32
    %add3A_10 = arith.addi %add3A, %mul3A_9 : i32
    %min3A = arith.constant 8 : i32
    %min3A_11 = arith.minsi %arg1, %min3A : i32
    %mul3A_12 = arith.constant 4 : i32
    %mul3A_13 = arith.muli %mul3A_12, %min3A_11 : i32
    %add3A_14 = arith.addi %add3A_10, %mul3A_13 : i32
    %select_n3A_15 = arith.select %eq3A_6, %mul3A_7, %add3A_14 : i32
    %mul3A_16 = arith.constant 80 : i32
    %mul3A_17 = arith.muli %select_n3A_15, %mul3A_16 : i32
    %broadcast_in_dim3A = arith.constant 0.000000e+00 : f32
    %broadcast_in_dim3A_18 = vector.broadcast %broadcast_in_dim3A : f32 to vector<16xf32>
    %scan3A = arith.constant 0 : i32
    %scan3A_19 = arith.constant 0 : i32
    %scan3A_20 = arith.constant 80 : i32
    %scan3A_21 = arith.addi %scan3A_19, %scan3A_20 : i32
    %scan3A_22 = arith.constant 1 : i32
    scf.for %scan3A_1208 = %scan3A_19 to %scan3A_21 step %scan3A_22  : i32 {
      %swap3A_1209 = arith.index_cast %scan3A_1208 : i32 to index
      %swap3A_1210 = arith.constant 0 : index
      %swap3A_1211 = tpu.vector_load %arg18[%swap3A_1209, %swap3A_1210] {strides = array<i32>} : memref<80x128xf32, #tpu.memory_space<vmem>>, vector<1x16xf32>,
      %swap3A_1212 = vector.shape_cast %swap3A_1211 : vector<1x16xf32> to vector<16xf32>
      %swap3A_1213 = vector.shape_cast %broadcast_in_dim3A_18 : vector<16xf32> to vector<1x16xf32>
      tpu.vector_store %arg18[%swap3A_1209, %swap3A_1210], %swap3A_1213 {strides = array<i32>} : memref<80x128xf32, #tpu.memory_space<vmem>>, vector<1x16xf32>,
      %swap3A_1214 = arith.index_cast %scan3A_1208 : i32 to index
      %swap3A_1215 = arith.constant 16 : index
      %swap3A_1216 = tpu.vector_load %arg18[%swap3A_1214, %swap3A_1215] {strides = array<i32>} : memref<80x128xf32, #tpu.memory_space<vmem>>, vector<1x16xf32>,
      %swap3A_1217 = vector.shape_cast %swap3A_1216 : vector<1x16xf32> to vector<16xf32>
      %swap3A_1218 = vector.shape_cast %broadcast_in_dim3A_18 : vector<16xf32> to vector<1x16xf32>
      tpu.vector_store %arg18[%swap3A_1214, %swap3A_1215], %swap3A_1218 {strides = array<i32>} : memref<80x128xf32, #tpu.memory_space<vmem>>, vector<1x16xf32>,
      %swap3A_1219 = arith.index_cast %scan3A_1208 : i32 to index
      %swap3A_1220 = arith.constant 32 : index
      %swap3A_1221 = tpu.vector_load %arg18[%swap3A_1219, %swap3A_1220] {strides = array<i32>} : memref<80x128xf32, #tpu.memory_space<vmem>>, vector<1x16xf32>,
      %swap3A_1222 = vector.shape_cast %swap3A_1221 : vector<1x16xf32> to vector<16xf32>
      %swap3A_1223 = vector.shape_cast %broadcast_in_dim3A_18 : vector<16xf32> to vector<1x16xf32>
      tpu.vector_store %arg18[%swap3A_1219, %swap3A_1220], %swap3A_1223 {strides = array<i32>} : memref<80x128xf32, #tpu.memory_space<vmem>>, vector<1x16xf32>,
      %swap3A_1224 = arith.index_cast %scan3A_1208 : i32 to index
      %swap3A_1225 = arith.constant 48 : index
      %swap3A_1226 = tpu.vector_load %arg18[%swap3A_1224, %swap3A_1225] {strides = array<i32>} : memref<80x128xf32, #tpu.memory_space<vmem>>, vector<1x16xf32>,
      %swap3A_1227 = vector.shape_cast %swap3A_1226 : vector<1x16xf32> to vector<16xf32>
      %swap3A_1228 = vector.shape_cast %broadcast_in_dim3A_18 : vector<16xf32> to vector<1x16xf32>
      tpu.vector_store %arg18[%swap3A_1224, %swap3A_1225], %swap3A_1228 {strides = array<i32>} : memref<80x128xf32, #tpu.memory_space<vmem>>, vector<1x16xf32>,
      %swap3A_1229 = arith.index_cast %scan3A_1208 : i32 to index
      %swap3A_1230 = arith.constant 64 : index
      %swap3A_1231 = tpu.vector_load %arg18[%swap3A_1229, %swap3A_1230] {strides = array<i32>} : memref<80x128xf32, #tpu.memory_space<vmem>>, vector<1x16xf32>,
      %swap3A_1232 = vector.shape_cast %swap3A_1231 : vector<1x16xf32> to vector<16xf32>
      %swap3A_1233 = vector.shape_cast %broadcast_in_dim3A_18 : vector<16xf32> to vector<1x16xf32>
      tpu.vector_store %arg18[%swap3A_1229, %swap3A_1230], %swap3A_1233 {strides = array<i32>} : memref<80x128xf32, #tpu.memory_space<vmem>>, vector<1x16xf32>,
      %swap3A_1234 = arith.index_cast %scan3A_1208 : i32 to index
      %swap3A_1235 = arith.constant 80 : index
      %swap3A_1236 = tpu.vector_load %arg18[%swap3A_1234, %swap3A_1235] {strides = array<i32>} : memref<80x128xf32, #tpu.memory_space<vmem>>, vector<1x16xf32>,
      %swap3A_1237 = vector.shape_cast %swap3A_1236 : vector<1x16xf32> to vector<16xf32>
      %swap3A_1238 = vector.shape_cast %broadcast_in_dim3A_18 : vector<16xf32> to vector<1x16xf32>
      tpu.vector_store %arg18[%swap3A_1234, %swap3A_1235], %swap3A_1238 {strides = array<i32>} : memref<80x128xf32, #tpu.memory_space<vmem>>, vector<1x16xf32>,
      %swap3A_1239 = arith.index_cast %scan3A_1208 : i32 to index
      %swap3A_1240 = arith.constant 96 : index
      %swap3A_1241 = tpu.vector_load %arg18[%swap3A_1239, %swap3A_1240] {strides = array<i32>} : memref<80x128xf32, #tpu.memory_space<vmem>>, vector<1x16xf32>,
      %swap3A_1242 = vector.shape_cast %swap3A_1241 : vector<1x16xf32> to vector<16xf32>
      %swap3A_1243 = vector.shape_cast %broadcast_in_dim3A_18 : vector<16xf32> to vector<1x16xf32>
      tpu.vector_store %arg18[%swap3A_1239, %swap3A_1240], %swap3A_1243 {strides = array<i32>} : memref<80x128xf32, #tpu.memory_space<vmem>>, vector<1x16xf32>,
      %swap3A_1244 = arith.index_cast %scan3A_1208 : i32 to index
      %swap3A_1245 = arith.constant 112 : index
      %swap3A_1246 = tpu.vector_load %arg18[%swap3A_1244, %swap3A_1245] {strides = array<i32>} : memref<80x128xf32, #tpu.memory_space<vmem>>, vector<1x16xf32>,
      %swap3A_1247 = vector.shape_cast %swap3A_1246 : vector<1x16xf32> to vector<16xf32>
      %swap3A_1248 = vector.shape_cast %broadcast_in_dim3A_18 : vector<16xf32> to vector<1x16xf32>
      tpu.vector_store %arg18[%swap3A_1244, %swap3A_1245], %swap3A_1248 {strides = array<i32>} : memref<80x128xf32, #tpu.memory_space<vmem>>, vector<1x16xf32>,
    }
    %scan3A_23 = arith.constant 80 : i32
    %scan3A_24 = arith.constant 0 : i32
    %scan3A_25 = arith.constant 0 : i32
    %scan3A_26 = arith.constant 8 : i32
    %scan3A_27 = arith.addi %scan3A_25, %scan3A_26 : i32
    %scan3A_28 = arith.constant 1 : i32
    scf.for %scan3A_1208 = %scan3A_25 to %scan3A_27 step %scan3A_28  : i32 {
      %mul3A_1209 = arith.constant 640 : i32
      %mul3A_1210 = arith.muli %arg1, %mul3A_1209 : i32
      %mul3A_1211 = arith.constant 80 : i32
      %mul3A_1212 = arith.muli %scan3A_1208, %mul3A_1211 : i32
      %add3A_1213 = arith.addi %mul3A_1210, %mul3A_1212 : i32
      "tpu.region"() ({
        %run_scoped3A = tpu.sem_alloc : memref<!tpu.dma_semaphore, #tpu.memory_space<semaphore_mem>>
        %dma_start3A_1214 = arith.constant 0 : i32
        %dma_start3A_1215 = tpu.memref_slice %arg22[%add3A_1213, %dma_start3A_1214] : memref<10240x128xf32, #tpu.memory_space<vmem_shared>> -> memref<80x128xf32, #tpu.memory_space<vmem_shared>>
        %dma_start3A_1216 = arith.constant 0 : i32
        %dma_start3A_1217 = tpu.memref_slice %arg22[%add3A_1213, %dma_start3A_1216] : memref<10240x128xf32, #tpu.memory_space<vmem_shared>> -> memref<80x128xf32, #tpu.memory_space<vmem_shared>>
        tpu.enqueue_dma source(%arg18 : memref<80x128xf32, #tpu.memory_space<vmem>>) target(%dma_start3A_1217 : memref<80x128xf32, #tpu.memory_space<vmem_shared>>) target_semaphore(%run_scoped3A : memref<!tpu.dma_semaphore, #tpu.memory_space<semaphore_mem>>)
        %dma_wait3A_1218 = arith.constant 0 : i32
        %dma_wait3A_1219 = tpu.memref_slice %arg22[%add3A_1213, %dma_wait3A_1218] : memref<10240x128xf32, #tpu.memory_space<vmem_shared>> -> memref<80x128xf32, #tpu.memory_space<vmem_shared>>
        %dma_wait3A_1220 = arith.constant 0 : i32
        %dma_wait3A_1221 = tpu.memref_slice %arg22[%add3A_1213, %dma_wait3A_1220] : memref<10240x128xf32, #tpu.memory_space<vmem_shared>> -> memref<80x128xf32, #tpu.memory_space<vmem_shared>>
        tpu.wait_dma2 semaphore(%run_scoped3A : memref<!tpu.dma_semaphore, #tpu.memory_space<semaphore_mem>>) src(%arg18 : memref<80x128xf32, #tpu.memory_space<vmem>>) dst(%dma_wait3A_1221 : memref<80x128xf32, #tpu.memory_space<vmem_shared>>)
        tpu.yield
      }) : () -> ()
    }
    %scan3A_29 = arith.constant 8 : i32
    %barrier3A = arith.constant 0 : index
    tpu.barrier barrier_id(%barrier3A)
    %add3A_30 = arith.constant 0 : i32
    %add3A_31 = arith.addi %mul3A_17, %add3A_30 : i32
    "tpu.region"() ({
      %run_scoped3A = tpu.sem_alloc : memref<!tpu.dma_semaphore, #tpu.memory_space<semaphore_mem>>
      %dma_start3A_1208 = tpu.memref_slice %arg3[%add3A_31] : memref<320000xi32, #tpu.memory_space<hbm>> -> memref<80xi32, #tpu.memory_space<hbm>>
      %dma_start3A_1209 = tpu.memref_slice %arg3[%add3A_31] : memref<320000xi32, #tpu.memory_space<hbm>> -> memref<80xi32, #tpu.memory_space<hbm>>
      tpu.enqueue_dma source(%dma_start3A_1209 : memref<80xi32, #tpu.memory_space<hbm>>) target(%arg6 : memref<80xi32, #tpu.memory_space<vmem>>) target_semaphore(%run_scoped3A : memref<!tpu.dma_semaphore, #tpu.memory_space<semaphore_mem>>)
      %dma_wait3A_1210 = tpu.memref_slice %arg3[%add3A_31] : memref<320000xi32, #tpu.memory_space<hbm>> -> memref<80xi32, #tpu.memory_space<hbm>>
      %dma_wait3A_1211 = tpu.memref_slice %arg3[%add3A_31] : memref<320000xi32, #tpu.memory_space<hbm>> -> memref<80xi32, #tpu.memory_space<hbm>>
      tpu.wait_dma2 semaphore(%run_scoped3A : memref<!tpu.dma_semaphore, #tpu.memory_space<semaphore_mem>>) src(%dma_wait3A_1211 : memref<80xi32, #tpu.memory_space<hbm>>) dst(%arg6 : memref<80xi32, #tpu.memory_space<vmem>>)
      tpu.yield
    }) : () -> ()
    %add3A_32 = arith.constant 0 : i32
    %add3A_33 = arith.addi %mul3A_17, %add3A_32 : i32
    "tpu.region"() ({
      %run_scoped3A = tpu.sem_alloc : memref<!tpu.dma_semaphore, #tpu.memory_space<semaphore_mem>>
      %dma_start3A_1208 = tpu.memref_slice %arg4[%add3A_33] : memref<320000xi32, #tpu.memory_space<hbm>> -> memref<80xi32, #tpu.memory_space<hbm>>
      %dma_start3A_1209 = tpu.memref_slice %arg4[%add3A_33] : memref<320000xi32, #tpu.memory_space<hbm>> -> memref<80xi32, #tpu.memory_space<hbm>>
      tpu.enqueue_dma source(%dma_start3A_1209 : memref<80xi32, #tpu.memory_space<hbm>>) target(%arg10 : memref<80xi32, #tpu.memory_space<vmem>>) target_semaphore(%run_scoped3A : memref<!tpu.dma_semaphore, #tpu.memory_space<semaphore_mem>>)
      %dma_wait3A_1210 = tpu.memref_slice %arg4[%add3A_33] : memref<320000xi32, #tpu.memory_space<hbm>> -> memref<80xi32, #tpu.memory_space<hbm>>
      %dma_wait3A_1211 = tpu.memref_slice %arg4[%add3A_33] : memref<320000xi32, #tpu.memory_space<hbm>> -> memref<80xi32, #tpu.memory_space<hbm>>
      tpu.wait_dma2 semaphore(%run_scoped3A : memref<!tpu.dma_semaphore, #tpu.memory_space<semaphore_mem>>) src(%dma_wait3A_1211 : memref<80xi32, #tpu.memory_space<hbm>>) dst(%arg10 : memref<80xi32, #tpu.memory_space<vmem>>)
      tpu.yield
    }) : () -> ()
    %get3A = arith.constant 0 : index
    %get3A_34 = tpu.vector_load %arg6[%get3A] {strides = array<i32>} : memref<80xi32, #tpu.memory_space<vmem>>, vector<16xi32>,
    %get3A_35 = vector.shape_cast %get3A_34 : vector<16xi32> to vector<16xi32>
    %get3A_36 = arith.constant 0 : index
    %get3A_37 = tpu.vector_load %arg10[%get3A_36] {strides = array<i32>} : memref<80xi32, #tpu.memory_space<vmem>>, vector<16xi32>,
    %get3A_38 = vector.shape_cast %get3A_37 : vector<16xi32> to vector<16xi32>
    %sub3A = arith.subi %get3A_35, %get3A_38 : vector<16xi32>
    %neg3A = arith.constant 0 : i32
    %neg3A_39 = vector.broadcast %neg3A : i32 to vector<16xi32>
    %neg3A_40 = arith.subi %neg3A_39, %sub3A : vector<16xi32>
    %or3A = arith.ori %sub3A, %neg3A_40 : vector<16xi32>
    %shift_right_arithmetic3A = arith.constant 31 : i32
    %shift_right_arithmetic3A_41 = vector.broadcast %shift_right_arithmetic3A : i32 to vector<16xi32>
    %shift_right_arithmetic3A_42 = arith.shrsi %or3A, %shift_right_arithmetic3A_41 : vector<16xi32>
    %and3A = arith.andi %get3A_38, %shift_right_arithmetic3A_42 : vector<16xi32>
    %not3A = arith.constant dense<-1> : vector<16xi32>
    %not3A_43 = arith.xori %shift_right_arithmetic3A_42, %not3A : vector<16xi32>
    %and3A_44 = arith.constant 10000 : i32
    %and3A_45 = vector.broadcast %and3A_44 : i32 to vector<16xi32>
    %and3A_46 = arith.andi %and3A_45, %not3A_43 : vector<16xi32>
    %or3A_47 = arith.ori %and3A, %and3A_46 : vector<16xi32>
    %swap3A = arith.constant 0 : index
    %swap3A_48 = tpu.vector_load %arg14[%swap3A] {strides = array<i32>} : memref<80xi32, #tpu.memory_space<vmem>>, vector<16xi32>,
    %swap3A_49 = vector.shape_cast %swap3A_48 : vector<16xi32> to vector<16xi32>
    %swap3A_50 = vector.shape_cast %or3A_47 : vector<16xi32> to vector<16xi32>
    tpu.vector_store %arg14[%swap3A], %swap3A_50 {strides = array<i32>} : memref<80xi32, #tpu.memory_space<vmem>>, vector<16xi32>,
    %get3A_51 = arith.constant 16 : index
    %get3A_52 = tpu.vector_load %arg6[%get3A_51] {strides = array<i32>} : memref<80xi32, #tpu.memory_space<vmem>>, vector<16xi32>,
    %get3A_53 = vector.shape_cast %get3A_52 : vector<16xi32> to vector<16xi32>
    %get3A_54 = arith.constant 16 : index
    %get3A_55 = tpu.vector_load %arg10[%get3A_54] {strides = array<i32>} : memref<80xi32, #tpu.memory_space<vmem>>, vector<16xi32>,
    %get3A_56 = vector.shape_cast %get3A_55 : vector<16xi32> to vector<16xi32>
    %sub3A_57 = arith.subi %get3A_53, %get3A_56 : vector<16xi32>
    %neg3A_58 = arith.constant 0 : i32
    %neg3A_59 = vector.broadcast %neg3A_58 : i32 to vector<16xi32>
    %neg3A_60 = arith.subi %neg3A_59, %sub3A_57 : vector<16xi32>
    %or3A_61 = arith.ori %sub3A_57, %neg3A_60 : vector<16xi32>
    %shift_right_arithmetic3A_62 = arith.constant 31 : i32
    %shift_right_arithmetic3A_63 = vector.broadcast %shift_right_arithmetic3A_62 : i32 to vector<16xi32>
    %shift_right_arithmetic3A_64 = arith.shrsi %or3A_61, %shift_right_arithmetic3A_63 : vector<16xi32>
    %and3A_65 = arith.andi %get3A_56, %shift_right_arithmetic3A_64 : vector<16xi32>
    %not3A_66 = arith.constant dense<-1> : vector<16xi32>
    %not3A_67 = arith.xori %shift_right_arithmetic3A_64, %not3A_66 : vector<16xi32>
    %and3A_68 = arith.constant 10000 : i32
    %and3A_69 = vector.broadcast %and3A_68 : i32 to vector<16xi32>
    %and3A_70 = arith.andi %and3A_69, %not3A_67 : vector<16xi32>
    %or3A_71 = arith.ori %and3A_65, %and3A_70 : vector<16xi32>
    %swap3A_72 = arith.constant 16 : index
    %swap3A_73 = tpu.vector_load %arg14[%swap3A_72] {strides = array<i32>} : memref<80xi32, #tpu.memory_space<vmem>>, vector<16xi32>,
    %swap3A_74 = vector.shape_cast %swap3A_73 : vector<16xi32> to vector<16xi32>
    %swap3A_75 = vector.shape_cast %or3A_71 : vector<16xi32> to vector<16xi32>
    tpu.vector_store %arg14[%swap3A_72], %swap3A_75 {strides = array<i32>} : memref<80xi32, #tpu.memory_space<vmem>>, vector<16xi32>,
    %get3A_76 = arith.constant 32 : index
    %get3A_77 = tpu.vector_load %arg6[%get3A_76] {strides = array<i32>} : memref<80xi32, #tpu.memory_space<vmem>>, vector<16xi32>,
    %get3A_78 = vector.shape_cast %get3A_77 : vector<16xi32> to vector<16xi32>
    %get3A_79 = arith.constant 32 : index
    %get3A_80 = tpu.vector_load %arg10[%get3A_79] {strides = array<i32>} : memref<80xi32, #tpu.memory_space<vmem>>, vector<16xi32>,
    %get3A_81 = vector.shape_cast %get3A_80 : vector<16xi32> to vector<16xi32>
    %sub3A_82 = arith.subi %get3A_78, %get3A_81 : vector<16xi32>
    %neg3A_83 = arith.constant 0 : i32
    %neg3A_84 = vector.broadcast %neg3A_83 : i32 to vector<16xi32>
    %neg3A_85 = arith.subi %neg3A_84, %sub3A_82 : vector<16xi32>
    %or3A_86 = arith.ori %sub3A_82, %neg3A_85 : vector<16xi32>
    %shift_right_arithmetic3A_87 = arith.constant 31 : i32
    %shift_right_arithmetic3A_88 = vector.broadcast %shift_right_arithmetic3A_87 : i32 to vector<16xi32>
    %shift_right_arithmetic3A_89 = arith.shrsi %or3A_86, %shift_right_arithmetic3A_88 : vector<16xi32>
    %and3A_90 = arith.andi %get3A_81, %shift_right_arithmetic3A_89 : vector<16xi32>
    %not3A_91 = arith.constant dense<-1> : vector<16xi32>
    %not3A_92 = arith.xori %shift_right_arithmetic3A_89, %not3A_91 : vector<16xi32>
    %and3A_93 = arith.constant 10000 : i32
    %and3A_94 = vector.broadcast %and3A_93 : i32 to vector<16xi32>
    %and3A_95 = arith.andi %and3A_94, %not3A_92 : vector<16xi32>
    %or3A_96 = arith.ori %and3A_90, %and3A_95 : vector<16xi32>
    %swap3A_97 = arith.constant 32 : index
    %swap3A_98 = tpu.vector_load %arg14[%swap3A_97] {strides = array<i32>} : memref<80xi32, #tpu.memory_space<vmem>>, vector<16xi32>,
    %swap3A_99 = vector.shape_cast %swap3A_98 : vector<16xi32> to vector<16xi32>
    %swap3A_100 = vector.shape_cast %or3A_96 : vector<16xi32> to vector<16xi32>
    tpu.vector_store %arg14[%swap3A_97], %swap3A_100 {strides = array<i32>} : memref<80xi32, #tpu.memory_space<vmem>>, vector<16xi32>,
    %get3A_101 = arith.constant 48 : index
    %get3A_102 = tpu.vector_load %arg6[%get3A_101] {strides = array<i32>} : memref<80xi32, #tpu.memory_space<vmem>>, vector<16xi32>,
    %get3A_103 = vector.shape_cast %get3A_102 : vector<16xi32> to vector<16xi32>
    %get3A_104 = arith.constant 48 : index
    %get3A_105 = tpu.vector_load %arg10[%get3A_104] {strides = array<i32>} : memref<80xi32, #tpu.memory_space<vmem>>, vector<16xi32>,
    %get3A_106 = vector.shape_cast %get3A_105 : vector<16xi32> to vector<16xi32>
    %sub3A_107 = arith.subi %get3A_103, %get3A_106 : vector<16xi32>
    %neg3A_108 = arith.constant 0 : i32
    %neg3A_109 = vector.broadcast %neg3A_108 : i32 to vector<16xi32>
    %neg3A_110 = arith.subi %neg3A_109, %sub3A_107 : vector<16xi32>
    %or3A_111 = arith.ori %sub3A_107, %neg3A_110 : vector<16xi32>
    %shift_right_arithmetic3A_112 = arith.constant 31 : i32
    %shift_right_arithmetic3A_113 = vector.broadcast %shift_right_arithmetic3A_112 : i32 to vector<16xi32>
    %shift_right_arithmetic3A_114 = arith.shrsi %or3A_111, %shift_right_arithmetic3A_113 : vector<16xi32>
    %and3A_115 = arith.andi %get3A_106, %shift_right_arithmetic3A_114 : vector<16xi32>
    %not3A_116 = arith.constant dense<-1> : vector<16xi32>
    %not3A_117 = arith.xori %shift_right_arithmetic3A_114, %not3A_116 : vector<16xi32>
    %and3A_118 = arith.constant 10000 : i32
    %and3A_119 = vector.broadcast %and3A_118 : i32 to vector<16xi32>
    %and3A_120 = arith.andi %and3A_119, %not3A_117 : vector<16xi32>
    %or3A_121 = arith.ori %and3A_115, %and3A_120 : vector<16xi32>
    %swap3A_122 = arith.constant 48 : index
    %swap3A_123 = tpu.vector_load %arg14[%swap3A_122] {strides = array<i32>} : memref<80xi32, #tpu.memory_space<vmem>>, vector<16xi32>,
    %swap3A_124 = vector.shape_cast %swap3A_123 : vector<16xi32> to vector<16xi32>
    %swap3A_125 = vector.shape_cast %or3A_121 : vector<16xi32> to vector<16xi32>
    tpu.vector_store %arg14[%swap3A_122], %swap3A_125 {strides = array<i32>} : memref<80xi32, #tpu.memory_space<vmem>>, vector<16xi32>,
    %get3A_126 = arith.constant 64 : index
    %get3A_127 = tpu.vector_load %arg6[%get3A_126] {strides = array<i32>} : memref<80xi32, #tpu.memory_space<vmem>>, vector<16xi32>,
    %get3A_128 = vector.shape_cast %get3A_127 : vector<16xi32> to vector<16xi32>
    %get3A_129 = arith.constant 64 : index
    %get3A_130 = tpu.vector_load %arg10[%get3A_129] {strides = array<i32>} : memref<80xi32, #tpu.memory_space<vmem>>, vector<16xi32>,
    %get3A_131 = vector.shape_cast %get3A_130 : vector<16xi32> to vector<16xi32>
    %sub3A_132 = arith.subi %get3A_128, %get3A_131 : vector<16xi32>
    %neg3A_133 = arith.constant 0 : i32
    %neg3A_134 = vector.broadcast %neg3A_133 : i32 to vector<16xi32>
    %neg3A_135 = arith.subi %neg3A_134, %sub3A_132 : vector<16xi32>
    %or3A_136 = arith.ori %sub3A_132, %neg3A_135 : vector<16xi32>
    %shift_right_arithmetic3A_137 = arith.constant 31 : i32
    %shift_right_arithmetic3A_138 = vector.broadcast %shift_right_arithmetic3A_137 : i32 to vector<16xi32>
    %shift_right_arithmetic3A_139 = arith.shrsi %or3A_136, %shift_right_arithmetic3A_138 : vector<16xi32>
    %and3A_140 = arith.andi %get3A_131, %shift_right_arithmetic3A_139 : vector<16xi32>
    %not3A_141 = arith.constant dense<-1> : vector<16xi32>
    %not3A_142 = arith.xori %shift_right_arithmetic3A_139, %not3A_141 : vector<16xi32>
    %and3A_143 = arith.constant 10000 : i32
    %and3A_144 = vector.broadcast %and3A_143 : i32 to vector<16xi32>
    %and3A_145 = arith.andi %and3A_144, %not3A_142 : vector<16xi32>
    %or3A_146 = arith.ori %and3A_140, %and3A_145 : vector<16xi32>
    %swap3A_147 = arith.constant 64 : index
    %swap3A_148 = tpu.vector_load %arg14[%swap3A_147] {strides = array<i32>} : memref<80xi32, #tpu.memory_space<vmem>>, vector<16xi32>,
    %swap3A_149 = vector.shape_cast %swap3A_148 : vector<16xi32> to vector<16xi32>
    %swap3A_150 = vector.shape_cast %or3A_146 : vector<16xi32> to vector<16xi32>
    tpu.vector_store %arg14[%swap3A_147], %swap3A_150 {strides = array<i32>} : memref<80xi32, #tpu.memory_space<vmem>>, vector<16xi32>,
    %dma_start3A = arith.constant 0 : i32
    %dma_start3A_151 = arith.constant 0 : i32
    %dma_start3A_152 = tpu.memref_slice %arg2[%dma_start3A, %dma_start3A_151] : memref<10240x128xf32, #tpu.memory_space<hbm>> -> memref<10240x128xf32, #tpu.memory_space<hbm>>
    tpu.enqueue_indirect_dma source(%dma_start3A_152 : memref<10240x128xf32, #tpu.memory_space<hbm>>) target(%arg18 : memref<80x128xf32, #tpu.memory_space<vmem>>) offsets(%arg6 : memref<80xi32, #tpu.memory_space<vmem>>) semaphore(%arg23 : memref<!tpu.dma_semaphore, #tpu.memory_space<semaphore_mem>>)
    %add3A_153 = arith.constant 80 : i32
    %add3A_154 = arith.addi %mul3A_17, %add3A_153 : i32
    "tpu.region"() ({
      %run_scoped3A = tpu.sem_alloc : memref<!tpu.dma_semaphore, #tpu.memory_space<semaphore_mem>>
      %dma_start3A_1208 = tpu.memref_slice %arg3[%add3A_154] : memref<320000xi32, #tpu.memory_space<hbm>> -> memref<80xi32, #tpu.memory_space<hbm>>
      %dma_start3A_1209 = tpu.memref_slice %arg3[%add3A_154] : memref<320000xi32, #tpu.memory_space<hbm>> -> memref<80xi32, #tpu.memory_space<hbm>>
      tpu.enqueue_dma source(%dma_start3A_1209 : memref<80xi32, #tpu.memory_space<hbm>>) target(%arg7 : memref<80xi32, #tpu.memory_space<vmem>>) target_semaphore(%run_scoped3A : memref<!tpu.dma_semaphore, #tpu.memory_space<semaphore_mem>>)
      %dma_wait3A_1210 = tpu.memref_slice %arg3[%add3A_154] : memref<320000xi32, #tpu.memory_space<hbm>> -> memref<80xi32, #tpu.memory_space<hbm>>
      %dma_wait3A_1211 = tpu.memref_slice %arg3[%add3A_154] : memref<320000xi32, #tpu.memory_space<hbm>> -> memref<80xi32, #tpu.memory_space<hbm>>
      tpu.wait_dma2 semaphore(%run_scoped3A : memref<!tpu.dma_semaphore, #tpu.memory_space<semaphore_mem>>) src(%dma_wait3A_1211 : memref<80xi32, #tpu.memory_space<hbm>>) dst(%arg7 : memref<80xi32, #tpu.memory_space<vmem>>)
      tpu.yield
    }) : () -> ()
    %add3A_155 = arith.constant 80 : i32
    %add3A_156 = arith.addi %mul3A_17, %add3A_155 : i32
    "tpu.region"() ({
      %run_scoped3A = tpu.sem_alloc : memref<!tpu.dma_semaphore, #tpu.memory_space<semaphore_mem>>
      %dma_start3A_1208 = tpu.memref_slice %arg4[%add3A_156] : memref<320000xi32, #tpu.memory_space<hbm>> -> memref<80xi32, #tpu.memory_space<hbm>>
      %dma_start3A_1209 = tpu.memref_slice %arg4[%add3A_156] : memref<320000xi32, #tpu.memory_space<hbm>> -> memref<80xi32, #tpu.memory_space<hbm>>
      tpu.enqueue_dma source(%dma_start3A_1209 : memref<80xi32, #tpu.memory_space<hbm>>) target(%arg11 : memref<80xi32, #tpu.memory_space<vmem>>) target_semaphore(%run_scoped3A : memref<!tpu.dma_semaphore, #tpu.memory_space<semaphore_mem>>)
      %dma_wait3A_1210 = tpu.memref_slice %arg4[%add3A_156] : memref<320000xi32, #tpu.memory_space<hbm>> -> memref<80xi32, #tpu.memory_space<hbm>>
      %dma_wait3A_1211 = tpu.memref_slice %arg4[%add3A_156] : memref<320000xi32, #tpu.memory_space<hbm>> -> memref<80xi32, #tpu.memory_space<hbm>>
      tpu.wait_dma2 semaphore(%run_scoped3A : memref<!tpu.dma_semaphore, #tpu.memory_space<semaphore_mem>>) src(%dma_wait3A_1211 : memref<80xi32, #tpu.memory_space<hbm>>) dst(%arg11 : memref<80xi32, #tpu.memory_space<vmem>>)
      tpu.yield
    }) : () -> ()
    %get3A_157 = arith.constant 0 : index
    %get3A_158 = tpu.vector_load %arg7[%get3A_157] {strides = array<i32>} : memref<80xi32, #tpu.memory_space<vmem>>, vector<16xi32>,
    %get3A_159 = vector.shape_cast %get3A_158 : vector<16xi32> to vector<16xi32>
    %get3A_160 = arith.constant 0 : index
    %get3A_161 = tpu.vector_load %arg11[%get3A_160] {strides = array<i32>} : memref<80xi32, #tpu.memory_space<vmem>>, vector<16xi32>,
    %get3A_162 = vector.shape_cast %get3A_161 : vector<16xi32> to vector<16xi32>
    %sub3A_163 = arith.subi %get3A_159, %get3A_162 : vector<16xi32>
    %neg3A_164 = arith.constant 0 : i32
    %neg3A_165 = vector.broadcast %neg3A_164 : i32 to vector<16xi32>
    %neg3A_166 = arith.subi %neg3A_165, %sub3A_163 : vector<16xi32>
    %or3A_167 = arith.ori %sub3A_163, %neg3A_166 : vector<16xi32>
    %shift_right_arithmetic3A_168 = arith.constant 31 : i32
    %shift_right_arithmetic3A_169 = vector.broadcast %shift_right_arithmetic3A_168 : i32 to vector<16xi32>
    %shift_right_arithmetic3A_170 = arith.shrsi %or3A_167, %shift_right_arithmetic3A_169 : vector<16xi32>
    %and3A_171 = arith.andi %get3A_162, %shift_right_arithmetic3A_170 : vector<16xi32>
    %not3A_172 = arith.constant dense<-1> : vector<16xi32>
    %not3A_173 = arith.xori %shift_right_arithmetic3A_170, %not3A_172 : vector<16xi32>
    %and3A_174 = arith.constant 10000 : i32
    %and3A_175 = vector.broadcast %and3A_174 : i32 to vector<16xi32>
    %and3A_176 = arith.andi %and3A_175, %not3A_173 : vector<16xi32>
    %or3A_177 = arith.ori %and3A_171, %and3A_176 : vector<16xi32>
    %swap3A_178 = arith.constant 0 : index
    %swap3A_179 = tpu.vector_load %arg15[%swap3A_178] {strides = array<i32>} : memref<80xi32, #tpu.memory_space<vmem>>, vector<16xi32>,
    %swap3A_180 = vector.shape_cast %swap3A_179 : vector<16xi32> to vector<16xi32>
    %swap3A_181 = vector.shape_cast %or3A_177 : vector<16xi32> to vector<16xi32>
    tpu.vector_store %arg15[%swap3A_178], %swap3A_181 {strides = array<i32>} : memref<80xi32, #tpu.memory_space<vmem>>, vector<16xi32>,
    %get3A_182 = arith.constant 16 : index
    %get3A_183 = tpu.vector_load %arg7[%get3A_182] {strides = array<i32>} : memref<80xi32, #tpu.memory_space<vmem>>, vector<16xi32>,
    %get3A_184 = vector.shape_cast %get3A_183 : vector<16xi32> to vector<16xi32>
    %get3A_185 = arith.constant 16 : index
    %get3A_186 = tpu.vector_load %arg11[%get3A_185] {strides = array<i32>} : memref<80xi32, #tpu.memory_space<vmem>>, vector<16xi32>,
    %get3A_187 = vector.shape_cast %get3A_186 : vector<16xi32> to vector<16xi32>
    %sub3A_188 = arith.subi %get3A_184, %get3A_187 : vector<16xi32>
    %neg3A_189 = arith.constant 0 : i32
    %neg3A_190 = vector.broadcast %neg3A_189 : i32 to vector<16xi32>
    %neg3A_191 = arith.subi %neg3A_190, %sub3A_188 : vector<16xi32>
    %or3A_192 = arith.ori %sub3A_188, %neg3A_191 : vector<16xi32>
    %shift_right_arithmetic3A_193 = arith.constant 31 : i32
    %shift_right_arithmetic3A_194 = vector.broadcast %shift_right_arithmetic3A_193 : i32 to vector<16xi32>
    %shift_right_arithmetic3A_195 = arith.shrsi %or3A_192, %shift_right_arithmetic3A_194 : vector<16xi32>
    %and3A_196 = arith.andi %get3A_187, %shift_right_arithmetic3A_195 : vector<16xi32>
    %not3A_197 = arith.constant dense<-1> : vector<16xi32>
    %not3A_198 = arith.xori %shift_right_arithmetic3A_195, %not3A_197 : vector<16xi32>
    %and3A_199 = arith.constant 10000 : i32
    %and3A_200 = vector.broadcast %and3A_199 : i32 to vector<16xi32>
    %and3A_201 = arith.andi %and3A_200, %not3A_198 : vector<16xi32>
    %or3A_202 = arith.ori %and3A_196, %and3A_201 : vector<16xi32>
    %swap3A_203 = arith.constant 16 : index
    %swap3A_204 = tpu.vector_load %arg15[%swap3A_203] {strides = array<i32>} : memref<80xi32, #tpu.memory_space<vmem>>, vector<16xi32>,
    %swap3A_205 = vector.shape_cast %swap3A_204 : vector<16xi32> to vector<16xi32>
    %swap3A_206 = vector.shape_cast %or3A_202 : vector<16xi32> to vector<16xi32>
    tpu.vector_store %arg15[%swap3A_203], %swap3A_206 {strides = array<i32>} : memref<80xi32, #tpu.memory_space<vmem>>, vector<16xi32>,
    %get3A_207 = arith.constant 32 : index
    %get3A_208 = tpu.vector_load %arg7[%get3A_207] {strides = array<i32>} : memref<80xi32, #tpu.memory_space<vmem>>, vector<16xi32>,
    %get3A_209 = vector.shape_cast %get3A_208 : vector<16xi32> to vector<16xi32>
    %get3A_210 = arith.constant 32 : index
    %get3A_211 = tpu.vector_load %arg11[%get3A_210] {strides = array<i32>} : memref<80xi32, #tpu.memory_space<vmem>>, vector<16xi32>,
    %get3A_212 = vector.shape_cast %get3A_211 : vector<16xi32> to vector<16xi32>
    %sub3A_213 = arith.subi %get3A_209, %get3A_212 : vector<16xi32>
    %neg3A_214 = arith.constant 0 : i32
    %neg3A_215 = vector.broadcast %neg3A_214 : i32 to vector<16xi32>
    %neg3A_216 = arith.subi %neg3A_215, %sub3A_213 : vector<16xi32>
    %or3A_217 = arith.ori %sub3A_213, %neg3A_216 : vector<16xi32>
    %shift_right_arithmetic3A_218 = arith.constant 31 : i32
    %shift_right_arithmetic3A_219 = vector.broadcast %shift_right_arithmetic3A_218 : i32 to vector<16xi32>
    %shift_right_arithmetic3A_220 = arith.shrsi %or3A_217, %shift_right_arithmetic3A_219 : vector<16xi32>
    %and3A_221 = arith.andi %get3A_212, %shift_right_arithmetic3A_220 : vector<16xi32>
    %not3A_222 = arith.constant dense<-1> : vector<16xi32>
    %not3A_223 = arith.xori %shift_right_arithmetic3A_220, %not3A_222 : vector<16xi32>
    %and3A_224 = arith.constant 10000 : i32
    %and3A_225 = vector.broadcast %and3A_224 : i32 to vector<16xi32>
    %and3A_226 = arith.andi %and3A_225, %not3A_223 : vector<16xi32>
    %or3A_227 = arith.ori %and3A_221, %and3A_226 : vector<16xi32>
    %swap3A_228 = arith.constant 32 : index
    %swap3A_229 = tpu.vector_load %arg15[%swap3A_228] {strides = array<i32>} : memref<80xi32, #tpu.memory_space<vmem>>, vector<16xi32>,
    %swap3A_230 = vector.shape_cast %swap3A_229 : vector<16xi32> to vector<16xi32>
    %swap3A_231 = vector.shape_cast %or3A_227 : vector<16xi32> to vector<16xi32>
    tpu.vector_store %arg15[%swap3A_228], %swap3A_231 {strides = array<i32>} : memref<80xi32, #tpu.memory_space<vmem>>, vector<16xi32>,
    %get3A_232 = arith.constant 48 : index
    %get3A_233 = tpu.vector_load %arg7[%get3A_232] {strides = array<i32>} : memref<80xi32, #tpu.memory_space<vmem>>, vector<16xi32>,
    %get3A_234 = vector.shape_cast %get3A_233 : vector<16xi32> to vector<16xi32>
    %get3A_235 = arith.constant 48 : index
    %get3A_236 = tpu.vector_load %arg11[%get3A_235] {strides = array<i32>} : memref<80xi32, #tpu.memory_space<vmem>>, vector<16xi32>,
    %get3A_237 = vector.shape_cast %get3A_236 : vector<16xi32> to vector<16xi32>
    %sub3A_238 = arith.subi %get3A_234, %get3A_237 : vector<16xi32>
    %neg3A_239 = arith.constant 0 : i32
    %neg3A_240 = vector.broadcast %neg3A_239 : i32 to vector<16xi32>
    %neg3A_241 = arith.subi %neg3A_240, %sub3A_238 : vector<16xi32>
    %or3A_242 = arith.ori %sub3A_238, %neg3A_241 : vector<16xi32>
    %shift_right_arithmetic3A_243 = arith.constant 31 : i32
    %shift_right_arithmetic3A_244 = vector.broadcast %shift_right_arithmetic3A_243 : i32 to vector<16xi32>
    %shift_right_arithmetic3A_245 = arith.shrsi %or3A_242, %shift_right_arithmetic3A_244 : vector<16xi32>
    %and3A_246 = arith.andi %get3A_237, %shift_right_arithmetic3A_245 : vector<16xi32>
    %not3A_247 = arith.constant dense<-1> : vector<16xi32>
    %not3A_248 = arith.xori %shift_right_arithmetic3A_245, %not3A_247 : vector<16xi32>
    %and3A_249 = arith.constant 10000 : i32
    %and3A_250 = vector.broadcast %and3A_249 : i32 to vector<16xi32>
    %and3A_251 = arith.andi %and3A_250, %not3A_248 : vector<16xi32>
    %or3A_252 = arith.ori %and3A_246, %and3A_251 : vector<16xi32>
    %swap3A_253 = arith.constant 48 : index
    %swap3A_254 = tpu.vector_load %arg15[%swap3A_253] {strides = array<i32>} : memref<80xi32, #tpu.memory_space<vmem>>, vector<16xi32>,
    %swap3A_255 = vector.shape_cast %swap3A_254 : vector<16xi32> to vector<16xi32>
    %swap3A_256 = vector.shape_cast %or3A_252 : vector<16xi32> to vector<16xi32>
    tpu.vector_store %arg15[%swap3A_253], %swap3A_256 {strides = array<i32>} : memref<80xi32, #tpu.memory_space<vmem>>, vector<16xi32>,
    %get3A_257 = arith.constant 64 : index
    %get3A_258 = tpu.vector_load %arg7[%get3A_257] {strides = array<i32>} : memref<80xi32, #tpu.memory_space<vmem>>, vector<16xi32>,
    %get3A_259 = vector.shape_cast %get3A_258 : vector<16xi32> to vector<16xi32>
    %get3A_260 = arith.constant 64 : index
    %get3A_261 = tpu.vector_load %arg11[%get3A_260] {strides = array<i32>} : memref<80xi32, #tpu.memory_space<vmem>>, vector<16xi32>,
    %get3A_262 = vector.shape_cast %get3A_261 : vector<16xi32> to vector<16xi32>
    %sub3A_263 = arith.subi %get3A_259, %get3A_262 : vector<16xi32>
    %neg3A_264 = arith.constant 0 : i32
    %neg3A_265 = vector.broadcast %neg3A_264 : i32 to vector<16xi32>
    %neg3A_266 = arith.subi %neg3A_265, %sub3A_263 : vector<16xi32>
    %or3A_267 = arith.ori %sub3A_263, %neg3A_266 : vector<16xi32>
    %shift_right_arithmetic3A_268 = arith.constant 31 : i32
    %shift_right_arithmetic3A_269 = vector.broadcast %shift_right_arithmetic3A_268 : i32 to vector<16xi32>
    %shift_right_arithmetic3A_270 = arith.shrsi %or3A_267, %shift_right_arithmetic3A_269 : vector<16xi32>
    %and3A_271 = arith.andi %get3A_262, %shift_right_arithmetic3A_270 : vector<16xi32>
    %not3A_272 = arith.constant dense<-1> : vector<16xi32>
    %not3A_273 = arith.xori %shift_right_arithmetic3A_270, %not3A_272 : vector<16xi32>
    %and3A_274 = arith.constant 10000 : i32
    %and3A_275 = vector.broadcast %and3A_274 : i32 to vector<16xi32>
    %and3A_276 = arith.andi %and3A_275, %not3A_273 : vector<16xi32>
    %or3A_277 = arith.ori %and3A_271, %and3A_276 : vector<16xi32>
    %swap3A_278 = arith.constant 64 : index
    %swap3A_279 = tpu.vector_load %arg15[%swap3A_278] {strides = array<i32>} : memref<80xi32, #tpu.memory_space<vmem>>, vector<16xi32>,
    %swap3A_280 = vector.shape_cast %swap3A_279 : vector<16xi32> to vector<16xi32>
    %swap3A_281 = vector.shape_cast %or3A_277 : vector<16xi32> to vector<16xi32>
    tpu.vector_store %arg15[%swap3A_278], %swap3A_281 {strides = array<i32>} : memref<80xi32, #tpu.memory_space<vmem>>, vector<16xi32>,
    %dma_start3A_282 = arith.constant 0 : i32
    %dma_start3A_283 = arith.constant 0 : i32
    %dma_start3A_284 = tpu.memref_slice %arg2[%dma_start3A_282, %dma_start3A_283] : memref<10240x128xf32, #tpu.memory_space<hbm>> -> memref<10240x128xf32, #tpu.memory_space<hbm>>
    tpu.enqueue_indirect_dma source(%dma_start3A_284 : memref<10240x128xf32, #tpu.memory_space<hbm>>) target(%arg19 : memref<80x128xf32, #tpu.memory_space<vmem>>) offsets(%arg7 : memref<80xi32, #tpu.memory_space<vmem>>) semaphore(%arg24 : memref<!tpu.dma_semaphore, #tpu.memory_space<semaphore_mem>>)
    %add3A_285 = arith.constant 160 : i32
    %add3A_286 = arith.addi %mul3A_17, %add3A_285 : i32
    "tpu.region"() ({
      %run_scoped3A = tpu.sem_alloc : memref<!tpu.dma_semaphore, #tpu.memory_space<semaphore_mem>>
      %dma_start3A_1208 = tpu.memref_slice %arg3[%add3A_286] : memref<320000xi32, #tpu.memory_space<hbm>> -> memref<80xi32, #tpu.memory_space<hbm>>
      %dma_start3A_1209 = tpu.memref_slice %arg3[%add3A_286] : memref<320000xi32, #tpu.memory_space<hbm>> -> memref<80xi32, #tpu.memory_space<hbm>>
      tpu.enqueue_dma source(%dma_start3A_1209 : memref<80xi32, #tpu.memory_space<hbm>>) target(%arg8 : memref<80xi32, #tpu.memory_space<vmem>>) target_semaphore(%run_scoped3A : memref<!tpu.dma_semaphore, #tpu.memory_space<semaphore_mem>>)
      %dma_wait3A_1210 = tpu.memref_slice %arg3[%add3A_286] : memref<320000xi32, #tpu.memory_space<hbm>> -> memref<80xi32, #tpu.memory_space<hbm>>
      %dma_wait3A_1211 = tpu.memref_slice %arg3[%add3A_286] : memref<320000xi32, #tpu.memory_space<hbm>> -> memref<80xi32, #tpu.memory_space<hbm>>
      tpu.wait_dma2 semaphore(%run_scoped3A : memref<!tpu.dma_semaphore, #tpu.memory_space<semaphore_mem>>) src(%dma_wait3A_1211 : memref<80xi32, #tpu.memory_space<hbm>>) dst(%arg8 : memref<80xi32, #tpu.memory_space<vmem>>)
      tpu.yield
    }) : () -> ()
    %add3A_287 = arith.constant 160 : i32
    %add3A_288 = arith.addi %mul3A_17, %add3A_287 : i32
    "tpu.region"() ({
      %run_scoped3A = tpu.sem_alloc : memref<!tpu.dma_semaphore, #tpu.memory_space<semaphore_mem>>
      %dma_start3A_1208 = tpu.memref_slice %arg4[%add3A_288] : memref<320000xi32, #tpu.memory_space<hbm>> -> memref<80xi32, #tpu.memory_space<hbm>>
      %dma_start3A_1209 = tpu.memref_slice %arg4[%add3A_288] : memref<320000xi32, #tpu.memory_space<hbm>> -> memref<80xi32, #tpu.memory_space<hbm>>
      tpu.enqueue_dma source(%dma_start3A_1209 : memref<80xi32, #tpu.memory_space<hbm>>) target(%arg12 : memref<80xi32, #tpu.memory_space<vmem>>) target_semaphore(%run_scoped3A : memref<!tpu.dma_semaphore, #tpu.memory_space<semaphore_mem>>)
      %dma_wait3A_1210 = tpu.memref_slice %arg4[%add3A_288] : memref<320000xi32, #tpu.memory_space<hbm>> -> memref<80xi32, #tpu.memory_space<hbm>>
      %dma_wait3A_1211 = tpu.memref_slice %arg4[%add3A_288] : memref<320000xi32, #tpu.memory_space<hbm>> -> memref<80xi32, #tpu.memory_space<hbm>>
      tpu.wait_dma2 semaphore(%run_scoped3A : memref<!tpu.dma_semaphore, #tpu.memory_space<semaphore_mem>>) src(%dma_wait3A_1211 : memref<80xi32, #tpu.memory_space<hbm>>) dst(%arg12 : memref<80xi32, #tpu.memory_space<vmem>>)
      tpu.yield
    }) : () -> ()
    %get3A_289 = arith.constant 0 : index
    %get3A_290 = tpu.vector_load %arg8[%get3A_289] {strides = array<i32>} : memref<80xi32, #tpu.memory_space<vmem>>, vector<16xi32>,
    %get3A_291 = vector.shape_cast %get3A_290 : vector<16xi32> to vector<16xi32>
    %get3A_292 = arith.constant 0 : index
    %get3A_293 = tpu.vector_load %arg12[%get3A_292] {strides = array<i32>} : memref<80xi32, #tpu.memory_space<vmem>>, vector<16xi32>,
    %get3A_294 = vector.shape_cast %get3A_293 : vector<16xi32> to vector<16xi32>
    %sub3A_295 = arith.subi %get3A_291, %get3A_294 : vector<16xi32>
    %neg3A_296 = arith.constant 0 : i32
    %neg3A_297 = vector.broadcast %neg3A_296 : i32 to vector<16xi32>
    %neg3A_298 = arith.subi %neg3A_297, %sub3A_295 : vector<16xi32>
    %or3A_299 = arith.ori %sub3A_295, %neg3A_298 : vector<16xi32>
    %shift_right_arithmetic3A_300 = arith.constant 31 : i32
    %shift_right_arithmetic3A_301 = vector.broadcast %shift_right_arithmetic3A_300 : i32 to vector<16xi32>
    %shift_right_arithmetic3A_302 = arith.shrsi %or3A_299, %shift_right_arithmetic3A_301 : vector<16xi32>
    %and3A_303 = arith.andi %get3A_294, %shift_right_arithmetic3A_302 : vector<16xi32>
    %not3A_304 = arith.constant dense<-1> : vector<16xi32>
    %not3A_305 = arith.xori %shift_right_arithmetic3A_302, %not3A_304 : vector<16xi32>
    %and3A_306 = arith.constant 10000 : i32
    %and3A_307 = vector.broadcast %and3A_306 : i32 to vector<16xi32>
    %and3A_308 = arith.andi %and3A_307, %not3A_305 : vector<16xi32>
    %or3A_309 = arith.ori %and3A_303, %and3A_308 : vector<16xi32>
    %swap3A_310 = arith.constant 0 : index
    %swap3A_311 = tpu.vector_load %arg16[%swap3A_310] {strides = array<i32>} : memref<80xi32, #tpu.memory_space<vmem>>, vector<16xi32>,
    %swap3A_312 = vector.shape_cast %swap3A_311 : vector<16xi32> to vector<16xi32>
    %swap3A_313 = vector.shape_cast %or3A_309 : vector<16xi32> to vector<16xi32>
    tpu.vector_store %arg16[%swap3A_310], %swap3A_313 {strides = array<i32>} : memref<80xi32, #tpu.memory_space<vmem>>, vector<16xi32>,
    %get3A_314 = arith.constant 16 : index
    %get3A_315 = tpu.vector_load %arg8[%get3A_314] {strides = array<i32>} : memref<80xi32, #tpu.memory_space<vmem>>, vector<16xi32>,
    %get3A_316 = vector.shape_cast %get3A_315 : vector<16xi32> to vector<16xi32>
    %get3A_317 = arith.constant 16 : index
    %get3A_318 = tpu.vector_load %arg12[%get3A_317] {strides = array<i32>} : memref<80xi32, #tpu.memory_space<vmem>>, vector<16xi32>,
    %get3A_319 = vector.shape_cast %get3A_318 : vector<16xi32> to vector<16xi32>
    %sub3A_320 = arith.subi %get3A_316, %get3A_319 : vector<16xi32>
    %neg3A_321 = arith.constant 0 : i32
    %neg3A_322 = vector.broadcast %neg3A_321 : i32 to vector<16xi32>
    %neg3A_323 = arith.subi %neg3A_322, %sub3A_320 : vector<16xi32>
    %or3A_324 = arith.ori %sub3A_320, %neg3A_323 : vector<16xi32>
    %shift_right_arithmetic3A_325 = arith.constant 31 : i32
    %shift_right_arithmetic3A_326 = vector.broadcast %shift_right_arithmetic3A_325 : i32 to vector<16xi32>
    %shift_right_arithmetic3A_327 = arith.shrsi %or3A_324, %shift_right_arithmetic3A_326 : vector<16xi32>
    %and3A_328 = arith.andi %get3A_319, %shift_right_arithmetic3A_327 : vector<16xi32>
    %not3A_329 = arith.constant dense<-1> : vector<16xi32>
    %not3A_330 = arith.xori %shift_right_arithmetic3A_327, %not3A_329 : vector<16xi32>
    %and3A_331 = arith.constant 10000 : i32
    %and3A_332 = vector.broadcast %and3A_331 : i32 to vector<16xi32>
    %and3A_333 = arith.andi %and3A_332, %not3A_330 : vector<16xi32>
    %or3A_334 = arith.ori %and3A_328, %and3A_333 : vector<16xi32>
    %swap3A_335 = arith.constant 16 : index
    %swap3A_336 = tpu.vector_load %arg16[%swap3A_335] {strides = array<i32>} : memref<80xi32, #tpu.memory_space<vmem>>, vector<16xi32>,
    %swap3A_337 = vector.shape_cast %swap3A_336 : vector<16xi32> to vector<16xi32>
    %swap3A_338 = vector.shape_cast %or3A_334 : vector<16xi32> to vector<16xi32>
    tpu.vector_store %arg16[%swap3A_335], %swap3A_338 {strides = array<i32>} : memref<80xi32, #tpu.memory_space<vmem>>, vector<16xi32>,
    %get3A_339 = arith.constant 32 : index
    %get3A_340 = tpu.vector_load %arg8[%get3A_339] {strides = array<i32>} : memref<80xi32, #tpu.memory_space<vmem>>, vector<16xi32>,
    %get3A_341 = vector.shape_cast %get3A_340 : vector<16xi32> to vector<16xi32>
    %get3A_342 = arith.constant 32 : index
    %get3A_343 = tpu.vector_load %arg12[%get3A_342] {strides = array<i32>} : memref<80xi32, #tpu.memory_space<vmem>>, vector<16xi32>,
    %get3A_344 = vector.shape_cast %get3A_343 : vector<16xi32> to vector<16xi32>
    %sub3A_345 = arith.subi %get3A_341, %get3A_344 : vector<16xi32>
    %neg3A_346 = arith.constant 0 : i32
    %neg3A_347 = vector.broadcast %neg3A_346 : i32 to vector<16xi32>
    %neg3A_348 = arith.subi %neg3A_347, %sub3A_345 : vector<16xi32>
    %or3A_349 = arith.ori %sub3A_345, %neg3A_348 : vector<16xi32>
    %shift_right_arithmetic3A_350 = arith.constant 31 : i32
    %shift_right_arithmetic3A_351 = vector.broadcast %shift_right_arithmetic3A_350 : i32 to vector<16xi32>
    %shift_right_arithmetic3A_352 = arith.shrsi %or3A_349, %shift_right_arithmetic3A_351 : vector<16xi32>
    %and3A_353 = arith.andi %get3A_344, %shift_right_arithmetic3A_352 : vector<16xi32>
    %not3A_354 = arith.constant dense<-1> : vector<16xi32>
    %not3A_355 = arith.xori %shift_right_arithmetic3A_352, %not3A_354 : vector<16xi32>
    %and3A_356 = arith.constant 10000 : i32
    %and3A_357 = vector.broadcast %and3A_356 : i32 to vector<16xi32>
    %and3A_358 = arith.andi %and3A_357, %not3A_355 : vector<16xi32>
    %or3A_359 = arith.ori %and3A_353, %and3A_358 : vector<16xi32>
    %swap3A_360 = arith.constant 32 : index
    %swap3A_361 = tpu.vector_load %arg16[%swap3A_360] {strides = array<i32>} : memref<80xi32, #tpu.memory_space<vmem>>, vector<16xi32>,
    %swap3A_362 = vector.shape_cast %swap3A_361 : vector<16xi32> to vector<16xi32>
    %swap3A_363 = vector.shape_cast %or3A_359 : vector<16xi32> to vector<16xi32>
    tpu.vector_store %arg16[%swap3A_360], %swap3A_363 {strides = array<i32>} : memref<80xi32, #tpu.memory_space<vmem>>, vector<16xi32>,
    %get3A_364 = arith.constant 48 : index
    %get3A_365 = tpu.vector_load %arg8[%get3A_364] {strides = array<i32>} : memref<80xi32, #tpu.memory_space<vmem>>, vector<16xi32>,
    %get3A_366 = vector.shape_cast %get3A_365 : vector<16xi32> to vector<16xi32>
    %get3A_367 = arith.constant 48 : index
    %get3A_368 = tpu.vector_load %arg12[%get3A_367] {strides = array<i32>} : memref<80xi32, #tpu.memory_space<vmem>>, vector<16xi32>,
    %get3A_369 = vector.shape_cast %get3A_368 : vector<16xi32> to vector<16xi32>
    %sub3A_370 = arith.subi %get3A_366, %get3A_369 : vector<16xi32>
    %neg3A_371 = arith.constant 0 : i32
    %neg3A_372 = vector.broadcast %neg3A_371 : i32 to vector<16xi32>
    %neg3A_373 = arith.subi %neg3A_372, %sub3A_370 : vector<16xi32>
    %or3A_374 = arith.ori %sub3A_370, %neg3A_373 : vector<16xi32>
    %shift_right_arithmetic3A_375 = arith.constant 31 : i32
    %shift_right_arithmetic3A_376 = vector.broadcast %shift_right_arithmetic3A_375 : i32 to vector<16xi32>
    %shift_right_arithmetic3A_377 = arith.shrsi %or3A_374, %shift_right_arithmetic3A_376 : vector<16xi32>
    %and3A_378 = arith.andi %get3A_369, %shift_right_arithmetic3A_377 : vector<16xi32>
    %not3A_379 = arith.constant dense<-1> : vector<16xi32>
    %not3A_380 = arith.xori %shift_right_arithmetic3A_377, %not3A_379 : vector<16xi32>
    %and3A_381 = arith.constant 10000 : i32
    %and3A_382 = vector.broadcast %and3A_381 : i32 to vector<16xi32>
    %and3A_383 = arith.andi %and3A_382, %not3A_380 : vector<16xi32>
    %or3A_384 = arith.ori %and3A_378, %and3A_383 : vector<16xi32>
    %swap3A_385 = arith.constant 48 : index
    %swap3A_386 = tpu.vector_load %arg16[%swap3A_385] {strides = array<i32>} : memref<80xi32, #tpu.memory_space<vmem>>, vector<16xi32>,
    %swap3A_387 = vector.shape_cast %swap3A_386 : vector<16xi32> to vector<16xi32>
    %swap3A_388 = vector.shape_cast %or3A_384 : vector<16xi32> to vector<16xi32>
    tpu.vector_store %arg16[%swap3A_385], %swap3A_388 {strides = array<i32>} : memref<80xi32, #tpu.memory_space<vmem>>, vector<16xi32>,
    %get3A_389 = arith.constant 64 : index
    %get3A_390 = tpu.vector_load %arg8[%get3A_389] {strides = array<i32>} : memref<80xi32, #tpu.memory_space<vmem>>, vector<16xi32>,
    %get3A_391 = vector.shape_cast %get3A_390 : vector<16xi32> to vector<16xi32>
    %get3A_392 = arith.constant 64 : index
    %get3A_393 = tpu.vector_load %arg12[%get3A_392] {strides = array<i32>} : memref<80xi32, #tpu.memory_space<vmem>>, vector<16xi32>,
    %get3A_394 = vector.shape_cast %get3A_393 : vector<16xi32> to vector<16xi32>
    %sub3A_395 = arith.subi %get3A_391, %get3A_394 : vector<16xi32>
    %neg3A_396 = arith.constant 0 : i32
    %neg3A_397 = vector.broadcast %neg3A_396 : i32 to vector<16xi32>
    %neg3A_398 = arith.subi %neg3A_397, %sub3A_395 : vector<16xi32>
    %or3A_399 = arith.ori %sub3A_395, %neg3A_398 : vector<16xi32>
    %shift_right_arithmetic3A_400 = arith.constant 31 : i32
    %shift_right_arithmetic3A_401 = vector.broadcast %shift_right_arithmetic3A_400 : i32 to vector<16xi32>
    %shift_right_arithmetic3A_402 = arith.shrsi %or3A_399, %shift_right_arithmetic3A_401 : vector<16xi32>
    %and3A_403 = arith.andi %get3A_394, %shift_right_arithmetic3A_402 : vector<16xi32>
    %not3A_404 = arith.constant dense<-1> : vector<16xi32>
    %not3A_405 = arith.xori %shift_right_arithmetic3A_402, %not3A_404 : vector<16xi32>
    %and3A_406 = arith.constant 10000 : i32
    %and3A_407 = vector.broadcast %and3A_406 : i32 to vector<16xi32>
    %and3A_408 = arith.andi %and3A_407, %not3A_405 : vector<16xi32>
    %or3A_409 = arith.ori %and3A_403, %and3A_408 : vector<16xi32>
    %swap3A_410 = arith.constant 64 : index
    %swap3A_411 = tpu.vector_load %arg16[%swap3A_410] {strides = array<i32>} : memref<80xi32, #tpu.memory_space<vmem>>, vector<16xi32>,
    %swap3A_412 = vector.shape_cast %swap3A_411 : vector<16xi32> to vector<16xi32>
    %swap3A_413 = vector.shape_cast %or3A_409 : vector<16xi32> to vector<16xi32>
    tpu.vector_store %arg16[%swap3A_410], %swap3A_413 {strides = array<i32>} : memref<80xi32, #tpu.memory_space<vmem>>, vector<16xi32>,
    %dma_start3A_414 = arith.constant 0 : i32
    %dma_start3A_415 = arith.constant 0 : i32
    %dma_start3A_416 = tpu.memref_slice %arg2[%dma_start3A_414, %dma_start3A_415] : memref<10240x128xf32, #tpu.memory_space<hbm>> -> memref<10240x128xf32, #tpu.memory_space<hbm>>
    tpu.enqueue_indirect_dma source(%dma_start3A_416 : memref<10240x128xf32, #tpu.memory_space<hbm>>) target(%arg20 : memref<80x128xf32, #tpu.memory_space<vmem>>) offsets(%arg8 : memref<80xi32, #tpu.memory_space<vmem>>) semaphore(%arg25 : memref<!tpu.dma_semaphore, #tpu.memory_space<semaphore_mem>>)
    %dma_wait3A = arith.constant 0 : i32
    %dma_wait3A_417 = arith.constant 0 : i32
    %dma_wait3A_418 = tpu.memref_slice %arg2[%dma_wait3A, %dma_wait3A_417] : memref<10240x128xf32, #tpu.memory_space<hbm>> -> memref<10240x128xf32, #tpu.memory_space<hbm>>
    tpu.wait_indirect_dma semaphore(%arg23 : memref<!tpu.dma_semaphore, #tpu.memory_space<semaphore_mem>>) src(%dma_wait3A_418 : memref<10240x128xf32, #tpu.memory_space<hbm>>) dst(%arg18 : memref<80x128xf32, #tpu.memory_space<vmem>>)
    %dma_start3A_419 = arith.constant 0 : i32
    %dma_start3A_420 = arith.constant 0 : i32
    %dma_start3A_421 = tpu.memref_slice %arg22[%dma_start3A_419, %dma_start3A_420] : memref<10240x128xf32, #tpu.memory_space<vmem_shared>> -> memref<10240x128xf32, #tpu.memory_space<vmem_shared>>
    tpu.enqueue_indirect_dma source(%arg18 : memref<80x128xf32, #tpu.memory_space<vmem>>) target(%dma_start3A_421 : memref<10240x128xf32, #tpu.memory_space<vmem_shared>>) offsets(%arg14 : memref<80xi32, #tpu.memory_space<vmem>>) semaphore(%arg27 : memref<!tpu.dma_semaphore, #tpu.memory_space<semaphore_mem>>) {add = true}
    %add3A_422 = arith.constant 240 : i32
    %add3A_423 = arith.addi %mul3A_17, %add3A_422 : i32
    "tpu.region"() ({
      %run_scoped3A = tpu.sem_alloc : memref<!tpu.dma_semaphore, #tpu.memory_space<semaphore_mem>>
      %dma_start3A_1208 = tpu.memref_slice %arg3[%add3A_423] : memref<320000xi32, #tpu.memory_space<hbm>> -> memref<80xi32, #tpu.memory_space<hbm>>
      %dma_start3A_1209 = tpu.memref_slice %arg3[%add3A_423] : memref<320000xi32, #tpu.memory_space<hbm>> -> memref<80xi32, #tpu.memory_space<hbm>>
      tpu.enqueue_dma source(%dma_start3A_1209 : memref<80xi32, #tpu.memory_space<hbm>>) target(%arg9 : memref<80xi32, #tpu.memory_space<vmem>>) target_semaphore(%run_scoped3A : memref<!tpu.dma_semaphore, #tpu.memory_space<semaphore_mem>>)
      %dma_wait3A_1210 = tpu.memref_slice %arg3[%add3A_423] : memref<320000xi32, #tpu.memory_space<hbm>> -> memref<80xi32, #tpu.memory_space<hbm>>
      %dma_wait3A_1211 = tpu.memref_slice %arg3[%add3A_423] : memref<320000xi32, #tpu.memory_space<hbm>> -> memref<80xi32, #tpu.memory_space<hbm>>
      tpu.wait_dma2 semaphore(%run_scoped3A : memref<!tpu.dma_semaphore, #tpu.memory_space<semaphore_mem>>) src(%dma_wait3A_1211 : memref<80xi32, #tpu.memory_space<hbm>>) dst(%arg9 : memref<80xi32, #tpu.memory_space<vmem>>)
      tpu.yield
    }) : () -> ()
    %add3A_424 = arith.constant 240 : i32
    %add3A_425 = arith.addi %mul3A_17, %add3A_424 : i32
    "tpu.region"() ({
      %run_scoped3A = tpu.sem_alloc : memref<!tpu.dma_semaphore, #tpu.memory_space<semaphore_mem>>
      %dma_start3A_1208 = tpu.memref_slice %arg4[%add3A_425] : memref<320000xi32, #tpu.memory_space<hbm>> -> memref<80xi32, #tpu.memory_space<hbm>>
      %dma_start3A_1209 = tpu.memref_slice %arg4[%add3A_425] : memref<320000xi32, #tpu.memory_space<hbm>> -> memref<80xi32, #tpu.memory_space<hbm>>
      tpu.enqueue_dma source(%dma_start3A_1209 : memref<80xi32, #tpu.memory_space<hbm>>) target(%arg13 : memref<80xi32, #tpu.memory_space<vmem>>) target_semaphore(%run_scoped3A : memref<!tpu.dma_semaphore, #tpu.memory_space<semaphore_mem>>)
      %dma_wait3A_1210 = tpu.memref_slice %arg4[%add3A_425] : memref<320000xi32, #tpu.memory_space<hbm>> -> memref<80xi32, #tpu.memory_space<hbm>>
      %dma_wait3A_1211 = tpu.memref_slice %arg4[%add3A_425] : memref<320000xi32, #tpu.memory_space<hbm>> -> memref<80xi32, #tpu.memory_space<hbm>>
      tpu.wait_dma2 semaphore(%run_scoped3A : memref<!tpu.dma_semaphore, #tpu.memory_space<semaphore_mem>>) src(%dma_wait3A_1211 : memref<80xi32, #tpu.memory_space<hbm>>) dst(%arg13 : memref<80xi32, #tpu.memory_space<vmem>>)
      tpu.yield
    }) : () -> ()
    %get3A_426 = arith.constant 0 : index
    %get3A_427 = tpu.vector_load %arg9[%get3A_426] {strides = array<i32>} : memref<80xi32, #tpu.memory_space<vmem>>, vector<16xi32>,
    %get3A_428 = vector.shape_cast %get3A_427 : vector<16xi32> to vector<16xi32>
    %get3A_429 = arith.constant 0 : index
    %get3A_430 = tpu.vector_load %arg13[%get3A_429] {strides = array<i32>} : memref<80xi32, #tpu.memory_space<vmem>>, vector<16xi32>,
    %get3A_431 = vector.shape_cast %get3A_430 : vector<16xi32> to vector<16xi32>
    %sub3A_432 = arith.subi %get3A_428, %get3A_431 : vector<16xi32>
    %neg3A_433 = arith.constant 0 : i32
    %neg3A_434 = vector.broadcast %neg3A_433 : i32 to vector<16xi32>
    %neg3A_435 = arith.subi %neg3A_434, %sub3A_432 : vector<16xi32>
    %or3A_436 = arith.ori %sub3A_432, %neg3A_435 : vector<16xi32>
    %shift_right_arithmetic3A_437 = arith.constant 31 : i32
    %shift_right_arithmetic3A_438 = vector.broadcast %shift_right_arithmetic3A_437 : i32 to vector<16xi32>
    %shift_right_arithmetic3A_439 = arith.shrsi %or3A_436, %shift_right_arithmetic3A_438 : vector<16xi32>
    %and3A_440 = arith.andi %get3A_431, %shift_right_arithmetic3A_439 : vector<16xi32>
    %not3A_441 = arith.constant dense<-1> : vector<16xi32>
    %not3A_442 = arith.xori %shift_right_arithmetic3A_439, %not3A_441 : vector<16xi32>
    %and3A_443 = arith.constant 10000 : i32
    %and3A_444 = vector.broadcast %and3A_443 : i32 to vector<16xi32>
    %and3A_445 = arith.andi %and3A_444, %not3A_442 : vector<16xi32>
    %or3A_446 = arith.ori %and3A_440, %and3A_445 : vector<16xi32>
    %swap3A_447 = arith.constant 0 : index
    %swap3A_448 = tpu.vector_load %arg17[%swap3A_447] {strides = array<i32>} : memref<80xi32, #tpu.memory_space<vmem>>, vector<16xi32>,
    %swap3A_449 = vector.shape_cast %swap3A_448 : vector<16xi32> to vector<16xi32>
    %swap3A_450 = vector.shape_cast %or3A_446 : vector<16xi32> to vector<16xi32>
    tpu.vector_store %arg17[%swap3A_447], %swap3A_450 {strides = array<i32>} : memref<80xi32, #tpu.memory_space<vmem>>, vector<16xi32>,
    %get3A_451 = arith.constant 16 : index
    %get3A_452 = tpu.vector_load %arg9[%get3A_451] {strides = array<i32>} : memref<80xi32, #tpu.memory_space<vmem>>, vector<16xi32>,
    %get3A_453 = vector.shape_cast %get3A_452 : vector<16xi32> to vector<16xi32>
    %get3A_454 = arith.constant 16 : index
    %get3A_455 = tpu.vector_load %arg13[%get3A_454] {strides = array<i32>} : memref<80xi32, #tpu.memory_space<vmem>>, vector<16xi32>,
    %get3A_456 = vector.shape_cast %get3A_455 : vector<16xi32> to vector<16xi32>
    %sub3A_457 = arith.subi %get3A_453, %get3A_456 : vector<16xi32>
    %neg3A_458 = arith.constant 0 : i32
    %neg3A_459 = vector.broadcast %neg3A_458 : i32 to vector<16xi32>
    %neg3A_460 = arith.subi %neg3A_459, %sub3A_457 : vector<16xi32>
    %or3A_461 = arith.ori %sub3A_457, %neg3A_460 : vector<16xi32>
    %shift_right_arithmetic3A_462 = arith.constant 31 : i32
    %shift_right_arithmetic3A_463 = vector.broadcast %shift_right_arithmetic3A_462 : i32 to vector<16xi32>
    %shift_right_arithmetic3A_464 = arith.shrsi %or3A_461, %shift_right_arithmetic3A_463 : vector<16xi32>
    %and3A_465 = arith.andi %get3A_456, %shift_right_arithmetic3A_464 : vector<16xi32>
    %not3A_466 = arith.constant dense<-1> : vector<16xi32>
    %not3A_467 = arith.xori %shift_right_arithmetic3A_464, %not3A_466 : vector<16xi32>
    %and3A_468 = arith.constant 10000 : i32
    %and3A_469 = vector.broadcast %and3A_468 : i32 to vector<16xi32>
    %and3A_470 = arith.andi %and3A_469, %not3A_467 : vector<16xi32>
    %or3A_471 = arith.ori %and3A_465, %and3A_470 : vector<16xi32>
    %swap3A_472 = arith.constant 16 : index
    %swap3A_473 = tpu.vector_load %arg17[%swap3A_472] {strides = array<i32>} : memref<80xi32, #tpu.memory_space<vmem>>, vector<16xi32>,
    %swap3A_474 = vector.shape_cast %swap3A_473 : vector<16xi32> to vector<16xi32>
    %swap3A_475 = vector.shape_cast %or3A_471 : vector<16xi32> to vector<16xi32>
    tpu.vector_store %arg17[%swap3A_472], %swap3A_475 {strides = array<i32>} : memref<80xi32, #tpu.memory_space<vmem>>, vector<16xi32>,
    %get3A_476 = arith.constant 32 : index
    %get3A_477 = tpu.vector_load %arg9[%get3A_476] {strides = array<i32>} : memref<80xi32, #tpu.memory_space<vmem>>, vector<16xi32>,
    %get3A_478 = vector.shape_cast %get3A_477 : vector<16xi32> to vector<16xi32>
    %get3A_479 = arith.constant 32 : index
    %get3A_480 = tpu.vector_load %arg13[%get3A_479] {strides = array<i32>} : memref<80xi32, #tpu.memory_space<vmem>>, vector<16xi32>,
    %get3A_481 = vector.shape_cast %get3A_480 : vector<16xi32> to vector<16xi32>
    %sub3A_482 = arith.subi %get3A_478, %get3A_481 : vector<16xi32>
    %neg3A_483 = arith.constant 0 : i32
    %neg3A_484 = vector.broadcast %neg3A_483 : i32 to vector<16xi32>
    %neg3A_485 = arith.subi %neg3A_484, %sub3A_482 : vector<16xi32>
    %or3A_486 = arith.ori %sub3A_482, %neg3A_485 : vector<16xi32>
    %shift_right_arithmetic3A_487 = arith.constant 31 : i32
    %shift_right_arithmetic3A_488 = vector.broadcast %shift_right_arithmetic3A_487 : i32 to vector<16xi32>
    %shift_right_arithmetic3A_489 = arith.shrsi %or3A_486, %shift_right_arithmetic3A_488 : vector<16xi32>
    %and3A_490 = arith.andi %get3A_481, %shift_right_arithmetic3A_489 : vector<16xi32>
    %not3A_491 = arith.constant dense<-1> : vector<16xi32>
    %not3A_492 = arith.xori %shift_right_arithmetic3A_489, %not3A_491 : vector<16xi32>
    %and3A_493 = arith.constant 10000 : i32
    %and3A_494 = vector.broadcast %and3A_493 : i32 to vector<16xi32>
    %and3A_495 = arith.andi %and3A_494, %not3A_492 : vector<16xi32>
    %or3A_496 = arith.ori %and3A_490, %and3A_495 : vector<16xi32>
    %swap3A_497 = arith.constant 32 : index
    %swap3A_498 = tpu.vector_load %arg17[%swap3A_497] {strides = array<i32>} : memref<80xi32, #tpu.memory_space<vmem>>, vector<16xi32>,
    %swap3A_499 = vector.shape_cast %swap3A_498 : vector<16xi32> to vector<16xi32>
    %swap3A_500 = vector.shape_cast %or3A_496 : vector<16xi32> to vector<16xi32>
    tpu.vector_store %arg17[%swap3A_497], %swap3A_500 {strides = array<i32>} : memref<80xi32, #tpu.memory_space<vmem>>, vector<16xi32>,
    %get3A_501 = arith.constant 48 : index
    %get3A_502 = tpu.vector_load %arg9[%get3A_501] {strides = array<i32>} : memref<80xi32, #tpu.memory_space<vmem>>, vector<16xi32>,
    %get3A_503 = vector.shape_cast %get3A_502 : vector<16xi32> to vector<16xi32>
    %get3A_504 = arith.constant 48 : index
    %get3A_505 = tpu.vector_load %arg13[%get3A_504] {strides = array<i32>} : memref<80xi32, #tpu.memory_space<vmem>>, vector<16xi32>,
    %get3A_506 = vector.shape_cast %get3A_505 : vector<16xi32> to vector<16xi32>
    %sub3A_507 = arith.subi %get3A_503, %get3A_506 : vector<16xi32>
    %neg3A_508 = arith.constant 0 : i32
    %neg3A_509 = vector.broadcast %neg3A_508 : i32 to vector<16xi32>
    %neg3A_510 = arith.subi %neg3A_509, %sub3A_507 : vector<16xi32>
    %or3A_511 = arith.ori %sub3A_507, %neg3A_510 : vector<16xi32>
    %shift_right_arithmetic3A_512 = arith.constant 31 : i32
    %shift_right_arithmetic3A_513 = vector.broadcast %shift_right_arithmetic3A_512 : i32 to vector<16xi32>
    %shift_right_arithmetic3A_514 = arith.shrsi %or3A_511, %shift_right_arithmetic3A_513 : vector<16xi32>
    %and3A_515 = arith.andi %get3A_506, %shift_right_arithmetic3A_514 : vector<16xi32>
    %not3A_516 = arith.constant dense<-1> : vector<16xi32>
    %not3A_517 = arith.xori %shift_right_arithmetic3A_514, %not3A_516 : vector<16xi32>
    %and3A_518 = arith.constant 10000 : i32
    %and3A_519 = vector.broadcast %and3A_518 : i32 to vector<16xi32>
    %and3A_520 = arith.andi %and3A_519, %not3A_517 : vector<16xi32>
    %or3A_521 = arith.ori %and3A_515, %and3A_520 : vector<16xi32>
    %swap3A_522 = arith.constant 48 : index
    %swap3A_523 = tpu.vector_load %arg17[%swap3A_522] {strides = array<i32>} : memref<80xi32, #tpu.memory_space<vmem>>, vector<16xi32>,
    %swap3A_524 = vector.shape_cast %swap3A_523 : vector<16xi32> to vector<16xi32>
    %swap3A_525 = vector.shape_cast %or3A_521 : vector<16xi32> to vector<16xi32>
    tpu.vector_store %arg17[%swap3A_522], %swap3A_525 {strides = array<i32>} : memref<80xi32, #tpu.memory_space<vmem>>, vector<16xi32>,
    %get3A_526 = arith.constant 64 : index
    %get3A_527 = tpu.vector_load %arg9[%get3A_526] {strides = array<i32>} : memref<80xi32, #tpu.memory_space<vmem>>, vector<16xi32>,
    %get3A_528 = vector.shape_cast %get3A_527 : vector<16xi32> to vector<16xi32>
    %get3A_529 = arith.constant 64 : index
    %get3A_530 = tpu.vector_load %arg13[%get3A_529] {strides = array<i32>} : memref<80xi32, #tpu.memory_space<vmem>>, vector<16xi32>,
    %get3A_531 = vector.shape_cast %get3A_530 : vector<16xi32> to vector<16xi32>
    %sub3A_532 = arith.subi %get3A_528, %get3A_531 : vector<16xi32>
    %neg3A_533 = arith.constant 0 : i32
    %neg3A_534 = vector.broadcast %neg3A_533 : i32 to vector<16xi32>
    %neg3A_535 = arith.subi %neg3A_534, %sub3A_532 : vector<16xi32>
    %or3A_536 = arith.ori %sub3A_532, %neg3A_535 : vector<16xi32>
    %shift_right_arithmetic3A_537 = arith.constant 31 : i32
    %shift_right_arithmetic3A_538 = vector.broadcast %shift_right_arithmetic3A_537 : i32 to vector<16xi32>
    %shift_right_arithmetic3A_539 = arith.shrsi %or3A_536, %shift_right_arithmetic3A_538 : vector<16xi32>
    %and3A_540 = arith.andi %get3A_531, %shift_right_arithmetic3A_539 : vector<16xi32>
    %not3A_541 = arith.constant dense<-1> : vector<16xi32>
    %not3A_542 = arith.xori %shift_right_arithmetic3A_539, %not3A_541 : vector<16xi32>
    %and3A_543 = arith.constant 10000 : i32
    %and3A_544 = vector.broadcast %and3A_543 : i32 to vector<16xi32>
    %and3A_545 = arith.andi %and3A_544, %not3A_542 : vector<16xi32>
    %or3A_546 = arith.ori %and3A_540, %and3A_545 : vector<16xi32>
    %swap3A_547 = arith.constant 64 : index
    %swap3A_548 = tpu.vector_load %arg17[%swap3A_547] {strides = array<i32>} : memref<80xi32, #tpu.memory_space<vmem>>, vector<16xi32>,
    %swap3A_549 = vector.shape_cast %swap3A_548 : vector<16xi32> to vector<16xi32>
    %swap3A_550 = vector.shape_cast %or3A_546 : vector<16xi32> to vector<16xi32>
    tpu.vector_store %arg17[%swap3A_547], %swap3A_550 {strides = array<i32>} : memref<80xi32, #tpu.memory_space<vmem>>, vector<16xi32>,
    %dma_start3A_551 = arith.constant 0 : i32
    %dma_start3A_552 = arith.constant 0 : i32
    %dma_start3A_553 = tpu.memref_slice %arg2[%dma_start3A_551, %dma_start3A_552] : memref<10240x128xf32, #tpu.memory_space<hbm>> -> memref<10240x128xf32, #tpu.memory_space<hbm>>
    tpu.enqueue_indirect_dma source(%dma_start3A_553 : memref<10240x128xf32, #tpu.memory_space<hbm>>) target(%arg21 : memref<80x128xf32, #tpu.memory_space<vmem>>) offsets(%arg9 : memref<80xi32, #tpu.memory_space<vmem>>) semaphore(%arg26 : memref<!tpu.dma_semaphore, #tpu.memory_space<semaphore_mem>>)
    %dma_wait3A_554 = arith.constant 0 : i32
    %dma_wait3A_555 = arith.constant 0 : i32
    %dma_wait3A_556 = tpu.memref_slice %arg2[%dma_wait3A_554, %dma_wait3A_555] : memref<10240x128xf32, #tpu.memory_space<hbm>> -> memref<10240x128xf32, #tpu.memory_space<hbm>>
    tpu.wait_indirect_dma semaphore(%arg24 : memref<!tpu.dma_semaphore, #tpu.memory_space<semaphore_mem>>) src(%dma_wait3A_556 : memref<10240x128xf32, #tpu.memory_space<hbm>>) dst(%arg19 : memref<80x128xf32, #tpu.memory_space<vmem>>)
    %dma_start3A_557 = arith.constant 0 : i32
    %dma_start3A_558 = arith.constant 0 : i32
    %dma_start3A_559 = tpu.memref_slice %arg22[%dma_start3A_557, %dma_start3A_558] : memref<10240x128xf32, #tpu.memory_space<vmem_shared>> -> memref<10240x128xf32, #tpu.memory_space<vmem_shared>>
    tpu.enqueue_indirect_dma source(%arg19 : memref<80x128xf32, #tpu.memory_space<vmem>>) target(%dma_start3A_559 : memref<10240x128xf32, #tpu.memory_space<vmem_shared>>) offsets(%arg15 : memref<80xi32, #tpu.memory_space<vmem>>) semaphore(%arg28 : memref<!tpu.dma_semaphore, #tpu.memory_space<semaphore_mem>>) {add = true}
    %dma_wait3A_560 = arith.constant 0 : i32
    %dma_wait3A_561 = arith.constant 0 : i32
    %dma_wait3A_562 = tpu.memref_slice %arg22[%dma_wait3A_560, %dma_wait3A_561] : memref<10240x128xf32, #tpu.memory_space<vmem_shared>> -> memref<10240x128xf32, #tpu.memory_space<vmem_shared>>
    tpu.wait_indirect_dma semaphore(%arg27 : memref<!tpu.dma_semaphore, #tpu.memory_space<semaphore_mem>>) src(%arg18 : memref<80x128xf32, #tpu.memory_space<vmem>>) dst(%dma_wait3A_562 : memref<10240x128xf32, #tpu.memory_space<vmem_shared>>)
    %add3A_563 = arith.constant 320 : i32
    %add3A_564 = arith.addi %mul3A_17, %add3A_563 : i32
    "tpu.region"() ({
      %run_scoped3A = tpu.sem_alloc : memref<!tpu.dma_semaphore, #tpu.memory_space<semaphore_mem>>
      %dma_start3A_1208 = tpu.memref_slice %arg3[%add3A_564] : memref<320000xi32, #tpu.memory_space<hbm>> -> memref<80xi32, #tpu.memory_space<hbm>>
      %dma_start3A_1209 = tpu.memref_slice %arg3[%add3A_564] : memref<320000xi32, #tpu.memory_space<hbm>> -> memref<80xi32, #tpu.memory_space<hbm>>
      tpu.enqueue_dma source(%dma_start3A_1209 : memref<80xi32, #tpu.memory_space<hbm>>) target(%arg6 : memref<80xi32, #tpu.memory_space<vmem>>) target_semaphore(%run_scoped3A : memref<!tpu.dma_semaphore, #tpu.memory_space<semaphore_mem>>)
      %dma_wait3A_1210 = tpu.memref_slice %arg3[%add3A_564] : memref<320000xi32, #tpu.memory_space<hbm>> -> memref<80xi32, #tpu.memory_space<hbm>>
      %dma_wait3A_1211 = tpu.memref_slice %arg3[%add3A_564] : memref<320000xi32, #tpu.memory_space<hbm>> -> memref<80xi32, #tpu.memory_space<hbm>>
      tpu.wait_dma2 semaphore(%run_scoped3A : memref<!tpu.dma_semaphore, #tpu.memory_space<semaphore_mem>>) src(%dma_wait3A_1211 : memref<80xi32, #tpu.memory_space<hbm>>) dst(%arg6 : memref<80xi32, #tpu.memory_space<vmem>>)
      tpu.yield
    }) : () -> ()
    %add3A_565 = arith.constant 320 : i32
    %add3A_566 = arith.addi %mul3A_17, %add3A_565 : i32
    "tpu.region"() ({
      %run_scoped3A = tpu.sem_alloc : memref<!tpu.dma_semaphore, #tpu.memory_space<semaphore_mem>>
      %dma_start3A_1208 = tpu.memref_slice %arg4[%add3A_566] : memref<320000xi32, #tpu.memory_space<hbm>> -> memref<80xi32, #tpu.memory_space<hbm>>
      %dma_start3A_1209 = tpu.memref_slice %arg4[%add3A_566] : memref<320000xi32, #tpu.memory_space<hbm>> -> memref<80xi32, #tpu.memory_space<hbm>>
      tpu.enqueue_dma source(%dma_start3A_1209 : memref<80xi32, #tpu.memory_space<hbm>>) target(%arg10 : memref<80xi32, #tpu.memory_space<vmem>>) target_semaphore(%run_scoped3A : memref<!tpu.dma_semaphore, #tpu.memory_space<semaphore_mem>>)
      %dma_wait3A_1210 = tpu.memref_slice %arg4[%add3A_566] : memref<320000xi32, #tpu.memory_space<hbm>> -> memref<80xi32, #tpu.memory_space<hbm>>
      %dma_wait3A_1211 = tpu.memref_slice %arg4[%add3A_566] : memref<320000xi32, #tpu.memory_space<hbm>> -> memref<80xi32, #tpu.memory_space<hbm>>
      tpu.wait_dma2 semaphore(%run_scoped3A : memref<!tpu.dma_semaphore, #tpu.memory_space<semaphore_mem>>) src(%dma_wait3A_1211 : memref<80xi32, #tpu.memory_space<hbm>>) dst(%arg10 : memref<80xi32, #tpu.memory_space<vmem>>)
      tpu.yield
    }) : () -> ()
    %get3A_567 = arith.constant 0 : index
    %get3A_568 = tpu.vector_load %arg6[%get3A_567] {strides = array<i32>} : memref<80xi32, #tpu.memory_space<vmem>>, vector<16xi32>,
    %get3A_569 = vector.shape_cast %get3A_568 : vector<16xi32> to vector<16xi32>
    %get3A_570 = arith.constant 0 : index
    %get3A_571 = tpu.vector_load %arg10[%get3A_570] {strides = array<i32>} : memref<80xi32, #tpu.memory_space<vmem>>, vector<16xi32>,
    %get3A_572 = vector.shape_cast %get3A_571 : vector<16xi32> to vector<16xi32>
    %sub3A_573 = arith.subi %get3A_569, %get3A_572 : vector<16xi32>
    %neg3A_574 = arith.constant 0 : i32
    %neg3A_575 = vector.broadcast %neg3A_574 : i32 to vector<16xi32>
    %neg3A_576 = arith.subi %neg3A_575, %sub3A_573 : vector<16xi32>
    %or3A_577 = arith.ori %sub3A_573, %neg3A_576 : vector<16xi32>
    %shift_right_arithmetic3A_578 = arith.constant 31 : i32
    %shift_right_arithmetic3A_579 = vector.broadcast %shift_right_arithmetic3A_578 : i32 to vector<16xi32>
    %shift_right_arithmetic3A_580 = arith.shrsi %or3A_577, %shift_right_arithmetic3A_579 : vector<16xi32>
    %and3A_581 = arith.andi %get3A_572, %shift_right_arithmetic3A_580 : vector<16xi32>
    %not3A_582 = arith.constant dense<-1> : vector<16xi32>
    %not3A_583 = arith.xori %shift_right_arithmetic3A_580, %not3A_582 : vector<16xi32>
    %and3A_584 = arith.constant 10000 : i32
    %and3A_585 = vector.broadcast %and3A_584 : i32 to vector<16xi32>
    %and3A_586 = arith.andi %and3A_585, %not3A_583 : vector<16xi32>
    %or3A_587 = arith.ori %and3A_581, %and3A_586 : vector<16xi32>
    %swap3A_588 = arith.constant 0 : index
    %swap3A_589 = tpu.vector_load %arg14[%swap3A_588] {strides = array<i32>} : memref<80xi32, #tpu.memory_space<vmem>>, vector<16xi32>,
    %swap3A_590 = vector.shape_cast %swap3A_589 : vector<16xi32> to vector<16xi32>
    %swap3A_591 = vector.shape_cast %or3A_587 : vector<16xi32> to vector<16xi32>
    tpu.vector_store %arg14[%swap3A_588], %swap3A_591 {strides = array<i32>} : memref<80xi32, #tpu.memory_space<vmem>>, vector<16xi32>,
    %get3A_592 = arith.constant 16 : index
    %get3A_593 = tpu.vector_load %arg6[%get3A_592] {strides = array<i32>} : memref<80xi32, #tpu.memory_space<vmem>>, vector<16xi32>,
    %get3A_594 = vector.shape_cast %get3A_593 : vector<16xi32> to vector<16xi32>
    %get3A_595 = arith.constant 16 : index
    %get3A_596 = tpu.vector_load %arg10[%get3A_595] {strides = array<i32>} : memref<80xi32, #tpu.memory_space<vmem>>, vector<16xi32>,
    %get3A_597 = vector.shape_cast %get3A_596 : vector<16xi32> to vector<16xi32>
    %sub3A_598 = arith.subi %get3A_594, %get3A_597 : vector<16xi32>
    %neg3A_599 = arith.constant 0 : i32
    %neg3A_600 = vector.broadcast %neg3A_599 : i32 to vector<16xi32>
    %neg3A_601 = arith.subi %neg3A_600, %sub3A_598 : vector<16xi32>
    %or3A_602 = arith.ori %sub3A_598, %neg3A_601 : vector<16xi32>
    %shift_right_arithmetic3A_603 = arith.constant 31 : i32
    %shift_right_arithmetic3A_604 = vector.broadcast %shift_right_arithmetic3A_603 : i32 to vector<16xi32>
    %shift_right_arithmetic3A_605 = arith.shrsi %or3A_602, %shift_right_arithmetic3A_604 : vector<16xi32>
    %and3A_606 = arith.andi %get3A_597, %shift_right_arithmetic3A_605 : vector<16xi32>
    %not3A_607 = arith.constant dense<-1> : vector<16xi32>
    %not3A_608 = arith.xori %shift_right_arithmetic3A_605, %not3A_607 : vector<16xi32>
    %and3A_609 = arith.constant 10000 : i32
    %and3A_610 = vector.broadcast %and3A_609 : i32 to vector<16xi32>
    %and3A_611 = arith.andi %and3A_610, %not3A_608 : vector<16xi32>
    %or3A_612 = arith.ori %and3A_606, %and3A_611 : vector<16xi32>
    %swap3A_613 = arith.constant 16 : index
    %swap3A_614 = tpu.vector_load %arg14[%swap3A_613] {strides = array<i32>} : memref<80xi32, #tpu.memory_space<vmem>>, vector<16xi32>,
    %swap3A_615 = vector.shape_cast %swap3A_614 : vector<16xi32> to vector<16xi32>
    %swap3A_616 = vector.shape_cast %or3A_612 : vector<16xi32> to vector<16xi32>
    tpu.vector_store %arg14[%swap3A_613], %swap3A_616 {strides = array<i32>} : memref<80xi32, #tpu.memory_space<vmem>>, vector<16xi32>,
    %get3A_617 = arith.constant 32 : index
    %get3A_618 = tpu.vector_load %arg6[%get3A_617] {strides = array<i32>} : memref<80xi32, #tpu.memory_space<vmem>>, vector<16xi32>,
    %get3A_619 = vector.shape_cast %get3A_618 : vector<16xi32> to vector<16xi32>
    %get3A_620 = arith.constant 32 : index
    %get3A_621 = tpu.vector_load %arg10[%get3A_620] {strides = array<i32>} : memref<80xi32, #tpu.memory_space<vmem>>, vector<16xi32>,
    %get3A_622 = vector.shape_cast %get3A_621 : vector<16xi32> to vector<16xi32>
    %sub3A_623 = arith.subi %get3A_619, %get3A_622 : vector<16xi32>
    %neg3A_624 = arith.constant 0 : i32
    %neg3A_625 = vector.broadcast %neg3A_624 : i32 to vector<16xi32>
    %neg3A_626 = arith.subi %neg3A_625, %sub3A_623 : vector<16xi32>
    %or3A_627 = arith.ori %sub3A_623, %neg3A_626 : vector<16xi32>
    %shift_right_arithmetic3A_628 = arith.constant 31 : i32
    %shift_right_arithmetic3A_629 = vector.broadcast %shift_right_arithmetic3A_628 : i32 to vector<16xi32>
    %shift_right_arithmetic3A_630 = arith.shrsi %or3A_627, %shift_right_arithmetic3A_629 : vector<16xi32>
    %and3A_631 = arith.andi %get3A_622, %shift_right_arithmetic3A_630 : vector<16xi32>
    %not3A_632 = arith.constant dense<-1> : vector<16xi32>
    %not3A_633 = arith.xori %shift_right_arithmetic3A_630, %not3A_632 : vector<16xi32>
    %and3A_634 = arith.constant 10000 : i32
    %and3A_635 = vector.broadcast %and3A_634 : i32 to vector<16xi32>
    %and3A_636 = arith.andi %and3A_635, %not3A_633 : vector<16xi32>
    %or3A_637 = arith.ori %and3A_631, %and3A_636 : vector<16xi32>
    %swap3A_638 = arith.constant 32 : index
    %swap3A_639 = tpu.vector_load %arg14[%swap3A_638] {strides = array<i32>} : memref<80xi32, #tpu.memory_space<vmem>>, vector<16xi32>,
    %swap3A_640 = vector.shape_cast %swap3A_639 : vector<16xi32> to vector<16xi32>
    %swap3A_641 = vector.shape_cast %or3A_637 : vector<16xi32> to vector<16xi32>
    tpu.vector_store %arg14[%swap3A_638], %swap3A_641 {strides = array<i32>} : memref<80xi32, #tpu.memory_space<vmem>>, vector<16xi32>,
    %get3A_642 = arith.constant 48 : index
    %get3A_643 = tpu.vector_load %arg6[%get3A_642] {strides = array<i32>} : memref<80xi32, #tpu.memory_space<vmem>>, vector<16xi32>,
    %get3A_644 = vector.shape_cast %get3A_643 : vector<16xi32> to vector<16xi32>
    %get3A_645 = arith.constant 48 : index
    %get3A_646 = tpu.vector_load %arg10[%get3A_645] {strides = array<i32>} : memref<80xi32, #tpu.memory_space<vmem>>, vector<16xi32>,
    %get3A_647 = vector.shape_cast %get3A_646 : vector<16xi32> to vector<16xi32>
    %sub3A_648 = arith.subi %get3A_644, %get3A_647 : vector<16xi32>
    %neg3A_649 = arith.constant 0 : i32
    %neg3A_650 = vector.broadcast %neg3A_649 : i32 to vector<16xi32>
    %neg3A_651 = arith.subi %neg3A_650, %sub3A_648 : vector<16xi32>
    %or3A_652 = arith.ori %sub3A_648, %neg3A_651 : vector<16xi32>
    %shift_right_arithmetic3A_653 = arith.constant 31 : i32
    %shift_right_arithmetic3A_654 = vector.broadcast %shift_right_arithmetic3A_653 : i32 to vector<16xi32>
    %shift_right_arithmetic3A_655 = arith.shrsi %or3A_652, %shift_right_arithmetic3A_654 : vector<16xi32>
    %and3A_656 = arith.andi %get3A_647, %shift_right_arithmetic3A_655 : vector<16xi32>
    %not3A_657 = arith.constant dense<-1> : vector<16xi32>
    %not3A_658 = arith.xori %shift_right_arithmetic3A_655, %not3A_657 : vector<16xi32>
    %and3A_659 = arith.constant 10000 : i32
    %and3A_660 = vector.broadcast %and3A_659 : i32 to vector<16xi32>
    %and3A_661 = arith.andi %and3A_660, %not3A_658 : vector<16xi32>
    %or3A_662 = arith.ori %and3A_656, %and3A_661 : vector<16xi32>
    %swap3A_663 = arith.constant 48 : index
    %swap3A_664 = tpu.vector_load %arg14[%swap3A_663] {strides = array<i32>} : memref<80xi32, #tpu.memory_space<vmem>>, vector<16xi32>,
    %swap3A_665 = vector.shape_cast %swap3A_664 : vector<16xi32> to vector<16xi32>
    %swap3A_666 = vector.shape_cast %or3A_662 : vector<16xi32> to vector<16xi32>
    tpu.vector_store %arg14[%swap3A_663], %swap3A_666 {strides = array<i32>} : memref<80xi32, #tpu.memory_space<vmem>>, vector<16xi32>,
    %get3A_667 = arith.constant 64 : index
    %get3A_668 = tpu.vector_load %arg6[%get3A_667] {strides = array<i32>} : memref<80xi32, #tpu.memory_space<vmem>>, vector<16xi32>,
    %get3A_669 = vector.shape_cast %get3A_668 : vector<16xi32> to vector<16xi32>
    %get3A_670 = arith.constant 64 : index
    %get3A_671 = tpu.vector_load %arg10[%get3A_670] {strides = array<i32>} : memref<80xi32, #tpu.memory_space<vmem>>, vector<16xi32>,
    %get3A_672 = vector.shape_cast %get3A_671 : vector<16xi32> to vector<16xi32>
    %sub3A_673 = arith.subi %get3A_669, %get3A_672 : vector<16xi32>
    %neg3A_674 = arith.constant 0 : i32
    %neg3A_675 = vector.broadcast %neg3A_674 : i32 to vector<16xi32>
    %neg3A_676 = arith.subi %neg3A_675, %sub3A_673 : vector<16xi32>
    %or3A_677 = arith.ori %sub3A_673, %neg3A_676 : vector<16xi32>
    %shift_right_arithmetic3A_678 = arith.constant 31 : i32
    %shift_right_arithmetic3A_679 = vector.broadcast %shift_right_arithmetic3A_678 : i32 to vector<16xi32>
    %shift_right_arithmetic3A_680 = arith.shrsi %or3A_677, %shift_right_arithmetic3A_679 : vector<16xi32>
    %and3A_681 = arith.andi %get3A_672, %shift_right_arithmetic3A_680 : vector<16xi32>
    %not3A_682 = arith.constant dense<-1> : vector<16xi32>
    %not3A_683 = arith.xori %shift_right_arithmetic3A_680, %not3A_682 : vector<16xi32>
    %and3A_684 = arith.constant 10000 : i32
    %and3A_685 = vector.broadcast %and3A_684 : i32 to vector<16xi32>
    %and3A_686 = arith.andi %and3A_685, %not3A_683 : vector<16xi32>
    %or3A_687 = arith.ori %and3A_681, %and3A_686 : vector<16xi32>
    %swap3A_688 = arith.constant 64 : index
    %swap3A_689 = tpu.vector_load %arg14[%swap3A_688] {strides = array<i32>} : memref<80xi32, #tpu.memory_space<vmem>>, vector<16xi32>,
    %swap3A_690 = vector.shape_cast %swap3A_689 : vector<16xi32> to vector<16xi32>
    %swap3A_691 = vector.shape_cast %or3A_687 : vector<16xi32> to vector<16xi32>
    tpu.vector_store %arg14[%swap3A_688], %swap3A_691 {strides = array<i32>} : memref<80xi32, #tpu.memory_space<vmem>>, vector<16xi32>,
    %dma_start3A_692 = arith.constant 0 : i32
    %dma_start3A_693 = arith.constant 0 : i32
    %dma_start3A_694 = tpu.memref_slice %arg2[%dma_start3A_692, %dma_start3A_693] : memref<10240x128xf32, #tpu.memory_space<hbm>> -> memref<10240x128xf32, #tpu.memory_space<hbm>>
    tpu.enqueue_indirect_dma source(%dma_start3A_694 : memref<10240x128xf32, #tpu.memory_space<hbm>>) target(%arg18 : memref<80x128xf32, #tpu.memory_space<vmem>>) offsets(%arg6 : memref<80xi32, #tpu.memory_space<vmem>>) semaphore(%arg23 : memref<!tpu.dma_semaphore, #tpu.memory_space<semaphore_mem>>)
    %dma_wait3A_695 = arith.constant 0 : i32
    %dma_wait3A_696 = arith.constant 0 : i32
    %dma_wait3A_697 = tpu.memref_slice %arg2[%dma_wait3A_695, %dma_wait3A_696] : memref<10240x128xf32, #tpu.memory_space<hbm>> -> memref<10240x128xf32, #tpu.memory_space<hbm>>
    tpu.wait_indirect_dma semaphore(%arg25 : memref<!tpu.dma_semaphore, #tpu.memory_space<semaphore_mem>>) src(%dma_wait3A_697 : memref<10240x128xf32, #tpu.memory_space<hbm>>) dst(%arg20 : memref<80x128xf32, #tpu.memory_space<vmem>>)
    %dma_start3A_698 = arith.constant 0 : i32
    %dma_start3A_699 = arith.constant 0 : i32
    %dma_start3A_700 = tpu.memref_slice %arg22[%dma_start3A_698, %dma_start3A_699] : memref<10240x128xf32, #tpu.memory_space<vmem_shared>> -> memref<10240x128xf32, #tpu.memory_space<vmem_shared>>
    tpu.enqueue_indirect_dma source(%arg20 : memref<80x128xf32, #tpu.memory_space<vmem>>) target(%dma_start3A_700 : memref<10240x128xf32, #tpu.memory_space<vmem_shared>>) offsets(%arg16 : memref<80xi32, #tpu.memory_space<vmem>>) semaphore(%arg29 : memref<!tpu.dma_semaphore, #tpu.memory_space<semaphore_mem>>) {add = true}
    %dma_wait3A_701 = arith.constant 0 : i32
    %dma_wait3A_702 = arith.constant 0 : i32
    %dma_wait3A_703 = tpu.memref_slice %arg22[%dma_wait3A_701, %dma_wait3A_702] : memref<10240x128xf32, #tpu.memory_space<vmem_shared>> -> memref<10240x128xf32, #tpu.memory_space<vmem_shared>>
    tpu.wait_indirect_dma semaphore(%arg28 : memref<!tpu.dma_semaphore, #tpu.memory_space<semaphore_mem>>) src(%arg19 : memref<80x128xf32, #tpu.memory_space<vmem>>) dst(%dma_wait3A_703 : memref<10240x128xf32, #tpu.memory_space<vmem_shared>>)
    %add3A_704 = arith.constant 400 : i32
    %add3A_705 = arith.addi %mul3A_17, %add3A_704 : i32
    "tpu.region"() ({
      %run_scoped3A = tpu.sem_alloc : memref<!tpu.dma_semaphore, #tpu.memory_space<semaphore_mem>>
      %dma_start3A_1208 = tpu.memref_slice %arg3[%add3A_705] : memref<320000xi32, #tpu.memory_space<hbm>> -> memref<80xi32, #tpu.memory_space<hbm>>
      %dma_start3A_1209 = tpu.memref_slice %arg3[%add3A_705] : memref<320000xi32, #tpu.memory_space<hbm>> -> memref<80xi32, #tpu.memory_space<hbm>>
      tpu.enqueue_dma source(%dma_start3A_1209 : memref<80xi32, #tpu.memory_space<hbm>>) target(%arg7 : memref<80xi32, #tpu.memory_space<vmem>>) target_semaphore(%run_scoped3A : memref<!tpu.dma_semaphore, #tpu.memory_space<semaphore_mem>>)
      %dma_wait3A_1210 = tpu.memref_slice %arg3[%add3A_705] : memref<320000xi32, #tpu.memory_space<hbm>> -> memref<80xi32, #tpu.memory_space<hbm>>
      %dma_wait3A_1211 = tpu.memref_slice %arg3[%add3A_705] : memref<320000xi32, #tpu.memory_space<hbm>> -> memref<80xi32, #tpu.memory_space<hbm>>
      tpu.wait_dma2 semaphore(%run_scoped3A : memref<!tpu.dma_semaphore, #tpu.memory_space<semaphore_mem>>) src(%dma_wait3A_1211 : memref<80xi32, #tpu.memory_space<hbm>>) dst(%arg7 : memref<80xi32, #tpu.memory_space<vmem>>)
      tpu.yield
    }) : () -> ()
    %add3A_706 = arith.constant 400 : i32
    %add3A_707 = arith.addi %mul3A_17, %add3A_706 : i32
    "tpu.region"() ({
      %run_scoped3A = tpu.sem_alloc : memref<!tpu.dma_semaphore, #tpu.memory_space<semaphore_mem>>
      %dma_start3A_1208 = tpu.memref_slice %arg4[%add3A_707] : memref<320000xi32, #tpu.memory_space<hbm>> -> memref<80xi32, #tpu.memory_space<hbm>>
      %dma_start3A_1209 = tpu.memref_slice %arg4[%add3A_707] : memref<320000xi32, #tpu.memory_space<hbm>> -> memref<80xi32, #tpu.memory_space<hbm>>
      tpu.enqueue_dma source(%dma_start3A_1209 : memref<80xi32, #tpu.memory_space<hbm>>) target(%arg11 : memref<80xi32, #tpu.memory_space<vmem>>) target_semaphore(%run_scoped3A : memref<!tpu.dma_semaphore, #tpu.memory_space<semaphore_mem>>)
      %dma_wait3A_1210 = tpu.memref_slice %arg4[%add3A_707] : memref<320000xi32, #tpu.memory_space<hbm>> -> memref<80xi32, #tpu.memory_space<hbm>>
      %dma_wait3A_1211 = tpu.memref_slice %arg4[%add3A_707] : memref<320000xi32, #tpu.memory_space<hbm>> -> memref<80xi32, #tpu.memory_space<hbm>>
      tpu.wait_dma2 semaphore(%run_scoped3A : memref<!tpu.dma_semaphore, #tpu.memory_space<semaphore_mem>>) src(%dma_wait3A_1211 : memref<80xi32, #tpu.memory_space<hbm>>) dst(%arg11 : memref<80xi32, #tpu.memory_space<vmem>>)
      tpu.yield
    }) : () -> ()
    %get3A_708 = arith.constant 0 : index
    %get3A_709 = tpu.vector_load %arg7[%get3A_708] {strides = array<i32>} : memref<80xi32, #tpu.memory_space<vmem>>, vector<16xi32>,
    %get3A_710 = vector.shape_cast %get3A_709 : vector<16xi32> to vector<16xi32>
    %get3A_711 = arith.constant 0 : index
    %get3A_712 = tpu.vector_load %arg11[%get3A_711] {strides = array<i32>} : memref<80xi32, #tpu.memory_space<vmem>>, vector<16xi32>,
    %get3A_713 = vector.shape_cast %get3A_712 : vector<16xi32> to vector<16xi32>
    %sub3A_714 = arith.subi %get3A_710, %get3A_713 : vector<16xi32>
    %neg3A_715 = arith.constant 0 : i32
    %neg3A_716 = vector.broadcast %neg3A_715 : i32 to vector<16xi32>
    %neg3A_717 = arith.subi %neg3A_716, %sub3A_714 : vector<16xi32>
    %or3A_718 = arith.ori %sub3A_714, %neg3A_717 : vector<16xi32>
    %shift_right_arithmetic3A_719 = arith.constant 31 : i32
    %shift_right_arithmetic3A_720 = vector.broadcast %shift_right_arithmetic3A_719 : i32 to vector<16xi32>
    %shift_right_arithmetic3A_721 = arith.shrsi %or3A_718, %shift_right_arithmetic3A_720 : vector<16xi32>
    %and3A_722 = arith.andi %get3A_713, %shift_right_arithmetic3A_721 : vector<16xi32>
    %not3A_723 = arith.constant dense<-1> : vector<16xi32>
    %not3A_724 = arith.xori %shift_right_arithmetic3A_721, %not3A_723 : vector<16xi32>
    %and3A_725 = arith.constant 10000 : i32
    %and3A_726 = vector.broadcast %and3A_725 : i32 to vector<16xi32>
    %and3A_727 = arith.andi %and3A_726, %not3A_724 : vector<16xi32>
    %or3A_728 = arith.ori %and3A_722, %and3A_727 : vector<16xi32>
    %swap3A_729 = arith.constant 0 : index
    %swap3A_730 = tpu.vector_load %arg15[%swap3A_729] {strides = array<i32>} : memref<80xi32, #tpu.memory_space<vmem>>, vector<16xi32>,
    %swap3A_731 = vector.shape_cast %swap3A_730 : vector<16xi32> to vector<16xi32>
    %swap3A_732 = vector.shape_cast %or3A_728 : vector<16xi32> to vector<16xi32>
    tpu.vector_store %arg15[%swap3A_729], %swap3A_732 {strides = array<i32>} : memref<80xi32, #tpu.memory_space<vmem>>, vector<16xi32>,
    %get3A_733 = arith.constant 16 : index
    %get3A_734 = tpu.vector_load %arg7[%get3A_733] {strides = array<i32>} : memref<80xi32, #tpu.memory_space<vmem>>, vector<16xi32>,
    %get3A_735 = vector.shape_cast %get3A_734 : vector<16xi32> to vector<16xi32>
    %get3A_736 = arith.constant 16 : index
    %get3A_737 = tpu.vector_load %arg11[%get3A_736] {strides = array<i32>} : memref<80xi32, #tpu.memory_space<vmem>>, vector<16xi32>,
    %get3A_738 = vector.shape_cast %get3A_737 : vector<16xi32> to vector<16xi32>
    %sub3A_739 = arith.subi %get3A_735, %get3A_738 : vector<16xi32>
    %neg3A_740 = arith.constant 0 : i32
    %neg3A_741 = vector.broadcast %neg3A_740 : i32 to vector<16xi32>
    %neg3A_742 = arith.subi %neg3A_741, %sub3A_739 : vector<16xi32>
    %or3A_743 = arith.ori %sub3A_739, %neg3A_742 : vector<16xi32>
    %shift_right_arithmetic3A_744 = arith.constant 31 : i32
    %shift_right_arithmetic3A_745 = vector.broadcast %shift_right_arithmetic3A_744 : i32 to vector<16xi32>
    %shift_right_arithmetic3A_746 = arith.shrsi %or3A_743, %shift_right_arithmetic3A_745 : vector<16xi32>
    %and3A_747 = arith.andi %get3A_738, %shift_right_arithmetic3A_746 : vector<16xi32>
    %not3A_748 = arith.constant dense<-1> : vector<16xi32>
    %not3A_749 = arith.xori %shift_right_arithmetic3A_746, %not3A_748 : vector<16xi32>
    %and3A_750 = arith.constant 10000 : i32
    %and3A_751 = vector.broadcast %and3A_750 : i32 to vector<16xi32>
    %and3A_752 = arith.andi %and3A_751, %not3A_749 : vector<16xi32>
    %or3A_753 = arith.ori %and3A_747, %and3A_752 : vector<16xi32>
    %swap3A_754 = arith.constant 16 : index
    %swap3A_755 = tpu.vector_load %arg15[%swap3A_754] {strides = array<i32>} : memref<80xi32, #tpu.memory_space<vmem>>, vector<16xi32>,
    %swap3A_756 = vector.shape_cast %swap3A_755 : vector<16xi32> to vector<16xi32>
    %swap3A_757 = vector.shape_cast %or3A_753 : vector<16xi32> to vector<16xi32>
    tpu.vector_store %arg15[%swap3A_754], %swap3A_757 {strides = array<i32>} : memref<80xi32, #tpu.memory_space<vmem>>, vector<16xi32>,
    %get3A_758 = arith.constant 32 : index
    %get3A_759 = tpu.vector_load %arg7[%get3A_758] {strides = array<i32>} : memref<80xi32, #tpu.memory_space<vmem>>, vector<16xi32>,
    %get3A_760 = vector.shape_cast %get3A_759 : vector<16xi32> to vector<16xi32>
    %get3A_761 = arith.constant 32 : index
    %get3A_762 = tpu.vector_load %arg11[%get3A_761] {strides = array<i32>} : memref<80xi32, #tpu.memory_space<vmem>>, vector<16xi32>,
    %get3A_763 = vector.shape_cast %get3A_762 : vector<16xi32> to vector<16xi32>
    %sub3A_764 = arith.subi %get3A_760, %get3A_763 : vector<16xi32>
    %neg3A_765 = arith.constant 0 : i32
    %neg3A_766 = vector.broadcast %neg3A_765 : i32 to vector<16xi32>
    %neg3A_767 = arith.subi %neg3A_766, %sub3A_764 : vector<16xi32>
    %or3A_768 = arith.ori %sub3A_764, %neg3A_767 : vector<16xi32>
    %shift_right_arithmetic3A_769 = arith.constant 31 : i32
    %shift_right_arithmetic3A_770 = vector.broadcast %shift_right_arithmetic3A_769 : i32 to vector<16xi32>
    %shift_right_arithmetic3A_771 = arith.shrsi %or3A_768, %shift_right_arithmetic3A_770 : vector<16xi32>
    %and3A_772 = arith.andi %get3A_763, %shift_right_arithmetic3A_771 : vector<16xi32>
    %not3A_773 = arith.constant dense<-1> : vector<16xi32>
    %not3A_774 = arith.xori %shift_right_arithmetic3A_771, %not3A_773 : vector<16xi32>
    %and3A_775 = arith.constant 10000 : i32
    %and3A_776 = vector.broadcast %and3A_775 : i32 to vector<16xi32>
    %and3A_777 = arith.andi %and3A_776, %not3A_774 : vector<16xi32>
    %or3A_778 = arith.ori %and3A_772, %and3A_777 : vector<16xi32>
    %swap3A_779 = arith.constant 32 : index
    %swap3A_780 = tpu.vector_load %arg15[%swap3A_779] {strides = array<i32>} : memref<80xi32, #tpu.memory_space<vmem>>, vector<16xi32>,
    %swap3A_781 = vector.shape_cast %swap3A_780 : vector<16xi32> to vector<16xi32>
    %swap3A_782 = vector.shape_cast %or3A_778 : vector<16xi32> to vector<16xi32>
    tpu.vector_store %arg15[%swap3A_779], %swap3A_782 {strides = array<i32>} : memref<80xi32, #tpu.memory_space<vmem>>, vector<16xi32>,
    %get3A_783 = arith.constant 48 : index
    %get3A_784 = tpu.vector_load %arg7[%get3A_783] {strides = array<i32>} : memref<80xi32, #tpu.memory_space<vmem>>, vector<16xi32>,
    %get3A_785 = vector.shape_cast %get3A_784 : vector<16xi32> to vector<16xi32>
    %get3A_786 = arith.constant 48 : index
    %get3A_787 = tpu.vector_load %arg11[%get3A_786] {strides = array<i32>} : memref<80xi32, #tpu.memory_space<vmem>>, vector<16xi32>,
    %get3A_788 = vector.shape_cast %get3A_787 : vector<16xi32> to vector<16xi32>
    %sub3A_789 = arith.subi %get3A_785, %get3A_788 : vector<16xi32>
    %neg3A_790 = arith.constant 0 : i32
    %neg3A_791 = vector.broadcast %neg3A_790 : i32 to vector<16xi32>
    %neg3A_792 = arith.subi %neg3A_791, %sub3A_789 : vector<16xi32>
    %or3A_793 = arith.ori %sub3A_789, %neg3A_792 : vector<16xi32>
    %shift_right_arithmetic3A_794 = arith.constant 31 : i32
    %shift_right_arithmetic3A_795 = vector.broadcast %shift_right_arithmetic3A_794 : i32 to vector<16xi32>
    %shift_right_arithmetic3A_796 = arith.shrsi %or3A_793, %shift_right_arithmetic3A_795 : vector<16xi32>
    %and3A_797 = arith.andi %get3A_788, %shift_right_arithmetic3A_796 : vector<16xi32>
    %not3A_798 = arith.constant dense<-1> : vector<16xi32>
    %not3A_799 = arith.xori %shift_right_arithmetic3A_796, %not3A_798 : vector<16xi32>
    %and3A_800 = arith.constant 10000 : i32
    %and3A_801 = vector.broadcast %and3A_800 : i32 to vector<16xi32>
    %and3A_802 = arith.andi %and3A_801, %not3A_799 : vector<16xi32>
    %or3A_803 = arith.ori %and3A_797, %and3A_802 : vector<16xi32>
    %swap3A_804 = arith.constant 48 : index
    %swap3A_805 = tpu.vector_load %arg15[%swap3A_804] {strides = array<i32>} : memref<80xi32, #tpu.memory_space<vmem>>, vector<16xi32>,
    %swap3A_806 = vector.shape_cast %swap3A_805 : vector<16xi32> to vector<16xi32>
    %swap3A_807 = vector.shape_cast %or3A_803 : vector<16xi32> to vector<16xi32>
    tpu.vector_store %arg15[%swap3A_804], %swap3A_807 {strides = array<i32>} : memref<80xi32, #tpu.memory_space<vmem>>, vector<16xi32>,
    %get3A_808 = arith.constant 64 : index
    %get3A_809 = tpu.vector_load %arg7[%get3A_808] {strides = array<i32>} : memref<80xi32, #tpu.memory_space<vmem>>, vector<16xi32>,
    %get3A_810 = vector.shape_cast %get3A_809 : vector<16xi32> to vector<16xi32>
    %get3A_811 = arith.constant 64 : index
    %get3A_812 = tpu.vector_load %arg11[%get3A_811] {strides = array<i32>} : memref<80xi32, #tpu.memory_space<vmem>>, vector<16xi32>,
    %get3A_813 = vector.shape_cast %get3A_812 : vector<16xi32> to vector<16xi32>
    %sub3A_814 = arith.subi %get3A_810, %get3A_813 : vector<16xi32>
    %neg3A_815 = arith.constant 0 : i32
    %neg3A_816 = vector.broadcast %neg3A_815 : i32 to vector<16xi32>
    %neg3A_817 = arith.subi %neg3A_816, %sub3A_814 : vector<16xi32>
    %or3A_818 = arith.ori %sub3A_814, %neg3A_817 : vector<16xi32>
    %shift_right_arithmetic3A_819 = arith.constant 31 : i32
    %shift_right_arithmetic3A_820 = vector.broadcast %shift_right_arithmetic3A_819 : i32 to vector<16xi32>
    %shift_right_arithmetic3A_821 = arith.shrsi %or3A_818, %shift_right_arithmetic3A_820 : vector<16xi32>
    %and3A_822 = arith.andi %get3A_813, %shift_right_arithmetic3A_821 : vector<16xi32>
    %not3A_823 = arith.constant dense<-1> : vector<16xi32>
    %not3A_824 = arith.xori %shift_right_arithmetic3A_821, %not3A_823 : vector<16xi32>
    %and3A_825 = arith.constant 10000 : i32
    %and3A_826 = vector.broadcast %and3A_825 : i32 to vector<16xi32>
    %and3A_827 = arith.andi %and3A_826, %not3A_824 : vector<16xi32>
    %or3A_828 = arith.ori %and3A_822, %and3A_827 : vector<16xi32>
    %swap3A_829 = arith.constant 64 : index
    %swap3A_830 = tpu.vector_load %arg15[%swap3A_829] {strides = array<i32>} : memref<80xi32, #tpu.memory_space<vmem>>, vector<16xi32>,
    %swap3A_831 = vector.shape_cast %swap3A_830 : vector<16xi32> to vector<16xi32>
    %swap3A_832 = vector.shape_cast %or3A_828 : vector<16xi32> to vector<16xi32>
    tpu.vector_store %arg15[%swap3A_829], %swap3A_832 {strides = array<i32>} : memref<80xi32, #tpu.memory_space<vmem>>, vector<16xi32>,
    %dma_start3A_833 = arith.constant 0 : i32
    %dma_start3A_834 = arith.constant 0 : i32
    %dma_start3A_835 = tpu.memref_slice %arg2[%dma_start3A_833, %dma_start3A_834] : memref<10240x128xf32, #tpu.memory_space<hbm>> -> memref<10240x128xf32, #tpu.memory_space<hbm>>
    tpu.enqueue_indirect_dma source(%dma_start3A_835 : memref<10240x128xf32, #tpu.memory_space<hbm>>) target(%arg19 : memref<80x128xf32, #tpu.memory_space<vmem>>) offsets(%arg7 : memref<80xi32, #tpu.memory_space<vmem>>) semaphore(%arg24 : memref<!tpu.dma_semaphore, #tpu.memory_space<semaphore_mem>>)
    %dma_wait3A_836 = arith.constant 0 : i32
    %dma_wait3A_837 = arith.constant 0 : i32
    %dma_wait3A_838 = tpu.memref_slice %arg2[%dma_wait3A_836, %dma_wait3A_837] : memref<10240x128xf32, #tpu.memory_space<hbm>> -> memref<10240x128xf32, #tpu.memory_space<hbm>>
    tpu.wait_indirect_dma semaphore(%arg26 : memref<!tpu.dma_semaphore, #tpu.memory_space<semaphore_mem>>) src(%dma_wait3A_838 : memref<10240x128xf32, #tpu.memory_space<hbm>>) dst(%arg21 : memref<80x128xf32, #tpu.memory_space<vmem>>)
    %dma_start3A_839 = arith.constant 0 : i32
    %dma_start3A_840 = arith.constant 0 : i32
    %dma_start3A_841 = tpu.memref_slice %arg22[%dma_start3A_839, %dma_start3A_840] : memref<10240x128xf32, #tpu.memory_space<vmem_shared>> -> memref<10240x128xf32, #tpu.memory_space<vmem_shared>>
    tpu.enqueue_indirect_dma source(%arg21 : memref<80x128xf32, #tpu.memory_space<vmem>>) target(%dma_start3A_841 : memref<10240x128xf32, #tpu.memory_space<vmem_shared>>) offsets(%arg17 : memref<80xi32, #tpu.memory_space<vmem>>) semaphore(%arg30 : memref<!tpu.dma_semaphore, #tpu.memory_space<semaphore_mem>>) {add = true}
    %jit3A_842 = arith.constant 4 : i32
    %div3A = arith.divsi %select_n3A_4, %jit3A_842 : i32
    %sign3A = arith.constant 0 : i32
    %sign3A_843 = arith.cmpi sgt, %select_n3A_4, %sign3A : i32
    %sign3A_844 = arith.extui %sign3A_843 : i1 to i32
    %sign3A_845 = arith.constant 0 : i32
    %sign3A_846 = arith.cmpi slt, %select_n3A_4, %sign3A_845 : i32
    %sign3A_847 = arith.extui %sign3A_846 : i1 to i32
    %sign3A_848 = arith.subi %sign3A_844, %sign3A_847 : i32
    %sign3A_849 = arith.constant 0 : i32
    %sign3A_850 = arith.cmpi sgt, %jit3A_842, %sign3A_849 : i32
    %sign3A_851 = arith.extui %sign3A_850 : i1 to i32
    %sign3A_852 = arith.constant 0 : i32
    %sign3A_853 = arith.cmpi slt, %jit3A_842, %sign3A_852 : i32
    %sign3A_854 = arith.extui %sign3A_853 : i1 to i32
    %sign3A_855 = arith.subi %sign3A_851, %sign3A_854 : i32
    %ne3A = arith.cmpi ne, %sign3A_848, %sign3A_855 : i32
    %rem3A = arith.remsi %select_n3A_4, %jit3A_842 : i32
    %ne3A_856 = arith.constant 0 : i32
    %ne3A_857 = arith.cmpi ne, %rem3A, %ne3A_856 : i32
    %and3A_858 = arith.andi %ne3A, %ne3A_857 : i1
    %sub3A_859 = arith.constant 1 : i32
    %sub3A_860 = arith.subi %div3A, %sub3A_859 : i32
    %select_n3A_861 = arith.select %and3A_858, %sub3A_860, %div3A : i32
    %sub3A_862 = arith.constant 1 : i32
    %sub3A_863 = arith.subi %select_n3A_861, %sub3A_862 : i32
    %while3A = arith.constant 0 : i32
    %while3A_864 = arith.constant 1 : i32
    %while3A_865 = arith.subi %sub3A_863, %while3A_864 : i32
    %while3A_866 = arith.addi %while3A_864, %while3A_865 : i32
    %while3A_867 = arith.constant 1 : i32
    %while3A_868 = arith.divsi %while3A_865, %while3A_867 : i32
    %while3A_869 = arith.muli %while3A_868, %while3A_867 : i32
    %while3A_870 = arith.addi %while3A_864, %while3A_869 : i32
    %while3A_871 = arith.constant 1 : i32
    scf.for %while3A_1208 = %while3A_864 to %while3A_870 step %while3A_871  : i32 {
      %mul3A_1209 = arith.constant 4 : i32
      %mul3A_1210 = arith.muli %while3A_1208, %mul3A_1209 : i32
      %add3A_1211 = arith.constant 0 : i32
      %add3A_1212 = arith.addi %mul3A_1210, %add3A_1211 : i32
      %dma_wait3A_1213 = arith.constant 0 : i32
      %dma_wait3A_1214 = arith.constant 0 : i32
      %dma_wait3A_1215 = tpu.memref_slice %arg22[%dma_wait3A_1213, %dma_wait3A_1214] : memref<10240x128xf32, #tpu.memory_space<vmem_shared>> -> memref<10240x128xf32, #tpu.memory_space<vmem_shared>>
      tpu.wait_indirect_dma semaphore(%arg29 : memref<!tpu.dma_semaphore, #tpu.memory_space<semaphore_mem>>) src(%arg20 : memref<80x128xf32, #tpu.memory_space<vmem>>) dst(%dma_wait3A_1215 : memref<10240x128xf32, #tpu.memory_space<vmem_shared>>)
      %add3A_1216 = arith.constant 2 : i32
      %add3A_1217 = arith.addi %add3A_1212, %add3A_1216 : i32
      %mul3A_1218 = arith.constant 80 : i32
      %mul3A_1219 = arith.muli %add3A_1217, %mul3A_1218 : i32
      %add3A_1220 = arith.addi %mul3A_17, %mul3A_1219 : i32
      "tpu.region"() ({
        %run_scoped3A = tpu.sem_alloc : memref<!tpu.dma_semaphore, #tpu.memory_space<semaphore_mem>>
        %dma_start3A_1805 = tpu.memref_slice %arg3[%add3A_1220] : memref<320000xi32, #tpu.memory_space<hbm>> -> memref<80xi32, #tpu.memory_space<hbm>>
        %dma_start3A_1806 = tpu.memref_slice %arg3[%add3A_1220] : memref<320000xi32, #tpu.memory_space<hbm>> -> memref<80xi32, #tpu.memory_space<hbm>>
        tpu.enqueue_dma source(%dma_start3A_1806 : memref<80xi32, #tpu.memory_space<hbm>>) target(%arg8 : memref<80xi32, #tpu.memory_space<vmem>>) target_semaphore(%run_scoped3A : memref<!tpu.dma_semaphore, #tpu.memory_space<semaphore_mem>>)
        %dma_wait3A_1807 = tpu.memref_slice %arg3[%add3A_1220] : memref<320000xi32, #tpu.memory_space<hbm>> -> memref<80xi32, #tpu.memory_space<hbm>>
        %dma_wait3A_1808 = tpu.memref_slice %arg3[%add3A_1220] : memref<320000xi32, #tpu.memory_space<hbm>> -> memref<80xi32, #tpu.memory_space<hbm>>
        tpu.wait_dma2 semaphore(%run_scoped3A : memref<!tpu.dma_semaphore, #tpu.memory_space<semaphore_mem>>) src(%dma_wait3A_1808 : memref<80xi32, #tpu.memory_space<hbm>>) dst(%arg8 : memref<80xi32, #tpu.memory_space<vmem>>)
        tpu.yield
      }) : () -> ()
      %mul3A_1221 = arith.constant 80 : i32
      %mul3A_1222 = arith.muli %add3A_1217, %mul3A_1221 : i32
      %add3A_1223 = arith.addi %mul3A_17, %mul3A_1222 : i32
      "tpu.region"() ({
        %run_scoped3A = tpu.sem_alloc : memref<!tpu.dma_semaphore, #tpu.memory_space<semaphore_mem>>
        %dma_start3A_1805 = tpu.memref_slice %arg4[%add3A_1223] : memref<320000xi32, #tpu.memory_space<hbm>> -> memref<80xi32, #tpu.memory_space<hbm>>
        %dma_start3A_1806 = tpu.memref_slice %arg4[%add3A_1223] : memref<320000xi32, #tpu.memory_space<hbm>> -> memref<80xi32, #tpu.memory_space<hbm>>
        tpu.enqueue_dma source(%dma_start3A_1806 : memref<80xi32, #tpu.memory_space<hbm>>) target(%arg12 : memref<80xi32, #tpu.memory_space<vmem>>) target_semaphore(%run_scoped3A : memref<!tpu.dma_semaphore, #tpu.memory_space<semaphore_mem>>)
        %dma_wait3A_1807 = tpu.memref_slice %arg4[%add3A_1223] : memref<320000xi32, #tpu.memory_space<hbm>> -> memref<80xi32, #tpu.memory_space<hbm>>
        %dma_wait3A_1808 = tpu.memref_slice %arg4[%add3A_1223] : memref<320000xi32, #tpu.memory_space<hbm>> -> memref<80xi32, #tpu.memory_space<hbm>>
        tpu.wait_dma2 semaphore(%run_scoped3A : memref<!tpu.dma_semaphore, #tpu.memory_space<semaphore_mem>>) src(%dma_wait3A_1808 : memref<80xi32, #tpu.memory_space<hbm>>) dst(%arg12 : memref<80xi32, #tpu.memory_space<vmem>>)
        tpu.yield
      }) : () -> ()
      %get3A_1224 = arith.constant 0 : index
      %get3A_1225 = tpu.vector_load %arg8[%get3A_1224] {strides = array<i32>} : memref<80xi32, #tpu.memory_space<vmem>>, vector<16xi32>,
      %get3A_1226 = vector.shape_cast %get3A_1225 : vector<16xi32> to vector<16xi32>
      %get3A_1227 = arith.constant 0 : index
      %get3A_1228 = tpu.vector_load %arg12[%get3A_1227] {strides = array<i32>} : memref<80xi32, #tpu.memory_space<vmem>>, vector<16xi32>,
      %get3A_1229 = vector.shape_cast %get3A_1228 : vector<16xi32> to vector<16xi32>
      %sub3A_1230 = arith.subi %get3A_1226, %get3A_1229 : vector<16xi32>
      %neg3A_1231 = arith.constant 0 : i32
      %neg3A_1232 = vector.broadcast %neg3A_1231 : i32 to vector<16xi32>
      %neg3A_1233 = arith.subi %neg3A_1232, %sub3A_1230 : vector<16xi32>
      %or3A_1234 = arith.ori %sub3A_1230, %neg3A_1233 : vector<16xi32>
      %shift_right_arithmetic3A_1235 = arith.constant 31 : i32
      %shift_right_arithmetic3A_1236 = vector.broadcast %shift_right_arithmetic3A_1235 : i32 to vector<16xi32>
      %shift_right_arithmetic3A_1237 = arith.shrsi %or3A_1234, %shift_right_arithmetic3A_1236 : vector<16xi32>
      %and3A_1238 = arith.andi %get3A_1229, %shift_right_arithmetic3A_1237 : vector<16xi32>
      %not3A_1239 = arith.constant dense<-1> : vector<16xi32>
      %not3A_1240 = arith.xori %shift_right_arithmetic3A_1237, %not3A_1239 : vector<16xi32>
      %and3A_1241 = arith.constant 10000 : i32
      %and3A_1242 = vector.broadcast %and3A_1241 : i32 to vector<16xi32>
      %and3A_1243 = arith.andi %and3A_1242, %not3A_1240 : vector<16xi32>
      %or3A_1244 = arith.ori %and3A_1238, %and3A_1243 : vector<16xi32>
      %swap3A_1245 = arith.constant 0 : index
      %swap3A_1246 = tpu.vector_load %arg16[%swap3A_1245] {strides = array<i32>} : memref<80xi32, #tpu.memory_space<vmem>>, vector<16xi32>,
      %swap3A_1247 = vector.shape_cast %swap3A_1246 : vector<16xi32> to vector<16xi32>
      %swap3A_1248 = vector.shape_cast %or3A_1244 : vector<16xi32> to vector<16xi32>
      tpu.vector_store %arg16[%swap3A_1245], %swap3A_1248 {strides = array<i32>} : memref<80xi32, #tpu.memory_space<vmem>>, vector<16xi32>,
      %get3A_1249 = arith.constant 16 : index
      %get3A_1250 = tpu.vector_load %arg8[%get3A_1249] {strides = array<i32>} : memref<80xi32, #tpu.memory_space<vmem>>, vector<16xi32>,
      %get3A_1251 = vector.shape_cast %get3A_1250 : vector<16xi32> to vector<16xi32>
      %get3A_1252 = arith.constant 16 : index
      %get3A_1253 = tpu.vector_load %arg12[%get3A_1252] {strides = array<i32>} : memref<80xi32, #tpu.memory_space<vmem>>, vector<16xi32>,
      %get3A_1254 = vector.shape_cast %get3A_1253 : vector<16xi32> to vector<16xi32>
      %sub3A_1255 = arith.subi %get3A_1251, %get3A_1254 : vector<16xi32>
      %neg3A_1256 = arith.constant 0 : i32
      %neg3A_1257 = vector.broadcast %neg3A_1256 : i32 to vector<16xi32>
      %neg3A_1258 = arith.subi %neg3A_1257, %sub3A_1255 : vector<16xi32>
      %or3A_1259 = arith.ori %sub3A_1255, %neg3A_1258 : vector<16xi32>
      %shift_right_arithmetic3A_1260 = arith.constant 31 : i32
      %shift_right_arithmetic3A_1261 = vector.broadcast %shift_right_arithmetic3A_1260 : i32 to vector<16xi32>
      %shift_right_arithmetic3A_1262 = arith.shrsi %or3A_1259, %shift_right_arithmetic3A_1261 : vector<16xi32>
      %and3A_1263 = arith.andi %get3A_1254, %shift_right_arithmetic3A_1262 : vector<16xi32>
      %not3A_1264 = arith.constant dense<-1> : vector<16xi32>
      %not3A_1265 = arith.xori %shift_right_arithmetic3A_1262, %not3A_1264 : vector<16xi32>
      %and3A_1266 = arith.constant 10000 : i32
      %and3A_1267 = vector.broadcast %and3A_1266 : i32 to vector<16xi32>
      %and3A_1268 = arith.andi %and3A_1267, %not3A_1265 : vector<16xi32>
      %or3A_1269 = arith.ori %and3A_1263, %and3A_1268 : vector<16xi32>
      %swap3A_1270 = arith.constant 16 : index
      %swap3A_1271 = tpu.vector_load %arg16[%swap3A_1270] {strides = array<i32>} : memref<80xi32, #tpu.memory_space<vmem>>, vector<16xi32>,
      %swap3A_1272 = vector.shape_cast %swap3A_1271 : vector<16xi32> to vector<16xi32>
      %swap3A_1273 = vector.shape_cast %or3A_1269 : vector<16xi32> to vector<16xi32>
      tpu.vector_store %arg16[%swap3A_1270], %swap3A_1273 {strides = array<i32>} : memref<80xi32, #tpu.memory_space<vmem>>, vector<16xi32>,
      %get3A_1274 = arith.constant 32 : index
      %get3A_1275 = tpu.vector_load %arg8[%get3A_1274] {strides = array<i32>} : memref<80xi32, #tpu.memory_space<vmem>>, vector<16xi32>,
      %get3A_1276 = vector.shape_cast %get3A_1275 : vector<16xi32> to vector<16xi32>
      %get3A_1277 = arith.constant 32 : index
      %get3A_1278 = tpu.vector_load %arg12[%get3A_1277] {strides = array<i32>} : memref<80xi32, #tpu.memory_space<vmem>>, vector<16xi32>,
      %get3A_1279 = vector.shape_cast %get3A_1278 : vector<16xi32> to vector<16xi32>
      %sub3A_1280 = arith.subi %get3A_1276, %get3A_1279 : vector<16xi32>
      %neg3A_1281 = arith.constant 0 : i32
      %neg3A_1282 = vector.broadcast %neg3A_1281 : i32 to vector<16xi32>
      %neg3A_1283 = arith.subi %neg3A_1282, %sub3A_1280 : vector<16xi32>
      %or3A_1284 = arith.ori %sub3A_1280, %neg3A_1283 : vector<16xi32>
      %shift_right_arithmetic3A_1285 = arith.constant 31 : i32
      %shift_right_arithmetic3A_1286 = vector.broadcast %shift_right_arithmetic3A_1285 : i32 to vector<16xi32>
      %shift_right_arithmetic3A_1287 = arith.shrsi %or3A_1284, %shift_right_arithmetic3A_1286 : vector<16xi32>
      %and3A_1288 = arith.andi %get3A_1279, %shift_right_arithmetic3A_1287 : vector<16xi32>
      %not3A_1289 = arith.constant dense<-1> : vector<16xi32>
      %not3A_1290 = arith.xori %shift_right_arithmetic3A_1287, %not3A_1289 : vector<16xi32>
      %and3A_1291 = arith.constant 10000 : i32
      %and3A_1292 = vector.broadcast %and3A_1291 : i32 to vector<16xi32>
      %and3A_1293 = arith.andi %and3A_1292, %not3A_1290 : vector<16xi32>
      %or3A_1294 = arith.ori %and3A_1288, %and3A_1293 : vector<16xi32>
      %swap3A_1295 = arith.constant 32 : index
      %swap3A_1296 = tpu.vector_load %arg16[%swap3A_1295] {strides = array<i32>} : memref<80xi32, #tpu.memory_space<vmem>>, vector<16xi32>,
      %swap3A_1297 = vector.shape_cast %swap3A_1296 : vector<16xi32> to vector<16xi32>
      %swap3A_1298 = vector.shape_cast %or3A_1294 : vector<16xi32> to vector<16xi32>
      tpu.vector_store %arg16[%swap3A_1295], %swap3A_1298 {strides = array<i32>} : memref<80xi32, #tpu.memory_space<vmem>>, vector<16xi32>,
      %get3A_1299 = arith.constant 48 : index
      %get3A_1300 = tpu.vector_load %arg8[%get3A_1299] {strides = array<i32>} : memref<80xi32, #tpu.memory_space<vmem>>, vector<16xi32>,
      %get3A_1301 = vector.shape_cast %get3A_1300 : vector<16xi32> to vector<16xi32>
      %get3A_1302 = arith.constant 48 : index
      %get3A_1303 = tpu.vector_load %arg12[%get3A_1302] {strides = array<i32>} : memref<80xi32, #tpu.memory_space<vmem>>, vector<16xi32>,
      %get3A_1304 = vector.shape_cast %get3A_1303 : vector<16xi32> to vector<16xi32>
      %sub3A_1305 = arith.subi %get3A_1301, %get3A_1304 : vector<16xi32>
      %neg3A_1306 = arith.constant 0 : i32
      %neg3A_1307 = vector.broadcast %neg3A_1306 : i32 to vector<16xi32>
      %neg3A_1308 = arith.subi %neg3A_1307, %sub3A_1305 : vector<16xi32>
      %or3A_1309 = arith.ori %sub3A_1305, %neg3A_1308 : vector<16xi32>
      %shift_right_arithmetic3A_1310 = arith.constant 31 : i32
      %shift_right_arithmetic3A_1311 = vector.broadcast %shift_right_arithmetic3A_1310 : i32 to vector<16xi32>
      %shift_right_arithmetic3A_1312 = arith.shrsi %or3A_1309, %shift_right_arithmetic3A_1311 : vector<16xi32>
      %and3A_1313 = arith.andi %get3A_1304, %shift_right_arithmetic3A_1312 : vector<16xi32>
      %not3A_1314 = arith.constant dense<-1> : vector<16xi32>
      %not3A_1315 = arith.xori %shift_right_arithmetic3A_1312, %not3A_1314 : vector<16xi32>
      %and3A_1316 = arith.constant 10000 : i32
      %and3A_1317 = vector.broadcast %and3A_1316 : i32 to vector<16xi32>
      %and3A_1318 = arith.andi %and3A_1317, %not3A_1315 : vector<16xi32>
      %or3A_1319 = arith.ori %and3A_1313, %and3A_1318 : vector<16xi32>
      %swap3A_1320 = arith.constant 48 : index
      %swap3A_1321 = tpu.vector_load %arg16[%swap3A_1320] {strides = array<i32>} : memref<80xi32, #tpu.memory_space<vmem>>, vector<16xi32>,
      %swap3A_1322 = vector.shape_cast %swap3A_1321 : vector<16xi32> to vector<16xi32>
      %swap3A_1323 = vector.shape_cast %or3A_1319 : vector<16xi32> to vector<16xi32>
      tpu.vector_store %arg16[%swap3A_1320], %swap3A_1323 {strides = array<i32>} : memref<80xi32, #tpu.memory_space<vmem>>, vector<16xi32>,
      %get3A_1324 = arith.constant 64 : index
      %get3A_1325 = tpu.vector_load %arg8[%get3A_1324] {strides = array<i32>} : memref<80xi32, #tpu.memory_space<vmem>>, vector<16xi32>,
      %get3A_1326 = vector.shape_cast %get3A_1325 : vector<16xi32> to vector<16xi32>
      %get3A_1327 = arith.constant 64 : index
      %get3A_1328 = tpu.vector_load %arg12[%get3A_1327] {strides = array<i32>} : memref<80xi32, #tpu.memory_space<vmem>>, vector<16xi32>,
      %get3A_1329 = vector.shape_cast %get3A_1328 : vector<16xi32> to vector<16xi32>
      %sub3A_1330 = arith.subi %get3A_1326, %get3A_1329 : vector<16xi32>
      %neg3A_1331 = arith.constant 0 : i32
      %neg3A_1332 = vector.broadcast %neg3A_1331 : i32 to vector<16xi32>
      %neg3A_1333 = arith.subi %neg3A_1332, %sub3A_1330 : vector<16xi32>
      %or3A_1334 = arith.ori %sub3A_1330, %neg3A_1333 : vector<16xi32>
      %shift_right_arithmetic3A_1335 = arith.constant 31 : i32
      %shift_right_arithmetic3A_1336 = vector.broadcast %shift_right_arithmetic3A_1335 : i32 to vector<16xi32>
      %shift_right_arithmetic3A_1337 = arith.shrsi %or3A_1334, %shift_right_arithmetic3A_1336 : vector<16xi32>
      %and3A_1338 = arith.andi %get3A_1329, %shift_right_arithmetic3A_1337 : vector<16xi32>
      %not3A_1339 = arith.constant dense<-1> : vector<16xi32>
      %not3A_1340 = arith.xori %shift_right_arithmetic3A_1337, %not3A_1339 : vector<16xi32>
      %and3A_1341 = arith.constant 10000 : i32
      %and3A_1342 = vector.broadcast %and3A_1341 : i32 to vector<16xi32>
      %and3A_1343 = arith.andi %and3A_1342, %not3A_1340 : vector<16xi32>
      %or3A_1344 = arith.ori %and3A_1338, %and3A_1343 : vector<16xi32>
      %swap3A_1345 = arith.constant 64 : index
      %swap3A_1346 = tpu.vector_load %arg16[%swap3A_1345] {strides = array<i32>} : memref<80xi32, #tpu.memory_space<vmem>>, vector<16xi32>,
      %swap3A_1347 = vector.shape_cast %swap3A_1346 : vector<16xi32> to vector<16xi32>
      %swap3A_1348 = vector.shape_cast %or3A_1344 : vector<16xi32> to vector<16xi32>
      tpu.vector_store %arg16[%swap3A_1345], %swap3A_1348 {strides = array<i32>} : memref<80xi32, #tpu.memory_space<vmem>>, vector<16xi32>,
      %dma_start3A_1349 = arith.constant 0 : i32
      %dma_start3A_1350 = arith.constant 0 : i32
      %dma_start3A_1351 = tpu.memref_slice %arg2[%dma_start3A_1349, %dma_start3A_1350] : memref<10240x128xf32, #tpu.memory_space<hbm>> -> memref<10240x128xf32, #tpu.memory_space<hbm>>
      tpu.enqueue_indirect_dma source(%dma_start3A_1351 : memref<10240x128xf32, #tpu.memory_space<hbm>>) target(%arg20 : memref<80x128xf32, #tpu.memory_space<vmem>>) offsets(%arg8 : memref<80xi32, #tpu.memory_space<vmem>>) semaphore(%arg25 : memref<!tpu.dma_semaphore, #tpu.memory_space<semaphore_mem>>)
      %dma_wait3A_1352 = arith.constant 0 : i32
      %dma_wait3A_1353 = arith.constant 0 : i32
      %dma_wait3A_1354 = tpu.memref_slice %arg2[%dma_wait3A_1352, %dma_wait3A_1353] : memref<10240x128xf32, #tpu.memory_space<hbm>> -> memref<10240x128xf32, #tpu.memory_space<hbm>>
      tpu.wait_indirect_dma semaphore(%arg23 : memref<!tpu.dma_semaphore, #tpu.memory_space<semaphore_mem>>) src(%dma_wait3A_1354 : memref<10240x128xf32, #tpu.memory_space<hbm>>) dst(%arg18 : memref<80x128xf32, #tpu.memory_space<vmem>>)
      %dma_start3A_1355 = arith.constant 0 : i32
      %dma_start3A_1356 = arith.constant 0 : i32
      %dma_start3A_1357 = tpu.memref_slice %arg22[%dma_start3A_1355, %dma_start3A_1356] : memref<10240x128xf32, #tpu.memory_space<vmem_shared>> -> memref<10240x128xf32, #tpu.memory_space<vmem_shared>>
      tpu.enqueue_indirect_dma source(%arg18 : memref<80x128xf32, #tpu.memory_space<vmem>>) target(%dma_start3A_1357 : memref<10240x128xf32, #tpu.memory_space<vmem_shared>>) offsets(%arg14 : memref<80xi32, #tpu.memory_space<vmem>>) semaphore(%arg27 : memref<!tpu.dma_semaphore, #tpu.memory_space<semaphore_mem>>) {add = true}
      %mul3A_1358 = arith.constant 4 : i32
      %mul3A_1359 = arith.muli %while3A_1208, %mul3A_1358 : i32
      %add3A_1360 = arith.constant 1 : i32
      %add3A_1361 = arith.addi %mul3A_1359, %add3A_1360 : i32
      %dma_wait3A_1362 = arith.constant 0 : i32
      %dma_wait3A_1363 = arith.constant 0 : i32
      %dma_wait3A_1364 = tpu.memref_slice %arg22[%dma_wait3A_1362, %dma_wait3A_1363] : memref<10240x128xf32, #tpu.memory_space<vmem_shared>> -> memref<10240x128xf32, #tpu.memory_space<vmem_shared>>
      tpu.wait_indirect_dma semaphore(%arg30 : memref<!tpu.dma_semaphore, #tpu.memory_space<semaphore_mem>>) src(%arg21 : memref<80x128xf32, #tpu.memory_space<vmem>>) dst(%dma_wait3A_1364 : memref<10240x128xf32, #tpu.memory_space<vmem_shared>>)
      %add3A_1365 = arith.constant 2 : i32
      %add3A_1366 = arith.addi %add3A_1361, %add3A_1365 : i32
      %mul3A_1367 = arith.constant 80 : i32
      %mul3A_1368 = arith.muli %add3A_1366, %mul3A_1367 : i32
      %add3A_1369 = arith.addi %mul3A_17, %mul3A_1368 : i32
      "tpu.region"() ({
        %run_scoped3A = tpu.sem_alloc : memref<!tpu.dma_semaphore, #tpu.memory_space<semaphore_mem>>
        %dma_start3A_1805 = tpu.memref_slice %arg3[%add3A_1369] : memref<320000xi32, #tpu.memory_space<hbm>> -> memref<80xi32, #tpu.memory_space<hbm>>
        %dma_start3A_1806 = tpu.memref_slice %arg3[%add3A_1369] : memref<320000xi32, #tpu.memory_space<hbm>> -> memref<80xi32, #tpu.memory_space<hbm>>
        tpu.enqueue_dma source(%dma_start3A_1806 : memref<80xi32, #tpu.memory_space<hbm>>) target(%arg9 : memref<80xi32, #tpu.memory_space<vmem>>) target_semaphore(%run_scoped3A : memref<!tpu.dma_semaphore, #tpu.memory_space<semaphore_mem>>)
        %dma_wait3A_1807 = tpu.memref_slice %arg3[%add3A_1369] : memref<320000xi32, #tpu.memory_space<hbm>> -> memref<80xi32, #tpu.memory_space<hbm>>
        %dma_wait3A_1808 = tpu.memref_slice %arg3[%add3A_1369] : memref<320000xi32, #tpu.memory_space<hbm>> -> memref<80xi32, #tpu.memory_space<hbm>>
        tpu.wait_dma2 semaphore(%run_scoped3A : memref<!tpu.dma_semaphore, #tpu.memory_space<semaphore_mem>>) src(%dma_wait3A_1808 : memref<80xi32, #tpu.memory_space<hbm>>) dst(%arg9 : memref<80xi32, #tpu.memory_space<vmem>>)
        tpu.yield
      }) : () -> ()
      %mul3A_1370 = arith.constant 80 : i32
      %mul3A_1371 = arith.muli %add3A_1366, %mul3A_1370 : i32
      %add3A_1372 = arith.addi %mul3A_17, %mul3A_1371 : i32
      "tpu.region"() ({
        %run_scoped3A = tpu.sem_alloc : memref<!tpu.dma_semaphore, #tpu.memory_space<semaphore_mem>>
        %dma_start3A_1805 = tpu.memref_slice %arg4[%add3A_1372] : memref<320000xi32, #tpu.memory_space<hbm>> -> memref<80xi32, #tpu.memory_space<hbm>>
        %dma_start3A_1806 = tpu.memref_slice %arg4[%add3A_1372] : memref<320000xi32, #tpu.memory_space<hbm>> -> memref<80xi32, #tpu.memory_space<hbm>>
        tpu.enqueue_dma source(%dma_start3A_1806 : memref<80xi32, #tpu.memory_space<hbm>>) target(%arg13 : memref<80xi32, #tpu.memory_space<vmem>>) target_semaphore(%run_scoped3A : memref<!tpu.dma_semaphore, #tpu.memory_space<semaphore_mem>>)
        %dma_wait3A_1807 = tpu.memref_slice %arg4[%add3A_1372] : memref<320000xi32, #tpu.memory_space<hbm>> -> memref<80xi32, #tpu.memory_space<hbm>>
        %dma_wait3A_1808 = tpu.memref_slice %arg4[%add3A_1372] : memref<320000xi32, #tpu.memory_space<hbm>> -> memref<80xi32, #tpu.memory_space<hbm>>
        tpu.wait_dma2 semaphore(%run_scoped3A : memref<!tpu.dma_semaphore, #tpu.memory_space<semaphore_mem>>) src(%dma_wait3A_1808 : memref<80xi32, #tpu.memory_space<hbm>>) dst(%arg13 : memref<80xi32, #tpu.memory_space<vmem>>)
        tpu.yield
      }) : () -> ()
      %get3A_1373 = arith.constant 0 : index
      %get3A_1374 = tpu.vector_load %arg9[%get3A_1373] {strides = array<i32>} : memref<80xi32, #tpu.memory_space<vmem>>, vector<16xi32>,
      %get3A_1375 = vector.shape_cast %get3A_1374 : vector<16xi32> to vector<16xi32>
      %get3A_1376 = arith.constant 0 : index
      %get3A_1377 = tpu.vector_load %arg13[%get3A_1376] {strides = array<i32>} : memref<80xi32, #tpu.memory_space<vmem>>, vector<16xi32>,
      %get3A_1378 = vector.shape_cast %get3A_1377 : vector<16xi32> to vector<16xi32>
      %sub3A_1379 = arith.subi %get3A_1375, %get3A_1378 : vector<16xi32>
      %neg3A_1380 = arith.constant 0 : i32
      %neg3A_1381 = vector.broadcast %neg3A_1380 : i32 to vector<16xi32>
      %neg3A_1382 = arith.subi %neg3A_1381, %sub3A_1379 : vector<16xi32>
      %or3A_1383 = arith.ori %sub3A_1379, %neg3A_1382 : vector<16xi32>
      %shift_right_arithmetic3A_1384 = arith.constant 31 : i32
      %shift_right_arithmetic3A_1385 = vector.broadcast %shift_right_arithmetic3A_1384 : i32 to vector<16xi32>
      %shift_right_arithmetic3A_1386 = arith.shrsi %or3A_1383, %shift_right_arithmetic3A_1385 : vector<16xi32>
      %and3A_1387 = arith.andi %get3A_1378, %shift_right_arithmetic3A_1386 : vector<16xi32>
      %not3A_1388 = arith.constant dense<-1> : vector<16xi32>
      %not3A_1389 = arith.xori %shift_right_arithmetic3A_1386, %not3A_1388 : vector<16xi32>
      %and3A_1390 = arith.constant 10000 : i32
      %and3A_1391 = vector.broadcast %and3A_1390 : i32 to vector<16xi32>
      %and3A_1392 = arith.andi %and3A_1391, %not3A_1389 : vector<16xi32>
      %or3A_1393 = arith.ori %and3A_1387, %and3A_1392 : vector<16xi32>
      %swap3A_1394 = arith.constant 0 : index
      %swap3A_1395 = tpu.vector_load %arg17[%swap3A_1394] {strides = array<i32>} : memref<80xi32, #tpu.memory_space<vmem>>, vector<16xi32>,
      %swap3A_1396 = vector.shape_cast %swap3A_1395 : vector<16xi32> to vector<16xi32>
      %swap3A_1397 = vector.shape_cast %or3A_1393 : vector<16xi32> to vector<16xi32>
      tpu.vector_store %arg17[%swap3A_1394], %swap3A_1397 {strides = array<i32>} : memref<80xi32, #tpu.memory_space<vmem>>, vector<16xi32>,
      %get3A_1398 = arith.constant 16 : index
      %get3A_1399 = tpu.vector_load %arg9[%get3A_1398] {strides = array<i32>} : memref<80xi32, #tpu.memory_space<vmem>>, vector<16xi32>,
      %get3A_1400 = vector.shape_cast %get3A_1399 : vector<16xi32> to vector<16xi32>
      %get3A_1401 = arith.constant 16 : index
      %get3A_1402 = tpu.vector_load %arg13[%get3A_1401] {strides = array<i32>} : memref<80xi32, #tpu.memory_space<vmem>>, vector<16xi32>,
      %get3A_1403 = vector.shape_cast %get3A_1402 : vector<16xi32> to vector<16xi32>
      %sub3A_1404 = arith.subi %get3A_1400, %get3A_1403 : vector<16xi32>
      %neg3A_1405 = arith.constant 0 : i32
      %neg3A_1406 = vector.broadcast %neg3A_1405 : i32 to vector<16xi32>
      %neg3A_1407 = arith.subi %neg3A_1406, %sub3A_1404 : vector<16xi32>
      %or3A_1408 = arith.ori %sub3A_1404, %neg3A_1407 : vector<16xi32>
      %shift_right_arithmetic3A_1409 = arith.constant 31 : i32
      %shift_right_arithmetic3A_1410 = vector.broadcast %shift_right_arithmetic3A_1409 : i32 to vector<16xi32>
      %shift_right_arithmetic3A_1411 = arith.shrsi %or3A_1408, %shift_right_arithmetic3A_1410 : vector<16xi32>
      %and3A_1412 = arith.andi %get3A_1403, %shift_right_arithmetic3A_1411 : vector<16xi32>
      %not3A_1413 = arith.constant dense<-1> : vector<16xi32>
      %not3A_1414 = arith.xori %shift_right_arithmetic3A_1411, %not3A_1413 : vector<16xi32>
      %and3A_1415 = arith.constant 10000 : i32
      %and3A_1416 = vector.broadcast %and3A_1415 : i32 to vector<16xi32>
      %and3A_1417 = arith.andi %and3A_1416, %not3A_1414 : vector<16xi32>
      %or3A_1418 = arith.ori %and3A_1412, %and3A_1417 : vector<16xi32>
      %swap3A_1419 = arith.constant 16 : index
      %swap3A_1420 = tpu.vector_load %arg17[%swap3A_1419] {strides = array<i32>} : memref<80xi32, #tpu.memory_space<vmem>>, vector<16xi32>,
      %swap3A_1421 = vector.shape_cast %swap3A_1420 : vector<16xi32> to vector<16xi32>
      %swap3A_1422 = vector.shape_cast %or3A_1418 : vector<16xi32> to vector<16xi32>
      tpu.vector_store %arg17[%swap3A_1419], %swap3A_1422 {strides = array<i32>} : memref<80xi32, #tpu.memory_space<vmem>>, vector<16xi32>,
      %get3A_1423 = arith.constant 32 : index
      %get3A_1424 = tpu.vector_load %arg9[%get3A_1423] {strides = array<i32>} : memref<80xi32, #tpu.memory_space<vmem>>, vector<16xi32>,
      %get3A_1425 = vector.shape_cast %get3A_1424 : vector<16xi32> to vector<16xi32>
      %get3A_1426 = arith.constant 32 : index
      %get3A_1427 = tpu.vector_load %arg13[%get3A_1426] {strides = array<i32>} : memref<80xi32, #tpu.memory_space<vmem>>, vector<16xi32>,
      %get3A_1428 = vector.shape_cast %get3A_1427 : vector<16xi32> to vector<16xi32>
      %sub3A_1429 = arith.subi %get3A_1425, %get3A_1428 : vector<16xi32>
      %neg3A_1430 = arith.constant 0 : i32
      %neg3A_1431 = vector.broadcast %neg3A_1430 : i32 to vector<16xi32>
      %neg3A_1432 = arith.subi %neg3A_1431, %sub3A_1429 : vector<16xi32>
      %or3A_1433 = arith.ori %sub3A_1429, %neg3A_1432 : vector<16xi32>
      %shift_right_arithmetic3A_1434 = arith.constant 31 : i32
      %shift_right_arithmetic3A_1435 = vector.broadcast %shift_right_arithmetic3A_1434 : i32 to vector<16xi32>
      %shift_right_arithmetic3A_1436 = arith.shrsi %or3A_1433, %shift_right_arithmetic3A_1435 : vector<16xi32>
      %and3A_1437 = arith.andi %get3A_1428, %shift_right_arithmetic3A_1436 : vector<16xi32>
      %not3A_1438 = arith.constant dense<-1> : vector<16xi32>
      %not3A_1439 = arith.xori %shift_right_arithmetic3A_1436, %not3A_1438 : vector<16xi32>
      %and3A_1440 = arith.constant 10000 : i32
      %and3A_1441 = vector.broadcast %and3A_1440 : i32 to vector<16xi32>
      %and3A_1442 = arith.andi %and3A_1441, %not3A_1439 : vector<16xi32>
      %or3A_1443 = arith.ori %and3A_1437, %and3A_1442 : vector<16xi32>
      %swap3A_1444 = arith.constant 32 : index
      %swap3A_1445 = tpu.vector_load %arg17[%swap3A_1444] {strides = array<i32>} : memref<80xi32, #tpu.memory_space<vmem>>, vector<16xi32>,
      %swap3A_1446 = vector.shape_cast %swap3A_1445 : vector<16xi32> to vector<16xi32>
      %swap3A_1447 = vector.shape_cast %or3A_1443 : vector<16xi32> to vector<16xi32>
      tpu.vector_store %arg17[%swap3A_1444], %swap3A_1447 {strides = array<i32>} : memref<80xi32, #tpu.memory_space<vmem>>, vector<16xi32>,
      %get3A_1448 = arith.constant 48 : index
      %get3A_1449 = tpu.vector_load %arg9[%get3A_1448] {strides = array<i32>} : memref<80xi32, #tpu.memory_space<vmem>>, vector<16xi32>,
      %get3A_1450 = vector.shape_cast %get3A_1449 : vector<16xi32> to vector<16xi32>
      %get3A_1451 = arith.constant 48 : index
      %get3A_1452 = tpu.vector_load %arg13[%get3A_1451] {strides = array<i32>} : memref<80xi32, #tpu.memory_space<vmem>>, vector<16xi32>,
      %get3A_1453 = vector.shape_cast %get3A_1452 : vector<16xi32> to vector<16xi32>
      %sub3A_1454 = arith.subi %get3A_1450, %get3A_1453 : vector<16xi32>
      %neg3A_1455 = arith.constant 0 : i32
      %neg3A_1456 = vector.broadcast %neg3A_1455 : i32 to vector<16xi32>
      %neg3A_1457 = arith.subi %neg3A_1456, %sub3A_1454 : vector<16xi32>
      %or3A_1458 = arith.ori %sub3A_1454, %neg3A_1457 : vector<16xi32>
      %shift_right_arithmetic3A_1459 = arith.constant 31 : i32
      %shift_right_arithmetic3A_1460 = vector.broadcast %shift_right_arithmetic3A_1459 : i32 to vector<16xi32>
      %shift_right_arithmetic3A_1461 = arith.shrsi %or3A_1458, %shift_right_arithmetic3A_1460 : vector<16xi32>
      %and3A_1462 = arith.andi %get3A_1453, %shift_right_arithmetic3A_1461 : vector<16xi32>
      %not3A_1463 = arith.constant dense<-1> : vector<16xi32>
      %not3A_1464 = arith.xori %shift_right_arithmetic3A_1461, %not3A_1463 : vector<16xi32>
      %and3A_1465 = arith.constant 10000 : i32
      %and3A_1466 = vector.broadcast %and3A_1465 : i32 to vector<16xi32>
      %and3A_1467 = arith.andi %and3A_1466, %not3A_1464 : vector<16xi32>
      %or3A_1468 = arith.ori %and3A_1462, %and3A_1467 : vector<16xi32>
      %swap3A_1469 = arith.constant 48 : index
      %swap3A_1470 = tpu.vector_load %arg17[%swap3A_1469] {strides = array<i32>} : memref<80xi32, #tpu.memory_space<vmem>>, vector<16xi32>,
      %swap3A_1471 = vector.shape_cast %swap3A_1470 : vector<16xi32> to vector<16xi32>
      %swap3A_1472 = vector.shape_cast %or3A_1468 : vector<16xi32> to vector<16xi32>
      tpu.vector_store %arg17[%swap3A_1469], %swap3A_1472 {strides = array<i32>} : memref<80xi32, #tpu.memory_space<vmem>>, vector<16xi32>,
      %get3A_1473 = arith.constant 64 : index
      %get3A_1474 = tpu.vector_load %arg9[%get3A_1473] {strides = array<i32>} : memref<80xi32, #tpu.memory_space<vmem>>, vector<16xi32>,
      %get3A_1475 = vector.shape_cast %get3A_1474 : vector<16xi32> to vector<16xi32>
      %get3A_1476 = arith.constant 64 : index
      %get3A_1477 = tpu.vector_load %arg13[%get3A_1476] {strides = array<i32>} : memref<80xi32, #tpu.memory_space<vmem>>, vector<16xi32>,
      %get3A_1478 = vector.shape_cast %get3A_1477 : vector<16xi32> to vector<16xi32>
      %sub3A_1479 = arith.subi %get3A_1475, %get3A_1478 : vector<16xi32>
      %neg3A_1480 = arith.constant 0 : i32
      %neg3A_1481 = vector.broadcast %neg3A_1480 : i32 to vector<16xi32>
      %neg3A_1482 = arith.subi %neg3A_1481, %sub3A_1479 : vector<16xi32>
      %or3A_1483 = arith.ori %sub3A_1479, %neg3A_1482 : vector<16xi32>
      %shift_right_arithmetic3A_1484 = arith.constant 31 : i32
      %shift_right_arithmetic3A_1485 = vector.broadcast %shift_right_arithmetic3A_1484 : i32 to vector<16xi32>
      %shift_right_arithmetic3A_1486 = arith.shrsi %or3A_1483, %shift_right_arithmetic3A_1485 : vector<16xi32>
      %and3A_1487 = arith.andi %get3A_1478, %shift_right_arithmetic3A_1486 : vector<16xi32>
      %not3A_1488 = arith.constant dense<-1> : vector<16xi32>
      %not3A_1489 = arith.xori %shift_right_arithmetic3A_1486, %not3A_1488 : vector<16xi32>
      %and3A_1490 = arith.constant 10000 : i32
      %and3A_1491 = vector.broadcast %and3A_1490 : i32 to vector<16xi32>
      %and3A_1492 = arith.andi %and3A_1491, %not3A_1489 : vector<16xi32>
      %or3A_1493 = arith.ori %and3A_1487, %and3A_1492 : vector<16xi32>
      %swap3A_1494 = arith.constant 64 : index
      %swap3A_1495 = tpu.vector_load %arg17[%swap3A_1494] {strides = array<i32>} : memref<80xi32, #tpu.memory_space<vmem>>, vector<16xi32>,
      %swap3A_1496 = vector.shape_cast %swap3A_1495 : vector<16xi32> to vector<16xi32>
      %swap3A_1497 = vector.shape_cast %or3A_1493 : vector<16xi32> to vector<16xi32>
      tpu.vector_store %arg17[%swap3A_1494], %swap3A_1497 {strides = array<i32>} : memref<80xi32, #tpu.memory_space<vmem>>, vector<16xi32>,
      %dma_start3A_1498 = arith.constant 0 : i32
      %dma_start3A_1499 = arith.constant 0 : i32
      %dma_start3A_1500 = tpu.memref_slice %arg2[%dma_start3A_1498, %dma_start3A_1499] : memref<10240x128xf32, #tpu.memory_space<hbm>> -> memref<10240x128xf32, #tpu.memory_space<hbm>>
      tpu.enqueue_indirect_dma source(%dma_start3A_1500 : memref<10240x128xf32, #tpu.memory_space<hbm>>) target(%arg21 : memref<80x128xf32, #tpu.memory_space<vmem>>) offsets(%arg9 : memref<80xi32, #tpu.memory_space<vmem>>) semaphore(%arg26 : memref<!tpu.dma_semaphore, #tpu.memory_space<semaphore_mem>>)
      %dma_wait3A_1501 = arith.constant 0 : i32
      %dma_wait3A_1502 = arith.constant 0 : i32
      %dma_wait3A_1503 = tpu.memref_slice %arg2[%dma_wait3A_1501, %dma_wait3A_1502] : memref<10240x128xf32, #tpu.memory_space<hbm>> -> memref<10240x128xf32, #tpu.memory_space<hbm>>
      tpu.wait_indirect_dma semaphore(%arg24 : memref<!tpu.dma_semaphore, #tpu.memory_space<semaphore_mem>>) src(%dma_wait3A_1503 : memref<10240x128xf32, #tpu.memory_space<hbm>>) dst(%arg19 : memref<80x128xf32, #tpu.memory_space<vmem>>)
      %dma_start3A_1504 = arith.constant 0 : i32
      %dma_start3A_1505 = arith.constant 0 : i32
      %dma_start3A_1506 = tpu.memref_slice %arg22[%dma_start3A_1504, %dma_start3A_1505] : memref<10240x128xf32, #tpu.memory_space<vmem_shared>> -> memref<10240x128xf32, #tpu.memory_space<vmem_shared>>
      tpu.enqueue_indirect_dma source(%arg19 : memref<80x128xf32, #tpu.memory_space<vmem>>) target(%dma_start3A_1506 : memref<10240x128xf32, #tpu.memory_space<vmem_shared>>) offsets(%arg15 : memref<80xi32, #tpu.memory_space<vmem>>) semaphore(%arg28 : memref<!tpu.dma_semaphore, #tpu.memory_space<semaphore_mem>>) {add = true}
      %mul3A_1507 = arith.constant 4 : i32
      %mul3A_1508 = arith.muli %while3A_1208, %mul3A_1507 : i32
      %add3A_1509 = arith.constant 2 : i32
      %add3A_1510 = arith.addi %mul3A_1508, %add3A_1509 : i32
      %dma_wait3A_1511 = arith.constant 0 : i32
      %dma_wait3A_1512 = arith.constant 0 : i32
      %dma_wait3A_1513 = tpu.memref_slice %arg22[%dma_wait3A_1511, %dma_wait3A_1512] : memref<10240x128xf32, #tpu.memory_space<vmem_shared>> -> memref<10240x128xf32, #tpu.memory_space<vmem_shared>>
      tpu.wait_indirect_dma semaphore(%arg27 : memref<!tpu.dma_semaphore, #tpu.memory_space<semaphore_mem>>) src(%arg18 : memref<80x128xf32, #tpu.memory_space<vmem>>) dst(%dma_wait3A_1513 : memref<10240x128xf32, #tpu.memory_space<vmem_shared>>)
      %add3A_1514 = arith.constant 2 : i32
      %add3A_1515 = arith.addi %add3A_1510, %add3A_1514 : i32
      %mul3A_1516 = arith.constant 80 : i32
      %mul3A_1517 = arith.muli %add3A_1515, %mul3A_1516 : i32
      %add3A_1518 = arith.addi %mul3A_17, %mul3A_1517 : i32
      "tpu.region"() ({
        %run_scoped3A = tpu.sem_alloc : memref<!tpu.dma_semaphore, #tpu.memory_space<semaphore_mem>>
        %dma_start3A_1805 = tpu.memref_slice %arg3[%add3A_1518] : memref<320000xi32, #tpu.memory_space<hbm>> -> memref<80xi32, #tpu.memory_space<hbm>>
        %dma_start3A_1806 = tpu.memref_slice %arg3[%add3A_1518] : memref<320000xi32, #tpu.memory_space<hbm>> -> memref<80xi32, #tpu.memory_space<hbm>>
        tpu.enqueue_dma source(%dma_start3A_1806 : memref<80xi32, #tpu.memory_space<hbm>>) target(%arg6 : memref<80xi32, #tpu.memory_space<vmem>>) target_semaphore(%run_scoped3A : memref<!tpu.dma_semaphore, #tpu.memory_space<semaphore_mem>>)
        %dma_wait3A_1807 = tpu.memref_slice %arg3[%add3A_1518] : memref<320000xi32, #tpu.memory_space<hbm>> -> memref<80xi32, #tpu.memory_space<hbm>>
        %dma_wait3A_1808 = tpu.memref_slice %arg3[%add3A_1518] : memref<320000xi32, #tpu.memory_space<hbm>> -> memref<80xi32, #tpu.memory_space<hbm>>
        tpu.wait_dma2 semaphore(%run_scoped3A : memref<!tpu.dma_semaphore, #tpu.memory_space<semaphore_mem>>) src(%dma_wait3A_1808 : memref<80xi32, #tpu.memory_space<hbm>>) dst(%arg6 : memref<80xi32, #tpu.memory_space<vmem>>)
        tpu.yield
      }) : () -> ()
      %mul3A_1519 = arith.constant 80 : i32
      %mul3A_1520 = arith.muli %add3A_1515, %mul3A_1519 : i32
      %add3A_1521 = arith.addi %mul3A_17, %mul3A_1520 : i32
      "tpu.region"() ({
        %run_scoped3A = tpu.sem_alloc : memref<!tpu.dma_semaphore, #tpu.memory_space<semaphore_mem>>
        %dma_start3A_1805 = tpu.memref_slice %arg4[%add3A_1521] : memref<320000xi32, #tpu.memory_space<hbm>> -> memref<80xi32, #tpu.memory_space<hbm>>
        %dma_start3A_1806 = tpu.memref_slice %arg4[%add3A_1521] : memref<320000xi32, #tpu.memory_space<hbm>> -> memref<80xi32, #tpu.memory_space<hbm>>
        tpu.enqueue_dma source(%dma_start3A_1806 : memref<80xi32, #tpu.memory_space<hbm>>) target(%arg10 : memref<80xi32, #tpu.memory_space<vmem>>) target_semaphore(%run_scoped3A : memref<!tpu.dma_semaphore, #tpu.memory_space<semaphore_mem>>)
        %dma_wait3A_1807 = tpu.memref_slice %arg4[%add3A_1521] : memref<320000xi32, #tpu.memory_space<hbm>> -> memref<80xi32, #tpu.memory_space<hbm>>
        %dma_wait3A_1808 = tpu.memref_slice %arg4[%add3A_1521] : memref<320000xi32, #tpu.memory_space<hbm>> -> memref<80xi32, #tpu.memory_space<hbm>>
        tpu.wait_dma2 semaphore(%run_scoped3A : memref<!tpu.dma_semaphore, #tpu.memory_space<semaphore_mem>>) src(%dma_wait3A_1808 : memref<80xi32, #tpu.memory_space<hbm>>) dst(%arg10 : memref<80xi32, #tpu.memory_space<vmem>>)
        tpu.yield
      }) : () -> ()
      %get3A_1522 = arith.constant 0 : index
      %get3A_1523 = tpu.vector_load %arg6[%get3A_1522] {strides = array<i32>} : memref<80xi32, #tpu.memory_space<vmem>>, vector<16xi32>,
      %get3A_1524 = vector.shape_cast %get3A_1523 : vector<16xi32> to vector<16xi32>
      %get3A_1525 = arith.constant 0 : index
      %get3A_1526 = tpu.vector_load %arg10[%get3A_1525] {strides = array<i32>} : memref<80xi32, #tpu.memory_space<vmem>>, vector<16xi32>,
      %get3A_1527 = vector.shape_cast %get3A_1526 : vector<16xi32> to vector<16xi32>
      %sub3A_1528 = arith.subi %get3A_1524, %get3A_1527 : vector<16xi32>
      %neg3A_1529 = arith.constant 0 : i32
      %neg3A_1530 = vector.broadcast %neg3A_1529 : i32 to vector<16xi32>
      %neg3A_1531 = arith.subi %neg3A_1530, %sub3A_1528 : vector<16xi32>
      %or3A_1532 = arith.ori %sub3A_1528, %neg3A_1531 : vector<16xi32>
      %shift_right_arithmetic3A_1533 = arith.constant 31 : i32
      %shift_right_arithmetic3A_1534 = vector.broadcast %shift_right_arithmetic3A_1533 : i32 to vector<16xi32>
      %shift_right_arithmetic3A_1535 = arith.shrsi %or3A_1532, %shift_right_arithmetic3A_1534 : vector<16xi32>
      %and3A_1536 = arith.andi %get3A_1527, %shift_right_arithmetic3A_1535 : vector<16xi32>
      %not3A_1537 = arith.constant dense<-1> : vector<16xi32>
      %not3A_1538 = arith.xori %shift_right_arithmetic3A_1535, %not3A_1537 : vector<16xi32>
      %and3A_1539 = arith.constant 10000 : i32
      %and3A_1540 = vector.broadcast %and3A_1539 : i32 to vector<16xi32>
      %and3A_1541 = arith.andi %and3A_1540, %not3A_1538 : vector<16xi32>
      %or3A_1542 = arith.ori %and3A_1536, %and3A_1541 : vector<16xi32>
      %swap3A_1543 = arith.constant 0 : index
      %swap3A_1544 = tpu.vector_load %arg14[%swap3A_1543] {strides = array<i32>} : memref<80xi32, #tpu.memory_space<vmem>>, vector<16xi32>,
      %swap3A_1545 = vector.shape_cast %swap3A_1544 : vector<16xi32> to vector<16xi32>
      %swap3A_1546 = vector.shape_cast %or3A_1542 : vector<16xi32> to vector<16xi32>
      tpu.vector_store %arg14[%swap3A_1543], %swap3A_1546 {strides = array<i32>} : memref<80xi32, #tpu.memory_space<vmem>>, vector<16xi32>,
      %get3A_1547 = arith.constant 16 : index
      %get3A_1548 = tpu.vector_load %arg6[%get3A_1547] {strides = array<i32>} : memref<80xi32, #tpu.memory_space<vmem>>, vector<16xi32>,
      %get3A_1549 = vector.shape_cast %get3A_1548 : vector<16xi32> to vector<16xi32>
      %get3A_1550 = arith.constant 16 : index
      %get3A_1551 = tpu.vector_load %arg10[%get3A_1550] {strides = array<i32>} : memref<80xi32, #tpu.memory_space<vmem>>, vector<16xi32>,
      %get3A_1552 = vector.shape_cast %get3A_1551 : vector<16xi32> to vector<16xi32>
      %sub3A_1553 = arith.subi %get3A_1549, %get3A_1552 : vector<16xi32>
      %neg3A_1554 = arith.constant 0 : i32
      %neg3A_1555 = vector.broadcast %neg3A_1554 : i32 to vector<16xi32>
      %neg3A_1556 = arith.subi %neg3A_1555, %sub3A_1553 : vector<16xi32>
      %or3A_1557 = arith.ori %sub3A_1553, %neg3A_1556 : vector<16xi32>
      %shift_right_arithmetic3A_1558 = arith.constant 31 : i32
      %shift_right_arithmetic3A_1559 = vector.broadcast %shift_right_arithmetic3A_1558 : i32 to vector<16xi32>
      %shift_right_arithmetic3A_1560 = arith.shrsi %or3A_1557, %shift_right_arithmetic3A_1559 : vector<16xi32>
      %and3A_1561 = arith.andi %get3A_1552, %shift_right_arithmetic3A_1560 : vector<16xi32>
      %not3A_1562 = arith.constant dense<-1> : vector<16xi32>
      %not3A_1563 = arith.xori %shift_right_arithmetic3A_1560, %not3A_1562 : vector<16xi32>
      %and3A_1564 = arith.constant 10000 : i32
      %and3A_1565 = vector.broadcast %and3A_1564 : i32 to vector<16xi32>
      %and3A_1566 = arith.andi %and3A_1565, %not3A_1563 : vector<16xi32>
      %or3A_1567 = arith.ori %and3A_1561, %and3A_1566 : vector<16xi32>
      %swap3A_1568 = arith.constant 16 : index
      %swap3A_1569 = tpu.vector_load %arg14[%swap3A_1568] {strides = array<i32>} : memref<80xi32, #tpu.memory_space<vmem>>, vector<16xi32>,
      %swap3A_1570 = vector.shape_cast %swap3A_1569 : vector<16xi32> to vector<16xi32>
      %swap3A_1571 = vector.shape_cast %or3A_1567 : vector<16xi32> to vector<16xi32>
      tpu.vector_store %arg14[%swap3A_1568], %swap3A_1571 {strides = array<i32>} : memref<80xi32, #tpu.memory_space<vmem>>, vector<16xi32>,
      %get3A_1572 = arith.constant 32 : index
      %get3A_1573 = tpu.vector_load %arg6[%get3A_1572] {strides = array<i32>} : memref<80xi32, #tpu.memory_space<vmem>>, vector<16xi32>,
      %get3A_1574 = vector.shape_cast %get3A_1573 : vector<16xi32> to vector<16xi32>
      %get3A_1575 = arith.constant 32 : index
      %get3A_1576 = tpu.vector_load %arg10[%get3A_1575] {strides = array<i32>} : memref<80xi32, #tpu.memory_space<vmem>>, vector<16xi32>,
      %get3A_1577 = vector.shape_cast %get3A_1576 : vector<16xi32> to vector<16xi32>
      %sub3A_1578 = arith.subi %get3A_1574, %get3A_1577 : vector<16xi32>
      %neg3A_1579 = arith.constant 0 : i32
      %neg3A_1580 = vector.broadcast %neg3A_1579 : i32 to vector<16xi32>
      %neg3A_1581 = arith.subi %neg3A_1580, %sub3A_1578 : vector<16xi32>
      %or3A_1582 = arith.ori %sub3A_1578, %neg3A_1581 : vector<16xi32>
      %shift_right_arithmetic3A_1583 = arith.constant 31 : i32
      %shift_right_arithmetic3A_1584 = vector.broadcast %shift_right_arithmetic3A_1583 : i32 to vector<16xi32>
      %shift_right_arithmetic3A_1585 = arith.shrsi %or3A_1582, %shift_right_arithmetic3A_1584 : vector<16xi32>
      %and3A_1586 = arith.andi %get3A_1577, %shift_right_arithmetic3A_1585 : vector<16xi32>
      %not3A_1587 = arith.constant dense<-1> : vector<16xi32>
      %not3A_1588 = arith.xori %shift_right_arithmetic3A_1585, %not3A_1587 : vector<16xi32>
      %and3A_1589 = arith.constant 10000 : i32
      %and3A_1590 = vector.broadcast %and3A_1589 : i32 to vector<16xi32>
      %and3A_1591 = arith.andi %and3A_1590, %not3A_1588 : vector<16xi32>
      %or3A_1592 = arith.ori %and3A_1586, %and3A_1591 : vector<16xi32>
      %swap3A_1593 = arith.constant 32 : index
      %swap3A_1594 = tpu.vector_load %arg14[%swap3A_1593] {strides = array<i32>} : memref<80xi32, #tpu.memory_space<vmem>>, vector<16xi32>,
      %swap3A_1595 = vector.shape_cast %swap3A_1594 : vector<16xi32> to vector<16xi32>
      %swap3A_1596 = vector.shape_cast %or3A_1592 : vector<16xi32> to vector<16xi32>
      tpu.vector_store %arg14[%swap3A_1593], %swap3A_1596 {strides = array<i32>} : memref<80xi32, #tpu.memory_space<vmem>>, vector<16xi32>,
      %get3A_1597 = arith.constant 48 : index
      %get3A_1598 = tpu.vector_load %arg6[%get3A_1597] {strides = array<i32>} : memref<80xi32, #tpu.memory_space<vmem>>, vector<16xi32>,
      %get3A_1599 = vector.shape_cast %get3A_1598 : vector<16xi32> to vector<16xi32>
      %get3A_1600 = arith.constant 48 : index
      %get3A_1601 = tpu.vector_load %arg10[%get3A_1600] {strides = array<i32>} : memref<80xi32, #tpu.memory_space<vmem>>, vector<16xi32>,
      %get3A_1602 = vector.shape_cast %get3A_1601 : vector<16xi32> to vector<16xi32>
      %sub3A_1603 = arith.subi %get3A_1599, %get3A_1602 : vector<16xi32>
      %neg3A_1604 = arith.constant 0 : i32
      %neg3A_1605 = vector.broadcast %neg3A_1604 : i32 to vector<16xi32>
      %neg3A_1606 = arith.subi %neg3A_1605, %sub3A_1603 : vector<16xi32>
      %or3A_1607 = arith.ori %sub3A_1603, %neg3A_1606 : vector<16xi32>
      %shift_right_arithmetic3A_1608 = arith.constant 31 : i32
      %shift_right_arithmetic3A_1609 = vector.broadcast %shift_right_arithmetic3A_1608 : i32 to vector<16xi32>
      %shift_right_arithmetic3A_1610 = arith.shrsi %or3A_1607, %shift_right_arithmetic3A_1609 : vector<16xi32>
      %and3A_1611 = arith.andi %get3A_1602, %shift_right_arithmetic3A_1610 : vector<16xi32>
      %not3A_1612 = arith.constant dense<-1> : vector<16xi32>
      %not3A_1613 = arith.xori %shift_right_arithmetic3A_1610, %not3A_1612 : vector<16xi32>
      %and3A_1614 = arith.constant 10000 : i32
      %and3A_1615 = vector.broadcast %and3A_1614 : i32 to vector<16xi32>
      %and3A_1616 = arith.andi %and3A_1615, %not3A_1613 : vector<16xi32>
      %or3A_1617 = arith.ori %and3A_1611, %and3A_1616 : vector<16xi32>
      %swap3A_1618 = arith.constant 48 : index
      %swap3A_1619 = tpu.vector_load %arg14[%swap3A_1618] {strides = array<i32>} : memref<80xi32, #tpu.memory_space<vmem>>, vector<16xi32>,
      %swap3A_1620 = vector.shape_cast %swap3A_1619 : vector<16xi32> to vector<16xi32>
      %swap3A_1621 = vector.shape_cast %or3A_1617 : vector<16xi32> to vector<16xi32>
      tpu.vector_store %arg14[%swap3A_1618], %swap3A_1621 {strides = array<i32>} : memref<80xi32, #tpu.memory_space<vmem>>, vector<16xi32>,
      %get3A_1622 = arith.constant 64 : index
      %get3A_1623 = tpu.vector_load %arg6[%get3A_1622] {strides = array<i32>} : memref<80xi32, #tpu.memory_space<vmem>>, vector<16xi32>,
      %get3A_1624 = vector.shape_cast %get3A_1623 : vector<16xi32> to vector<16xi32>
      %get3A_1625 = arith.constant 64 : index
      %get3A_1626 = tpu.vector_load %arg10[%get3A_1625] {strides = array<i32>} : memref<80xi32, #tpu.memory_space<vmem>>, vector<16xi32>,
      %get3A_1627 = vector.shape_cast %get3A_1626 : vector<16xi32> to vector<16xi32>
      %sub3A_1628 = arith.subi %get3A_1624, %get3A_1627 : vector<16xi32>
      %neg3A_1629 = arith.constant 0 : i32
      %neg3A_1630 = vector.broadcast %neg3A_1629 : i32 to vector<16xi32>
      %neg3A_1631 = arith.subi %neg3A_1630, %sub3A_1628 : vector<16xi32>
      %or3A_1632 = arith.ori %sub3A_1628, %neg3A_1631 : vector<16xi32>
      %shift_right_arithmetic3A_1633 = arith.constant 31 : i32
      %shift_right_arithmetic3A_1634 = vector.broadcast %shift_right_arithmetic3A_1633 : i32 to vector<16xi32>
      %shift_right_arithmetic3A_1635 = arith.shrsi %or3A_1632, %shift_right_arithmetic3A_1634 : vector<16xi32>
      %and3A_1636 = arith.andi %get3A_1627, %shift_right_arithmetic3A_1635 : vector<16xi32>
      %not3A_1637 = arith.constant dense<-1> : vector<16xi32>
      %not3A_1638 = arith.xori %shift_right_arithmetic3A_1635, %not3A_1637 : vector<16xi32>
      %and3A_1639 = arith.constant 10000 : i32
      %and3A_1640 = vector.broadcast %and3A_1639 : i32 to vector<16xi32>
      %and3A_1641 = arith.andi %and3A_1640, %not3A_1638 : vector<16xi32>
      %or3A_1642 = arith.ori %and3A_1636, %and3A_1641 : vector<16xi32>
      %swap3A_1643 = arith.constant 64 : index
      %swap3A_1644 = tpu.vector_load %arg14[%swap3A_1643] {strides = array<i32>} : memref<80xi32, #tpu.memory_space<vmem>>, vector<16xi32>,
      %swap3A_1645 = vector.shape_cast %swap3A_1644 : vector<16xi32> to vector<16xi32>
      %swap3A_1646 = vector.shape_cast %or3A_1642 : vector<16xi32> to vector<16xi32>
      tpu.vector_store %arg14[%swap3A_1643], %swap3A_1646 {strides = array<i32>} : memref<80xi32, #tpu.memory_space<vmem>>, vector<16xi32>,
      %dma_start3A_1647 = arith.constant 0 : i32
      %dma_start3A_1648 = arith.constant 0 : i32
      %dma_start3A_1649 = tpu.memref_slice %arg2[%dma_start3A_1647, %dma_start3A_1648] : memref<10240x128xf32, #tpu.memory_space<hbm>> -> memref<10240x128xf32, #tpu.memory_space<hbm>>
      tpu.enqueue_indirect_dma source(%dma_start3A_1649 : memref<10240x128xf32, #tpu.memory_space<hbm>>) target(%arg18 : memref<80x128xf32, #tpu.memory_space<vmem>>) offsets(%arg6 : memref<80xi32, #tpu.memory_space<vmem>>) semaphore(%arg23 : memref<!tpu.dma_semaphore, #tpu.memory_space<semaphore_mem>>)
      %dma_wait3A_1650 = arith.constant 0 : i32
      %dma_wait3A_1651 = arith.constant 0 : i32
      %dma_wait3A_1652 = tpu.memref_slice %arg2[%dma_wait3A_1650, %dma_wait3A_1651] : memref<10240x128xf32, #tpu.memory_space<hbm>> -> memref<10240x128xf32, #tpu.memory_space<hbm>>
      tpu.wait_indirect_dma semaphore(%arg25 : memref<!tpu.dma_semaphore, #tpu.memory_space<semaphore_mem>>) src(%dma_wait3A_1652 : memref<10240x128xf32, #tpu.memory_space<hbm>>) dst(%arg20 : memref<80x128xf32, #tpu.memory_space<vmem>>)
      %dma_start3A_1653 = arith.constant 0 : i32
      %dma_start3A_1654 = arith.constant 0 : i32
      %dma_start3A_1655 = tpu.memref_slice %arg22[%dma_start3A_1653, %dma_start3A_1654] : memref<10240x128xf32, #tpu.memory_space<vmem_shared>> -> memref<10240x128xf32, #tpu.memory_space<vmem_shared>>
      tpu.enqueue_indirect_dma source(%arg20 : memref<80x128xf32, #tpu.memory_space<vmem>>) target(%dma_start3A_1655 : memref<10240x128xf32, #tpu.memory_space<vmem_shared>>) offsets(%arg16 : memref<80xi32, #tpu.memory_space<vmem>>) semaphore(%arg29 : memref<!tpu.dma_semaphore, #tpu.memory_space<semaphore_mem>>) {add = true}
      %mul3A_1656 = arith.constant 4 : i32
      %mul3A_1657 = arith.muli %while3A_1208, %mul3A_1656 : i32
      %add3A_1658 = arith.constant 3 : i32
      %add3A_1659 = arith.addi %mul3A_1657, %add3A_1658 : i32
      %dma_wait3A_1660 = arith.constant 0 : i32
      %dma_wait3A_1661 = arith.constant 0 : i32
      %dma_wait3A_1662 = tpu.memref_slice %arg22[%dma_wait3A_1660, %dma_wait3A_1661] : memref<10240x128xf32, #tpu.memory_space<vmem_shared>> -> memref<10240x128xf32, #tpu.memory_space<vmem_shared>>
      tpu.wait_indirect_dma semaphore(%arg28 : memref<!tpu.dma_semaphore, #tpu.memory_space<semaphore_mem>>) src(%arg19 : memref<80x128xf32, #tpu.memory_space<vmem>>) dst(%dma_wait3A_1662 : memref<10240x128xf32, #tpu.memory_space<vmem_shared>>)
      %add3A_1663 = arith.constant 2 : i32
      %add3A_1664 = arith.addi %add3A_1659, %add3A_1663 : i32
      %mul3A_1665 = arith.constant 80 : i32
      %mul3A_1666 = arith.muli %add3A_1664, %mul3A_1665 : i32
      %add3A_1667 = arith.addi %mul3A_17, %mul3A_1666 : i32
      "tpu.region"() ({
        %run_scoped3A = tpu.sem_alloc : memref<!tpu.dma_semaphore, #tpu.memory_space<semaphore_mem>>
        %dma_start3A_1805 = tpu.memref_slice %arg3[%add3A_1667] : memref<320000xi32, #tpu.memory_space<hbm>> -> memref<80xi32, #tpu.memory_space<hbm>>
        %dma_start3A_1806 = tpu.memref_slice %arg3[%add3A_1667] : memref<320000xi32, #tpu.memory_space<hbm>> -> memref<80xi32, #tpu.memory_space<hbm>>
        tpu.enqueue_dma source(%dma_start3A_1806 : memref<80xi32, #tpu.memory_space<hbm>>) target(%arg7 : memref<80xi32, #tpu.memory_space<vmem>>) target_semaphore(%run_scoped3A : memref<!tpu.dma_semaphore, #tpu.memory_space<semaphore_mem>>)
        %dma_wait3A_1807 = tpu.memref_slice %arg3[%add3A_1667] : memref<320000xi32, #tpu.memory_space<hbm>> -> memref<80xi32, #tpu.memory_space<hbm>>
        %dma_wait3A_1808 = tpu.memref_slice %arg3[%add3A_1667] : memref<320000xi32, #tpu.memory_space<hbm>> -> memref<80xi32, #tpu.memory_space<hbm>>
        tpu.wait_dma2 semaphore(%run_scoped3A : memref<!tpu.dma_semaphore, #tpu.memory_space<semaphore_mem>>) src(%dma_wait3A_1808 : memref<80xi32, #tpu.memory_space<hbm>>) dst(%arg7 : memref<80xi32, #tpu.memory_space<vmem>>)
        tpu.yield
      }) : () -> ()
      %mul3A_1668 = arith.constant 80 : i32
      %mul3A_1669 = arith.muli %add3A_1664, %mul3A_1668 : i32
      %add3A_1670 = arith.addi %mul3A_17, %mul3A_1669 : i32
      "tpu.region"() ({
        %run_scoped3A = tpu.sem_alloc : memref<!tpu.dma_semaphore, #tpu.memory_space<semaphore_mem>>
        %dma_start3A_1805 = tpu.memref_slice %arg4[%add3A_1670] : memref<320000xi32, #tpu.memory_space<hbm>> -> memref<80xi32, #tpu.memory_space<hbm>>
        %dma_start3A_1806 = tpu.memref_slice %arg4[%add3A_1670] : memref<320000xi32, #tpu.memory_space<hbm>> -> memref<80xi32, #tpu.memory_space<hbm>>
        tpu.enqueue_dma source(%dma_start3A_1806 : memref<80xi32, #tpu.memory_space<hbm>>) target(%arg11 : memref<80xi32, #tpu.memory_space<vmem>>) target_semaphore(%run_scoped3A : memref<!tpu.dma_semaphore, #tpu.memory_space<semaphore_mem>>)
        %dma_wait3A_1807 = tpu.memref_slice %arg4[%add3A_1670] : memref<320000xi32, #tpu.memory_space<hbm>> -> memref<80xi32, #tpu.memory_space<hbm>>
        %dma_wait3A_1808 = tpu.memref_slice %arg4[%add3A_1670] : memref<320000xi32, #tpu.memory_space<hbm>> -> memref<80xi32, #tpu.memory_space<hbm>>
        tpu.wait_dma2 semaphore(%run_scoped3A : memref<!tpu.dma_semaphore, #tpu.memory_space<semaphore_mem>>) src(%dma_wait3A_1808 : memref<80xi32, #tpu.memory_space<hbm>>) dst(%arg11 : memref<80xi32, #tpu.memory_space<vmem>>)
        tpu.yield
      }) : () -> ()
      %get3A_1671 = arith.constant 0 : index
      %get3A_1672 = tpu.vector_load %arg7[%get3A_1671] {strides = array<i32>} : memref<80xi32, #tpu.memory_space<vmem>>, vector<16xi32>,
      %get3A_1673 = vector.shape_cast %get3A_1672 : vector<16xi32> to vector<16xi32>
      %get3A_1674 = arith.constant 0 : index
      %get3A_1675 = tpu.vector_load %arg11[%get3A_1674] {strides = array<i32>} : memref<80xi32, #tpu.memory_space<vmem>>, vector<16xi32>,
      %get3A_1676 = vector.shape_cast %get3A_1675 : vector<16xi32> to vector<16xi32>
      %sub3A_1677 = arith.subi %get3A_1673, %get3A_1676 : vector<16xi32>
      %neg3A_1678 = arith.constant 0 : i32
      %neg3A_1679 = vector.broadcast %neg3A_1678 : i32 to vector<16xi32>
      %neg3A_1680 = arith.subi %neg3A_1679, %sub3A_1677 : vector<16xi32>
      %or3A_1681 = arith.ori %sub3A_1677, %neg3A_1680 : vector<16xi32>
      %shift_right_arithmetic3A_1682 = arith.constant 31 : i32
      %shift_right_arithmetic3A_1683 = vector.broadcast %shift_right_arithmetic3A_1682 : i32 to vector<16xi32>
      %shift_right_arithmetic3A_1684 = arith.shrsi %or3A_1681, %shift_right_arithmetic3A_1683 : vector<16xi32>
      %and3A_1685 = arith.andi %get3A_1676, %shift_right_arithmetic3A_1684 : vector<16xi32>
      %not3A_1686 = arith.constant dense<-1> : vector<16xi32>
      %not3A_1687 = arith.xori %shift_right_arithmetic3A_1684, %not3A_1686 : vector<16xi32>
      %and3A_1688 = arith.constant 10000 : i32
      %and3A_1689 = vector.broadcast %and3A_1688 : i32 to vector<16xi32>
      %and3A_1690 = arith.andi %and3A_1689, %not3A_1687 : vector<16xi32>
      %or3A_1691 = arith.ori %and3A_1685, %and3A_1690 : vector<16xi32>
      %swap3A_1692 = arith.constant 0 : index
      %swap3A_1693 = tpu.vector_load %arg15[%swap3A_1692] {strides = array<i32>} : memref<80xi32, #tpu.memory_space<vmem>>, vector<16xi32>,
      %swap3A_1694 = vector.shape_cast %swap3A_1693 : vector<16xi32> to vector<16xi32>
      %swap3A_1695 = vector.shape_cast %or3A_1691 : vector<16xi32> to vector<16xi32>
      tpu.vector_store %arg15[%swap3A_1692], %swap3A_1695 {strides = array<i32>} : memref<80xi32, #tpu.memory_space<vmem>>, vector<16xi32>,
      %get3A_1696 = arith.constant 16 : index
      %get3A_1697 = tpu.vector_load %arg7[%get3A_1696] {strides = array<i32>} : memref<80xi32, #tpu.memory_space<vmem>>, vector<16xi32>,
      %get3A_1698 = vector.shape_cast %get3A_1697 : vector<16xi32> to vector<16xi32>
      %get3A_1699 = arith.constant 16 : index
      %get3A_1700 = tpu.vector_load %arg11[%get3A_1699] {strides = array<i32>} : memref<80xi32, #tpu.memory_space<vmem>>, vector<16xi32>,
      %get3A_1701 = vector.shape_cast %get3A_1700 : vector<16xi32> to vector<16xi32>
      %sub3A_1702 = arith.subi %get3A_1698, %get3A_1701 : vector<16xi32>
      %neg3A_1703 = arith.constant 0 : i32
      %neg3A_1704 = vector.broadcast %neg3A_1703 : i32 to vector<16xi32>
      %neg3A_1705 = arith.subi %neg3A_1704, %sub3A_1702 : vector<16xi32>
      %or3A_1706 = arith.ori %sub3A_1702, %neg3A_1705 : vector<16xi32>
      %shift_right_arithmetic3A_1707 = arith.constant 31 : i32
      %shift_right_arithmetic3A_1708 = vector.broadcast %shift_right_arithmetic3A_1707 : i32 to vector<16xi32>
      %shift_right_arithmetic3A_1709 = arith.shrsi %or3A_1706, %shift_right_arithmetic3A_1708 : vector<16xi32>
      %and3A_1710 = arith.andi %get3A_1701, %shift_right_arithmetic3A_1709 : vector<16xi32>
      %not3A_1711 = arith.constant dense<-1> : vector<16xi32>
      %not3A_1712 = arith.xori %shift_right_arithmetic3A_1709, %not3A_1711 : vector<16xi32>
      %and3A_1713 = arith.constant 10000 : i32
      %and3A_1714 = vector.broadcast %and3A_1713 : i32 to vector<16xi32>
      %and3A_1715 = arith.andi %and3A_1714, %not3A_1712 : vector<16xi32>
      %or3A_1716 = arith.ori %and3A_1710, %and3A_1715 : vector<16xi32>
      %swap3A_1717 = arith.constant 16 : index
      %swap3A_1718 = tpu.vector_load %arg15[%swap3A_1717] {strides = array<i32>} : memref<80xi32, #tpu.memory_space<vmem>>, vector<16xi32>,
      %swap3A_1719 = vector.shape_cast %swap3A_1718 : vector<16xi32> to vector<16xi32>
      %swap3A_1720 = vector.shape_cast %or3A_1716 : vector<16xi32> to vector<16xi32>
      tpu.vector_store %arg15[%swap3A_1717], %swap3A_1720 {strides = array<i32>} : memref<80xi32, #tpu.memory_space<vmem>>, vector<16xi32>,
      %get3A_1721 = arith.constant 32 : index
      %get3A_1722 = tpu.vector_load %arg7[%get3A_1721] {strides = array<i32>} : memref<80xi32, #tpu.memory_space<vmem>>, vector<16xi32>,
      %get3A_1723 = vector.shape_cast %get3A_1722 : vector<16xi32> to vector<16xi32>
      %get3A_1724 = arith.constant 32 : index
      %get3A_1725 = tpu.vector_load %arg11[%get3A_1724] {strides = array<i32>} : memref<80xi32, #tpu.memory_space<vmem>>, vector<16xi32>,
      %get3A_1726 = vector.shape_cast %get3A_1725 : vector<16xi32> to vector<16xi32>
      %sub3A_1727 = arith.subi %get3A_1723, %get3A_1726 : vector<16xi32>
      %neg3A_1728 = arith.constant 0 : i32
      %neg3A_1729 = vector.broadcast %neg3A_1728 : i32 to vector<16xi32>
      %neg3A_1730 = arith.subi %neg3A_1729, %sub3A_1727 : vector<16xi32>
      %or3A_1731 = arith.ori %sub3A_1727, %neg3A_1730 : vector<16xi32>
      %shift_right_arithmetic3A_1732 = arith.constant 31 : i32
      %shift_right_arithmetic3A_1733 = vector.broadcast %shift_right_arithmetic3A_1732 : i32 to vector<16xi32>
      %shift_right_arithmetic3A_1734 = arith.shrsi %or3A_1731, %shift_right_arithmetic3A_1733 : vector<16xi32>
      %and3A_1735 = arith.andi %get3A_1726, %shift_right_arithmetic3A_1734 : vector<16xi32>
      %not3A_1736 = arith.constant dense<-1> : vector<16xi32>
      %not3A_1737 = arith.xori %shift_right_arithmetic3A_1734, %not3A_1736 : vector<16xi32>
      %and3A_1738 = arith.constant 10000 : i32
      %and3A_1739 = vector.broadcast %and3A_1738 : i32 to vector<16xi32>
      %and3A_1740 = arith.andi %and3A_1739, %not3A_1737 : vector<16xi32>
      %or3A_1741 = arith.ori %and3A_1735, %and3A_1740 : vector<16xi32>
      %swap3A_1742 = arith.constant 32 : index
      %swap3A_1743 = tpu.vector_load %arg15[%swap3A_1742] {strides = array<i32>} : memref<80xi32, #tpu.memory_space<vmem>>, vector<16xi32>,
      %swap3A_1744 = vector.shape_cast %swap3A_1743 : vector<16xi32> to vector<16xi32>
      %swap3A_1745 = vector.shape_cast %or3A_1741 : vector<16xi32> to vector<16xi32>
      tpu.vector_store %arg15[%swap3A_1742], %swap3A_1745 {strides = array<i32>} : memref<80xi32, #tpu.memory_space<vmem>>, vector<16xi32>,
      %get3A_1746 = arith.constant 48 : index
      %get3A_1747 = tpu.vector_load %arg7[%get3A_1746] {strides = array<i32>} : memref<80xi32, #tpu.memory_space<vmem>>, vector<16xi32>,
      %get3A_1748 = vector.shape_cast %get3A_1747 : vector<16xi32> to vector<16xi32>
      %get3A_1749 = arith.constant 48 : index
      %get3A_1750 = tpu.vector_load %arg11[%get3A_1749] {strides = array<i32>} : memref<80xi32, #tpu.memory_space<vmem>>, vector<16xi32>,
      %get3A_1751 = vector.shape_cast %get3A_1750 : vector<16xi32> to vector<16xi32>
      %sub3A_1752 = arith.subi %get3A_1748, %get3A_1751 : vector<16xi32>
      %neg3A_1753 = arith.constant 0 : i32
      %neg3A_1754 = vector.broadcast %neg3A_1753 : i32 to vector<16xi32>
      %neg3A_1755 = arith.subi %neg3A_1754, %sub3A_1752 : vector<16xi32>
      %or3A_1756 = arith.ori %sub3A_1752, %neg3A_1755 : vector<16xi32>
      %shift_right_arithmetic3A_1757 = arith.constant 31 : i32
      %shift_right_arithmetic3A_1758 = vector.broadcast %shift_right_arithmetic3A_1757 : i32 to vector<16xi32>
      %shift_right_arithmetic3A_1759 = arith.shrsi %or3A_1756, %shift_right_arithmetic3A_1758 : vector<16xi32>
      %and3A_1760 = arith.andi %get3A_1751, %shift_right_arithmetic3A_1759 : vector<16xi32>
      %not3A_1761 = arith.constant dense<-1> : vector<16xi32>
      %not3A_1762 = arith.xori %shift_right_arithmetic3A_1759, %not3A_1761 : vector<16xi32>
      %and3A_1763 = arith.constant 10000 : i32
      %and3A_1764 = vector.broadcast %and3A_1763 : i32 to vector<16xi32>
      %and3A_1765 = arith.andi %and3A_1764, %not3A_1762 : vector<16xi32>
      %or3A_1766 = arith.ori %and3A_1760, %and3A_1765 : vector<16xi32>
      %swap3A_1767 = arith.constant 48 : index
      %swap3A_1768 = tpu.vector_load %arg15[%swap3A_1767] {strides = array<i32>} : memref<80xi32, #tpu.memory_space<vmem>>, vector<16xi32>,
      %swap3A_1769 = vector.shape_cast %swap3A_1768 : vector<16xi32> to vector<16xi32>
      %swap3A_1770 = vector.shape_cast %or3A_1766 : vector<16xi32> to vector<16xi32>
      tpu.vector_store %arg15[%swap3A_1767], %swap3A_1770 {strides = array<i32>} : memref<80xi32, #tpu.memory_space<vmem>>, vector<16xi32>,
      %get3A_1771 = arith.constant 64 : index
      %get3A_1772 = tpu.vector_load %arg7[%get3A_1771] {strides = array<i32>} : memref<80xi32, #tpu.memory_space<vmem>>, vector<16xi32>,
      %get3A_1773 = vector.shape_cast %get3A_1772 : vector<16xi32> to vector<16xi32>
      %get3A_1774 = arith.constant 64 : index
      %get3A_1775 = tpu.vector_load %arg11[%get3A_1774] {strides = array<i32>} : memref<80xi32, #tpu.memory_space<vmem>>, vector<16xi32>,
      %get3A_1776 = vector.shape_cast %get3A_1775 : vector<16xi32> to vector<16xi32>
      %sub3A_1777 = arith.subi %get3A_1773, %get3A_1776 : vector<16xi32>
      %neg3A_1778 = arith.constant 0 : i32
      %neg3A_1779 = vector.broadcast %neg3A_1778 : i32 to vector<16xi32>
      %neg3A_1780 = arith.subi %neg3A_1779, %sub3A_1777 : vector<16xi32>
      %or3A_1781 = arith.ori %sub3A_1777, %neg3A_1780 : vector<16xi32>
      %shift_right_arithmetic3A_1782 = arith.constant 31 : i32
      %shift_right_arithmetic3A_1783 = vector.broadcast %shift_right_arithmetic3A_1782 : i32 to vector<16xi32>
      %shift_right_arithmetic3A_1784 = arith.shrsi %or3A_1781, %shift_right_arithmetic3A_1783 : vector<16xi32>
      %and3A_1785 = arith.andi %get3A_1776, %shift_right_arithmetic3A_1784 : vector<16xi32>
      %not3A_1786 = arith.constant dense<-1> : vector<16xi32>
      %not3A_1787 = arith.xori %shift_right_arithmetic3A_1784, %not3A_1786 : vector<16xi32>
      %and3A_1788 = arith.constant 10000 : i32
      %and3A_1789 = vector.broadcast %and3A_1788 : i32 to vector<16xi32>
      %and3A_1790 = arith.andi %and3A_1789, %not3A_1787 : vector<16xi32>
      %or3A_1791 = arith.ori %and3A_1785, %and3A_1790 : vector<16xi32>
      %swap3A_1792 = arith.constant 64 : index
      %swap3A_1793 = tpu.vector_load %arg15[%swap3A_1792] {strides = array<i32>} : memref<80xi32, #tpu.memory_space<vmem>>, vector<16xi32>,
      %swap3A_1794 = vector.shape_cast %swap3A_1793 : vector<16xi32> to vector<16xi32>
      %swap3A_1795 = vector.shape_cast %or3A_1791 : vector<16xi32> to vector<16xi32>
      tpu.vector_store %arg15[%swap3A_1792], %swap3A_1795 {strides = array<i32>} : memref<80xi32, #tpu.memory_space<vmem>>, vector<16xi32>,
      %dma_start3A_1796 = arith.constant 0 : i32
      %dma_start3A_1797 = arith.constant 0 : i32
      %dma_start3A_1798 = tpu.memref_slice %arg2[%dma_start3A_1796, %dma_start3A_1797] : memref<10240x128xf32, #tpu.memory_space<hbm>> -> memref<10240x128xf32, #tpu.memory_space<hbm>>
      tpu.enqueue_indirect_dma source(%dma_start3A_1798 : memref<10240x128xf32, #tpu.memory_space<hbm>>) target(%arg19 : memref<80x128xf32, #tpu.memory_space<vmem>>) offsets(%arg7 : memref<80xi32, #tpu.memory_space<vmem>>) semaphore(%arg24 : memref<!tpu.dma_semaphore, #tpu.memory_space<semaphore_mem>>)
      %dma_wait3A_1799 = arith.constant 0 : i32
      %dma_wait3A_1800 = arith.constant 0 : i32
      %dma_wait3A_1801 = tpu.memref_slice %arg2[%dma_wait3A_1799, %dma_wait3A_1800] : memref<10240x128xf32, #tpu.memory_space<hbm>> -> memref<10240x128xf32, #tpu.memory_space<hbm>>
      tpu.wait_indirect_dma semaphore(%arg26 : memref<!tpu.dma_semaphore, #tpu.memory_space<semaphore_mem>>) src(%dma_wait3A_1801 : memref<10240x128xf32, #tpu.memory_space<hbm>>) dst(%arg21 : memref<80x128xf32, #tpu.memory_space<vmem>>)
      %dma_start3A_1802 = arith.constant 0 : i32
      %dma_start3A_1803 = arith.constant 0 : i32
      %dma_start3A_1804 = tpu.memref_slice %arg22[%dma_start3A_1802, %dma_start3A_1803] : memref<10240x128xf32, #tpu.memory_space<vmem_shared>> -> memref<10240x128xf32, #tpu.memory_space<vmem_shared>>
      tpu.enqueue_indirect_dma source(%arg21 : memref<80x128xf32, #tpu.memory_space<vmem>>) target(%dma_start3A_1804 : memref<10240x128xf32, #tpu.memory_space<vmem_shared>>) offsets(%arg17 : memref<80xi32, #tpu.memory_space<vmem>>) semaphore(%arg30 : memref<!tpu.dma_semaphore, #tpu.memory_space<semaphore_mem>>) {add = true}
    }
    %while3A_872 = arith.constant 1 : i32
    scf.for %while3A_1208 = %while3A_870 to %while3A_866 step %while3A_872  : i32 {
      %mul3A_1209 = arith.constant 4 : i32
      %mul3A_1210 = arith.muli %while3A_1208, %mul3A_1209 : i32
      %add3A_1211 = arith.constant 0 : i32
      %add3A_1212 = arith.addi %mul3A_1210, %add3A_1211 : i32
      %dma_wait3A_1213 = arith.constant 0 : i32
      %dma_wait3A_1214 = arith.constant 0 : i32
      %dma_wait3A_1215 = tpu.memref_slice %arg22[%dma_wait3A_1213, %dma_wait3A_1214] : memref<10240x128xf32, #tpu.memory_space<vmem_shared>> -> memref<10240x128xf32, #tpu.memory_space<vmem_shared>>
      tpu.wait_indirect_dma semaphore(%arg29 : memref<!tpu.dma_semaphore, #tpu.memory_space<semaphore_mem>>) src(%arg20 : memref<80x128xf32, #tpu.memory_space<vmem>>) dst(%dma_wait3A_1215 : memref<10240x128xf32, #tpu.memory_space<vmem_shared>>)
      %add3A_1216 = arith.constant 2 : i32
      %add3A_1217 = arith.addi %add3A_1212, %add3A_1216 : i32
      %mul3A_1218 = arith.constant 80 : i32
      %mul3A_1219 = arith.muli %add3A_1217, %mul3A_1218 : i32
      %add3A_1220 = arith.addi %mul3A_17, %mul3A_1219 : i32
      "tpu.region"() ({
        %run_scoped3A = tpu.sem_alloc : memref<!tpu.dma_semaphore, #tpu.memory_space<semaphore_mem>>
        %dma_start3A_1805 = tpu.memref_slice %arg3[%add3A_1220] : memref<320000xi32, #tpu.memory_space<hbm>> -> memref<80xi32, #tpu.memory_space<hbm>>
        %dma_start3A_1806 = tpu.memref_slice %arg3[%add3A_1220] : memref<320000xi32, #tpu.memory_space<hbm>> -> memref<80xi32, #tpu.memory_space<hbm>>
        tpu.enqueue_dma source(%dma_start3A_1806 : memref<80xi32, #tpu.memory_space<hbm>>) target(%arg8 : memref<80xi32, #tpu.memory_space<vmem>>) target_semaphore(%run_scoped3A : memref<!tpu.dma_semaphore, #tpu.memory_space<semaphore_mem>>)
        %dma_wait3A_1807 = tpu.memref_slice %arg3[%add3A_1220] : memref<320000xi32, #tpu.memory_space<hbm>> -> memref<80xi32, #tpu.memory_space<hbm>>
        %dma_wait3A_1808 = tpu.memref_slice %arg3[%add3A_1220] : memref<320000xi32, #tpu.memory_space<hbm>> -> memref<80xi32, #tpu.memory_space<hbm>>
        tpu.wait_dma2 semaphore(%run_scoped3A : memref<!tpu.dma_semaphore, #tpu.memory_space<semaphore_mem>>) src(%dma_wait3A_1808 : memref<80xi32, #tpu.memory_space<hbm>>) dst(%arg8 : memref<80xi32, #tpu.memory_space<vmem>>)
        tpu.yield
      }) : () -> ()
      %mul3A_1221 = arith.constant 80 : i32
      %mul3A_1222 = arith.muli %add3A_1217, %mul3A_1221 : i32
      %add3A_1223 = arith.addi %mul3A_17, %mul3A_1222 : i32
      "tpu.region"() ({
        %run_scoped3A = tpu.sem_alloc : memref<!tpu.dma_semaphore, #tpu.memory_space<semaphore_mem>>
        %dma_start3A_1805 = tpu.memref_slice %arg4[%add3A_1223] : memref<320000xi32, #tpu.memory_space<hbm>> -> memref<80xi32, #tpu.memory_space<hbm>>
        %dma_start3A_1806 = tpu.memref_slice %arg4[%add3A_1223] : memref<320000xi32, #tpu.memory_space<hbm>> -> memref<80xi32, #tpu.memory_space<hbm>>
        tpu.enqueue_dma source(%dma_start3A_1806 : memref<80xi32, #tpu.memory_space<hbm>>) target(%arg12 : memref<80xi32, #tpu.memory_space<vmem>>) target_semaphore(%run_scoped3A : memref<!tpu.dma_semaphore, #tpu.memory_space<semaphore_mem>>)
        %dma_wait3A_1807 = tpu.memref_slice %arg4[%add3A_1223] : memref<320000xi32, #tpu.memory_space<hbm>> -> memref<80xi32, #tpu.memory_space<hbm>>
        %dma_wait3A_1808 = tpu.memref_slice %arg4[%add3A_1223] : memref<320000xi32, #tpu.memory_space<hbm>> -> memref<80xi32, #tpu.memory_space<hbm>>
        tpu.wait_dma2 semaphore(%run_scoped3A : memref<!tpu.dma_semaphore, #tpu.memory_space<semaphore_mem>>) src(%dma_wait3A_1808 : memref<80xi32, #tpu.memory_space<hbm>>) dst(%arg12 : memref<80xi32, #tpu.memory_space<vmem>>)
        tpu.yield
      }) : () -> ()
      %get3A_1224 = arith.constant 0 : index
      %get3A_1225 = tpu.vector_load %arg8[%get3A_1224] {strides = array<i32>} : memref<80xi32, #tpu.memory_space<vmem>>, vector<16xi32>,
      %get3A_1226 = vector.shape_cast %get3A_1225 : vector<16xi32> to vector<16xi32>
      %get3A_1227 = arith.constant 0 : index
      %get3A_1228 = tpu.vector_load %arg12[%get3A_1227] {strides = array<i32>} : memref<80xi32, #tpu.memory_space<vmem>>, vector<16xi32>,
      %get3A_1229 = vector.shape_cast %get3A_1228 : vector<16xi32> to vector<16xi32>
      %sub3A_1230 = arith.subi %get3A_1226, %get3A_1229 : vector<16xi32>
      %neg3A_1231 = arith.constant 0 : i32
      %neg3A_1232 = vector.broadcast %neg3A_1231 : i32 to vector<16xi32>
      %neg3A_1233 = arith.subi %neg3A_1232, %sub3A_1230 : vector<16xi32>
      %or3A_1234 = arith.ori %sub3A_1230, %neg3A_1233 : vector<16xi32>
      %shift_right_arithmetic3A_1235 = arith.constant 31 : i32
      %shift_right_arithmetic3A_1236 = vector.broadcast %shift_right_arithmetic3A_1235 : i32 to vector<16xi32>
      %shift_right_arithmetic3A_1237 = arith.shrsi %or3A_1234, %shift_right_arithmetic3A_1236 : vector<16xi32>
      %and3A_1238 = arith.andi %get3A_1229, %shift_right_arithmetic3A_1237 : vector<16xi32>
      %not3A_1239 = arith.constant dense<-1> : vector<16xi32>
      %not3A_1240 = arith.xori %shift_right_arithmetic3A_1237, %not3A_1239 : vector<16xi32>
      %and3A_1241 = arith.constant 10000 : i32
      %and3A_1242 = vector.broadcast %and3A_1241 : i32 to vector<16xi32>
      %and3A_1243 = arith.andi %and3A_1242, %not3A_1240 : vector<16xi32>
      %or3A_1244 = arith.ori %and3A_1238, %and3A_1243 : vector<16xi32>
      %swap3A_1245 = arith.constant 0 : index
      %swap3A_1246 = tpu.vector_load %arg16[%swap3A_1245] {strides = array<i32>} : memref<80xi32, #tpu.memory_space<vmem>>, vector<16xi32>,
      %swap3A_1247 = vector.shape_cast %swap3A_1246 : vector<16xi32> to vector<16xi32>
      %swap3A_1248 = vector.shape_cast %or3A_1244 : vector<16xi32> to vector<16xi32>
      tpu.vector_store %arg16[%swap3A_1245], %swap3A_1248 {strides = array<i32>} : memref<80xi32, #tpu.memory_space<vmem>>, vector<16xi32>,
      %get3A_1249 = arith.constant 16 : index
      %get3A_1250 = tpu.vector_load %arg8[%get3A_1249] {strides = array<i32>} : memref<80xi32, #tpu.memory_space<vmem>>, vector<16xi32>,
      %get3A_1251 = vector.shape_cast %get3A_1250 : vector<16xi32> to vector<16xi32>
      %get3A_1252 = arith.constant 16 : index
      %get3A_1253 = tpu.vector_load %arg12[%get3A_1252] {strides = array<i32>} : memref<80xi32, #tpu.memory_space<vmem>>, vector<16xi32>,
      %get3A_1254 = vector.shape_cast %get3A_1253 : vector<16xi32> to vector<16xi32>
      %sub3A_1255 = arith.subi %get3A_1251, %get3A_1254 : vector<16xi32>
      %neg3A_1256 = arith.constant 0 : i32
      %neg3A_1257 = vector.broadcast %neg3A_1256 : i32 to vector<16xi32>
      %neg3A_1258 = arith.subi %neg3A_1257, %sub3A_1255 : vector<16xi32>
      %or3A_1259 = arith.ori %sub3A_1255, %neg3A_1258 : vector<16xi32>
      %shift_right_arithmetic3A_1260 = arith.constant 31 : i32
      %shift_right_arithmetic3A_1261 = vector.broadcast %shift_right_arithmetic3A_1260 : i32 to vector<16xi32>
      %shift_right_arithmetic3A_1262 = arith.shrsi %or3A_1259, %shift_right_arithmetic3A_1261 : vector<16xi32>
      %and3A_1263 = arith.andi %get3A_1254, %shift_right_arithmetic3A_1262 : vector<16xi32>
      %not3A_1264 = arith.constant dense<-1> : vector<16xi32>
      %not3A_1265 = arith.xori %shift_right_arithmetic3A_1262, %not3A_1264 : vector<16xi32>
      %and3A_1266 = arith.constant 10000 : i32
      %and3A_1267 = vector.broadcast %and3A_1266 : i32 to vector<16xi32>
      %and3A_1268 = arith.andi %and3A_1267, %not3A_1265 : vector<16xi32>
      %or3A_1269 = arith.ori %and3A_1263, %and3A_1268 : vector<16xi32>
      %swap3A_1270 = arith.constant 16 : index
      %swap3A_1271 = tpu.vector_load %arg16[%swap3A_1270] {strides = array<i32>} : memref<80xi32, #tpu.memory_space<vmem>>, vector<16xi32>,
      %swap3A_1272 = vector.shape_cast %swap3A_1271 : vector<16xi32> to vector<16xi32>
      %swap3A_1273 = vector.shape_cast %or3A_1269 : vector<16xi32> to vector<16xi32>
      tpu.vector_store %arg16[%swap3A_1270], %swap3A_1273 {strides = array<i32>} : memref<80xi32, #tpu.memory_space<vmem>>, vector<16xi32>,
      %get3A_1274 = arith.constant 32 : index
      %get3A_1275 = tpu.vector_load %arg8[%get3A_1274] {strides = array<i32>} : memref<80xi32, #tpu.memory_space<vmem>>, vector<16xi32>,
      %get3A_1276 = vector.shape_cast %get3A_1275 : vector<16xi32> to vector<16xi32>
      %get3A_1277 = arith.constant 32 : index
      %get3A_1278 = tpu.vector_load %arg12[%get3A_1277] {strides = array<i32>} : memref<80xi32, #tpu.memory_space<vmem>>, vector<16xi32>,
      %get3A_1279 = vector.shape_cast %get3A_1278 : vector<16xi32> to vector<16xi32>
      %sub3A_1280 = arith.subi %get3A_1276, %get3A_1279 : vector<16xi32>
      %neg3A_1281 = arith.constant 0 : i32
      %neg3A_1282 = vector.broadcast %neg3A_1281 : i32 to vector<16xi32>
      %neg3A_1283 = arith.subi %neg3A_1282, %sub3A_1280 : vector<16xi32>
      %or3A_1284 = arith.ori %sub3A_1280, %neg3A_1283 : vector<16xi32>
      %shift_right_arithmetic3A_1285 = arith.constant 31 : i32
      %shift_right_arithmetic3A_1286 = vector.broadcast %shift_right_arithmetic3A_1285 : i32 to vector<16xi32>
      %shift_right_arithmetic3A_1287 = arith.shrsi %or3A_1284, %shift_right_arithmetic3A_1286 : vector<16xi32>
      %and3A_1288 = arith.andi %get3A_1279, %shift_right_arithmetic3A_1287 : vector<16xi32>
      %not3A_1289 = arith.constant dense<-1> : vector<16xi32>
      %not3A_1290 = arith.xori %shift_right_arithmetic3A_1287, %not3A_1289 : vector<16xi32>
      %and3A_1291 = arith.constant 10000 : i32
      %and3A_1292 = vector.broadcast %and3A_1291 : i32 to vector<16xi32>
      %and3A_1293 = arith.andi %and3A_1292, %not3A_1290 : vector<16xi32>
      %or3A_1294 = arith.ori %and3A_1288, %and3A_1293 : vector<16xi32>
      %swap3A_1295 = arith.constant 32 : index
      %swap3A_1296 = tpu.vector_load %arg16[%swap3A_1295] {strides = array<i32>} : memref<80xi32, #tpu.memory_space<vmem>>, vector<16xi32>,
      %swap3A_1297 = vector.shape_cast %swap3A_1296 : vector<16xi32> to vector<16xi32>
      %swap3A_1298 = vector.shape_cast %or3A_1294 : vector<16xi32> to vector<16xi32>
      tpu.vector_store %arg16[%swap3A_1295], %swap3A_1298 {strides = array<i32>} : memref<80xi32, #tpu.memory_space<vmem>>, vector<16xi32>,
      %get3A_1299 = arith.constant 48 : index
      %get3A_1300 = tpu.vector_load %arg8[%get3A_1299] {strides = array<i32>} : memref<80xi32, #tpu.memory_space<vmem>>, vector<16xi32>,
      %get3A_1301 = vector.shape_cast %get3A_1300 : vector<16xi32> to vector<16xi32>
      %get3A_1302 = arith.constant 48 : index
      %get3A_1303 = tpu.vector_load %arg12[%get3A_1302] {strides = array<i32>} : memref<80xi32, #tpu.memory_space<vmem>>, vector<16xi32>,
      %get3A_1304 = vector.shape_cast %get3A_1303 : vector<16xi32> to vector<16xi32>
      %sub3A_1305 = arith.subi %get3A_1301, %get3A_1304 : vector<16xi32>
      %neg3A_1306 = arith.constant 0 : i32
      %neg3A_1307 = vector.broadcast %neg3A_1306 : i32 to vector<16xi32>
      %neg3A_1308 = arith.subi %neg3A_1307, %sub3A_1305 : vector<16xi32>
      %or3A_1309 = arith.ori %sub3A_1305, %neg3A_1308 : vector<16xi32>
      %shift_right_arithmetic3A_1310 = arith.constant 31 : i32
      %shift_right_arithmetic3A_1311 = vector.broadcast %shift_right_arithmetic3A_1310 : i32 to vector<16xi32>
      %shift_right_arithmetic3A_1312 = arith.shrsi %or3A_1309, %shift_right_arithmetic3A_1311 : vector<16xi32>
      %and3A_1313 = arith.andi %get3A_1304, %shift_right_arithmetic3A_1312 : vector<16xi32>
      %not3A_1314 = arith.constant dense<-1> : vector<16xi32>
      %not3A_1315 = arith.xori %shift_right_arithmetic3A_1312, %not3A_1314 : vector<16xi32>
      %and3A_1316 = arith.constant 10000 : i32
      %and3A_1317 = vector.broadcast %and3A_1316 : i32 to vector<16xi32>
      %and3A_1318 = arith.andi %and3A_1317, %not3A_1315 : vector<16xi32>
      %or3A_1319 = arith.ori %and3A_1313, %and3A_1318 : vector<16xi32>
      %swap3A_1320 = arith.constant 48 : index
      %swap3A_1321 = tpu.vector_load %arg16[%swap3A_1320] {strides = array<i32>} : memref<80xi32, #tpu.memory_space<vmem>>, vector<16xi32>,
      %swap3A_1322 = vector.shape_cast %swap3A_1321 : vector<16xi32> to vector<16xi32>
      %swap3A_1323 = vector.shape_cast %or3A_1319 : vector<16xi32> to vector<16xi32>
      tpu.vector_store %arg16[%swap3A_1320], %swap3A_1323 {strides = array<i32>} : memref<80xi32, #tpu.memory_space<vmem>>, vector<16xi32>,
      %get3A_1324 = arith.constant 64 : index
      %get3A_1325 = tpu.vector_load %arg8[%get3A_1324] {strides = array<i32>} : memref<80xi32, #tpu.memory_space<vmem>>, vector<16xi32>,
      %get3A_1326 = vector.shape_cast %get3A_1325 : vector<16xi32> to vector<16xi32>
      %get3A_1327 = arith.constant 64 : index
      %get3A_1328 = tpu.vector_load %arg12[%get3A_1327] {strides = array<i32>} : memref<80xi32, #tpu.memory_space<vmem>>, vector<16xi32>,
      %get3A_1329 = vector.shape_cast %get3A_1328 : vector<16xi32> to vector<16xi32>
      %sub3A_1330 = arith.subi %get3A_1326, %get3A_1329 : vector<16xi32>
      %neg3A_1331 = arith.constant 0 : i32
      %neg3A_1332 = vector.broadcast %neg3A_1331 : i32 to vector<16xi32>
      %neg3A_1333 = arith.subi %neg3A_1332, %sub3A_1330 : vector<16xi32>
      %or3A_1334 = arith.ori %sub3A_1330, %neg3A_1333 : vector<16xi32>
      %shift_right_arithmetic3A_1335 = arith.constant 31 : i32
      %shift_right_arithmetic3A_1336 = vector.broadcast %shift_right_arithmetic3A_1335 : i32 to vector<16xi32>
      %shift_right_arithmetic3A_1337 = arith.shrsi %or3A_1334, %shift_right_arithmetic3A_1336 : vector<16xi32>
      %and3A_1338 = arith.andi %get3A_1329, %shift_right_arithmetic3A_1337 : vector<16xi32>
      %not3A_1339 = arith.constant dense<-1> : vector<16xi32>
      %not3A_1340 = arith.xori %shift_right_arithmetic3A_1337, %not3A_1339 : vector<16xi32>
      %and3A_1341 = arith.constant 10000 : i32
      %and3A_1342 = vector.broadcast %and3A_1341 : i32 to vector<16xi32>
      %and3A_1343 = arith.andi %and3A_1342, %not3A_1340 : vector<16xi32>
      %or3A_1344 = arith.ori %and3A_1338, %and3A_1343 : vector<16xi32>
      %swap3A_1345 = arith.constant 64 : index
      %swap3A_1346 = tpu.vector_load %arg16[%swap3A_1345] {strides = array<i32>} : memref<80xi32, #tpu.memory_space<vmem>>, vector<16xi32>,
      %swap3A_1347 = vector.shape_cast %swap3A_1346 : vector<16xi32> to vector<16xi32>
      %swap3A_1348 = vector.shape_cast %or3A_1344 : vector<16xi32> to vector<16xi32>
      tpu.vector_store %arg16[%swap3A_1345], %swap3A_1348 {strides = array<i32>} : memref<80xi32, #tpu.memory_space<vmem>>, vector<16xi32>,
      %dma_start3A_1349 = arith.constant 0 : i32
      %dma_start3A_1350 = arith.constant 0 : i32
      %dma_start3A_1351 = tpu.memref_slice %arg2[%dma_start3A_1349, %dma_start3A_1350] : memref<10240x128xf32, #tpu.memory_space<hbm>> -> memref<10240x128xf32, #tpu.memory_space<hbm>>
      tpu.enqueue_indirect_dma source(%dma_start3A_1351 : memref<10240x128xf32, #tpu.memory_space<hbm>>) target(%arg20 : memref<80x128xf32, #tpu.memory_space<vmem>>) offsets(%arg8 : memref<80xi32, #tpu.memory_space<vmem>>) semaphore(%arg25 : memref<!tpu.dma_semaphore, #tpu.memory_space<semaphore_mem>>)
      %dma_wait3A_1352 = arith.constant 0 : i32
      %dma_wait3A_1353 = arith.constant 0 : i32
      %dma_wait3A_1354 = tpu.memref_slice %arg2[%dma_wait3A_1352, %dma_wait3A_1353] : memref<10240x128xf32, #tpu.memory_space<hbm>> -> memref<10240x128xf32, #tpu.memory_space<hbm>>
      tpu.wait_indirect_dma semaphore(%arg23 : memref<!tpu.dma_semaphore, #tpu.memory_space<semaphore_mem>>) src(%dma_wait3A_1354 : memref<10240x128xf32, #tpu.memory_space<hbm>>) dst(%arg18 : memref<80x128xf32, #tpu.memory_space<vmem>>)
      %dma_start3A_1355 = arith.constant 0 : i32
      %dma_start3A_1356 = arith.constant 0 : i32
      %dma_start3A_1357 = tpu.memref_slice %arg22[%dma_start3A_1355, %dma_start3A_1356] : memref<10240x128xf32, #tpu.memory_space<vmem_shared>> -> memref<10240x128xf32, #tpu.memory_space<vmem_shared>>
      tpu.enqueue_indirect_dma source(%arg18 : memref<80x128xf32, #tpu.memory_space<vmem>>) target(%dma_start3A_1357 : memref<10240x128xf32, #tpu.memory_space<vmem_shared>>) offsets(%arg14 : memref<80xi32, #tpu.memory_space<vmem>>) semaphore(%arg27 : memref<!tpu.dma_semaphore, #tpu.memory_space<semaphore_mem>>) {add = true}
      %mul3A_1358 = arith.constant 4 : i32
      %mul3A_1359 = arith.muli %while3A_1208, %mul3A_1358 : i32
      %add3A_1360 = arith.constant 1 : i32
      %add3A_1361 = arith.addi %mul3A_1359, %add3A_1360 : i32
      %dma_wait3A_1362 = arith.constant 0 : i32
      %dma_wait3A_1363 = arith.constant 0 : i32
      %dma_wait3A_1364 = tpu.memref_slice %arg22[%dma_wait3A_1362, %dma_wait3A_1363] : memref<10240x128xf32, #tpu.memory_space<vmem_shared>> -> memref<10240x128xf32, #tpu.memory_space<vmem_shared>>
      tpu.wait_indirect_dma semaphore(%arg30 : memref<!tpu.dma_semaphore, #tpu.memory_space<semaphore_mem>>) src(%arg21 : memref<80x128xf32, #tpu.memory_space<vmem>>) dst(%dma_wait3A_1364 : memref<10240x128xf32, #tpu.memory_space<vmem_shared>>)
      %add3A_1365 = arith.constant 2 : i32
      %add3A_1366 = arith.addi %add3A_1361, %add3A_1365 : i32
      %mul3A_1367 = arith.constant 80 : i32
      %mul3A_1368 = arith.muli %add3A_1366, %mul3A_1367 : i32
      %add3A_1369 = arith.addi %mul3A_17, %mul3A_1368 : i32
      "tpu.region"() ({
        %run_scoped3A = tpu.sem_alloc : memref<!tpu.dma_semaphore, #tpu.memory_space<semaphore_mem>>
        %dma_start3A_1805 = tpu.memref_slice %arg3[%add3A_1369] : memref<320000xi32, #tpu.memory_space<hbm>> -> memref<80xi32, #tpu.memory_space<hbm>>
        %dma_start3A_1806 = tpu.memref_slice %arg3[%add3A_1369] : memref<320000xi32, #tpu.memory_space<hbm>> -> memref<80xi32, #tpu.memory_space<hbm>>
        tpu.enqueue_dma source(%dma_start3A_1806 : memref<80xi32, #tpu.memory_space<hbm>>) target(%arg9 : memref<80xi32, #tpu.memory_space<vmem>>) target_semaphore(%run_scoped3A : memref<!tpu.dma_semaphore, #tpu.memory_space<semaphore_mem>>)
        %dma_wait3A_1807 = tpu.memref_slice %arg3[%add3A_1369] : memref<320000xi32, #tpu.memory_space<hbm>> -> memref<80xi32, #tpu.memory_space<hbm>>
        %dma_wait3A_1808 = tpu.memref_slice %arg3[%add3A_1369] : memref<320000xi32, #tpu.memory_space<hbm>> -> memref<80xi32, #tpu.memory_space<hbm>>
        tpu.wait_dma2 semaphore(%run_scoped3A : memref<!tpu.dma_semaphore, #tpu.memory_space<semaphore_mem>>) src(%dma_wait3A_1808 : memref<80xi32, #tpu.memory_space<hbm>>) dst(%arg9 : memref<80xi32, #tpu.memory_space<vmem>>)
        tpu.yield
      }) : () -> ()
      %mul3A_1370 = arith.constant 80 : i32
      %mul3A_1371 = arith.muli %add3A_1366, %mul3A_1370 : i32
      %add3A_1372 = arith.addi %mul3A_17, %mul3A_1371 : i32
      "tpu.region"() ({
        %run_scoped3A = tpu.sem_alloc : memref<!tpu.dma_semaphore, #tpu.memory_space<semaphore_mem>>
        %dma_start3A_1805 = tpu.memref_slice %arg4[%add3A_1372] : memref<320000xi32, #tpu.memory_space<hbm>> -> memref<80xi32, #tpu.memory_space<hbm>>
        %dma_start3A_1806 = tpu.memref_slice %arg4[%add3A_1372] : memref<320000xi32, #tpu.memory_space<hbm>> -> memref<80xi32, #tpu.memory_space<hbm>>
        tpu.enqueue_dma source(%dma_start3A_1806 : memref<80xi32, #tpu.memory_space<hbm>>) target(%arg13 : memref<80xi32, #tpu.memory_space<vmem>>) target_semaphore(%run_scoped3A : memref<!tpu.dma_semaphore, #tpu.memory_space<semaphore_mem>>)
        %dma_wait3A_1807 = tpu.memref_slice %arg4[%add3A_1372] : memref<320000xi32, #tpu.memory_space<hbm>> -> memref<80xi32, #tpu.memory_space<hbm>>
        %dma_wait3A_1808 = tpu.memref_slice %arg4[%add3A_1372] : memref<320000xi32, #tpu.memory_space<hbm>> -> memref<80xi32, #tpu.memory_space<hbm>>
        tpu.wait_dma2 semaphore(%run_scoped3A : memref<!tpu.dma_semaphore, #tpu.memory_space<semaphore_mem>>) src(%dma_wait3A_1808 : memref<80xi32, #tpu.memory_space<hbm>>) dst(%arg13 : memref<80xi32, #tpu.memory_space<vmem>>)
        tpu.yield
      }) : () -> ()
      %get3A_1373 = arith.constant 0 : index
      %get3A_1374 = tpu.vector_load %arg9[%get3A_1373] {strides = array<i32>} : memref<80xi32, #tpu.memory_space<vmem>>, vector<16xi32>,
      %get3A_1375 = vector.shape_cast %get3A_1374 : vector<16xi32> to vector<16xi32>
      %get3A_1376 = arith.constant 0 : index
      %get3A_1377 = tpu.vector_load %arg13[%get3A_1376] {strides = array<i32>} : memref<80xi32, #tpu.memory_space<vmem>>, vector<16xi32>,
      %get3A_1378 = vector.shape_cast %get3A_1377 : vector<16xi32> to vector<16xi32>
      %sub3A_1379 = arith.subi %get3A_1375, %get3A_1378 : vector<16xi32>
      %neg3A_1380 = arith.constant 0 : i32
      %neg3A_1381 = vector.broadcast %neg3A_1380 : i32 to vector<16xi32>
      %neg3A_1382 = arith.subi %neg3A_1381, %sub3A_1379 : vector<16xi32>
      %or3A_1383 = arith.ori %sub3A_1379, %neg3A_1382 : vector<16xi32>
      %shift_right_arithmetic3A_1384 = arith.constant 31 : i32
      %shift_right_arithmetic3A_1385 = vector.broadcast %shift_right_arithmetic3A_1384 : i32 to vector<16xi32>
      %shift_right_arithmetic3A_1386 = arith.shrsi %or3A_1383, %shift_right_arithmetic3A_1385 : vector<16xi32>
      %and3A_1387 = arith.andi %get3A_1378, %shift_right_arithmetic3A_1386 : vector<16xi32>
      %not3A_1388 = arith.constant dense<-1> : vector<16xi32>
      %not3A_1389 = arith.xori %shift_right_arithmetic3A_1386, %not3A_1388 : vector<16xi32>
      %and3A_1390 = arith.constant 10000 : i32
      %and3A_1391 = vector.broadcast %and3A_1390 : i32 to vector<16xi32>
      %and3A_1392 = arith.andi %and3A_1391, %not3A_1389 : vector<16xi32>
      %or3A_1393 = arith.ori %and3A_1387, %and3A_1392 : vector<16xi32>
      %swap3A_1394 = arith.constant 0 : index
      %swap3A_1395 = tpu.vector_load %arg17[%swap3A_1394] {strides = array<i32>} : memref<80xi32, #tpu.memory_space<vmem>>, vector<16xi32>,
      %swap3A_1396 = vector.shape_cast %swap3A_1395 : vector<16xi32> to vector<16xi32>
      %swap3A_1397 = vector.shape_cast %or3A_1393 : vector<16xi32> to vector<16xi32>
      tpu.vector_store %arg17[%swap3A_1394], %swap3A_1397 {strides = array<i32>} : memref<80xi32, #tpu.memory_space<vmem>>, vector<16xi32>,
      %get3A_1398 = arith.constant 16 : index
      %get3A_1399 = tpu.vector_load %arg9[%get3A_1398] {strides = array<i32>} : memref<80xi32, #tpu.memory_space<vmem>>, vector<16xi32>,
      %get3A_1400 = vector.shape_cast %get3A_1399 : vector<16xi32> to vector<16xi32>
      %get3A_1401 = arith.constant 16 : index
      %get3A_1402 = tpu.vector_load %arg13[%get3A_1401] {strides = array<i32>} : memref<80xi32, #tpu.memory_space<vmem>>, vector<16xi32>,
      %get3A_1403 = vector.shape_cast %get3A_1402 : vector<16xi32> to vector<16xi32>
      %sub3A_1404 = arith.subi %get3A_1400, %get3A_1403 : vector<16xi32>
      %neg3A_1405 = arith.constant 0 : i32
      %neg3A_1406 = vector.broadcast %neg3A_1405 : i32 to vector<16xi32>
      %neg3A_1407 = arith.subi %neg3A_1406, %sub3A_1404 : vector<16xi32>
      %or3A_1408 = arith.ori %sub3A_1404, %neg3A_1407 : vector<16xi32>
      %shift_right_arithmetic3A_1409 = arith.constant 31 : i32
      %shift_right_arithmetic3A_1410 = vector.broadcast %shift_right_arithmetic3A_1409 : i32 to vector<16xi32>
      %shift_right_arithmetic3A_1411 = arith.shrsi %or3A_1408, %shift_right_arithmetic3A_1410 : vector<16xi32>
      %and3A_1412 = arith.andi %get3A_1403, %shift_right_arithmetic3A_1411 : vector<16xi32>
      %not3A_1413 = arith.constant dense<-1> : vector<16xi32>
      %not3A_1414 = arith.xori %shift_right_arithmetic3A_1411, %not3A_1413 : vector<16xi32>
      %and3A_1415 = arith.constant 10000 : i32
      %and3A_1416 = vector.broadcast %and3A_1415 : i32 to vector<16xi32>
      %and3A_1417 = arith.andi %and3A_1416, %not3A_1414 : vector<16xi32>
      %or3A_1418 = arith.ori %and3A_1412, %and3A_1417 : vector<16xi32>
      %swap3A_1419 = arith.constant 16 : index
      %swap3A_1420 = tpu.vector_load %arg17[%swap3A_1419] {strides = array<i32>} : memref<80xi32, #tpu.memory_space<vmem>>, vector<16xi32>,
      %swap3A_1421 = vector.shape_cast %swap3A_1420 : vector<16xi32> to vector<16xi32>
      %swap3A_1422 = vector.shape_cast %or3A_1418 : vector<16xi32> to vector<16xi32>
      tpu.vector_store %arg17[%swap3A_1419], %swap3A_1422 {strides = array<i32>} : memref<80xi32, #tpu.memory_space<vmem>>, vector<16xi32>,
      %get3A_1423 = arith.constant 32 : index
      %get3A_1424 = tpu.vector_load %arg9[%get3A_1423] {strides = array<i32>} : memref<80xi32, #tpu.memory_space<vmem>>, vector<16xi32>,
      %get3A_1425 = vector.shape_cast %get3A_1424 : vector<16xi32> to vector<16xi32>
      %get3A_1426 = arith.constant 32 : index
      %get3A_1427 = tpu.vector_load %arg13[%get3A_1426] {strides = array<i32>} : memref<80xi32, #tpu.memory_space<vmem>>, vector<16xi32>,
      %get3A_1428 = vector.shape_cast %get3A_1427 : vector<16xi32> to vector<16xi32>
      %sub3A_1429 = arith.subi %get3A_1425, %get3A_1428 : vector<16xi32>
      %neg3A_1430 = arith.constant 0 : i32
      %neg3A_1431 = vector.broadcast %neg3A_1430 : i32 to vector<16xi32>
      %neg3A_1432 = arith.subi %neg3A_1431, %sub3A_1429 : vector<16xi32>
      %or3A_1433 = arith.ori %sub3A_1429, %neg3A_1432 : vector<16xi32>
      %shift_right_arithmetic3A_1434 = arith.constant 31 : i32
      %shift_right_arithmetic3A_1435 = vector.broadcast %shift_right_arithmetic3A_1434 : i32 to vector<16xi32>
      %shift_right_arithmetic3A_1436 = arith.shrsi %or3A_1433, %shift_right_arithmetic3A_1435 : vector<16xi32>
      %and3A_1437 = arith.andi %get3A_1428, %shift_right_arithmetic3A_1436 : vector<16xi32>
      %not3A_1438 = arith.constant dense<-1> : vector<16xi32>
      %not3A_1439 = arith.xori %shift_right_arithmetic3A_1436, %not3A_1438 : vector<16xi32>
      %and3A_1440 = arith.constant 10000 : i32
      %and3A_1441 = vector.broadcast %and3A_1440 : i32 to vector<16xi32>
      %and3A_1442 = arith.andi %and3A_1441, %not3A_1439 : vector<16xi32>
      %or3A_1443 = arith.ori %and3A_1437, %and3A_1442 : vector<16xi32>
      %swap3A_1444 = arith.constant 32 : index
      %swap3A_1445 = tpu.vector_load %arg17[%swap3A_1444] {strides = array<i32>} : memref<80xi32, #tpu.memory_space<vmem>>, vector<16xi32>,
      %swap3A_1446 = vector.shape_cast %swap3A_1445 : vector<16xi32> to vector<16xi32>
      %swap3A_1447 = vector.shape_cast %or3A_1443 : vector<16xi32> to vector<16xi32>
      tpu.vector_store %arg17[%swap3A_1444], %swap3A_1447 {strides = array<i32>} : memref<80xi32, #tpu.memory_space<vmem>>, vector<16xi32>,
      %get3A_1448 = arith.constant 48 : index
      %get3A_1449 = tpu.vector_load %arg9[%get3A_1448] {strides = array<i32>} : memref<80xi32, #tpu.memory_space<vmem>>, vector<16xi32>,
      %get3A_1450 = vector.shape_cast %get3A_1449 : vector<16xi32> to vector<16xi32>
      %get3A_1451 = arith.constant 48 : index
      %get3A_1452 = tpu.vector_load %arg13[%get3A_1451] {strides = array<i32>} : memref<80xi32, #tpu.memory_space<vmem>>, vector<16xi32>,
      %get3A_1453 = vector.shape_cast %get3A_1452 : vector<16xi32> to vector<16xi32>
      %sub3A_1454 = arith.subi %get3A_1450, %get3A_1453 : vector<16xi32>
      %neg3A_1455 = arith.constant 0 : i32
      %neg3A_1456 = vector.broadcast %neg3A_1455 : i32 to vector<16xi32>
      %neg3A_1457 = arith.subi %neg3A_1456, %sub3A_1454 : vector<16xi32>
      %or3A_1458 = arith.ori %sub3A_1454, %neg3A_1457 : vector<16xi32>
      %shift_right_arithmetic3A_1459 = arith.constant 31 : i32
      %shift_right_arithmetic3A_1460 = vector.broadcast %shift_right_arithmetic3A_1459 : i32 to vector<16xi32>
      %shift_right_arithmetic3A_1461 = arith.shrsi %or3A_1458, %shift_right_arithmetic3A_1460 : vector<16xi32>
      %and3A_1462 = arith.andi %get3A_1453, %shift_right_arithmetic3A_1461 : vector<16xi32>
      %not3A_1463 = arith.constant dense<-1> : vector<16xi32>
      %not3A_1464 = arith.xori %shift_right_arithmetic3A_1461, %not3A_1463 : vector<16xi32>
      %and3A_1465 = arith.constant 10000 : i32
      %and3A_1466 = vector.broadcast %and3A_1465 : i32 to vector<16xi32>
      %and3A_1467 = arith.andi %and3A_1466, %not3A_1464 : vector<16xi32>
      %or3A_1468 = arith.ori %and3A_1462, %and3A_1467 : vector<16xi32>
      %swap3A_1469 = arith.constant 48 : index
      %swap3A_1470 = tpu.vector_load %arg17[%swap3A_1469] {strides = array<i32>} : memref<80xi32, #tpu.memory_space<vmem>>, vector<16xi32>,
      %swap3A_1471 = vector.shape_cast %swap3A_1470 : vector<16xi32> to vector<16xi32>
      %swap3A_1472 = vector.shape_cast %or3A_1468 : vector<16xi32> to vector<16xi32>
      tpu.vector_store %arg17[%swap3A_1469], %swap3A_1472 {strides = array<i32>} : memref<80xi32, #tpu.memory_space<vmem>>, vector<16xi32>,
      %get3A_1473 = arith.constant 64 : index
      %get3A_1474 = tpu.vector_load %arg9[%get3A_1473] {strides = array<i32>} : memref<80xi32, #tpu.memory_space<vmem>>, vector<16xi32>,
      %get3A_1475 = vector.shape_cast %get3A_1474 : vector<16xi32> to vector<16xi32>
      %get3A_1476 = arith.constant 64 : index
      %get3A_1477 = tpu.vector_load %arg13[%get3A_1476] {strides = array<i32>} : memref<80xi32, #tpu.memory_space<vmem>>, vector<16xi32>,
      %get3A_1478 = vector.shape_cast %get3A_1477 : vector<16xi32> to vector<16xi32>
      %sub3A_1479 = arith.subi %get3A_1475, %get3A_1478 : vector<16xi32>
      %neg3A_1480 = arith.constant 0 : i32
      %neg3A_1481 = vector.broadcast %neg3A_1480 : i32 to vector<16xi32>
      %neg3A_1482 = arith.subi %neg3A_1481, %sub3A_1479 : vector<16xi32>
      %or3A_1483 = arith.ori %sub3A_1479, %neg3A_1482 : vector<16xi32>
      %shift_right_arithmetic3A_1484 = arith.constant 31 : i32
      %shift_right_arithmetic3A_1485 = vector.broadcast %shift_right_arithmetic3A_1484 : i32 to vector<16xi32>
      %shift_right_arithmetic3A_1486 = arith.shrsi %or3A_1483, %shift_right_arithmetic3A_1485 : vector<16xi32>
      %and3A_1487 = arith.andi %get3A_1478, %shift_right_arithmetic3A_1486 : vector<16xi32>
      %not3A_1488 = arith.constant dense<-1> : vector<16xi32>
      %not3A_1489 = arith.xori %shift_right_arithmetic3A_1486, %not3A_1488 : vector<16xi32>
      %and3A_1490 = arith.constant 10000 : i32
      %and3A_1491 = vector.broadcast %and3A_1490 : i32 to vector<16xi32>
      %and3A_1492 = arith.andi %and3A_1491, %not3A_1489 : vector<16xi32>
      %or3A_1493 = arith.ori %and3A_1487, %and3A_1492 : vector<16xi32>
      %swap3A_1494 = arith.constant 64 : index
      %swap3A_1495 = tpu.vector_load %arg17[%swap3A_1494] {strides = array<i32>} : memref<80xi32, #tpu.memory_space<vmem>>, vector<16xi32>,
      %swap3A_1496 = vector.shape_cast %swap3A_1495 : vector<16xi32> to vector<16xi32>
      %swap3A_1497 = vector.shape_cast %or3A_1493 : vector<16xi32> to vector<16xi32>
      tpu.vector_store %arg17[%swap3A_1494], %swap3A_1497 {strides = array<i32>} : memref<80xi32, #tpu.memory_space<vmem>>, vector<16xi32>,
      %dma_start3A_1498 = arith.constant 0 : i32
      %dma_start3A_1499 = arith.constant 0 : i32
      %dma_start3A_1500 = tpu.memref_slice %arg2[%dma_start3A_1498, %dma_start3A_1499] : memref<10240x128xf32, #tpu.memory_space<hbm>> -> memref<10240x128xf32, #tpu.memory_space<hbm>>
      tpu.enqueue_indirect_dma source(%dma_start3A_1500 : memref<10240x128xf32, #tpu.memory_space<hbm>>) target(%arg21 : memref<80x128xf32, #tpu.memory_space<vmem>>) offsets(%arg9 : memref<80xi32, #tpu.memory_space<vmem>>) semaphore(%arg26 : memref<!tpu.dma_semaphore, #tpu.memory_space<semaphore_mem>>)
      %dma_wait3A_1501 = arith.constant 0 : i32
      %dma_wait3A_1502 = arith.constant 0 : i32
      %dma_wait3A_1503 = tpu.memref_slice %arg2[%dma_wait3A_1501, %dma_wait3A_1502] : memref<10240x128xf32, #tpu.memory_space<hbm>> -> memref<10240x128xf32, #tpu.memory_space<hbm>>
      tpu.wait_indirect_dma semaphore(%arg24 : memref<!tpu.dma_semaphore, #tpu.memory_space<semaphore_mem>>) src(%dma_wait3A_1503 : memref<10240x128xf32, #tpu.memory_space<hbm>>) dst(%arg19 : memref<80x128xf32, #tpu.memory_space<vmem>>)
      %dma_start3A_1504 = arith.constant 0 : i32
      %dma_start3A_1505 = arith.constant 0 : i32
      %dma_start3A_1506 = tpu.memref_slice %arg22[%dma_start3A_1504, %dma_start3A_1505] : memref<10240x128xf32, #tpu.memory_space<vmem_shared>> -> memref<10240x128xf32, #tpu.memory_space<vmem_shared>>
      tpu.enqueue_indirect_dma source(%arg19 : memref<80x128xf32, #tpu.memory_space<vmem>>) target(%dma_start3A_1506 : memref<10240x128xf32, #tpu.memory_space<vmem_shared>>) offsets(%arg15 : memref<80xi32, #tpu.memory_space<vmem>>) semaphore(%arg28 : memref<!tpu.dma_semaphore, #tpu.memory_space<semaphore_mem>>) {add = true}
      %mul3A_1507 = arith.constant 4 : i32
      %mul3A_1508 = arith.muli %while3A_1208, %mul3A_1507 : i32
      %add3A_1509 = arith.constant 2 : i32
      %add3A_1510 = arith.addi %mul3A_1508, %add3A_1509 : i32
      %dma_wait3A_1511 = arith.constant 0 : i32
      %dma_wait3A_1512 = arith.constant 0 : i32
      %dma_wait3A_1513 = tpu.memref_slice %arg22[%dma_wait3A_1511, %dma_wait3A_1512] : memref<10240x128xf32, #tpu.memory_space<vmem_shared>> -> memref<10240x128xf32, #tpu.memory_space<vmem_shared>>
      tpu.wait_indirect_dma semaphore(%arg27 : memref<!tpu.dma_semaphore, #tpu.memory_space<semaphore_mem>>) src(%arg18 : memref<80x128xf32, #tpu.memory_space<vmem>>) dst(%dma_wait3A_1513 : memref<10240x128xf32, #tpu.memory_space<vmem_shared>>)
      %add3A_1514 = arith.constant 2 : i32
      %add3A_1515 = arith.addi %add3A_1510, %add3A_1514 : i32
      %mul3A_1516 = arith.constant 80 : i32
      %mul3A_1517 = arith.muli %add3A_1515, %mul3A_1516 : i32
      %add3A_1518 = arith.addi %mul3A_17, %mul3A_1517 : i32
      "tpu.region"() ({
        %run_scoped3A = tpu.sem_alloc : memref<!tpu.dma_semaphore, #tpu.memory_space<semaphore_mem>>
        %dma_start3A_1805 = tpu.memref_slice %arg3[%add3A_1518] : memref<320000xi32, #tpu.memory_space<hbm>> -> memref<80xi32, #tpu.memory_space<hbm>>
        %dma_start3A_1806 = tpu.memref_slice %arg3[%add3A_1518] : memref<320000xi32, #tpu.memory_space<hbm>> -> memref<80xi32, #tpu.memory_space<hbm>>
        tpu.enqueue_dma source(%dma_start3A_1806 : memref<80xi32, #tpu.memory_space<hbm>>) target(%arg6 : memref<80xi32, #tpu.memory_space<vmem>>) target_semaphore(%run_scoped3A : memref<!tpu.dma_semaphore, #tpu.memory_space<semaphore_mem>>)
        %dma_wait3A_1807 = tpu.memref_slice %arg3[%add3A_1518] : memref<320000xi32, #tpu.memory_space<hbm>> -> memref<80xi32, #tpu.memory_space<hbm>>
        %dma_wait3A_1808 = tpu.memref_slice %arg3[%add3A_1518] : memref<320000xi32, #tpu.memory_space<hbm>> -> memref<80xi32, #tpu.memory_space<hbm>>
        tpu.wait_dma2 semaphore(%run_scoped3A : memref<!tpu.dma_semaphore, #tpu.memory_space<semaphore_mem>>) src(%dma_wait3A_1808 : memref<80xi32, #tpu.memory_space<hbm>>) dst(%arg6 : memref<80xi32, #tpu.memory_space<vmem>>)
        tpu.yield
      }) : () -> ()
      %mul3A_1519 = arith.constant 80 : i32
      %mul3A_1520 = arith.muli %add3A_1515, %mul3A_1519 : i32
      %add3A_1521 = arith.addi %mul3A_17, %mul3A_1520 : i32
      "tpu.region"() ({
        %run_scoped3A = tpu.sem_alloc : memref<!tpu.dma_semaphore, #tpu.memory_space<semaphore_mem>>
        %dma_start3A_1805 = tpu.memref_slice %arg4[%add3A_1521] : memref<320000xi32, #tpu.memory_space<hbm>> -> memref<80xi32, #tpu.memory_space<hbm>>
        %dma_start3A_1806 = tpu.memref_slice %arg4[%add3A_1521] : memref<320000xi32, #tpu.memory_space<hbm>> -> memref<80xi32, #tpu.memory_space<hbm>>
        tpu.enqueue_dma source(%dma_start3A_1806 : memref<80xi32, #tpu.memory_space<hbm>>) target(%arg10 : memref<80xi32, #tpu.memory_space<vmem>>) target_semaphore(%run_scoped3A : memref<!tpu.dma_semaphore, #tpu.memory_space<semaphore_mem>>)
        %dma_wait3A_1807 = tpu.memref_slice %arg4[%add3A_1521] : memref<320000xi32, #tpu.memory_space<hbm>> -> memref<80xi32, #tpu.memory_space<hbm>>
        %dma_wait3A_1808 = tpu.memref_slice %arg4[%add3A_1521] : memref<320000xi32, #tpu.memory_space<hbm>> -> memref<80xi32, #tpu.memory_space<hbm>>
        tpu.wait_dma2 semaphore(%run_scoped3A : memref<!tpu.dma_semaphore, #tpu.memory_space<semaphore_mem>>) src(%dma_wait3A_1808 : memref<80xi32, #tpu.memory_space<hbm>>) dst(%arg10 : memref<80xi32, #tpu.memory_space<vmem>>)
        tpu.yield
      }) : () -> ()
      %get3A_1522 = arith.constant 0 : index
      %get3A_1523 = tpu.vector_load %arg6[%get3A_1522] {strides = array<i32>} : memref<80xi32, #tpu.memory_space<vmem>>, vector<16xi32>,
      %get3A_1524 = vector.shape_cast %get3A_1523 : vector<16xi32> to vector<16xi32>
      %get3A_1525 = arith.constant 0 : index
      %get3A_1526 = tpu.vector_load %arg10[%get3A_1525] {strides = array<i32>} : memref<80xi32, #tpu.memory_space<vmem>>, vector<16xi32>,
      %get3A_1527 = vector.shape_cast %get3A_1526 : vector<16xi32> to vector<16xi32>
      %sub3A_1528 = arith.subi %get3A_1524, %get3A_1527 : vector<16xi32>
      %neg3A_1529 = arith.constant 0 : i32
      %neg3A_1530 = vector.broadcast %neg3A_1529 : i32 to vector<16xi32>
      %neg3A_1531 = arith.subi %neg3A_1530, %sub3A_1528 : vector<16xi32>
      %or3A_1532 = arith.ori %sub3A_1528, %neg3A_1531 : vector<16xi32>
      %shift_right_arithmetic3A_1533 = arith.constant 31 : i32
      %shift_right_arithmetic3A_1534 = vector.broadcast %shift_right_arithmetic3A_1533 : i32 to vector<16xi32>
      %shift_right_arithmetic3A_1535 = arith.shrsi %or3A_1532, %shift_right_arithmetic3A_1534 : vector<16xi32>
      %and3A_1536 = arith.andi %get3A_1527, %shift_right_arithmetic3A_1535 : vector<16xi32>
      %not3A_1537 = arith.constant dense<-1> : vector<16xi32>
      %not3A_1538 = arith.xori %shift_right_arithmetic3A_1535, %not3A_1537 : vector<16xi32>
      %and3A_1539 = arith.constant 10000 : i32
      %and3A_1540 = vector.broadcast %and3A_1539 : i32 to vector<16xi32>
      %and3A_1541 = arith.andi %and3A_1540, %not3A_1538 : vector<16xi32>
      %or3A_1542 = arith.ori %and3A_1536, %and3A_1541 : vector<16xi32>
      %swap3A_1543 = arith.constant 0 : index
      %swap3A_1544 = tpu.vector_load %arg14[%swap3A_1543] {strides = array<i32>} : memref<80xi32, #tpu.memory_space<vmem>>, vector<16xi32>,
      %swap3A_1545 = vector.shape_cast %swap3A_1544 : vector<16xi32> to vector<16xi32>
      %swap3A_1546 = vector.shape_cast %or3A_1542 : vector<16xi32> to vector<16xi32>
      tpu.vector_store %arg14[%swap3A_1543], %swap3A_1546 {strides = array<i32>} : memref<80xi32, #tpu.memory_space<vmem>>, vector<16xi32>,
      %get3A_1547 = arith.constant 16 : index
      %get3A_1548 = tpu.vector_load %arg6[%get3A_1547] {strides = array<i32>} : memref<80xi32, #tpu.memory_space<vmem>>, vector<16xi32>,
      %get3A_1549 = vector.shape_cast %get3A_1548 : vector<16xi32> to vector<16xi32>
      %get3A_1550 = arith.constant 16 : index
      %get3A_1551 = tpu.vector_load %arg10[%get3A_1550] {strides = array<i32>} : memref<80xi32, #tpu.memory_space<vmem>>, vector<16xi32>,
      %get3A_1552 = vector.shape_cast %get3A_1551 : vector<16xi32> to vector<16xi32>
      %sub3A_1553 = arith.subi %get3A_1549, %get3A_1552 : vector<16xi32>
      %neg3A_1554 = arith.constant 0 : i32
      %neg3A_1555 = vector.broadcast %neg3A_1554 : i32 to vector<16xi32>
      %neg3A_1556 = arith.subi %neg3A_1555, %sub3A_1553 : vector<16xi32>
      %or3A_1557 = arith.ori %sub3A_1553, %neg3A_1556 : vector<16xi32>
      %shift_right_arithmetic3A_1558 = arith.constant 31 : i32
      %shift_right_arithmetic3A_1559 = vector.broadcast %shift_right_arithmetic3A_1558 : i32 to vector<16xi32>
      %shift_right_arithmetic3A_1560 = arith.shrsi %or3A_1557, %shift_right_arithmetic3A_1559 : vector<16xi32>
      %and3A_1561 = arith.andi %get3A_1552, %shift_right_arithmetic3A_1560 : vector<16xi32>
      %not3A_1562 = arith.constant dense<-1> : vector<16xi32>
      %not3A_1563 = arith.xori %shift_right_arithmetic3A_1560, %not3A_1562 : vector<16xi32>
      %and3A_1564 = arith.constant 10000 : i32
      %and3A_1565 = vector.broadcast %and3A_1564 : i32 to vector<16xi32>
      %and3A_1566 = arith.andi %and3A_1565, %not3A_1563 : vector<16xi32>
      %or3A_1567 = arith.ori %and3A_1561, %and3A_1566 : vector<16xi32>
      %swap3A_1568 = arith.constant 16 : index
      %swap3A_1569 = tpu.vector_load %arg14[%swap3A_1568] {strides = array<i32>} : memref<80xi32, #tpu.memory_space<vmem>>, vector<16xi32>,
      %swap3A_1570 = vector.shape_cast %swap3A_1569 : vector<16xi32> to vector<16xi32>
      %swap3A_1571 = vector.shape_cast %or3A_1567 : vector<16xi32> to vector<16xi32>
      tpu.vector_store %arg14[%swap3A_1568], %swap3A_1571 {strides = array<i32>} : memref<80xi32, #tpu.memory_space<vmem>>, vector<16xi32>,
      %get3A_1572 = arith.constant 32 : index
      %get3A_1573 = tpu.vector_load %arg6[%get3A_1572] {strides = array<i32>} : memref<80xi32, #tpu.memory_space<vmem>>, vector<16xi32>,
      %get3A_1574 = vector.shape_cast %get3A_1573 : vector<16xi32> to vector<16xi32>
      %get3A_1575 = arith.constant 32 : index
      %get3A_1576 = tpu.vector_load %arg10[%get3A_1575] {strides = array<i32>} : memref<80xi32, #tpu.memory_space<vmem>>, vector<16xi32>,
      %get3A_1577 = vector.shape_cast %get3A_1576 : vector<16xi32> to vector<16xi32>
      %sub3A_1578 = arith.subi %get3A_1574, %get3A_1577 : vector<16xi32>
      %neg3A_1579 = arith.constant 0 : i32
      %neg3A_1580 = vector.broadcast %neg3A_1579 : i32 to vector<16xi32>
      %neg3A_1581 = arith.subi %neg3A_1580, %sub3A_1578 : vector<16xi32>
      %or3A_1582 = arith.ori %sub3A_1578, %neg3A_1581 : vector<16xi32>
      %shift_right_arithmetic3A_1583 = arith.constant 31 : i32
      %shift_right_arithmetic3A_1584 = vector.broadcast %shift_right_arithmetic3A_1583 : i32 to vector<16xi32>
      %shift_right_arithmetic3A_1585 = arith.shrsi %or3A_1582, %shift_right_arithmetic3A_1584 : vector<16xi32>
      %and3A_1586 = arith.andi %get3A_1577, %shift_right_arithmetic3A_1585 : vector<16xi32>
      %not3A_1587 = arith.constant dense<-1> : vector<16xi32>
      %not3A_1588 = arith.xori %shift_right_arithmetic3A_1585, %not3A_1587 : vector<16xi32>
      %and3A_1589 = arith.constant 10000 : i32
      %and3A_1590 = vector.broadcast %and3A_1589 : i32 to vector<16xi32>
      %and3A_1591 = arith.andi %and3A_1590, %not3A_1588 : vector<16xi32>
      %or3A_1592 = arith.ori %and3A_1586, %and3A_1591 : vector<16xi32>
      %swap3A_1593 = arith.constant 32 : index
      %swap3A_1594 = tpu.vector_load %arg14[%swap3A_1593] {strides = array<i32>} : memref<80xi32, #tpu.memory_space<vmem>>, vector<16xi32>,
      %swap3A_1595 = vector.shape_cast %swap3A_1594 : vector<16xi32> to vector<16xi32>
      %swap3A_1596 = vector.shape_cast %or3A_1592 : vector<16xi32> to vector<16xi32>
      tpu.vector_store %arg14[%swap3A_1593], %swap3A_1596 {strides = array<i32>} : memref<80xi32, #tpu.memory_space<vmem>>, vector<16xi32>,
      %get3A_1597 = arith.constant 48 : index
      %get3A_1598 = tpu.vector_load %arg6[%get3A_1597] {strides = array<i32>} : memref<80xi32, #tpu.memory_space<vmem>>, vector<16xi32>,
      %get3A_1599 = vector.shape_cast %get3A_1598 : vector<16xi32> to vector<16xi32>
      %get3A_1600 = arith.constant 48 : index
      %get3A_1601 = tpu.vector_load %arg10[%get3A_1600] {strides = array<i32>} : memref<80xi32, #tpu.memory_space<vmem>>, vector<16xi32>,
      %get3A_1602 = vector.shape_cast %get3A_1601 : vector<16xi32> to vector<16xi32>
      %sub3A_1603 = arith.subi %get3A_1599, %get3A_1602 : vector<16xi32>
      %neg3A_1604 = arith.constant 0 : i32
      %neg3A_1605 = vector.broadcast %neg3A_1604 : i32 to vector<16xi32>
      %neg3A_1606 = arith.subi %neg3A_1605, %sub3A_1603 : vector<16xi32>
      %or3A_1607 = arith.ori %sub3A_1603, %neg3A_1606 : vector<16xi32>
      %shift_right_arithmetic3A_1608 = arith.constant 31 : i32
      %shift_right_arithmetic3A_1609 = vector.broadcast %shift_right_arithmetic3A_1608 : i32 to vector<16xi32>
      %shift_right_arithmetic3A_1610 = arith.shrsi %or3A_1607, %shift_right_arithmetic3A_1609 : vector<16xi32>
      %and3A_1611 = arith.andi %get3A_1602, %shift_right_arithmetic3A_1610 : vector<16xi32>
      %not3A_1612 = arith.constant dense<-1> : vector<16xi32>
      %not3A_1613 = arith.xori %shift_right_arithmetic3A_1610, %not3A_1612 : vector<16xi32>
      %and3A_1614 = arith.constant 10000 : i32
      %and3A_1615 = vector.broadcast %and3A_1614 : i32 to vector<16xi32>
      %and3A_1616 = arith.andi %and3A_1615, %not3A_1613 : vector<16xi32>
      %or3A_1617 = arith.ori %and3A_1611, %and3A_1616 : vector<16xi32>
      %swap3A_1618 = arith.constant 48 : index
      %swap3A_1619 = tpu.vector_load %arg14[%swap3A_1618] {strides = array<i32>} : memref<80xi32, #tpu.memory_space<vmem>>, vector<16xi32>,
      %swap3A_1620 = vector.shape_cast %swap3A_1619 : vector<16xi32> to vector<16xi32>
      %swap3A_1621 = vector.shape_cast %or3A_1617 : vector<16xi32> to vector<16xi32>
      tpu.vector_store %arg14[%swap3A_1618], %swap3A_1621 {strides = array<i32>} : memref<80xi32, #tpu.memory_space<vmem>>, vector<16xi32>,
      %get3A_1622 = arith.constant 64 : index
      %get3A_1623 = tpu.vector_load %arg6[%get3A_1622] {strides = array<i32>} : memref<80xi32, #tpu.memory_space<vmem>>, vector<16xi32>,
      %get3A_1624 = vector.shape_cast %get3A_1623 : vector<16xi32> to vector<16xi32>
      %get3A_1625 = arith.constant 64 : index
      %get3A_1626 = tpu.vector_load %arg10[%get3A_1625] {strides = array<i32>} : memref<80xi32, #tpu.memory_space<vmem>>, vector<16xi32>,
      %get3A_1627 = vector.shape_cast %get3A_1626 : vector<16xi32> to vector<16xi32>
      %sub3A_1628 = arith.subi %get3A_1624, %get3A_1627 : vector<16xi32>
      %neg3A_1629 = arith.constant 0 : i32
      %neg3A_1630 = vector.broadcast %neg3A_1629 : i32 to vector<16xi32>
      %neg3A_1631 = arith.subi %neg3A_1630, %sub3A_1628 : vector<16xi32>
      %or3A_1632 = arith.ori %sub3A_1628, %neg3A_1631 : vector<16xi32>
      %shift_right_arithmetic3A_1633 = arith.constant 31 : i32
      %shift_right_arithmetic3A_1634 = vector.broadcast %shift_right_arithmetic3A_1633 : i32 to vector<16xi32>
      %shift_right_arithmetic3A_1635 = arith.shrsi %or3A_1632, %shift_right_arithmetic3A_1634 : vector<16xi32>
      %and3A_1636 = arith.andi %get3A_1627, %shift_right_arithmetic3A_1635 : vector<16xi32>
      %not3A_1637 = arith.constant dense<-1> : vector<16xi32>
      %not3A_1638 = arith.xori %shift_right_arithmetic3A_1635, %not3A_1637 : vector<16xi32>
      %and3A_1639 = arith.constant 10000 : i32
      %and3A_1640 = vector.broadcast %and3A_1639 : i32 to vector<16xi32>
      %and3A_1641 = arith.andi %and3A_1640, %not3A_1638 : vector<16xi32>
      %or3A_1642 = arith.ori %and3A_1636, %and3A_1641 : vector<16xi32>
      %swap3A_1643 = arith.constant 64 : index
      %swap3A_1644 = tpu.vector_load %arg14[%swap3A_1643] {strides = array<i32>} : memref<80xi32, #tpu.memory_space<vmem>>, vector<16xi32>,
      %swap3A_1645 = vector.shape_cast %swap3A_1644 : vector<16xi32> to vector<16xi32>
      %swap3A_1646 = vector.shape_cast %or3A_1642 : vector<16xi32> to vector<16xi32>
      tpu.vector_store %arg14[%swap3A_1643], %swap3A_1646 {strides = array<i32>} : memref<80xi32, #tpu.memory_space<vmem>>, vector<16xi32>,
      %dma_start3A_1647 = arith.constant 0 : i32
      %dma_start3A_1648 = arith.constant 0 : i32
      %dma_start3A_1649 = tpu.memref_slice %arg2[%dma_start3A_1647, %dma_start3A_1648] : memref<10240x128xf32, #tpu.memory_space<hbm>> -> memref<10240x128xf32, #tpu.memory_space<hbm>>
      tpu.enqueue_indirect_dma source(%dma_start3A_1649 : memref<10240x128xf32, #tpu.memory_space<hbm>>) target(%arg18 : memref<80x128xf32, #tpu.memory_space<vmem>>) offsets(%arg6 : memref<80xi32, #tpu.memory_space<vmem>>) semaphore(%arg23 : memref<!tpu.dma_semaphore, #tpu.memory_space<semaphore_mem>>)
      %dma_wait3A_1650 = arith.constant 0 : i32
      %dma_wait3A_1651 = arith.constant 0 : i32
      %dma_wait3A_1652 = tpu.memref_slice %arg2[%dma_wait3A_1650, %dma_wait3A_1651] : memref<10240x128xf32, #tpu.memory_space<hbm>> -> memref<10240x128xf32, #tpu.memory_space<hbm>>
      tpu.wait_indirect_dma semaphore(%arg25 : memref<!tpu.dma_semaphore, #tpu.memory_space<semaphore_mem>>) src(%dma_wait3A_1652 : memref<10240x128xf32, #tpu.memory_space<hbm>>) dst(%arg20 : memref<80x128xf32, #tpu.memory_space<vmem>>)
      %dma_start3A_1653 = arith.constant 0 : i32
      %dma_start3A_1654 = arith.constant 0 : i32
      %dma_start3A_1655 = tpu.memref_slice %arg22[%dma_start3A_1653, %dma_start3A_1654] : memref<10240x128xf32, #tpu.memory_space<vmem_shared>> -> memref<10240x128xf32, #tpu.memory_space<vmem_shared>>
      tpu.enqueue_indirect_dma source(%arg20 : memref<80x128xf32, #tpu.memory_space<vmem>>) target(%dma_start3A_1655 : memref<10240x128xf32, #tpu.memory_space<vmem_shared>>) offsets(%arg16 : memref<80xi32, #tpu.memory_space<vmem>>) semaphore(%arg29 : memref<!tpu.dma_semaphore, #tpu.memory_space<semaphore_mem>>) {add = true}
      %mul3A_1656 = arith.constant 4 : i32
      %mul3A_1657 = arith.muli %while3A_1208, %mul3A_1656 : i32
      %add3A_1658 = arith.constant 3 : i32
      %add3A_1659 = arith.addi %mul3A_1657, %add3A_1658 : i32
      %dma_wait3A_1660 = arith.constant 0 : i32
      %dma_wait3A_1661 = arith.constant 0 : i32
      %dma_wait3A_1662 = tpu.memref_slice %arg22[%dma_wait3A_1660, %dma_wait3A_1661] : memref<10240x128xf32, #tpu.memory_space<vmem_shared>> -> memref<10240x128xf32, #tpu.memory_space<vmem_shared>>
      tpu.wait_indirect_dma semaphore(%arg28 : memref<!tpu.dma_semaphore, #tpu.memory_space<semaphore_mem>>) src(%arg19 : memref<80x128xf32, #tpu.memory_space<vmem>>) dst(%dma_wait3A_1662 : memref<10240x128xf32, #tpu.memory_space<vmem_shared>>)
      %add3A_1663 = arith.constant 2 : i32
      %add3A_1664 = arith.addi %add3A_1659, %add3A_1663 : i32
      %mul3A_1665 = arith.constant 80 : i32
      %mul3A_1666 = arith.muli %add3A_1664, %mul3A_1665 : i32
      %add3A_1667 = arith.addi %mul3A_17, %mul3A_1666 : i32
      "tpu.region"() ({
        %run_scoped3A = tpu.sem_alloc : memref<!tpu.dma_semaphore, #tpu.memory_space<semaphore_mem>>
        %dma_start3A_1805 = tpu.memref_slice %arg3[%add3A_1667] : memref<320000xi32, #tpu.memory_space<hbm>> -> memref<80xi32, #tpu.memory_space<hbm>>
        %dma_start3A_1806 = tpu.memref_slice %arg3[%add3A_1667] : memref<320000xi32, #tpu.memory_space<hbm>> -> memref<80xi32, #tpu.memory_space<hbm>>
        tpu.enqueue_dma source(%dma_start3A_1806 : memref<80xi32, #tpu.memory_space<hbm>>) target(%arg7 : memref<80xi32, #tpu.memory_space<vmem>>) target_semaphore(%run_scoped3A : memref<!tpu.dma_semaphore, #tpu.memory_space<semaphore_mem>>)
        %dma_wait3A_1807 = tpu.memref_slice %arg3[%add3A_1667] : memref<320000xi32, #tpu.memory_space<hbm>> -> memref<80xi32, #tpu.memory_space<hbm>>
        %dma_wait3A_1808 = tpu.memref_slice %arg3[%add3A_1667] : memref<320000xi32, #tpu.memory_space<hbm>> -> memref<80xi32, #tpu.memory_space<hbm>>
        tpu.wait_dma2 semaphore(%run_scoped3A : memref<!tpu.dma_semaphore, #tpu.memory_space<semaphore_mem>>) src(%dma_wait3A_1808 : memref<80xi32, #tpu.memory_space<hbm>>) dst(%arg7 : memref<80xi32, #tpu.memory_space<vmem>>)
        tpu.yield
      }) : () -> ()
      %mul3A_1668 = arith.constant 80 : i32
      %mul3A_1669 = arith.muli %add3A_1664, %mul3A_1668 : i32
      %add3A_1670 = arith.addi %mul3A_17, %mul3A_1669 : i32
      "tpu.region"() ({
        %run_scoped3A = tpu.sem_alloc : memref<!tpu.dma_semaphore, #tpu.memory_space<semaphore_mem>>
        %dma_start3A_1805 = tpu.memref_slice %arg4[%add3A_1670] : memref<320000xi32, #tpu.memory_space<hbm>> -> memref<80xi32, #tpu.memory_space<hbm>>
        %dma_start3A_1806 = tpu.memref_slice %arg4[%add3A_1670] : memref<320000xi32, #tpu.memory_space<hbm>> -> memref<80xi32, #tpu.memory_space<hbm>>
        tpu.enqueue_dma source(%dma_start3A_1806 : memref<80xi32, #tpu.memory_space<hbm>>) target(%arg11 : memref<80xi32, #tpu.memory_space<vmem>>) target_semaphore(%run_scoped3A : memref<!tpu.dma_semaphore, #tpu.memory_space<semaphore_mem>>)
        %dma_wait3A_1807 = tpu.memref_slice %arg4[%add3A_1670] : memref<320000xi32, #tpu.memory_space<hbm>> -> memref<80xi32, #tpu.memory_space<hbm>>
        %dma_wait3A_1808 = tpu.memref_slice %arg4[%add3A_1670] : memref<320000xi32, #tpu.memory_space<hbm>> -> memref<80xi32, #tpu.memory_space<hbm>>
        tpu.wait_dma2 semaphore(%run_scoped3A : memref<!tpu.dma_semaphore, #tpu.memory_space<semaphore_mem>>) src(%dma_wait3A_1808 : memref<80xi32, #tpu.memory_space<hbm>>) dst(%arg11 : memref<80xi32, #tpu.memory_space<vmem>>)
        tpu.yield
      }) : () -> ()
      %get3A_1671 = arith.constant 0 : index
      %get3A_1672 = tpu.vector_load %arg7[%get3A_1671] {strides = array<i32>} : memref<80xi32, #tpu.memory_space<vmem>>, vector<16xi32>,
      %get3A_1673 = vector.shape_cast %get3A_1672 : vector<16xi32> to vector<16xi32>
      %get3A_1674 = arith.constant 0 : index
      %get3A_1675 = tpu.vector_load %arg11[%get3A_1674] {strides = array<i32>} : memref<80xi32, #tpu.memory_space<vmem>>, vector<16xi32>,
      %get3A_1676 = vector.shape_cast %get3A_1675 : vector<16xi32> to vector<16xi32>
      %sub3A_1677 = arith.subi %get3A_1673, %get3A_1676 : vector<16xi32>
      %neg3A_1678 = arith.constant 0 : i32
      %neg3A_1679 = vector.broadcast %neg3A_1678 : i32 to vector<16xi32>
      %neg3A_1680 = arith.subi %neg3A_1679, %sub3A_1677 : vector<16xi32>
      %or3A_1681 = arith.ori %sub3A_1677, %neg3A_1680 : vector<16xi32>
      %shift_right_arithmetic3A_1682 = arith.constant 31 : i32
      %shift_right_arithmetic3A_1683 = vector.broadcast %shift_right_arithmetic3A_1682 : i32 to vector<16xi32>
      %shift_right_arithmetic3A_1684 = arith.shrsi %or3A_1681, %shift_right_arithmetic3A_1683 : vector<16xi32>
      %and3A_1685 = arith.andi %get3A_1676, %shift_right_arithmetic3A_1684 : vector<16xi32>
      %not3A_1686 = arith.constant dense<-1> : vector<16xi32>
      %not3A_1687 = arith.xori %shift_right_arithmetic3A_1684, %not3A_1686 : vector<16xi32>
      %and3A_1688 = arith.constant 10000 : i32
      %and3A_1689 = vector.broadcast %and3A_1688 : i32 to vector<16xi32>
      %and3A_1690 = arith.andi %and3A_1689, %not3A_1687 : vector<16xi32>
      %or3A_1691 = arith.ori %and3A_1685, %and3A_1690 : vector<16xi32>
      %swap3A_1692 = arith.constant 0 : index
      %swap3A_1693 = tpu.vector_load %arg15[%swap3A_1692] {strides = array<i32>} : memref<80xi32, #tpu.memory_space<vmem>>, vector<16xi32>,
      %swap3A_1694 = vector.shape_cast %swap3A_1693 : vector<16xi32> to vector<16xi32>
      %swap3A_1695 = vector.shape_cast %or3A_1691 : vector<16xi32> to vector<16xi32>
      tpu.vector_store %arg15[%swap3A_1692], %swap3A_1695 {strides = array<i32>} : memref<80xi32, #tpu.memory_space<vmem>>, vector<16xi32>,
      %get3A_1696 = arith.constant 16 : index
      %get3A_1697 = tpu.vector_load %arg7[%get3A_1696] {strides = array<i32>} : memref<80xi32, #tpu.memory_space<vmem>>, vector<16xi32>,
      %get3A_1698 = vector.shape_cast %get3A_1697 : vector<16xi32> to vector<16xi32>
      %get3A_1699 = arith.constant 16 : index
      %get3A_1700 = tpu.vector_load %arg11[%get3A_1699] {strides = array<i32>} : memref<80xi32, #tpu.memory_space<vmem>>, vector<16xi32>,
      %get3A_1701 = vector.shape_cast %get3A_1700 : vector<16xi32> to vector<16xi32>
      %sub3A_1702 = arith.subi %get3A_1698, %get3A_1701 : vector<16xi32>
      %neg3A_1703 = arith.constant 0 : i32
      %neg3A_1704 = vector.broadcast %neg3A_1703 : i32 to vector<16xi32>
      %neg3A_1705 = arith.subi %neg3A_1704, %sub3A_1702 : vector<16xi32>
      %or3A_1706 = arith.ori %sub3A_1702, %neg3A_1705 : vector<16xi32>
      %shift_right_arithmetic3A_1707 = arith.constant 31 : i32
      %shift_right_arithmetic3A_1708 = vector.broadcast %shift_right_arithmetic3A_1707 : i32 to vector<16xi32>
      %shift_right_arithmetic3A_1709 = arith.shrsi %or3A_1706, %shift_right_arithmetic3A_1708 : vector<16xi32>
      %and3A_1710 = arith.andi %get3A_1701, %shift_right_arithmetic3A_1709 : vector<16xi32>
      %not3A_1711 = arith.constant dense<-1> : vector<16xi32>
      %not3A_1712 = arith.xori %shift_right_arithmetic3A_1709, %not3A_1711 : vector<16xi32>
      %and3A_1713 = arith.constant 10000 : i32
      %and3A_1714 = vector.broadcast %and3A_1713 : i32 to vector<16xi32>
      %and3A_1715 = arith.andi %and3A_1714, %not3A_1712 : vector<16xi32>
      %or3A_1716 = arith.ori %and3A_1710, %and3A_1715 : vector<16xi32>
      %swap3A_1717 = arith.constant 16 : index
      %swap3A_1718 = tpu.vector_load %arg15[%swap3A_1717] {strides = array<i32>} : memref<80xi32, #tpu.memory_space<vmem>>, vector<16xi32>,
      %swap3A_1719 = vector.shape_cast %swap3A_1718 : vector<16xi32> to vector<16xi32>
      %swap3A_1720 = vector.shape_cast %or3A_1716 : vector<16xi32> to vector<16xi32>
      tpu.vector_store %arg15[%swap3A_1717], %swap3A_1720 {strides = array<i32>} : memref<80xi32, #tpu.memory_space<vmem>>, vector<16xi32>,
      %get3A_1721 = arith.constant 32 : index
      %get3A_1722 = tpu.vector_load %arg7[%get3A_1721] {strides = array<i32>} : memref<80xi32, #tpu.memory_space<vmem>>, vector<16xi32>,
      %get3A_1723 = vector.shape_cast %get3A_1722 : vector<16xi32> to vector<16xi32>
      %get3A_1724 = arith.constant 32 : index
      %get3A_1725 = tpu.vector_load %arg11[%get3A_1724] {strides = array<i32>} : memref<80xi32, #tpu.memory_space<vmem>>, vector<16xi32>,
      %get3A_1726 = vector.shape_cast %get3A_1725 : vector<16xi32> to vector<16xi32>
      %sub3A_1727 = arith.subi %get3A_1723, %get3A_1726 : vector<16xi32>
      %neg3A_1728 = arith.constant 0 : i32
      %neg3A_1729 = vector.broadcast %neg3A_1728 : i32 to vector<16xi32>
      %neg3A_1730 = arith.subi %neg3A_1729, %sub3A_1727 : vector<16xi32>
      %or3A_1731 = arith.ori %sub3A_1727, %neg3A_1730 : vector<16xi32>
      %shift_right_arithmetic3A_1732 = arith.constant 31 : i32
      %shift_right_arithmetic3A_1733 = vector.broadcast %shift_right_arithmetic3A_1732 : i32 to vector<16xi32>
      %shift_right_arithmetic3A_1734 = arith.shrsi %or3A_1731, %shift_right_arithmetic3A_1733 : vector<16xi32>
      %and3A_1735 = arith.andi %get3A_1726, %shift_right_arithmetic3A_1734 : vector<16xi32>
      %not3A_1736 = arith.constant dense<-1> : vector<16xi32>
      %not3A_1737 = arith.xori %shift_right_arithmetic3A_1734, %not3A_1736 : vector<16xi32>
      %and3A_1738 = arith.constant 10000 : i32
      %and3A_1739 = vector.broadcast %and3A_1738 : i32 to vector<16xi32>
      %and3A_1740 = arith.andi %and3A_1739, %not3A_1737 : vector<16xi32>
      %or3A_1741 = arith.ori %and3A_1735, %and3A_1740 : vector<16xi32>
      %swap3A_1742 = arith.constant 32 : index
      %swap3A_1743 = tpu.vector_load %arg15[%swap3A_1742] {strides = array<i32>} : memref<80xi32, #tpu.memory_space<vmem>>, vector<16xi32>,
      %swap3A_1744 = vector.shape_cast %swap3A_1743 : vector<16xi32> to vector<16xi32>
      %swap3A_1745 = vector.shape_cast %or3A_1741 : vector<16xi32> to vector<16xi32>
      tpu.vector_store %arg15[%swap3A_1742], %swap3A_1745 {strides = array<i32>} : memref<80xi32, #tpu.memory_space<vmem>>, vector<16xi32>,
      %get3A_1746 = arith.constant 48 : index
      %get3A_1747 = tpu.vector_load %arg7[%get3A_1746] {strides = array<i32>} : memref<80xi32, #tpu.memory_space<vmem>>, vector<16xi32>,
      %get3A_1748 = vector.shape_cast %get3A_1747 : vector<16xi32> to vector<16xi32>
      %get3A_1749 = arith.constant 48 : index
      %get3A_1750 = tpu.vector_load %arg11[%get3A_1749] {strides = array<i32>} : memref<80xi32, #tpu.memory_space<vmem>>, vector<16xi32>,
      %get3A_1751 = vector.shape_cast %get3A_1750 : vector<16xi32> to vector<16xi32>
      %sub3A_1752 = arith.subi %get3A_1748, %get3A_1751 : vector<16xi32>
      %neg3A_1753 = arith.constant 0 : i32
      %neg3A_1754 = vector.broadcast %neg3A_1753 : i32 to vector<16xi32>
      %neg3A_1755 = arith.subi %neg3A_1754, %sub3A_1752 : vector<16xi32>
      %or3A_1756 = arith.ori %sub3A_1752, %neg3A_1755 : vector<16xi32>
      %shift_right_arithmetic3A_1757 = arith.constant 31 : i32
      %shift_right_arithmetic3A_1758 = vector.broadcast %shift_right_arithmetic3A_1757 : i32 to vector<16xi32>
      %shift_right_arithmetic3A_1759 = arith.shrsi %or3A_1756, %shift_right_arithmetic3A_1758 : vector<16xi32>
      %and3A_1760 = arith.andi %get3A_1751, %shift_right_arithmetic3A_1759 : vector<16xi32>
      %not3A_1761 = arith.constant dense<-1> : vector<16xi32>
      %not3A_1762 = arith.xori %shift_right_arithmetic3A_1759, %not3A_1761 : vector<16xi32>
      %and3A_1763 = arith.constant 10000 : i32
      %and3A_1764 = vector.broadcast %and3A_1763 : i32 to vector<16xi32>
      %and3A_1765 = arith.andi %and3A_1764, %not3A_1762 : vector<16xi32>
      %or3A_1766 = arith.ori %and3A_1760, %and3A_1765 : vector<16xi32>
      %swap3A_1767 = arith.constant 48 : index
      %swap3A_1768 = tpu.vector_load %arg15[%swap3A_1767] {strides = array<i32>} : memref<80xi32, #tpu.memory_space<vmem>>, vector<16xi32>,
      %swap3A_1769 = vector.shape_cast %swap3A_1768 : vector<16xi32> to vector<16xi32>
      %swap3A_1770 = vector.shape_cast %or3A_1766 : vector<16xi32> to vector<16xi32>
      tpu.vector_store %arg15[%swap3A_1767], %swap3A_1770 {strides = array<i32>} : memref<80xi32, #tpu.memory_space<vmem>>, vector<16xi32>,
      %get3A_1771 = arith.constant 64 : index
      %get3A_1772 = tpu.vector_load %arg7[%get3A_1771] {strides = array<i32>} : memref<80xi32, #tpu.memory_space<vmem>>, vector<16xi32>,
      %get3A_1773 = vector.shape_cast %get3A_1772 : vector<16xi32> to vector<16xi32>
      %get3A_1774 = arith.constant 64 : index
      %get3A_1775 = tpu.vector_load %arg11[%get3A_1774] {strides = array<i32>} : memref<80xi32, #tpu.memory_space<vmem>>, vector<16xi32>,
      %get3A_1776 = vector.shape_cast %get3A_1775 : vector<16xi32> to vector<16xi32>
      %sub3A_1777 = arith.subi %get3A_1773, %get3A_1776 : vector<16xi32>
      %neg3A_1778 = arith.constant 0 : i32
      %neg3A_1779 = vector.broadcast %neg3A_1778 : i32 to vector<16xi32>
      %neg3A_1780 = arith.subi %neg3A_1779, %sub3A_1777 : vector<16xi32>
      %or3A_1781 = arith.ori %sub3A_1777, %neg3A_1780 : vector<16xi32>
      %shift_right_arithmetic3A_1782 = arith.constant 31 : i32
      %shift_right_arithmetic3A_1783 = vector.broadcast %shift_right_arithmetic3A_1782 : i32 to vector<16xi32>
      %shift_right_arithmetic3A_1784 = arith.shrsi %or3A_1781, %shift_right_arithmetic3A_1783 : vector<16xi32>
      %and3A_1785 = arith.andi %get3A_1776, %shift_right_arithmetic3A_1784 : vector<16xi32>
      %not3A_1786 = arith.constant dense<-1> : vector<16xi32>
      %not3A_1787 = arith.xori %shift_right_arithmetic3A_1784, %not3A_1786 : vector<16xi32>
      %and3A_1788 = arith.constant 10000 : i32
      %and3A_1789 = vector.broadcast %and3A_1788 : i32 to vector<16xi32>
      %and3A_1790 = arith.andi %and3A_1789, %not3A_1787 : vector<16xi32>
      %or3A_1791 = arith.ori %and3A_1785, %and3A_1790 : vector<16xi32>
      %swap3A_1792 = arith.constant 64 : index
      %swap3A_1793 = tpu.vector_load %arg15[%swap3A_1792] {strides = array<i32>} : memref<80xi32, #tpu.memory_space<vmem>>, vector<16xi32>,
      %swap3A_1794 = vector.shape_cast %swap3A_1793 : vector<16xi32> to vector<16xi32>
      %swap3A_1795 = vector.shape_cast %or3A_1791 : vector<16xi32> to vector<16xi32>
      tpu.vector_store %arg15[%swap3A_1792], %swap3A_1795 {strides = array<i32>} : memref<80xi32, #tpu.memory_space<vmem>>, vector<16xi32>,
      %dma_start3A_1796 = arith.constant 0 : i32
      %dma_start3A_1797 = arith.constant 0 : i32
      %dma_start3A_1798 = tpu.memref_slice %arg2[%dma_start3A_1796, %dma_start3A_1797] : memref<10240x128xf32, #tpu.memory_space<hbm>> -> memref<10240x128xf32, #tpu.memory_space<hbm>>
      tpu.enqueue_indirect_dma source(%dma_start3A_1798 : memref<10240x128xf32, #tpu.memory_space<hbm>>) target(%arg19 : memref<80x128xf32, #tpu.memory_space<vmem>>) offsets(%arg7 : memref<80xi32, #tpu.memory_space<vmem>>) semaphore(%arg24 : memref<!tpu.dma_semaphore, #tpu.memory_space<semaphore_mem>>)
      %dma_wait3A_1799 = arith.constant 0 : i32
      %dma_wait3A_1800 = arith.constant 0 : i32
      %dma_wait3A_1801 = tpu.memref_slice %arg2[%dma_wait3A_1799, %dma_wait3A_1800] : memref<10240x128xf32, #tpu.memory_space<hbm>> -> memref<10240x128xf32, #tpu.memory_space<hbm>>
      tpu.wait_indirect_dma semaphore(%arg26 : memref<!tpu.dma_semaphore, #tpu.memory_space<semaphore_mem>>) src(%dma_wait3A_1801 : memref<10240x128xf32, #tpu.memory_space<hbm>>) dst(%arg21 : memref<80x128xf32, #tpu.memory_space<vmem>>)
      %dma_start3A_1802 = arith.constant 0 : i32
      %dma_start3A_1803 = arith.constant 0 : i32
      %dma_start3A_1804 = tpu.memref_slice %arg22[%dma_start3A_1802, %dma_start3A_1803] : memref<10240x128xf32, #tpu.memory_space<vmem_shared>> -> memref<10240x128xf32, #tpu.memory_space<vmem_shared>>
      tpu.enqueue_indirect_dma source(%arg21 : memref<80x128xf32, #tpu.memory_space<vmem>>) target(%dma_start3A_1804 : memref<10240x128xf32, #tpu.memory_space<vmem_shared>>) offsets(%arg17 : memref<80xi32, #tpu.memory_space<vmem>>) semaphore(%arg30 : memref<!tpu.dma_semaphore, #tpu.memory_space<semaphore_mem>>) {add = true}
    }
    %sub3A_873 = arith.constant 4 : i32
    %sub3A_874 = arith.subi %select_n3A_4, %sub3A_873 : i32
    %add3A_875 = arith.constant 0 : i32
    %add3A_876 = arith.addi %sub3A_874, %add3A_875 : i32
    %dma_wait3A_877 = arith.constant 0 : i32
    %dma_wait3A_878 = arith.constant 0 : i32
    %dma_wait3A_879 = tpu.memref_slice %arg22[%dma_wait3A_877, %dma_wait3A_878] : memref<10240x128xf32, #tpu.memory_space<vmem_shared>> -> memref<10240x128xf32, #tpu.memory_space<vmem_shared>>
    tpu.wait_indirect_dma semaphore(%arg29 : memref<!tpu.dma_semaphore, #tpu.memory_space<semaphore_mem>>) src(%arg20 : memref<80x128xf32, #tpu.memory_space<vmem>>) dst(%dma_wait3A_879 : memref<10240x128xf32, #tpu.memory_space<vmem_shared>>)
    %add3A_880 = arith.constant 2 : i32
    %add3A_881 = arith.addi %add3A_876, %add3A_880 : i32
    %mul3A_882 = arith.constant 80 : i32
    %mul3A_883 = arith.muli %add3A_881, %mul3A_882 : i32
    %add3A_884 = arith.addi %mul3A_17, %mul3A_883 : i32
    "tpu.region"() ({
      %run_scoped3A = tpu.sem_alloc : memref<!tpu.dma_semaphore, #tpu.memory_space<semaphore_mem>>
      %dma_start3A_1208 = tpu.memref_slice %arg3[%add3A_884] : memref<320000xi32, #tpu.memory_space<hbm>> -> memref<80xi32, #tpu.memory_space<hbm>>
      %dma_start3A_1209 = tpu.memref_slice %arg3[%add3A_884] : memref<320000xi32, #tpu.memory_space<hbm>> -> memref<80xi32, #tpu.memory_space<hbm>>
      tpu.enqueue_dma source(%dma_start3A_1209 : memref<80xi32, #tpu.memory_space<hbm>>) target(%arg8 : memref<80xi32, #tpu.memory_space<vmem>>) target_semaphore(%run_scoped3A : memref<!tpu.dma_semaphore, #tpu.memory_space<semaphore_mem>>)
      %dma_wait3A_1210 = tpu.memref_slice %arg3[%add3A_884] : memref<320000xi32, #tpu.memory_space<hbm>> -> memref<80xi32, #tpu.memory_space<hbm>>
      %dma_wait3A_1211 = tpu.memref_slice %arg3[%add3A_884] : memref<320000xi32, #tpu.memory_space<hbm>> -> memref<80xi32, #tpu.memory_space<hbm>>
      tpu.wait_dma2 semaphore(%run_scoped3A : memref<!tpu.dma_semaphore, #tpu.memory_space<semaphore_mem>>) src(%dma_wait3A_1211 : memref<80xi32, #tpu.memory_space<hbm>>) dst(%arg8 : memref<80xi32, #tpu.memory_space<vmem>>)
      tpu.yield
    }) : () -> ()
    %mul3A_885 = arith.constant 80 : i32
    %mul3A_886 = arith.muli %add3A_881, %mul3A_885 : i32
    %add3A_887 = arith.addi %mul3A_17, %mul3A_886 : i32
    "tpu.region"() ({
      %run_scoped3A = tpu.sem_alloc : memref<!tpu.dma_semaphore, #tpu.memory_space<semaphore_mem>>
      %dma_start3A_1208 = tpu.memref_slice %arg4[%add3A_887] : memref<320000xi32, #tpu.memory_space<hbm>> -> memref<80xi32, #tpu.memory_space<hbm>>
      %dma_start3A_1209 = tpu.memref_slice %arg4[%add3A_887] : memref<320000xi32, #tpu.memory_space<hbm>> -> memref<80xi32, #tpu.memory_space<hbm>>
      tpu.enqueue_dma source(%dma_start3A_1209 : memref<80xi32, #tpu.memory_space<hbm>>) target(%arg12 : memref<80xi32, #tpu.memory_space<vmem>>) target_semaphore(%run_scoped3A : memref<!tpu.dma_semaphore, #tpu.memory_space<semaphore_mem>>)
      %dma_wait3A_1210 = tpu.memref_slice %arg4[%add3A_887] : memref<320000xi32, #tpu.memory_space<hbm>> -> memref<80xi32, #tpu.memory_space<hbm>>
      %dma_wait3A_1211 = tpu.memref_slice %arg4[%add3A_887] : memref<320000xi32, #tpu.memory_space<hbm>> -> memref<80xi32, #tpu.memory_space<hbm>>
      tpu.wait_dma2 semaphore(%run_scoped3A : memref<!tpu.dma_semaphore, #tpu.memory_space<semaphore_mem>>) src(%dma_wait3A_1211 : memref<80xi32, #tpu.memory_space<hbm>>) dst(%arg12 : memref<80xi32, #tpu.memory_space<vmem>>)
      tpu.yield
    }) : () -> ()
    %get3A_888 = arith.constant 0 : index
    %get3A_889 = tpu.vector_load %arg8[%get3A_888] {strides = array<i32>} : memref<80xi32, #tpu.memory_space<vmem>>, vector<16xi32>,
    %get3A_890 = vector.shape_cast %get3A_889 : vector<16xi32> to vector<16xi32>
    %get3A_891 = arith.constant 0 : index
    %get3A_892 = tpu.vector_load %arg12[%get3A_891] {strides = array<i32>} : memref<80xi32, #tpu.memory_space<vmem>>, vector<16xi32>,
    %get3A_893 = vector.shape_cast %get3A_892 : vector<16xi32> to vector<16xi32>
    %sub3A_894 = arith.subi %get3A_890, %get3A_893 : vector<16xi32>
    %neg3A_895 = arith.constant 0 : i32
    %neg3A_896 = vector.broadcast %neg3A_895 : i32 to vector<16xi32>
    %neg3A_897 = arith.subi %neg3A_896, %sub3A_894 : vector<16xi32>
    %or3A_898 = arith.ori %sub3A_894, %neg3A_897 : vector<16xi32>
    %shift_right_arithmetic3A_899 = arith.constant 31 : i32
    %shift_right_arithmetic3A_900 = vector.broadcast %shift_right_arithmetic3A_899 : i32 to vector<16xi32>
    %shift_right_arithmetic3A_901 = arith.shrsi %or3A_898, %shift_right_arithmetic3A_900 : vector<16xi32>
    %and3A_902 = arith.andi %get3A_893, %shift_right_arithmetic3A_901 : vector<16xi32>
    %not3A_903 = arith.constant dense<-1> : vector<16xi32>
    %not3A_904 = arith.xori %shift_right_arithmetic3A_901, %not3A_903 : vector<16xi32>
    %and3A_905 = arith.constant 10000 : i32
    %and3A_906 = vector.broadcast %and3A_905 : i32 to vector<16xi32>
    %and3A_907 = arith.andi %and3A_906, %not3A_904 : vector<16xi32>
    %or3A_908 = arith.ori %and3A_902, %and3A_907 : vector<16xi32>
    %swap3A_909 = arith.constant 0 : index
    %swap3A_910 = tpu.vector_load %arg16[%swap3A_909] {strides = array<i32>} : memref<80xi32, #tpu.memory_space<vmem>>, vector<16xi32>,
    %swap3A_911 = vector.shape_cast %swap3A_910 : vector<16xi32> to vector<16xi32>
    %swap3A_912 = vector.shape_cast %or3A_908 : vector<16xi32> to vector<16xi32>
    tpu.vector_store %arg16[%swap3A_909], %swap3A_912 {strides = array<i32>} : memref<80xi32, #tpu.memory_space<vmem>>, vector<16xi32>,
    %get3A_913 = arith.constant 16 : index
    %get3A_914 = tpu.vector_load %arg8[%get3A_913] {strides = array<i32>} : memref<80xi32, #tpu.memory_space<vmem>>, vector<16xi32>,
    %get3A_915 = vector.shape_cast %get3A_914 : vector<16xi32> to vector<16xi32>
    %get3A_916 = arith.constant 16 : index
    %get3A_917 = tpu.vector_load %arg12[%get3A_916] {strides = array<i32>} : memref<80xi32, #tpu.memory_space<vmem>>, vector<16xi32>,
    %get3A_918 = vector.shape_cast %get3A_917 : vector<16xi32> to vector<16xi32>
    %sub3A_919 = arith.subi %get3A_915, %get3A_918 : vector<16xi32>
    %neg3A_920 = arith.constant 0 : i32
    %neg3A_921 = vector.broadcast %neg3A_920 : i32 to vector<16xi32>
    %neg3A_922 = arith.subi %neg3A_921, %sub3A_919 : vector<16xi32>
    %or3A_923 = arith.ori %sub3A_919, %neg3A_922 : vector<16xi32>
    %shift_right_arithmetic3A_924 = arith.constant 31 : i32
    %shift_right_arithmetic3A_925 = vector.broadcast %shift_right_arithmetic3A_924 : i32 to vector<16xi32>
    %shift_right_arithmetic3A_926 = arith.shrsi %or3A_923, %shift_right_arithmetic3A_925 : vector<16xi32>
    %and3A_927 = arith.andi %get3A_918, %shift_right_arithmetic3A_926 : vector<16xi32>
    %not3A_928 = arith.constant dense<-1> : vector<16xi32>
    %not3A_929 = arith.xori %shift_right_arithmetic3A_926, %not3A_928 : vector<16xi32>
    %and3A_930 = arith.constant 10000 : i32
    %and3A_931 = vector.broadcast %and3A_930 : i32 to vector<16xi32>
    %and3A_932 = arith.andi %and3A_931, %not3A_929 : vector<16xi32>
    %or3A_933 = arith.ori %and3A_927, %and3A_932 : vector<16xi32>
    %swap3A_934 = arith.constant 16 : index
    %swap3A_935 = tpu.vector_load %arg16[%swap3A_934] {strides = array<i32>} : memref<80xi32, #tpu.memory_space<vmem>>, vector<16xi32>,
    %swap3A_936 = vector.shape_cast %swap3A_935 : vector<16xi32> to vector<16xi32>
    %swap3A_937 = vector.shape_cast %or3A_933 : vector<16xi32> to vector<16xi32>
    tpu.vector_store %arg16[%swap3A_934], %swap3A_937 {strides = array<i32>} : memref<80xi32, #tpu.memory_space<vmem>>, vector<16xi32>,
    %get3A_938 = arith.constant 32 : index
    %get3A_939 = tpu.vector_load %arg8[%get3A_938] {strides = array<i32>} : memref<80xi32, #tpu.memory_space<vmem>>, vector<16xi32>,
    %get3A_940 = vector.shape_cast %get3A_939 : vector<16xi32> to vector<16xi32>
    %get3A_941 = arith.constant 32 : index
    %get3A_942 = tpu.vector_load %arg12[%get3A_941] {strides = array<i32>} : memref<80xi32, #tpu.memory_space<vmem>>, vector<16xi32>,
    %get3A_943 = vector.shape_cast %get3A_942 : vector<16xi32> to vector<16xi32>
    %sub3A_944 = arith.subi %get3A_940, %get3A_943 : vector<16xi32>
    %neg3A_945 = arith.constant 0 : i32
    %neg3A_946 = vector.broadcast %neg3A_945 : i32 to vector<16xi32>
    %neg3A_947 = arith.subi %neg3A_946, %sub3A_944 : vector<16xi32>
    %or3A_948 = arith.ori %sub3A_944, %neg3A_947 : vector<16xi32>
    %shift_right_arithmetic3A_949 = arith.constant 31 : i32
    %shift_right_arithmetic3A_950 = vector.broadcast %shift_right_arithmetic3A_949 : i32 to vector<16xi32>
    %shift_right_arithmetic3A_951 = arith.shrsi %or3A_948, %shift_right_arithmetic3A_950 : vector<16xi32>
    %and3A_952 = arith.andi %get3A_943, %shift_right_arithmetic3A_951 : vector<16xi32>
    %not3A_953 = arith.constant dense<-1> : vector<16xi32>
    %not3A_954 = arith.xori %shift_right_arithmetic3A_951, %not3A_953 : vector<16xi32>
    %and3A_955 = arith.constant 10000 : i32
    %and3A_956 = vector.broadcast %and3A_955 : i32 to vector<16xi32>
    %and3A_957 = arith.andi %and3A_956, %not3A_954 : vector<16xi32>
    %or3A_958 = arith.ori %and3A_952, %and3A_957 : vector<16xi32>
    %swap3A_959 = arith.constant 32 : index
    %swap3A_960 = tpu.vector_load %arg16[%swap3A_959] {strides = array<i32>} : memref<80xi32, #tpu.memory_space<vmem>>, vector<16xi32>,
    %swap3A_961 = vector.shape_cast %swap3A_960 : vector<16xi32> to vector<16xi32>
    %swap3A_962 = vector.shape_cast %or3A_958 : vector<16xi32> to vector<16xi32>
    tpu.vector_store %arg16[%swap3A_959], %swap3A_962 {strides = array<i32>} : memref<80xi32, #tpu.memory_space<vmem>>, vector<16xi32>,
    %get3A_963 = arith.constant 48 : index
    %get3A_964 = tpu.vector_load %arg8[%get3A_963] {strides = array<i32>} : memref<80xi32, #tpu.memory_space<vmem>>, vector<16xi32>,
    %get3A_965 = vector.shape_cast %get3A_964 : vector<16xi32> to vector<16xi32>
    %get3A_966 = arith.constant 48 : index
    %get3A_967 = tpu.vector_load %arg12[%get3A_966] {strides = array<i32>} : memref<80xi32, #tpu.memory_space<vmem>>, vector<16xi32>,
    %get3A_968 = vector.shape_cast %get3A_967 : vector<16xi32> to vector<16xi32>
    %sub3A_969 = arith.subi %get3A_965, %get3A_968 : vector<16xi32>
    %neg3A_970 = arith.constant 0 : i32
    %neg3A_971 = vector.broadcast %neg3A_970 : i32 to vector<16xi32>
    %neg3A_972 = arith.subi %neg3A_971, %sub3A_969 : vector<16xi32>
    %or3A_973 = arith.ori %sub3A_969, %neg3A_972 : vector<16xi32>
    %shift_right_arithmetic3A_974 = arith.constant 31 : i32
    %shift_right_arithmetic3A_975 = vector.broadcast %shift_right_arithmetic3A_974 : i32 to vector<16xi32>
    %shift_right_arithmetic3A_976 = arith.shrsi %or3A_973, %shift_right_arithmetic3A_975 : vector<16xi32>
    %and3A_977 = arith.andi %get3A_968, %shift_right_arithmetic3A_976 : vector<16xi32>
    %not3A_978 = arith.constant dense<-1> : vector<16xi32>
    %not3A_979 = arith.xori %shift_right_arithmetic3A_976, %not3A_978 : vector<16xi32>
    %and3A_980 = arith.constant 10000 : i32
    %and3A_981 = vector.broadcast %and3A_980 : i32 to vector<16xi32>
    %and3A_982 = arith.andi %and3A_981, %not3A_979 : vector<16xi32>
    %or3A_983 = arith.ori %and3A_977, %and3A_982 : vector<16xi32>
    %swap3A_984 = arith.constant 48 : index
    %swap3A_985 = tpu.vector_load %arg16[%swap3A_984] {strides = array<i32>} : memref<80xi32, #tpu.memory_space<vmem>>, vector<16xi32>,
    %swap3A_986 = vector.shape_cast %swap3A_985 : vector<16xi32> to vector<16xi32>
    %swap3A_987 = vector.shape_cast %or3A_983 : vector<16xi32> to vector<16xi32>
    tpu.vector_store %arg16[%swap3A_984], %swap3A_987 {strides = array<i32>} : memref<80xi32, #tpu.memory_space<vmem>>, vector<16xi32>,
    %get3A_988 = arith.constant 64 : index
    %get3A_989 = tpu.vector_load %arg8[%get3A_988] {strides = array<i32>} : memref<80xi32, #tpu.memory_space<vmem>>, vector<16xi32>,
    %get3A_990 = vector.shape_cast %get3A_989 : vector<16xi32> to vector<16xi32>
    %get3A_991 = arith.constant 64 : index
    %get3A_992 = tpu.vector_load %arg12[%get3A_991] {strides = array<i32>} : memref<80xi32, #tpu.memory_space<vmem>>, vector<16xi32>,
    %get3A_993 = vector.shape_cast %get3A_992 : vector<16xi32> to vector<16xi32>
    %sub3A_994 = arith.subi %get3A_990, %get3A_993 : vector<16xi32>
    %neg3A_995 = arith.constant 0 : i32
    %neg3A_996 = vector.broadcast %neg3A_995 : i32 to vector<16xi32>
    %neg3A_997 = arith.subi %neg3A_996, %sub3A_994 : vector<16xi32>
    %or3A_998 = arith.ori %sub3A_994, %neg3A_997 : vector<16xi32>
    %shift_right_arithmetic3A_999 = arith.constant 31 : i32
    %shift_right_arithmetic3A_1000 = vector.broadcast %shift_right_arithmetic3A_999 : i32 to vector<16xi32>
    %shift_right_arithmetic3A_1001 = arith.shrsi %or3A_998, %shift_right_arithmetic3A_1000 : vector<16xi32>
    %and3A_1002 = arith.andi %get3A_993, %shift_right_arithmetic3A_1001 : vector<16xi32>
    %not3A_1003 = arith.constant dense<-1> : vector<16xi32>
    %not3A_1004 = arith.xori %shift_right_arithmetic3A_1001, %not3A_1003 : vector<16xi32>
    %and3A_1005 = arith.constant 10000 : i32
    %and3A_1006 = vector.broadcast %and3A_1005 : i32 to vector<16xi32>
    %and3A_1007 = arith.andi %and3A_1006, %not3A_1004 : vector<16xi32>
    %or3A_1008 = arith.ori %and3A_1002, %and3A_1007 : vector<16xi32>
    %swap3A_1009 = arith.constant 64 : index
    %swap3A_1010 = tpu.vector_load %arg16[%swap3A_1009] {strides = array<i32>} : memref<80xi32, #tpu.memory_space<vmem>>, vector<16xi32>,
    %swap3A_1011 = vector.shape_cast %swap3A_1010 : vector<16xi32> to vector<16xi32>
    %swap3A_1012 = vector.shape_cast %or3A_1008 : vector<16xi32> to vector<16xi32>
    tpu.vector_store %arg16[%swap3A_1009], %swap3A_1012 {strides = array<i32>} : memref<80xi32, #tpu.memory_space<vmem>>, vector<16xi32>,
    %dma_start3A_1013 = arith.constant 0 : i32
    %dma_start3A_1014 = arith.constant 0 : i32
    %dma_start3A_1015 = tpu.memref_slice %arg2[%dma_start3A_1013, %dma_start3A_1014] : memref<10240x128xf32, #tpu.memory_space<hbm>> -> memref<10240x128xf32, #tpu.memory_space<hbm>>
    tpu.enqueue_indirect_dma source(%dma_start3A_1015 : memref<10240x128xf32, #tpu.memory_space<hbm>>) target(%arg20 : memref<80x128xf32, #tpu.memory_space<vmem>>) offsets(%arg8 : memref<80xi32, #tpu.memory_space<vmem>>) semaphore(%arg25 : memref<!tpu.dma_semaphore, #tpu.memory_space<semaphore_mem>>)
    %dma_wait3A_1016 = arith.constant 0 : i32
    %dma_wait3A_1017 = arith.constant 0 : i32
    %dma_wait3A_1018 = tpu.memref_slice %arg2[%dma_wait3A_1016, %dma_wait3A_1017] : memref<10240x128xf32, #tpu.memory_space<hbm>> -> memref<10240x128xf32, #tpu.memory_space<hbm>>
    tpu.wait_indirect_dma semaphore(%arg23 : memref<!tpu.dma_semaphore, #tpu.memory_space<semaphore_mem>>) src(%dma_wait3A_1018 : memref<10240x128xf32, #tpu.memory_space<hbm>>) dst(%arg18 : memref<80x128xf32, #tpu.memory_space<vmem>>)
    %dma_start3A_1019 = arith.constant 0 : i32
    %dma_start3A_1020 = arith.constant 0 : i32
    %dma_start3A_1021 = tpu.memref_slice %arg22[%dma_start3A_1019, %dma_start3A_1020] : memref<10240x128xf32, #tpu.memory_space<vmem_shared>> -> memref<10240x128xf32, #tpu.memory_space<vmem_shared>>
    tpu.enqueue_indirect_dma source(%arg18 : memref<80x128xf32, #tpu.memory_space<vmem>>) target(%dma_start3A_1021 : memref<10240x128xf32, #tpu.memory_space<vmem_shared>>) offsets(%arg14 : memref<80xi32, #tpu.memory_space<vmem>>) semaphore(%arg27 : memref<!tpu.dma_semaphore, #tpu.memory_space<semaphore_mem>>) {add = true}
    %sub3A_1022 = arith.constant 4 : i32
    %sub3A_1023 = arith.subi %select_n3A_4, %sub3A_1022 : i32
    %add3A_1024 = arith.constant 1 : i32
    %add3A_1025 = arith.addi %sub3A_1023, %add3A_1024 : i32
    %dma_wait3A_1026 = arith.constant 0 : i32
    %dma_wait3A_1027 = arith.constant 0 : i32
    %dma_wait3A_1028 = tpu.memref_slice %arg22[%dma_wait3A_1026, %dma_wait3A_1027] : memref<10240x128xf32, #tpu.memory_space<vmem_shared>> -> memref<10240x128xf32, #tpu.memory_space<vmem_shared>>
    tpu.wait_indirect_dma semaphore(%arg30 : memref<!tpu.dma_semaphore, #tpu.memory_space<semaphore_mem>>) src(%arg21 : memref<80x128xf32, #tpu.memory_space<vmem>>) dst(%dma_wait3A_1028 : memref<10240x128xf32, #tpu.memory_space<vmem_shared>>)
    %add3A_1029 = arith.constant 2 : i32
    %add3A_1030 = arith.addi %add3A_1025, %add3A_1029 : i32
    %mul3A_1031 = arith.constant 80 : i32
    %mul3A_1032 = arith.muli %add3A_1030, %mul3A_1031 : i32
    %add3A_1033 = arith.addi %mul3A_17, %mul3A_1032 : i32
    "tpu.region"() ({
      %run_scoped3A = tpu.sem_alloc : memref<!tpu.dma_semaphore, #tpu.memory_space<semaphore_mem>>
      %dma_start3A_1208 = tpu.memref_slice %arg3[%add3A_1033] : memref<320000xi32, #tpu.memory_space<hbm>> -> memref<80xi32, #tpu.memory_space<hbm>>
      %dma_start3A_1209 = tpu.memref_slice %arg3[%add3A_1033] : memref<320000xi32, #tpu.memory_space<hbm>> -> memref<80xi32, #tpu.memory_space<hbm>>
      tpu.enqueue_dma source(%dma_start3A_1209 : memref<80xi32, #tpu.memory_space<hbm>>) target(%arg9 : memref<80xi32, #tpu.memory_space<vmem>>) target_semaphore(%run_scoped3A : memref<!tpu.dma_semaphore, #tpu.memory_space<semaphore_mem>>)
      %dma_wait3A_1210 = tpu.memref_slice %arg3[%add3A_1033] : memref<320000xi32, #tpu.memory_space<hbm>> -> memref<80xi32, #tpu.memory_space<hbm>>
      %dma_wait3A_1211 = tpu.memref_slice %arg3[%add3A_1033] : memref<320000xi32, #tpu.memory_space<hbm>> -> memref<80xi32, #tpu.memory_space<hbm>>
      tpu.wait_dma2 semaphore(%run_scoped3A : memref<!tpu.dma_semaphore, #tpu.memory_space<semaphore_mem>>) src(%dma_wait3A_1211 : memref<80xi32, #tpu.memory_space<hbm>>) dst(%arg9 : memref<80xi32, #tpu.memory_space<vmem>>)
      tpu.yield
    }) : () -> ()
    %mul3A_1034 = arith.constant 80 : i32
    %mul3A_1035 = arith.muli %add3A_1030, %mul3A_1034 : i32
    %add3A_1036 = arith.addi %mul3A_17, %mul3A_1035 : i32
    "tpu.region"() ({
      %run_scoped3A = tpu.sem_alloc : memref<!tpu.dma_semaphore, #tpu.memory_space<semaphore_mem>>
      %dma_start3A_1208 = tpu.memref_slice %arg4[%add3A_1036] : memref<320000xi32, #tpu.memory_space<hbm>> -> memref<80xi32, #tpu.memory_space<hbm>>
      %dma_start3A_1209 = tpu.memref_slice %arg4[%add3A_1036] : memref<320000xi32, #tpu.memory_space<hbm>> -> memref<80xi32, #tpu.memory_space<hbm>>
      tpu.enqueue_dma source(%dma_start3A_1209 : memref<80xi32, #tpu.memory_space<hbm>>) target(%arg13 : memref<80xi32, #tpu.memory_space<vmem>>) target_semaphore(%run_scoped3A : memref<!tpu.dma_semaphore, #tpu.memory_space<semaphore_mem>>)
      %dma_wait3A_1210 = tpu.memref_slice %arg4[%add3A_1036] : memref<320000xi32, #tpu.memory_space<hbm>> -> memref<80xi32, #tpu.memory_space<hbm>>
      %dma_wait3A_1211 = tpu.memref_slice %arg4[%add3A_1036] : memref<320000xi32, #tpu.memory_space<hbm>> -> memref<80xi32, #tpu.memory_space<hbm>>
      tpu.wait_dma2 semaphore(%run_scoped3A : memref<!tpu.dma_semaphore, #tpu.memory_space<semaphore_mem>>) src(%dma_wait3A_1211 : memref<80xi32, #tpu.memory_space<hbm>>) dst(%arg13 : memref<80xi32, #tpu.memory_space<vmem>>)
      tpu.yield
    }) : () -> ()
    %get3A_1037 = arith.constant 0 : index
    %get3A_1038 = tpu.vector_load %arg9[%get3A_1037] {strides = array<i32>} : memref<80xi32, #tpu.memory_space<vmem>>, vector<16xi32>,
    %get3A_1039 = vector.shape_cast %get3A_1038 : vector<16xi32> to vector<16xi32>
    %get3A_1040 = arith.constant 0 : index
    %get3A_1041 = tpu.vector_load %arg13[%get3A_1040] {strides = array<i32>} : memref<80xi32, #tpu.memory_space<vmem>>, vector<16xi32>,
    %get3A_1042 = vector.shape_cast %get3A_1041 : vector<16xi32> to vector<16xi32>
    %sub3A_1043 = arith.subi %get3A_1039, %get3A_1042 : vector<16xi32>
    %neg3A_1044 = arith.constant 0 : i32
    %neg3A_1045 = vector.broadcast %neg3A_1044 : i32 to vector<16xi32>
    %neg3A_1046 = arith.subi %neg3A_1045, %sub3A_1043 : vector<16xi32>
    %or3A_1047 = arith.ori %sub3A_1043, %neg3A_1046 : vector<16xi32>
    %shift_right_arithmetic3A_1048 = arith.constant 31 : i32
    %shift_right_arithmetic3A_1049 = vector.broadcast %shift_right_arithmetic3A_1048 : i32 to vector<16xi32>
    %shift_right_arithmetic3A_1050 = arith.shrsi %or3A_1047, %shift_right_arithmetic3A_1049 : vector<16xi32>
    %and3A_1051 = arith.andi %get3A_1042, %shift_right_arithmetic3A_1050 : vector<16xi32>
    %not3A_1052 = arith.constant dense<-1> : vector<16xi32>
    %not3A_1053 = arith.xori %shift_right_arithmetic3A_1050, %not3A_1052 : vector<16xi32>
    %and3A_1054 = arith.constant 10000 : i32
    %and3A_1055 = vector.broadcast %and3A_1054 : i32 to vector<16xi32>
    %and3A_1056 = arith.andi %and3A_1055, %not3A_1053 : vector<16xi32>
    %or3A_1057 = arith.ori %and3A_1051, %and3A_1056 : vector<16xi32>
    %swap3A_1058 = arith.constant 0 : index
    %swap3A_1059 = tpu.vector_load %arg17[%swap3A_1058] {strides = array<i32>} : memref<80xi32, #tpu.memory_space<vmem>>, vector<16xi32>,
    %swap3A_1060 = vector.shape_cast %swap3A_1059 : vector<16xi32> to vector<16xi32>
    %swap3A_1061 = vector.shape_cast %or3A_1057 : vector<16xi32> to vector<16xi32>
    tpu.vector_store %arg17[%swap3A_1058], %swap3A_1061 {strides = array<i32>} : memref<80xi32, #tpu.memory_space<vmem>>, vector<16xi32>,
    %get3A_1062 = arith.constant 16 : index
    %get3A_1063 = tpu.vector_load %arg9[%get3A_1062] {strides = array<i32>} : memref<80xi32, #tpu.memory_space<vmem>>, vector<16xi32>,
    %get3A_1064 = vector.shape_cast %get3A_1063 : vector<16xi32> to vector<16xi32>
    %get3A_1065 = arith.constant 16 : index
    %get3A_1066 = tpu.vector_load %arg13[%get3A_1065] {strides = array<i32>} : memref<80xi32, #tpu.memory_space<vmem>>, vector<16xi32>,
    %get3A_1067 = vector.shape_cast %get3A_1066 : vector<16xi32> to vector<16xi32>
    %sub3A_1068 = arith.subi %get3A_1064, %get3A_1067 : vector<16xi32>
    %neg3A_1069 = arith.constant 0 : i32
    %neg3A_1070 = vector.broadcast %neg3A_1069 : i32 to vector<16xi32>
    %neg3A_1071 = arith.subi %neg3A_1070, %sub3A_1068 : vector<16xi32>
    %or3A_1072 = arith.ori %sub3A_1068, %neg3A_1071 : vector<16xi32>
    %shift_right_arithmetic3A_1073 = arith.constant 31 : i32
    %shift_right_arithmetic3A_1074 = vector.broadcast %shift_right_arithmetic3A_1073 : i32 to vector<16xi32>
    %shift_right_arithmetic3A_1075 = arith.shrsi %or3A_1072, %shift_right_arithmetic3A_1074 : vector<16xi32>
    %and3A_1076 = arith.andi %get3A_1067, %shift_right_arithmetic3A_1075 : vector<16xi32>
    %not3A_1077 = arith.constant dense<-1> : vector<16xi32>
    %not3A_1078 = arith.xori %shift_right_arithmetic3A_1075, %not3A_1077 : vector<16xi32>
    %and3A_1079 = arith.constant 10000 : i32
    %and3A_1080 = vector.broadcast %and3A_1079 : i32 to vector<16xi32>
    %and3A_1081 = arith.andi %and3A_1080, %not3A_1078 : vector<16xi32>
    %or3A_1082 = arith.ori %and3A_1076, %and3A_1081 : vector<16xi32>
    %swap3A_1083 = arith.constant 16 : index
    %swap3A_1084 = tpu.vector_load %arg17[%swap3A_1083] {strides = array<i32>} : memref<80xi32, #tpu.memory_space<vmem>>, vector<16xi32>,
    %swap3A_1085 = vector.shape_cast %swap3A_1084 : vector<16xi32> to vector<16xi32>
    %swap3A_1086 = vector.shape_cast %or3A_1082 : vector<16xi32> to vector<16xi32>
    tpu.vector_store %arg17[%swap3A_1083], %swap3A_1086 {strides = array<i32>} : memref<80xi32, #tpu.memory_space<vmem>>, vector<16xi32>,
    %get3A_1087 = arith.constant 32 : index
    %get3A_1088 = tpu.vector_load %arg9[%get3A_1087] {strides = array<i32>} : memref<80xi32, #tpu.memory_space<vmem>>, vector<16xi32>,
    %get3A_1089 = vector.shape_cast %get3A_1088 : vector<16xi32> to vector<16xi32>
    %get3A_1090 = arith.constant 32 : index
    %get3A_1091 = tpu.vector_load %arg13[%get3A_1090] {strides = array<i32>} : memref<80xi32, #tpu.memory_space<vmem>>, vector<16xi32>,
    %get3A_1092 = vector.shape_cast %get3A_1091 : vector<16xi32> to vector<16xi32>
    %sub3A_1093 = arith.subi %get3A_1089, %get3A_1092 : vector<16xi32>
    %neg3A_1094 = arith.constant 0 : i32
    %neg3A_1095 = vector.broadcast %neg3A_1094 : i32 to vector<16xi32>
    %neg3A_1096 = arith.subi %neg3A_1095, %sub3A_1093 : vector<16xi32>
    %or3A_1097 = arith.ori %sub3A_1093, %neg3A_1096 : vector<16xi32>
    %shift_right_arithmetic3A_1098 = arith.constant 31 : i32
    %shift_right_arithmetic3A_1099 = vector.broadcast %shift_right_arithmetic3A_1098 : i32 to vector<16xi32>
    %shift_right_arithmetic3A_1100 = arith.shrsi %or3A_1097, %shift_right_arithmetic3A_1099 : vector<16xi32>
    %and3A_1101 = arith.andi %get3A_1092, %shift_right_arithmetic3A_1100 : vector<16xi32>
    %not3A_1102 = arith.constant dense<-1> : vector<16xi32>
    %not3A_1103 = arith.xori %shift_right_arithmetic3A_1100, %not3A_1102 : vector<16xi32>
    %and3A_1104 = arith.constant 10000 : i32
    %and3A_1105 = vector.broadcast %and3A_1104 : i32 to vector<16xi32>
    %and3A_1106 = arith.andi %and3A_1105, %not3A_1103 : vector<16xi32>
    %or3A_1107 = arith.ori %and3A_1101, %and3A_1106 : vector<16xi32>
    %swap3A_1108 = arith.constant 32 : index
    %swap3A_1109 = tpu.vector_load %arg17[%swap3A_1108] {strides = array<i32>} : memref<80xi32, #tpu.memory_space<vmem>>, vector<16xi32>,
    %swap3A_1110 = vector.shape_cast %swap3A_1109 : vector<16xi32> to vector<16xi32>
    %swap3A_1111 = vector.shape_cast %or3A_1107 : vector<16xi32> to vector<16xi32>
    tpu.vector_store %arg17[%swap3A_1108], %swap3A_1111 {strides = array<i32>} : memref<80xi32, #tpu.memory_space<vmem>>, vector<16xi32>,
    %get3A_1112 = arith.constant 48 : index
    %get3A_1113 = tpu.vector_load %arg9[%get3A_1112] {strides = array<i32>} : memref<80xi32, #tpu.memory_space<vmem>>, vector<16xi32>,
    %get3A_1114 = vector.shape_cast %get3A_1113 : vector<16xi32> to vector<16xi32>
    %get3A_1115 = arith.constant 48 : index
    %get3A_1116 = tpu.vector_load %arg13[%get3A_1115] {strides = array<i32>} : memref<80xi32, #tpu.memory_space<vmem>>, vector<16xi32>,
    %get3A_1117 = vector.shape_cast %get3A_1116 : vector<16xi32> to vector<16xi32>
    %sub3A_1118 = arith.subi %get3A_1114, %get3A_1117 : vector<16xi32>
    %neg3A_1119 = arith.constant 0 : i32
    %neg3A_1120 = vector.broadcast %neg3A_1119 : i32 to vector<16xi32>
    %neg3A_1121 = arith.subi %neg3A_1120, %sub3A_1118 : vector<16xi32>
    %or3A_1122 = arith.ori %sub3A_1118, %neg3A_1121 : vector<16xi32>
    %shift_right_arithmetic3A_1123 = arith.constant 31 : i32
    %shift_right_arithmetic3A_1124 = vector.broadcast %shift_right_arithmetic3A_1123 : i32 to vector<16xi32>
    %shift_right_arithmetic3A_1125 = arith.shrsi %or3A_1122, %shift_right_arithmetic3A_1124 : vector<16xi32>
    %and3A_1126 = arith.andi %get3A_1117, %shift_right_arithmetic3A_1125 : vector<16xi32>
    %not3A_1127 = arith.constant dense<-1> : vector<16xi32>
    %not3A_1128 = arith.xori %shift_right_arithmetic3A_1125, %not3A_1127 : vector<16xi32>
    %and3A_1129 = arith.constant 10000 : i32
    %and3A_1130 = vector.broadcast %and3A_1129 : i32 to vector<16xi32>
    %and3A_1131 = arith.andi %and3A_1130, %not3A_1128 : vector<16xi32>
    %or3A_1132 = arith.ori %and3A_1126, %and3A_1131 : vector<16xi32>
    %swap3A_1133 = arith.constant 48 : index
    %swap3A_1134 = tpu.vector_load %arg17[%swap3A_1133] {strides = array<i32>} : memref<80xi32, #tpu.memory_space<vmem>>, vector<16xi32>,
    %swap3A_1135 = vector.shape_cast %swap3A_1134 : vector<16xi32> to vector<16xi32>
    %swap3A_1136 = vector.shape_cast %or3A_1132 : vector<16xi32> to vector<16xi32>
    tpu.vector_store %arg17[%swap3A_1133], %swap3A_1136 {strides = array<i32>} : memref<80xi32, #tpu.memory_space<vmem>>, vector<16xi32>,
    %get3A_1137 = arith.constant 64 : index
    %get3A_1138 = tpu.vector_load %arg9[%get3A_1137] {strides = array<i32>} : memref<80xi32, #tpu.memory_space<vmem>>, vector<16xi32>,
    %get3A_1139 = vector.shape_cast %get3A_1138 : vector<16xi32> to vector<16xi32>
    %get3A_1140 = arith.constant 64 : index
    %get3A_1141 = tpu.vector_load %arg13[%get3A_1140] {strides = array<i32>} : memref<80xi32, #tpu.memory_space<vmem>>, vector<16xi32>,
    %get3A_1142 = vector.shape_cast %get3A_1141 : vector<16xi32> to vector<16xi32>
    %sub3A_1143 = arith.subi %get3A_1139, %get3A_1142 : vector<16xi32>
    %neg3A_1144 = arith.constant 0 : i32
    %neg3A_1145 = vector.broadcast %neg3A_1144 : i32 to vector<16xi32>
    %neg3A_1146 = arith.subi %neg3A_1145, %sub3A_1143 : vector<16xi32>
    %or3A_1147 = arith.ori %sub3A_1143, %neg3A_1146 : vector<16xi32>
    %shift_right_arithmetic3A_1148 = arith.constant 31 : i32
    %shift_right_arithmetic3A_1149 = vector.broadcast %shift_right_arithmetic3A_1148 : i32 to vector<16xi32>
    %shift_right_arithmetic3A_1150 = arith.shrsi %or3A_1147, %shift_right_arithmetic3A_1149 : vector<16xi32>
    %and3A_1151 = arith.andi %get3A_1142, %shift_right_arithmetic3A_1150 : vector<16xi32>
    %not3A_1152 = arith.constant dense<-1> : vector<16xi32>
    %not3A_1153 = arith.xori %shift_right_arithmetic3A_1150, %not3A_1152 : vector<16xi32>
    %and3A_1154 = arith.constant 10000 : i32
    %and3A_1155 = vector.broadcast %and3A_1154 : i32 to vector<16xi32>
    %and3A_1156 = arith.andi %and3A_1155, %not3A_1153 : vector<16xi32>
    %or3A_1157 = arith.ori %and3A_1151, %and3A_1156 : vector<16xi32>
    %swap3A_1158 = arith.constant 64 : index
    %swap3A_1159 = tpu.vector_load %arg17[%swap3A_1158] {strides = array<i32>} : memref<80xi32, #tpu.memory_space<vmem>>, vector<16xi32>,
    %swap3A_1160 = vector.shape_cast %swap3A_1159 : vector<16xi32> to vector<16xi32>
    %swap3A_1161 = vector.shape_cast %or3A_1157 : vector<16xi32> to vector<16xi32>
    tpu.vector_store %arg17[%swap3A_1158], %swap3A_1161 {strides = array<i32>} : memref<80xi32, #tpu.memory_space<vmem>>, vector<16xi32>,
    %dma_start3A_1162 = arith.constant 0 : i32
    %dma_start3A_1163 = arith.constant 0 : i32
    %dma_start3A_1164 = tpu.memref_slice %arg2[%dma_start3A_1162, %dma_start3A_1163] : memref<10240x128xf32, #tpu.memory_space<hbm>> -> memref<10240x128xf32, #tpu.memory_space<hbm>>
    tpu.enqueue_indirect_dma source(%dma_start3A_1164 : memref<10240x128xf32, #tpu.memory_space<hbm>>) target(%arg21 : memref<80x128xf32, #tpu.memory_space<vmem>>) offsets(%arg9 : memref<80xi32, #tpu.memory_space<vmem>>) semaphore(%arg26 : memref<!tpu.dma_semaphore, #tpu.memory_space<semaphore_mem>>)
    %dma_wait3A_1165 = arith.constant 0 : i32
    %dma_wait3A_1166 = arith.constant 0 : i32
    %dma_wait3A_1167 = tpu.memref_slice %arg2[%dma_wait3A_1165, %dma_wait3A_1166] : memref<10240x128xf32, #tpu.memory_space<hbm>> -> memref<10240x128xf32, #tpu.memory_space<hbm>>
    tpu.wait_indirect_dma semaphore(%arg24 : memref<!tpu.dma_semaphore, #tpu.memory_space<semaphore_mem>>) src(%dma_wait3A_1167 : memref<10240x128xf32, #tpu.memory_space<hbm>>) dst(%arg19 : memref<80x128xf32, #tpu.memory_space<vmem>>)
    %dma_start3A_1168 = arith.constant 0 : i32
    %dma_start3A_1169 = arith.constant 0 : i32
    %dma_start3A_1170 = tpu.memref_slice %arg22[%dma_start3A_1168, %dma_start3A_1169] : memref<10240x128xf32, #tpu.memory_space<vmem_shared>> -> memref<10240x128xf32, #tpu.memory_space<vmem_shared>>
    tpu.enqueue_indirect_dma source(%arg19 : memref<80x128xf32, #tpu.memory_space<vmem>>) target(%dma_start3A_1170 : memref<10240x128xf32, #tpu.memory_space<vmem_shared>>) offsets(%arg15 : memref<80xi32, #tpu.memory_space<vmem>>) semaphore(%arg28 : memref<!tpu.dma_semaphore, #tpu.memory_space<semaphore_mem>>) {add = true}
    %sub3A_1171 = arith.constant 4 : i32
    %sub3A_1172 = arith.subi %select_n3A_4, %sub3A_1171 : i32
    %add3A_1173 = arith.constant 2 : i32
    %add3A_1174 = arith.addi %sub3A_1172, %add3A_1173 : i32
    %dma_wait3A_1175 = arith.constant 0 : i32
    %dma_wait3A_1176 = arith.constant 0 : i32
    %dma_wait3A_1177 = tpu.memref_slice %arg22[%dma_wait3A_1175, %dma_wait3A_1176] : memref<10240x128xf32, #tpu.memory_space<vmem_shared>> -> memref<10240x128xf32, #tpu.memory_space<vmem_shared>>
    tpu.wait_indirect_dma semaphore(%arg27 : memref<!tpu.dma_semaphore, #tpu.memory_space<semaphore_mem>>) src(%arg18 : memref<80x128xf32, #tpu.memory_space<vmem>>) dst(%dma_wait3A_1177 : memref<10240x128xf32, #tpu.memory_space<vmem_shared>>)
    %dma_wait3A_1178 = arith.constant 0 : i32
    %dma_wait3A_1179 = arith.constant 0 : i32
    %dma_wait3A_1180 = tpu.memref_slice %arg2[%dma_wait3A_1178, %dma_wait3A_1179] : memref<10240x128xf32, #tpu.memory_space<hbm>> -> memref<10240x128xf32, #tpu.memory_space<hbm>>
    tpu.wait_indirect_dma semaphore(%arg25 : memref<!tpu.dma_semaphore, #tpu.memory_space<semaphore_mem>>) src(%dma_wait3A_1180 : memref<10240x128xf32, #tpu.memory_space<hbm>>) dst(%arg20 : memref<80x128xf32, #tpu.memory_space<vmem>>)
    %dma_start3A_1181 = arith.constant 0 : i32
    %dma_start3A_1182 = arith.constant 0 : i32
    %dma_start3A_1183 = tpu.memref_slice %arg22[%dma_start3A_1181, %dma_start3A_1182] : memref<10240x128xf32, #tpu.memory_space<vmem_shared>> -> memref<10240x128xf32, #tpu.memory_space<vmem_shared>>
    tpu.enqueue_indirect_dma source(%arg20 : memref<80x128xf32, #tpu.memory_space<vmem>>) target(%dma_start3A_1183 : memref<10240x128xf32, #tpu.memory_space<vmem_shared>>) offsets(%arg16 : memref<80xi32, #tpu.memory_space<vmem>>) semaphore(%arg29 : memref<!tpu.dma_semaphore, #tpu.memory_space<semaphore_mem>>) {add = true}
    %sub3A_1184 = arith.constant 4 : i32
    %sub3A_1185 = arith.subi %select_n3A_4, %sub3A_1184 : i32
    %add3A_1186 = arith.constant 3 : i32
    %add3A_1187 = arith.addi %sub3A_1185, %add3A_1186 : i32
    %dma_wait3A_1188 = arith.constant 0 : i32
    %dma_wait3A_1189 = arith.constant 0 : i32
    %dma_wait3A_1190 = tpu.memref_slice %arg22[%dma_wait3A_1188, %dma_wait3A_1189] : memref<10240x128xf32, #tpu.memory_space<vmem_shared>> -> memref<10240x128xf32, #tpu.memory_space<vmem_shared>>
    tpu.wait_indirect_dma semaphore(%arg28 : memref<!tpu.dma_semaphore, #tpu.memory_space<semaphore_mem>>) src(%arg19 : memref<80x128xf32, #tpu.memory_space<vmem>>) dst(%dma_wait3A_1190 : memref<10240x128xf32, #tpu.memory_space<vmem_shared>>)
    %dma_wait3A_1191 = arith.constant 0 : i32
    %dma_wait3A_1192 = arith.constant 0 : i32
    %dma_wait3A_1193 = tpu.memref_slice %arg2[%dma_wait3A_1191, %dma_wait3A_1192] : memref<10240x128xf32, #tpu.memory_space<hbm>> -> memref<10240x128xf32, #tpu.memory_space<hbm>>
    tpu.wait_indirect_dma semaphore(%arg26 : memref<!tpu.dma_semaphore, #tpu.memory_space<semaphore_mem>>) src(%dma_wait3A_1193 : memref<10240x128xf32, #tpu.memory_space<hbm>>) dst(%arg21 : memref<80x128xf32, #tpu.memory_space<vmem>>)
    %dma_start3A_1194 = arith.constant 0 : i32
    %dma_start3A_1195 = arith.constant 0 : i32
    %dma_start3A_1196 = tpu.memref_slice %arg22[%dma_start3A_1194, %dma_start3A_1195] : memref<10240x128xf32, #tpu.memory_space<vmem_shared>> -> memref<10240x128xf32, #tpu.memory_space<vmem_shared>>
    tpu.enqueue_indirect_dma source(%arg21 : memref<80x128xf32, #tpu.memory_space<vmem>>) target(%dma_start3A_1196 : memref<10240x128xf32, #tpu.memory_space<vmem_shared>>) offsets(%arg17 : memref<80xi32, #tpu.memory_space<vmem>>) semaphore(%arg30 : memref<!tpu.dma_semaphore, #tpu.memory_space<semaphore_mem>>) {add = true}
    %dma_wait3A_1197 = arith.constant 0 : i32
    %dma_wait3A_1198 = arith.constant 0 : i32
    %dma_wait3A_1199 = tpu.memref_slice %arg22[%dma_wait3A_1197, %dma_wait3A_1198] : memref<10240x128xf32, #tpu.memory_space<vmem_shared>> -> memref<10240x128xf32, #tpu.memory_space<vmem_shared>>
    tpu.wait_indirect_dma semaphore(%arg29 : memref<!tpu.dma_semaphore, #tpu.memory_space<semaphore_mem>>) src(%arg20 : memref<80x128xf32, #tpu.memory_space<vmem>>) dst(%dma_wait3A_1199 : memref<10240x128xf32, #tpu.memory_space<vmem_shared>>)
    %dma_wait3A_1200 = arith.constant 0 : i32
    %dma_wait3A_1201 = arith.constant 0 : i32
    %dma_wait3A_1202 = tpu.memref_slice %arg22[%dma_wait3A_1200, %dma_wait3A_1201] : memref<10240x128xf32, #tpu.memory_space<vmem_shared>> -> memref<10240x128xf32, #tpu.memory_space<vmem_shared>>
    tpu.wait_indirect_dma semaphore(%arg30 : memref<!tpu.dma_semaphore, #tpu.memory_space<semaphore_mem>>) src(%arg21 : memref<80x128xf32, #tpu.memory_space<vmem>>) dst(%dma_wait3A_1202 : memref<10240x128xf32, #tpu.memory_space<vmem_shared>>)
    %barrier3A_1203 = arith.constant 0 : index
    tpu.barrier barrier_id(%barrier3A_1203)
    %mul3A_1204 = arith.constant 640 : i32
    %mul3A_1205 = arith.muli %arg1, %mul3A_1204 : i32
    %mul3A_1206 = arith.constant 640 : i32
    %mul3A_1207 = arith.muli %arg1, %mul3A_1206 : i32
    "tpu.region"() ({
      %run_scoped3A = tpu.sem_alloc : memref<!tpu.dma_semaphore, #tpu.memory_space<semaphore_mem>>
      %dma_start3A_1208 = arith.constant 0 : i32
      %dma_start3A_1209 = tpu.memref_slice %arg5[%arg0, %mul3A_1207, %dma_start3A_1208] : memref<2x10240x128xf32, #tpu.memory_space<hbm>> -> memref<1x640x128xf32, #tpu.memory_space<hbm>>
      %dma_start3A_1210 = tpu.memref_squeeze %dma_start3A_1209 : memref<1x640x128xf32, #tpu.memory_space<hbm>> -> memref<640x128xf32, #tpu.memory_space<hbm>>
      %dma_start3A_1211 = arith.constant 0 : i32
      %dma_start3A_1212 = tpu.memref_slice %arg22[%mul3A_1205, %dma_start3A_1211] : memref<10240x128xf32, #tpu.memory_space<vmem_shared>> -> memref<640x128xf32, #tpu.memory_space<vmem_shared>>
      tpu.enqueue_dma source(%dma_start3A_1212 : memref<640x128xf32, #tpu.memory_space<vmem_shared>>) target(%dma_start3A_1210 : memref<640x128xf32, #tpu.memory_space<hbm>>) target_semaphore(%run_scoped3A : memref<!tpu.dma_semaphore, #tpu.memory_space<semaphore_mem>>)
      %dma_wait3A_1213 = arith.constant 0 : i32
      %dma_wait3A_1214 = tpu.memref_slice %arg5[%arg0, %mul3A_1207, %dma_wait3A_1213] : memref<2x10240x128xf32, #tpu.memory_space<hbm>> -> memref<1x640x128xf32, #tpu.memory_space<hbm>>
      %dma_wait3A_1215 = tpu.memref_squeeze %dma_wait3A_1214 : memref<1x640x128xf32, #tpu.memory_space<hbm>> -> memref<640x128xf32, #tpu.memory_space<hbm>>
      %dma_wait3A_1216 = arith.constant 0 : i32
      %dma_wait3A_1217 = tpu.memref_slice %arg22[%mul3A_1205, %dma_wait3A_1216] : memref<10240x128xf32, #tpu.memory_space<vmem_shared>> -> memref<640x128xf32, #tpu.memory_space<vmem_shared>>
      tpu.wait_dma2 semaphore(%run_scoped3A : memref<!tpu.dma_semaphore, #tpu.memory_space<semaphore_mem>>) src(%dma_wait3A_1217 : memref<640x128xf32, #tpu.memory_space<vmem_shared>>) dst(%dma_wait3A_1215 : memref<640x128xf32, #tpu.memory_space<hbm>>)
      tpu.yield
    }) : () -> ()
    return
  }
}

module attributes {stable_mosaic.version = 14 : i64} {
  func.func @_g_body(%arg0: i32, %arg1: memref<2x640xf32, #tpu.memory_space<vmem>>, %arg2: memref<640x128xf32, #tpu.memory_space<vmem>>, %arg3: memref<128x128xf32, #tpu.memory_space<vmem>>, %arg4: memref<640x128xf32, #tpu.memory_space<vmem>>) attributes {dimension_semantics = [#tpu.dimension_semantics<arbitrary>], iteration_bounds = array<i64: 16>, scalar_prefetch = 0 : i64, scratch_operands = 0 : i64, tpu.core_type = #tpu.core_type<tc>, window_params = [{transform_indices = @transform_0, window_bounds = array<i64: 2, 640>}, {transform_indices = @transform_1, window_bounds = array<i64: 640, 128>}, {pipeline_mode = #tpu.pipeline_mode<synchronous>, transform_indices = @transform_2, window_bounds = array<i64: 128, 128>}, {transform_indices = @transform_3, window_bounds = array<i64: 640, 128>}]} {
    %get3A = arith.constant 0 : index
    %get3A_0 = arith.constant 0 : index
    %get3A_1 = vector.load %arg1[%get3A, %get3A_0] : memref<2x640xf32, #tpu.memory_space<vmem>>, vector<2x640xf32>
    %slice3A = vector.extract_strided_slice %get3A_1 {offsets = [0, 0], sizes = [1, 640], strides = [1, 1]} : vector<2x640xf32> to vector<1x640xf32>
    %squeeze3A = vector.shape_cast %slice3A : vector<1x640xf32> to vector<640xf32>
    %slice3A_2 = vector.extract_strided_slice %get3A_1 {offsets = [1, 0], sizes = [1, 640], strides = [1, 1]} : vector<2x640xf32> to vector<1x640xf32>
    %squeeze3A_3 = vector.shape_cast %slice3A_2 : vector<1x640xf32> to vector<640xf32>
    %add3A = arith.addf %squeeze3A, %squeeze3A_3 : vector<640xf32>
    %add3A_4 = arith.constant 1.000000e+00 : f32
    %add3A_5 = vector.broadcast %add3A_4 : f32 to vector<640xf32>
    %add3A_6 = arith.addf %add3A, %add3A_5 : vector<640xf32>
    %rsqrt3A = math.rsqrt %add3A_6 : vector<640xf32>
    %get3A_7 = arith.constant 0 : index
    %get3A_8 = arith.constant 0 : index
    %get3A_9 = vector.load %arg2[%get3A_7, %get3A_8] : memref<640x128xf32, #tpu.memory_space<vmem>>, vector<640x128xf32>
    %get3A_10 = arith.constant 0 : index
    %get3A_11 = arith.constant 0 : index
    %get3A_12 = vector.load %arg3[%get3A_10, %get3A_11] : memref<128x128xf32, #tpu.memory_space<vmem>>, vector<128x128xf32>
    %dot_general3A = arith.constant dense<0.000000e+00> : vector<640x128xf32>
    %dot_general3A_13 = tpu.matmul %get3A_9, %get3A_12, %dot_general3A {dimension_numbers = #tpu.dot_dimension_numbers<[1], [0], [0], [1], [0, 0, 1, 1], [], []>, transpose_lhs_hint = false} : vector<640x128xf32>, vector<128x128xf32>, vector<640x128xf32> -> vector<640x128xf32>
    %broadcast_in_dim3A = vector.shape_cast %rsqrt3A : vector<640xf32> to vector<640x1xf32>
    %mul3A = vector.broadcast %broadcast_in_dim3A : vector<640x1xf32> to vector<640x128xf32>
    %mul3A_14 = arith.mulf %mul3A, %dot_general3A_13 : vector<640x128xf32>
    %swap3A = arith.constant 0 : index
    %swap3A_15 = arith.constant 0 : index
    %swap3A_16 = vector.load %arg4[%swap3A, %swap3A_15] : memref<640x128xf32, #tpu.memory_space<vmem>>, vector<640x128xf32>
    tpu.vector_store %arg4[%swap3A, %swap3A_15], %mul3A_14 {strides = array<i32>} : memref<640x128xf32, #tpu.memory_space<vmem>>, vector<640x128xf32>,
    return
  }
  func.func @transform_0(%arg0: i32) -> (i32, i32) {
    %c0_i32 = arith.constant 0 : i32
    %c0_i32_0 = arith.constant 0 : i32
    return %c0_i32, %arg0 : i32, i32
  }
  func.func @transform_1(%arg0: i32) -> (i32, i32) {
    %c0_i32 = arith.constant 0 : i32
    %c0_i32_0 = arith.constant 0 : i32
    return %arg0, %c0_i32 : i32, i32
  }
  func.func @transform_2(%arg0: i32) -> (i32, i32) {
    %c0_i32 = arith.constant 0 : i32
    %c0_i32_0 = arith.constant 0 : i32
    %c0_i32_1 = arith.constant 0 : i32
    return %c0_i32, %c0_i32_0 : i32, i32
  }
  func.func @transform_3(%arg0: i32) -> (i32, i32) {
    %c0_i32 = arith.constant 0 : i32
    %c0_i32_0 = arith.constant 0 : i32
    return %arg0, %c0_i32 : i32, i32
  }
}

module attributes {stable_mosaic.version = 14 : i64} {
  func.func @_out_body(%arg0: i32, %arg1: memref<2x640xf32, #tpu.memory_space<vmem>>, %arg2: memref<2x640x128xf32, #tpu.memory_space<vmem>>, %arg3: memref<640x128xf32, #tpu.memory_space<vmem>>, %arg4: memref<1x128xf32, #tpu.memory_space<vmem>>, %arg5: memref<128x768xf32, #tpu.memory_space<vmem>>, %arg6: memref<640x6x128xf32, #tpu.memory_space<vmem>>) attributes {dimension_semantics = [#tpu.dimension_semantics<arbitrary>], iteration_bounds = array<i64: 16>, scalar_prefetch = 0 : i64, scratch_operands = 0 : i64, tpu.core_type = #tpu.core_type<tc>, window_params = [{transform_indices = @transform_0, window_bounds = array<i64: 2, 640>}, {transform_indices = @transform_1, window_bounds = array<i64: 2, 640, 128>}, {transform_indices = @transform_2, window_bounds = array<i64: 640, 128>}, {pipeline_mode = #tpu.pipeline_mode<synchronous>, transform_indices = @transform_3, window_bounds = array<i64: 1, 128>}, {pipeline_mode = #tpu.pipeline_mode<synchronous>, transform_indices = @transform_4, window_bounds = array<i64: 128, 768>}, {transform_indices = @transform_5, window_bounds = array<i64: 640, 6, 128>}]} {
    %get3A = arith.constant 0 : index
    %get3A_0 = arith.constant 0 : index
    %get3A_1 = vector.load %arg1[%get3A, %get3A_0] : memref<2x640xf32, #tpu.memory_space<vmem>>, vector<2x640xf32>
    %get3A_2 = arith.constant 0 : index
    %get3A_3 = arith.constant 0 : index
    %get3A_4 = arith.constant 0 : index
    %get3A_5 = vector.load %arg2[%get3A_2, %get3A_3, %get3A_4] : memref<2x640x128xf32, #tpu.memory_space<vmem>>, vector<2x640x128xf32>
    %slice3A = vector.extract_strided_slice %get3A_1 {offsets = [0, 0], sizes = [1, 640], strides = [1, 1]} : vector<2x640xf32> to vector<1x640xf32>
    %squeeze3A = vector.shape_cast %slice3A : vector<1x640xf32> to vector<640xf32>
    %slice3A_6 = vector.extract_strided_slice %get3A_1 {offsets = [1, 0], sizes = [1, 640], strides = [1, 1]} : vector<2x640xf32> to vector<1x640xf32>
    %squeeze3A_7 = vector.shape_cast %slice3A_6 : vector<1x640xf32> to vector<640xf32>
    %add3A = arith.addf %squeeze3A, %squeeze3A_7 : vector<640xf32>
    %add3A_8 = arith.constant 1.000000e+00 : f32
    %add3A_9 = vector.broadcast %add3A_8 : f32 to vector<640xf32>
    %add3A_10 = arith.addf %add3A, %add3A_9 : vector<640xf32>
    %rsqrt3A = math.rsqrt %add3A_10 : vector<640xf32>
    %broadcast_in_dim3A = vector.shape_cast %rsqrt3A : vector<640xf32> to vector<640x1xf32>
    %slice3A_11 = vector.extract_strided_slice %get3A_5 {offsets = [0, 0, 0], sizes = [1, 640, 128], strides = [1, 1, 1]} : vector<2x640x128xf32> to vector<1x640x128xf32>
    %squeeze3A_12 = vector.shape_cast %slice3A_11 : vector<1x640x128xf32> to vector<640x128xf32>
    %slice3A_13 = vector.extract_strided_slice %get3A_5 {offsets = [1, 0, 0], sizes = [1, 640, 128], strides = [1, 1, 1]} : vector<2x640x128xf32> to vector<1x640x128xf32>
    %squeeze3A_14 = vector.shape_cast %slice3A_13 : vector<1x640x128xf32> to vector<640x128xf32>
    %add3A_15 = arith.addf %squeeze3A_12, %squeeze3A_14 : vector<640x128xf32>
    %get3A_16 = arith.constant 0 : index
    %get3A_17 = arith.constant 0 : index
    %get3A_18 = vector.load %arg3[%get3A_16, %get3A_17] : memref<640x128xf32, #tpu.memory_space<vmem>>, vector<640x128xf32>
    %add3A_19 = arith.addf %add3A_15, %get3A_18 : vector<640x128xf32>
    %mul3A = vector.broadcast %broadcast_in_dim3A : vector<640x1xf32> to vector<640x128xf32>
    %mul3A_20 = arith.mulf %mul3A, %add3A_19 : vector<640x128xf32>
    %get3A_21 = arith.constant 0 : index
    %get3A_22 = arith.constant 0 : index
    %get3A_23 = vector.load %arg4[%get3A_21, %get3A_22] : memref<1x128xf32, #tpu.memory_space<vmem>>, vector<1x128xf32>
    %add3A_24 = vector.broadcast %get3A_23 : vector<1x128xf32> to vector<640x128xf32>
    %add3A_25 = arith.addf %mul3A_20, %add3A_24 : vector<640x128xf32>
    %get3A_26 = arith.constant 0 : index
    %get3A_27 = arith.constant 0 : index
    %get3A_28 = vector.load %arg5[%get3A_26, %get3A_27] : memref<128x768xf32, #tpu.memory_space<vmem>>, vector<128x768xf32>
    %dot_general3A = arith.constant dense<0.000000e+00> : vector<640x768xf32>
    %dot_general3A_29 = tpu.matmul %add3A_25, %get3A_28, %dot_general3A {dimension_numbers = #tpu.dot_dimension_numbers<[1], [0], [0], [1], [0, 0, 1, 1], [], []>, transpose_lhs_hint = false} : vector<640x128xf32>, vector<128x768xf32>, vector<640x768xf32> -> vector<640x768xf32>
    %reshape3A = vector.shape_cast %dot_general3A_29 : vector<640x768xf32> to vector<640x6x128xf32>
    %swap3A = arith.constant 0 : index
    %swap3A_30 = arith.constant 0 : index
    %swap3A_31 = arith.constant 0 : index
    %swap3A_32 = vector.load %arg6[%swap3A, %swap3A_30, %swap3A_31] : memref<640x6x128xf32, #tpu.memory_space<vmem>>, vector<640x6x128xf32>
    tpu.vector_store %arg6[%swap3A, %swap3A_30, %swap3A_31], %reshape3A {strides = array<i32>} : memref<640x6x128xf32, #tpu.memory_space<vmem>>, vector<640x6x128xf32>,
    return
  }
  func.func @transform_0(%arg0: i32) -> (i32, i32) {
    %c0_i32 = arith.constant 0 : i32
    %c0_i32_0 = arith.constant 0 : i32
    return %c0_i32, %arg0 : i32, i32
  }
  func.func @transform_1(%arg0: i32) -> (i32, i32, i32) {
    %c0_i32 = arith.constant 0 : i32
    %c0_i32_0 = arith.constant 0 : i32
    %c0_i32_1 = arith.constant 0 : i32
    return %c0_i32, %arg0, %c0_i32_0 : i32, i32, i32
  }
  func.func @transform_2(%arg0: i32) -> (i32, i32) {
    %c0_i32 = arith.constant 0 : i32
    %c0_i32_0 = arith.constant 0 : i32
    return %arg0, %c0_i32 : i32, i32
  }
  func.func @transform_3(%arg0: i32) -> (i32, i32) {
    %c0_i32 = arith.constant 0 : i32
    %c0_i32_0 = arith.constant 0 : i32
    %c0_i32_1 = arith.constant 0 : i32
    return %c0_i32, %c0_i32_0 : i32, i32
  }
  func.func @transform_4(%arg0: i32) -> (i32, i32) {
    %c0_i32 = arith.constant 0 : i32
    %c0_i32_0 = arith.constant 0 : i32
    %c0_i32_1 = arith.constant 0 : i32
    return %c0_i32, %c0_i32_0 : i32, i32
  }
  func.func @transform_5(%arg0: i32) -> (i32, i32, i32) {
    %c0_i32 = arith.constant 0 : i32
    %c0_i32_0 = arith.constant 0 : i32
    %c0_i32_1 = arith.constant 0 : i32
    return %arg0, %c0_i32, %c0_i32_0 : i32, i32, i32
  }
}

</mosaic_0001>

<sc_bundles>
// kernel: kernel.6.cloned.1.call-start
scs
__scs_entry_jumppad:
0x0: {  	(pc) =	sbr.rel $0x88, $3  }
0x1: {  	(tag) =	ssettag $0x0;
	lr =	simm.s32 $0x1  }
0x2: {  	[smem:$0x3F9C] =	sst lr;
	_ =	strace $0xD0000000  }
0x3: {  	_ = 	snop  }
0x4: {  	_ = 	snop  }
0x5: {  	_ = 	snop  }
0x6: {  	_ = 	snop  }
0x7: {  	_ = 	snop  }
__scs_overlays_trampoline_lowered:
0x8: {  	[smem:$0x3FAB] =	sst s0  }
0x9: {  	[smem:$0x3FAC] =	sst s1  }
0xa: {  	[smem:$0x3FAD] =	sst s2  }
0xb: {  	[smem:$0x3FAE] =	sst s3  }
0xc: {  	[smem:$0x3FAF] =	sst s4  }
0xd: {  	[smem:$0x3FB0] =	sst s5  }
0xe: {  	[smem:$0x3FB1] =	sst s6  }
0xf: {  	[smem:$0x3FB2] =	sst s7  }
0x10: {  	[smem:$0x3FB3] =	sst s8  }
0x11: {  	[smem:$0x3FB4] =	sst s9;
	s0 =	simm.s32 @!p0 $0x0  }
0x12: {  	s1 =	sld [smem:$0x3F9A];
	s0 =	simm.s32 @p0 $0x1  }
0x13: {  	[smem:$0x3FB5] =	sst s0;
	s0 =	simm.s32 @!p1 $0x0  }
0x14: {  	s2 =	sld [smem:$0x3F99];
	s0 =	simm.s32 @p1 $0x1  }
0x15: {  	[smem:$0x3FB6] =	sst s0;
	s0 =	simm.s32 @!p2 $0x0  }
0x16: {  	s3 =	sld [smem:$0x3FDB];
	s0 =	simm.s32 @p2 $0x1  }
0x17: {  	s4 =	simm.s32 $0x1BF5;
	[smem:$0x3FB8] =	sst s0  }
0x18: {  	s0 =	sld [smem:$0x3F9B];
	_ =	swait.ge [sflag:s4], $0x0  }
0x19: {  	s7 =	sld [smem:$0x3F9C]  }
0x1a: {  	s8 =	sadd.s32 $0xFFFFE003, lr  }
0x1b: {  	s9 =	sadd.s32 $0xFFFFFEF7, lr;
	s5 =	simm.s32 $0xFFFFFFFF;
	p2 =	slt.u32 s8, $0xFFFFF086  }
0x1c: {  	p1 =	slt.u32 s9, $0xF7A;
	s5 =	simm.s32 @!p2 $0x0  }
0x1d: {  	s5 =	simm.s32 @p1 $0x1;
	p0 =	seq.s32 s7, s2  }
0x1e: {  	s7 =	smul.u32 @!p0 $0xF7A, s2;
	p2 =	seq.s32 @!p0 s5, $0x0  }
0x1f: {  	s9 =	smul.u32 $0xF7A, s1;
	s8 =	simm.s32 @!p0 $0x1BF5;
	p2 =	por !p2, p0  }
0x20: {  	[sflag:s8] =	ssyncset.s32 @!p0 $0xFFFFF086;
	s6 =	sadd.s32 @!p0 s3, s7;
	s7 =	simm.s32 @!p0 $0x108  }
0x21: {  	s3 =	sadd.s32 s3, s9;
	s6 =	sadd.s32 @!p0 $0x88, s6;
	s7 =	simm.s32 @p2 $0x1082  }
0x22: {  	[simem:s7], [sflag:s8] =	dma.local @!p0 [hbm:s6], $0xF7A  }
0x23: {  	s9 =	sor.u32 $0xD0000000, s2;
	s6 =	simm.s32 $0x108;
	_ =	swait.ge @!p0 [sflag:s8], $0x0  }
0x24: {  	s3 =	sadd.s32 $0x88, s3;
	s6 =	simm.s32 @!p1 $0x1082;
	[sflag:s4] =	ssyncset.s32 $0xFFFFF086  }
0x25: {  	[simem:s6], [sflag:s4] =	dma.local [hbm:s3], $0xF7A  }
0x26: {  	[smem:$0x3F9C] =	sst s1;
	(tag) =	ssettag s2;
	_ =	strace s9  }
0x27: {  	s1 =	sld [smem:$0x3FAC]  }
0x28: {  	s2 =	sld [smem:$0x3FAD]  }
0x29: {  	s4 =	sld [smem:$0x3FAF]  }
0x2a: {  	p0 =	seq.s32 s5, $0x0;
	s5 =	sld [smem:$0x3FB0]  }
0x2b: {  	s6 =	sld [smem:$0x3FB1]  }
0x2c: {  	s7 =	sld [smem:$0x3FB2]  }
0x2d: {  	s3 =	simm.s32 $0x108;
	s8 =	sld [smem:$0x3FB3]  }
0x2e: {  	s3 =	simm.s32 @!p0 $0x1082;
	s9 =	sld [smem:$0x3FB4]  }
0x2f: {  	lr =	sadd.s32 s0, s3;
	s0 =	sld [smem:$0x3FAB]  }
0x30: {  	s3 =	sld [smem:$0x3FAE]  }
0x31: {  	[smem:$0x3FB7] =	sst s10  }
0x32: {  	s10 =	sld [smem:$0x3FB5];
	_ =	sdelay $0x3  }
0x33: {  	p0 =	seq.s32 s10, $0x1;
	s10 =	sld [smem:$0x3FB7];
	_ =	sdelay $0x3  }
0x34: {  	[smem:$0x3FB7] =	sst s10  }
0x35: {  	s10 =	sld [smem:$0x3FB6];
	_ =	sdelay $0x3  }
0x36: {  	p1 =	seq.s32 s10, $0x1;
	s10 =	sld [smem:$0x3FB7];
	_ =	sdelay $0x3  }
0x37: {  	[smem:$0x3FB7] =	sst s10  }
0x38: {  	s10 =	sld [smem:$0x3FB8]  }
0x39: {  	_ = 	snop;
	(pc) =	sbr.ind lr, $3  }
0x3a: {  	_ = 	snop  }
0x3b: {  	_ = 	snop  }
0x3c: {  	p2 =	seq.s32 s10, $0x1;
	s10 =	sld [smem:$0x3FB7]  }
0x3d: {  	_ =	shalt  }
0x3e: {  	_ =	shalt  }
0x3f: {  	_ =	shalt  }
0x40: {  	_ =	shalt  }
0x41: {  	_ =	shalt  }
0x42: {  	_ =	shalt  }
0x43: {  	_ =	shalt  }
0x44: {  	_ =	shalt  }
0x45: {  	_ =	shalt  }
0x46: {  	_ =	shalt  }
0x47: {  	_ =	shalt  }
0x48: {  	_ =	shalt  }
0x49: {  	_ =	shalt  }
0x4a: {  	_ =	shalt  }
0x4b: {  	_ =	shalt  }
0x4c: {  	_ =	shalt  }
0x4d: {  	_ =	shalt  }
0x4e: {  	_ =	shalt  }
0x4f: {  	_ =	shalt  }
0x50: {  	_ =	shalt  }
0x51: {  	_ =	shalt  }
0x52: {  	_ =	shalt  }
0x53: {  	_ =	shalt  }
0x54: {  	_ =	shalt  }
0x55: {  	_ =	shalt  }
0x56: {  	_ =	shalt  }
0x57: {  	_ =	shalt  }
0x58: {  	_ =	shalt  }
0x59: {  	_ =	shalt  }
0x5a: {  	_ =	shalt  }
0x5b: {  	_ =	shalt  }
0x5c: {  	_ =	shalt  }
0x5d: {  	_ =	shalt  }
0x5e: {  	_ =	shalt  }
0x5f: {  	_ =	shalt  }
0x60: {  	_ =	shalt  }
0x61: {  	_ =	shalt  }
0x62: {  	_ =	shalt  }
0x63: {  	_ =	shalt  }
0x64: {  	_ =	shalt  }
0x65: {  	_ =	shalt  }
0x66: {  	_ =	shalt  }
0x67: {  	_ =	shalt  }
0x68: {  	_ =	shalt  }
0x69: {  	_ =	shalt  }
0x6a: {  	_ =	shalt  }
0x6b: {  	_ =	shalt  }
0x6c: {  	_ =	shalt  }
0x6d: {  	_ =	shalt  }
0x6e: {  	_ =	shalt  }
0x6f: {  	_ =	shalt  }
0x70: {  	_ =	shalt  }
0x71: {  	_ =	shalt  }
0x72: {  	_ =	shalt  }
0x73: {  	_ =	shalt  }
0x74: {  	_ =	shalt  }
0x75: {  	_ =	shalt  }
0x76: {  	_ =	shalt  }
0x77: {  	_ =	shalt  }
0x78: {  	_ =	shalt  }
0x79: {  	_ =	shalt  }
0x7a: {  	_ =	shalt  }
0x7b: {  	_ =	shalt  }
0x7c: {  	_ =	shalt  }
0x7d: {  	_ =	shalt  }
0x7e: {  	_ =	shalt  }
0x7f: {  	_ =	shalt  }
0x80: {  	_ =	shalt  }
0x81: {  	_ =	shalt  }
0x82: {  	_ =	shalt  }
0x83: {  	_ =	shalt  }
0x84: {  	_ =	shalt  }
0x85: {  	_ =	shalt  }
0x86: {  	_ =	shalt  }
0x87: {  	_ =	shalt  }
.Lfunc_end0:
.L_simem_size_0:
called_computation_lowered:
.L_overlay_start_0:
0x88: {  	s2 =	sld [smem:$0x3FD9]  }
0x89: {  	s3 =	sld [smem:$0x3FFE];
	_ =	sdelay $0x1  }
0x8a: {  	s1 =	srdreg.scid  }
0x8b: {  	s0 =	sand.u32 $0x1, s1  }
0x8c: {  	s17 =	sshll.u32 s0, $0xA;
	s2 =	sadd.s32 s3, s2  }
0x8d: {  	s2 =	sadd.s32 s2, s17  }
0x8e: {  	[smem:$0x3FC3] =	sst s2  }
0x8f: {  	_ = 	snop  }
0x90: {  	s2 =	sld [smem:$0x3FD0];
	(tm) =	ssettm $0x1  }
0x91: {  	s18 =	sld [smem:$0x3FFB];
	_ =	sdelay $0x3  }
0x92: {  	_ =	strace s18  }
0x93: {  	s3 =	sld [smem:$0x3FFC];
	_ =	sdelay $0x3  }
0x94: {  	_ =	strace s3  }
0x95: {  	s3 =	sld [smem:$0x3FFD];
	_ =	sdelay $0x3  }
0x96: {  	_ =	strace s3  }
0x97: {  	_ =	strace $0x8FFFFFFF  }
0x98: {  	s19 =	sld [smem:$0x3FDB];
	_ =	sdelay $0x1  }
0x99: {  	s4 =	simm.s32 $_scs_section_size  }
0x9a: {  	s5 =	simm.s32 $_size__tile_overlayer_lowered;
	s6 =	simm.s32 $_tile_overlayer_lowered  }
0x9b: {  	s22 =	simm.s32 $0x1BFF;
	s21 =	sshll.u32 s6, $0x1;
	s3 =	sadd.s32 s4, s19  }
0x9c: {  	s7 =	simm.s32 $0x0;
	s20 =	sshll.u32 s5, $0x1;
	s5 =	sadd.s32 s21, s3  }
0x9d: {  	[timem:s7], [sflag:s22] =	dma.local [hbm:s5], s20  }
0x9e: {  	_ =	swait.ge [sflag:s22], s20  }
0x9f: {  	s4 =	ssub.s32 $0x0, s20;
	[sflag:s22] =	ssyncset.done $0x0  }
0xa0: {  	[sflag:s22] =	ssyncadd.s32 s4;
	_ =	sdelay $0x1  }
0xa1: {  	s23 =	simm.s32 $0x1B8B  }
0xa2: {  	_ =	swait.ge [sflag:s23], $0x1  }
0xa3: {  	[sflag:s23] =	ssyncset.done $0x0  }
0xa4: {  	s25 =	simm.s32 $0x1B8E;
	s24 =	sld [smem:$0x3FFE];
	[sflag:s23] =	ssyncadd.s32 $0xFFFFFFFF  }
0xa5: {  	s26 =	simm.s32 $execute0_lowered;
	[smem:$0x3FD2] =	sst s25  }
0xa6: {  	s5 =	sshll.u32 s26, $0x1;
	_ =	strace $0x80000046;
	[dreg:$0x1] =	wrdreg $0xFFFFFFFF  }
0xa7: {  	s28 =	simm.s32 $_size_execute0_lowered;
	s3 =	sadd.s32 s3, s5;
	[dreg:$0x0] =	wrdreg $0x0  }
0xa8: {  	s5 =	sshll.u32 s28, $0x1;
	[dreg:$0x2] =	wrdreg s3  }
0xa9: {  	[dreg:$0x3] =	wrdreg s5  }
0xaa: {  	[dreg:$0x4] =	wrdreg $0xC0  }
0xab: {  	_ =	task [dreg:s7], $0x5FFFF  }
0xac: {  	[dreg:$0x1] =	wrdreg $0xFFFFFFFF  }
0xad: {  	[dreg:$0x0] =	wrdreg $0x60  }
0xae: {  	[dreg:$0x2] =	wrdreg s24  }
0xaf: {  	[dreg:$0x3] =	wrdreg s2  }
0xb0: {  	[dreg:$0x4] =	wrdreg $0x53000  }
0xb1: {  	[dreg:$0x5] =	wrdreg $0x9  }
0xb2: {  	_ =	task.clear_ibuf [dreg:s7], $0x6FFFF;
	_ =	strace $0x90000046  }
0xb3: {  	s29 =	simm.s32 $0x9;
	_ =	strace $0x80000048  }
0xb4: {  	_ =	swait.ge [sflag:s29], $0x1  }
0xb5: {  	[sflag:s29] =	ssyncadd.s32 $0xFFFFFFFF  }
0xb6: {  	_ =	strace $0x90000048  }
0xb7: {  	_ =	sfence  }
0xb8: {  	s30 =	sld [smem:$0x0];
	_ =	sdelay $0x2  }
0xb9: {  	s31 =	sshll.u32 s1, $0xD;
	s1 =	sshrl.u32 s1, $0x2  }
0xba: {  	s3 =	sand.u32 $0x4000, s31;
	s1 =	sadd.s32 s1, s30  }
0xbb: {  	s0 =	sor.u32 s3, s0;
	s1 =	sshll.u32 s1, $0x11  }
0xbc: {  	s0 =	sor.u32 s1, s0  }
0xbd: {  	s0 =	sadd.s32 $0x8F2B, s0  }
0xbe: {  	[sflag:s0] =	ssyncadd.remote.s32 $0x1  }
0xbf: {  	_ =	sfence.sel $0xFFFF  }
0xc0: {  	[dreg:$0x0] =	wrdreg $0xFFFFFFFF;
	(pc) =	sbr.abs _section_cstart, $3  }
0xc1: {  	[dreg:$0x1] =	wrdreg $0xFFFFFFFF  }
0xc2: {  	_ =	task.clear_ibuf [dreg:s7], $0x2FFFF;
	_ =	strace $0x9FFFFFFF  }
0xc3: {  	(tm) =	ssettm $0x7FFFFFFF  }
tec
execute0_lowered:
.L_overlay_start_1:
0x0: {  	(tag) =	ssettag $0x1  }
0x1: {  	s0 =	srdreg.scid;
	s15 =	stileid.u32  }
0x2: {  	s1 =	rddreg [dreg:$0x0];
	s10 =	smul.u32 $0xA00, s15  }
0x3: {  	s3 =	rddreg [dreg:$0x1];
	s6 =	simm.s32 $0x0;
	s19 =	smul.u32 $0x2780, s15  }
0x4: {  	s0 =	sand.u32 $0x1, s0;
	[smem:$0x7FF] =	sst s6;
	s21 =	smul.u32 $0x9E00, s15  }
0x5: {  	s2 =	sshll.u32 s0, $0x4;
	s7 =	ssub.s32 $0x2, s0;
	s16 =	smul.u32 $0x27800, s0  }
0x6: {  	s18 =	sshll.u32 s0, $0x7;
	s0 =	smul.u32 $0x9E000, s0;
	s4 =	sor.u32 s15, s2  }
0x7: {  	s2 =	rddreg [dreg:$0x2];
	s5 =	smul.u32 $0x2780, s4  }
0x8: {  	s9 =	sshrl.u32 s7, $0x1;
	_ =	strace $0x80000047;
	s24 =	sshrl.u32 s10, $0x2  }
0x9: {  	s7 =	ssub.s32 s7, s9;
	p0 =	seq.s32 s4, $0x1F;
	s23 =	smin.u32 s5, $0x4BA80  }
0xa: {  	s0 =	sadd.s32 s21, s0;
	s8 =	sshrl.u32 s23, $0x3;
	s4 =	ssub.s32 s5, s23  }
0xb: {  	s21 =	simm.s32 $0x2;
	s1 =	sadd.s32 s8, s1;
	s26 =	sor.u32 $0x10, s4  }
0xc: {  	s28 =	sor.u32 $0x20, s4;
	s5 =	sor.u32 $0x30, s4;
	[dreg:$0x6] =	wrdreg s26  }
0xd: {  	s11 =	sor.u32 $0x40, s4;
	s12 =	sor.u32 $0x50, s4;
	[dreg:$0x7] =	wrdreg s28  }
0xe: {  	s13 =	sor.u32 $0x60, s4;
	s6 =	sadd.s32 $0x80, s4;
	[dreg:$0x8] =	wrdreg s5  }
0xf: {  	s14 =	sor.u32 $0x70, s4;
	s9 =	sadd.s32 $0x90, s4;
	[dreg:$0x9] =	wrdreg s6  }
0x10: {  	s8 =	smul.u32 $0x500, s15;
	s10 =	sadd.s32 $0xA0, s4;
	[dreg:$0xa] =	wrdreg s9  }
0x11: {  	s17 =	sadd.s32 $0xB0, s4;
	s20 =	sadd.s32 $0xC0, s4;
	[dreg:$0xb] =	wrdreg s10  }
0x12: {  	s22 =	sadd.s32 $0xD0, s4;
	s15 =	simm.s32 $0x3;
	[dreg:$0xc] =	wrdreg s17  }
0x13: {  	s25 =	sadd.s32 $0xB400, s1;
	s1 =	sadd.s32 $0x1600, s1;
	[dreg:$0xd] =	wrdreg s20  }
0x14: {  	s5 =	sadd.s32 s19, s16;
	[dreg:$0xf] =	wrdreg s22;
	s22 =	simm.s32 $0x18  }
0x15: {  	s26 =	sadd.s32 $0xE0, s4;
	s28 =	sadd.s32 $0xF0, s4;
	s16 =	simm.s32 $0x80  }
0x16: {  	s17 =	simm.s32 $0x4F00;
	s19 =	simm.s32 $0x4F80;
	[dreg:$0x4] =	wrdreg s25  }
0x17: {  	s20 =	simm.s32 $0x1;
	[dreg:$0x5] =	wrdreg s1;
	s25 =	sadd.s32 s24, s2  }
0x18: {  	s1 =	sor.u32 s18, s8;
	s23 =	smin.u32 s5, $0x4BA80;
	s22 =	simm.s32 @!p0 $0x26  }
0x19: {  	s24 =	smax.u32 s7, $0x1;
	[dreg:$0x11] =	wrdreg s26;
	s1 =	sshrl.u32 s1, $0x3  }
0x1a: {  	[dreg:$0x12] =	wrdreg s28;
	s18 =	simm.s32 $0x5000;
	s1 =	sadd.s32 s3, s1  }
0x1b: {  	s3 =	simm.s32 $0x1900;
	[dreg:$0xe] =	wrdreg s1;
	s1 =	sshll.u32 s23, $0x2  }
0x1c: {  	[dreg:$0x10] =	wrdreg s24;
	s3 =	simm.s32 @!p0 $0x2700;
	s0 =	ssub.s32 s0, s1  }
0x1d: {  	s24 =	simm.s32 $0x0;
	s23 =	sadd.s32 s3, s4;
	s0 =	sadd.s32 $0x7C0, s0  }
0x1e: {  	s29 =	sor.u32 $0x10, s23;
	s30 =	sor.u32 $0x20, s23;
	s31 =	sor.u32 $0x30, s23  }
0x1f: {  	s1 =	sor.u32 $0x40, s23;
	s3 =	sor.u32 $0x60, s23;
	s8 =	sshra.s32 s0, $0x2  }
0x20: {  	v0 =	vimm.f32 $1.000000000e+00;
	v1 =	vimm.f32 $0.0e+00;
	s5 =	sor.u32 $0x70, s23;
	s0 =	sor.u32 $0x50, s23;
	s9 =	sadd.s32 $0x2780, s8  }
.LBB2_1:
0x21: {  	[tilespmem:$0x5000] =	vst v0  }
0x22: {  	[tilespmem:$0x5010] =	vst v0  }
0x23: {  	[tilespmem:$0x5020] =	vst v0  }
0x24: {  	[tilespmem:$0x5030] =	vst v0  }
0x25: {  	[tilespmem:$0x5040] =	vst v0  }
0x26: {  	[tilespmem:$0x5050] =	vst v0  }
0x27: {  	[tilespmem:$0x5060] =	vst v0  }
0x28: {  	[tilespmem:$0x5070] =	vst v0  }
0x29: {  	[tilespmem:$0x5080] =	vst v1  }
0x2a: {  	[tilespmem:$0x5090] =	vst v1  }
0x2b: {  	[tilespmem:$0x50A0] =	vst v1  }
0x2c: {  	[tilespmem:$0x50B0] =	vst v1  }
0x2d: {  	[tilespmem:$0x50C0] =	vst v1  }
0x2e: {  	[tilespmem:$0x50D0] =	vst v1  }
0x2f: {  	[tilespmem:$0x50E0] =	vst v1  }
0x30: {  	[tilespmem:$0x50F0] =	vst v1  }
0x31: {  	[tilespmem:$0x5100] =	vst v1  }
0x32: {  	[tilespmem:$0x5110] =	vst v1  }
0x33: {  	[tilespmem:$0x5120] =	vst v1  }
0x34: {  	[tilespmem:$0x5130] =	vst v1  }
0x35: {  	[tilespmem:$0x5140] =	vst v1  }
0x36: {  	[tilespmem:$0x5150] =	vst v1  }
0x37: {  	[tilespmem:$0x5160] =	vst v1  }
0x38: {  	[tilespmem:$0x5170] =	vst v1  }
0x39: {  	[tilespmem:$0x5180] =	vst v1  }
0x3a: {  	[tilespmem:$0x5190] =	vst v1  }
0x3b: {  	[tilespmem:$0x51A0] =	vst v1  }
0x3c: {  	[tilespmem:$0x51B0] =	vst v1  }
0x3d: {  	[tilespmem:$0x51C0] =	vst v1  }
0x3e: {  	[tilespmem:$0x51D0] =	vst v1  }
0x3f: {  	[tilespmem:$0x51E0] =	vst v1  }
0x40: {  	[tilespmem:$0x51F0] =	vst v1  }
0x41: {  	[tilespmem:$0x5200] =	vst v1  }
0x42: {  	[tilespmem:$0x5210] =	vst v1  }
0x43: {  	[tilespmem:$0x5220] =	vst v1  }
0x44: {  	[tilespmem:$0x5230] =	vst v1  }
0x45: {  	[tilespmem:$0x5240] =	vst v1  }
0x46: {  	[tilespmem:$0x5250] =	vst v1  }
0x47: {  	[tilespmem:$0x5260] =	vst v1  }
0x48: {  	[tilespmem:$0x5270] =	vst v1  }
0x49: {  	[tilespmem:$0x5280] =	vst v1  }
0x4a: {  	[tilespmem:$0x5290] =	vst v1  }
0x4b: {  	[tilespmem:$0x52A0] =	vst v1  }
0x4c: {  	[tilespmem:$0x52B0] =	vst v1  }
0x4d: {  	[tilespmem:$0x52C0] =	vst v1  }
0x4e: {  	[tilespmem:$0x52D0] =	vst v1  }
0x4f: {  	[tilespmem:$0x52E0] =	vst v1  }
0x50: {  	[tilespmem:$0x52F0] =	vst v1;
	s6 =	simm.s32 $0x0;
	s7 =	rddreg [dreg:$0x4]  }
0x51: {  	[tilespmem:s6], [sflag:$0x3] =	stream.linear.gather [hbm4b:s7+s6], $0x2780, $0x38;
	[tilespmem:$0x5580] =	vst v63  }
0x52: {  	_ =	swait.ge [sflag:s15], $0x2780  }
0x53: {  	[sflag:s15] =	ssyncset.done $0x0  }
0x54: {  	s10 =	simm.s32 $0x2780;
	s26 =	rddreg [dreg:$0x5];
	[sflag:s15] =	ssyncadd.s32 $0xFFFFD880  }
0x55: {  	[tilespmem:s10], [sflag:$0x3] =	stream.linear.gather [hbm4b:s26+s6], $0x2780, $0x38;
	[tilespmem:$0x5580] =	vst v63  }
0x56: {  	_ =	swait.ge [sflag:s15], $0x2780  }
0x57: {  	[sflag:s15] =	ssyncset.done $0x0  }
0x58: {  	s7 =	simm.s32 $0x5080;
	[sflag:s15] =	ssyncadd.s32 $0xFFFFD880  }
0x59: {  	[spmem:s25] =	stream.linear.scatter [tilespmem:s7], [sflag:$0x3], $0x280, $0x38;
	[tilespmem:$0x5580] =	vst v63  }
0x5a: {  	_ =	swait.ge [sflag:s15], $0x280  }
0x5b: {  	[sflag:s15] =	ssyncset.done $0x0  }
0x5c: {  	[sflag:s15] =	ssyncadd.s32 $0xFFFFFD80  }
0x5d: {  	[bflag:$0x0] =	sbarrier.arrive $0xFFFF  }
0x5e: {  	v2 =	vld [tilespmem:s4+$0x0]  }
0x5f: {  	v3 =	vld [tilespmem:s4+$0x2780];
	_ =	sdelay $0x4  }
0x60: {  	vm0 =	veq.s32 v2, v3  }
0x61: {  	v2 =	vsel vm0, $0x2710, v3  }
0x62: {  	s10 =	smov.u32 s25;
	s25 =	rddreg [dreg:$0x6];
	[tilespmem:$0x4F00] =	vst v2  }
0x63: {  	v2 =	vld [tilespmem:s25+$0x0]  }
0x64: {  	v3 =	vld [tilespmem:s25+$0x2780];
	_ =	sdelay $0x4  }
0x65: {  	vm11 =	veq.s32 v2, v3  }
0x66: {  	v2 =	vsel vm11, $0x2710, v3  }
0x67: {  	s26 =	rddreg [dreg:$0x7];
	[tilespmem:$0x4F10] =	vst v2  }
0x68: {  	v2 =	vld [tilespmem:s26+$0x0]  }
0x69: {  	v3 =	vld [tilespmem:s26+$0x2780];
	_ =	sdelay $0x4  }
0x6a: {  	vm12 =	veq.s32 v2, v3  }
0x6b: {  	v2 =	vsel vm12, $0x2710, v3  }
0x6c: {  	s7 =	rddreg [dreg:$0x8];
	[tilespmem:$0x4F20] =	vst v2  }
0x6d: {  	v2 =	vld [tilespmem:s7+$0x0]  }
0x6e: {  	v3 =	vld [tilespmem:s7+$0x2780];
	_ =	sdelay $0x4  }
0x6f: {  	vm13 =	veq.s32 v2, v3  }
0x70: {  	v2 =	vsel vm13, $0x2710, v3  }
0x71: {  	[tilespmem:$0x4F30] =	vst v2  }
0x72: {  	v2 =	vld [tilespmem:s11+$0x0]  }
0x73: {  	v3 =	vld [tilespmem:s11+$0x2780];
	_ =	sdelay $0x4  }
0x74: {  	vm14 =	veq.s32 v2, v3  }
0x75: {  	v2 =	vsel vm14, $0x2710, v3  }
0x76: {  	[tilespmem:$0x4F40] =	vst v2  }
0x77: {  	v2 =	vld [tilespmem:s12+$0x0]  }
0x78: {  	v3 =	vld [tilespmem:s12+$0x2780];
	_ =	sdelay $0x4  }
0x79: {  	vm15 =	veq.s32 v2, v3  }
0x7a: {  	v2 =	vsel vm15, $0x2710, v3  }
0x7b: {  	[tilespmem:$0x4F50] =	vst v2  }
0x7c: {  	v2 =	vld [tilespmem:s13+$0x0]  }
0x7d: {  	v3 =	vld [tilespmem:s13+$0x2780];
	_ =	sdelay $0x4  }
0x7e: {  	vm4 =	veq.s32 v2, v3  }
0x7f: {  	v2 =	vsel vm4, $0x2710, v3  }
0x80: {  	[tilespmem:$0x4F60] =	vst v2  }
0x81: {  	v2 =	vld [tilespmem:s14+$0x0]  }
0x82: {  	v3 =	vld [tilespmem:s14+$0x2780];
	_ =	sdelay $0x4  }
0x83: {  	vm5 =	veq.s32 v2, v3  }
0x84: {  	v2 =	vsel vm5, $0x2710, v3  }
0x85: {  	[tilespmem:$0x4F70] =	vst v2  }
0x86: {  	[spmem:s2] =	stream.indirect.scatter.add.f32 [tilespmem:s18], [sflag:$0x1], $0x1, s17, s16, $0xb8;
	[tilespmem:$0x5580] =	vst v63  }
0x87: {  	s25 =	rddreg [dreg:$0x9];
	v2 =	vld [tilespmem:s4+$0x80]  }
0x88: {  	v3 =	vld [tilespmem:s25+$0x2780];
	_ =	sdelay $0x4  }
0x89: {  	vm6 =	veq.s32 v2, v3  }
0x8a: {  	v2 =	vsel vm6, $0x2710, v3  }
0x8b: {  	[tilespmem:$0x4F80] =	vst v2  }
0x8c: {  	s26 =	rddreg [dreg:$0xa];
	v2 =	vld [tilespmem:s4+$0x90]  }
0x8d: {  	v3 =	vld [tilespmem:s26+$0x2780];
	_ =	sdelay $0x4  }
0x8e: {  	vm7 =	veq.s32 v2, v3  }
0x8f: {  	v2 =	vsel vm7, $0x2710, v3  }
0x90: {  	[tilespmem:$0x4F90] =	vst v2  }
0x91: {  	s7 =	rddreg [dreg:$0xb];
	v2 =	vld [tilespmem:s4+$0xA0]  }
0x92: {  	v3 =	vld [tilespmem:s7+$0x2780];
	_ =	sdelay $0x4  }
0x93: {  	vm8 =	veq.s32 v2, v3  }
0x94: {  	v2 =	vsel vm8, $0x2710, v3  }
0x95: {  	[tilespmem:$0x4FA0] =	vst v2  }
0x96: {  	s25 =	rddreg [dreg:$0xc];
	v2 =	vld [tilespmem:s4+$0xB0]  }
0x97: {  	v3 =	vld [tilespmem:s25+$0x2780];
	_ =	sdelay $0x4  }
0x98: {  	vm9 =	veq.s32 v2, v3  }
0x99: {  	v2 =	vsel vm9, $0x2710, v3  }
0x9a: {  	[tilespmem:$0x4FB0] =	vst v2  }
0x9b: {  	s26 =	rddreg [dreg:$0xd];
	v2 =	vld [tilespmem:s4+$0xC0]  }
0x9c: {  	v3 =	vld [tilespmem:s26+$0x2780];
	_ =	sdelay $0x4  }
0x9d: {  	vm10 =	veq.s32 v2, v3  }
0x9e: {  	v2 =	vsel vm10, $0x2710, v3  }
0x9f: {  	[tilespmem:$0x4FC0] =	vst v2  }
0xa0: {  	s7 =	rddreg [dreg:$0xf];
	v2 =	vld [tilespmem:s4+$0xD0]  }
0xa1: {  	v3 =	vld [tilespmem:s7+$0x2780];
	_ =	sdelay $0x4  }
0xa2: {  	vm11 =	veq.s32 v2, v3  }
0xa3: {  	v2 =	vsel vm11, $0x2710, v3  }
0xa4: {  	[tilespmem:$0x4FD0] =	vst v2  }
0xa5: {  	s25 =	rddreg [dreg:$0x11];
	v2 =	vld [tilespmem:s4+$0xE0]  }
0xa6: {  	v3 =	vld [tilespmem:s25+$0x2780];
	_ =	sdelay $0x4  }
0xa7: {  	vm12 =	veq.s32 v2, v3  }
0xa8: {  	v2 =	vsel vm12, $0x2710, v3  }
0xa9: {  	[tilespmem:$0x4FE0] =	vst v2  }
0xaa: {  	s26 =	rddreg [dreg:$0x12];
	v2 =	vld [tilespmem:s4+$0xF0]  }
0xab: {  	v3 =	vld [tilespmem:s26+$0x2780];
	_ =	sdelay $0x4  }
0xac: {  	vm13 =	veq.s32 v2, v3  }
0xad: {  	v2 =	vsel vm13, $0x2710, v3  }
0xae: {  	[tilespmem:$0x4FF0] =	vst v2  }
0xaf: {  	[spmem:s2] =	stream.indirect.scatter.add.f32 [tilespmem:s18], [sflag:$0x2], $0x1, s19, s16, $0xb8;
	[tilespmem:$0x5580] =	vst v63  }
0xb0: {  	_ =	swait.ge [sflag:s20], $0x80  }
0xb1: {  	[sflag:s20] =	ssyncset.done $0x0  }
0xb2: {  	[sflag:s20] =	ssyncadd.s32 $0xFFFFFF80  }
0xb3: {  	v2 =	vld [tilespmem:s8+$0xFFFFFF10]  }
0xb4: {  	v3 =	vld [tilespmem:s9+$0xFFFFFF10];
	_ =	sdelay $0x4  }
0xb5: {  	vm14 =	veq.s32 v2, v3  }
0xb6: {  	v2 =	vsel vm14, $0x2710, v3  }
0xb7: {  	[tilespmem:$0x4F00] =	vst v2  }
0xb8: {  	v2 =	vld [tilespmem:s8+$0xFFFFFF20]  }
0xb9: {  	v3 =	vld [tilespmem:s9+$0xFFFFFF20];
	_ =	sdelay $0x4  }
0xba: {  	vm15 =	veq.s32 v2, v3  }
0xbb: {  	v2 =	vsel vm15, $0x2710, v3  }
0xbc: {  	[tilespmem:$0x4F10] =	vst v2  }
0xbd: {  	v2 =	vld [tilespmem:s8+$0xFFFFFF30]  }
0xbe: {  	v3 =	vld [tilespmem:s9+$0xFFFFFF30];
	_ =	sdelay $0x4  }
0xbf: {  	vm4 =	veq.s32 v2, v3  }
0xc0: {  	v2 =	vsel vm4, $0x2710, v3  }
0xc1: {  	[tilespmem:$0x4F20] =	vst v2  }
0xc2: {  	v2 =	vld [tilespmem:s8+$0xFFFFFF40]  }
0xc3: {  	v3 =	vld [tilespmem:s9+$0xFFFFFF40];
	_ =	sdelay $0x4  }
0xc4: {  	vm5 =	veq.s32 v2, v3  }
0xc5: {  	v2 =	vsel vm5, $0x2710, v3  }
0xc6: {  	[tilespmem:$0x4F30] =	vst v2  }
0xc7: {  	v2 =	vld [tilespmem:s8+$0xFFFFFF50]  }
0xc8: {  	v3 =	vld [tilespmem:s9+$0xFFFFFF50];
	_ =	sdelay $0x4  }
0xc9: {  	vm6 =	veq.s32 v2, v3  }
0xca: {  	v2 =	vsel vm6, $0x2710, v3  }
0xcb: {  	[tilespmem:$0x4F40] =	vst v2  }
0xcc: {  	v2 =	vld [tilespmem:s8+$0xFFFFFF60]  }
0xcd: {  	v3 =	vld [tilespmem:s9+$0xFFFFFF60];
	_ =	sdelay $0x4  }
0xce: {  	vm7 =	veq.s32 v2, v3  }
0xcf: {  	v2 =	vsel vm7, $0x2710, v3  }
0xd0: {  	[tilespmem:$0x4F50] =	vst v2  }
0xd1: {  	v2 =	vld [tilespmem:s8+$0xFFFFFF70]  }
0xd2: {  	v3 =	vld [tilespmem:s9+$0xFFFFFF70];
	_ =	sdelay $0x4  }
0xd3: {  	vm8 =	veq.s32 v2, v3  }
0xd4: {  	v2 =	vsel vm8, $0x2710, v3  }
0xd5: {  	[tilespmem:$0x4F60] =	vst v2  }
0xd6: {  	v2 =	vld [tilespmem:s8+$0xFFFFFF80]  }
0xd7: {  	v3 =	vld [tilespmem:s9+$0xFFFFFF80];
	_ =	sdelay $0x4  }
0xd8: {  	vm9 =	veq.s32 v2, v3  }
0xd9: {  	v2 =	vsel vm9, $0x2710, v3  }
0xda: {  	[tilespmem:$0x4F70] =	vst v2  }
0xdb: {  	[spmem:s2] =	stream.indirect.scatter.add.f32 [tilespmem:s18], [sflag:$0x1], $0x1, s17, s16, $0xb8;
	[tilespmem:$0x5580] =	vst v63  }
0xdc: {  	_ =	swait.ge [sflag:s21], $0x80  }
0xdd: {  	[sflag:s21] =	ssyncset.done $0x0  }
0xde: {  	[sflag:s21] =	ssyncadd.s32 $0xFFFFFF80  }
0xdf: {  	v2 =	vld [tilespmem:s8+$0xFFFFFF90]  }
0xe0: {  	v3 =	vld [tilespmem:s9+$0xFFFFFF90];
	_ =	sdelay $0x4  }
0xe1: {  	vm10 =	veq.s32 v2, v3  }
0xe2: {  	v2 =	vsel vm10, $0x2710, v3  }
0xe3: {  	[tilespmem:$0x4F80] =	vst v2  }
0xe4: {  	v2 =	vld [tilespmem:s8+$0xFFFFFFA0]  }
0xe5: {  	v3 =	vld [tilespmem:s9+$0xFFFFFFA0];
	_ =	sdelay $0x4  }
0xe6: {  	vm11 =	veq.s32 v2, v3  }
0xe7: {  	v2 =	vsel vm11, $0x2710, v3  }
0xe8: {  	[tilespmem:$0x4F90] =	vst v2  }
0xe9: {  	v2 =	vld [tilespmem:s8+$0xFFFFFFB0]  }
0xea: {  	v3 =	vld [tilespmem:s9+$0xFFFFFFB0];
	_ =	sdelay $0x4  }
0xeb: {  	vm12 =	veq.s32 v2, v3  }
0xec: {  	v2 =	vsel vm12, $0x2710, v3  }
0xed: {  	[tilespmem:$0x4FA0] =	vst v2  }
0xee: {  	v2 =	vld [tilespmem:s8+$0xFFFFFFC0]  }
0xef: {  	v3 =	vld [tilespmem:s9+$0xFFFFFFC0];
	_ =	sdelay $0x4  }
0xf0: {  	vm13 =	veq.s32 v2, v3  }
0xf1: {  	v2 =	vsel vm13, $0x2710, v3  }
0xf2: {  	[tilespmem:$0x4FB0] =	vst v2  }
0xf3: {  	v2 =	vld [tilespmem:s8+$0xFFFFFFD0]  }
0xf4: {  	v3 =	vld [tilespmem:s9+$0xFFFFFFD0];
	_ =	sdelay $0x4  }
0xf5: {  	vm14 =	veq.s32 v2, v3  }
0xf6: {  	v2 =	vsel vm14, $0x2710, v3  }
0xf7: {  	[tilespmem:$0x4FC0] =	vst v2  }
0xf8: {  	v2 =	vld [tilespmem:s8+$0xFFFFFFE0]  }
0xf9: {  	v3 =	vld [tilespmem:s9+$0xFFFFFFE0];
	_ =	sdelay $0x3  }
0xfa: {  	p0 =	sne.s32 s22, $0x1  }
.Ltmp0:
0xfb: {  	vm15 =	veq.s32 v2, v3;
	(pc) =	sbr.rel @!p0 .LBB2_3-.Ltmp0, $4  }
0xfc: {  	v2 =	vsel vm15, $0x2710, v3  }
0xfd: {  	[tilespmem:$0x4FD0] =	vst v2  }
0xfe: {  	s28 =	smov.u32 s8;
	s6 =	smov.u32 s9;
	v2 =	vld [tilespmem:s8+$0xFFFFFFF0]  }
0xff: {  	s7 =	smov.u32 s9;
	s25 =	smov.u32 s8;
	s26 =	sadd.s32 $0xFFFFFFFF, s22;
	v3 =	vld [tilespmem:s9+$0xFFFFFFF0]  }
.LBB2_2:
0x100: {  	p0 =	sne.s32 s26, $0x1;
	s28 =	sadd.s32 $0x100, s28;
	s7 =	sadd.s32 $0x100, s7  }
0x101: {  	s26 =	sadd.s32 $0xFFFFFFFF, s26;
	_ =	sdelay $0x2  }
0x102: {  	vm0 =	veq.s32 v2, v3  }
0x103: {  	v2 =	vsel vm0, $0x2710, v3  }
0x104: {  	[tilespmem:$0x4FE0] =	vst v2  }
0x105: {  	v2 =	vld [tilespmem:s25+$0x0];
	s25 =	smov.u32 s28  }
0x106: {  	v3 =	vld [tilespmem:s6+$0x0];
	s6 =	smov.u32 s7;
	_ =	sdelay $0x4  }
0x107: {  	vm0 =	veq.s32 v2, v3  }
0x108: {  	v2 =	vsel vm0, $0x2710, v3  }
0x109: {  	[tilespmem:$0x4FF0] =	vst v2  }
0x10a: {  	[spmem:s2] =	stream.indirect.scatter.add.f32 [tilespmem:s18], [sflag:$0x2], $0x1, s19, s16, $0xb8;
	[tilespmem:$0x5580] =	vst v63  }
0x10b: {  	_ =	swait.ge [sflag:s20], $0x80  }
0x10c: {  	[sflag:s20] =	ssyncset.done $0x0  }
0x10d: {  	[sflag:s20] =	ssyncadd.s32 $0xFFFFFF80  }
0x10e: {  	v2 =	vld [tilespmem:s28+$0xFFFFFF10]  }
0x10f: {  	v3 =	vld [tilespmem:s7+$0xFFFFFF10];
	_ =	sdelay $0x4  }
0x110: {  	vm0 =	veq.s32 v2, v3  }
0x111: {  	v2 =	vsel vm0, $0x2710, v3  }
0x112: {  	[tilespmem:$0x4F00] =	vst v2  }
0x113: {  	v2 =	vld [tilespmem:s28+$0xFFFFFF20]  }
0x114: {  	v3 =	vld [tilespmem:s7+$0xFFFFFF20];
	_ =	sdelay $0x4  }
0x115: {  	vm0 =	veq.s32 v2, v3  }
0x116: {  	v2 =	vsel vm0, $0x2710, v3  }
0x117: {  	[tilespmem:$0x4F10] =	vst v2  }
0x118: {  	v2 =	vld [tilespmem:s28+$0xFFFFFF30]  }
0x119: {  	v3 =	vld [tilespmem:s7+$0xFFFFFF30];
	_ =	sdelay $0x4  }
0x11a: {  	vm0 =	veq.s32 v2, v3  }
0x11b: {  	v2 =	vsel vm0, $0x2710, v3  }
0x11c: {  	[tilespmem:$0x4F20] =	vst v2  }
0x11d: {  	v2 =	vld [tilespmem:s28+$0xFFFFFF40]  }
0x11e: {  	v3 =	vld [tilespmem:s7+$0xFFFFFF40];
	_ =	sdelay $0x4  }
0x11f: {  	vm0 =	veq.s32 v2, v3  }
0x120: {  	v2 =	vsel vm0, $0x2710, v3  }
0x121: {  	[tilespmem:$0x4F30] =	vst v2  }
0x122: {  	v2 =	vld [tilespmem:s28+$0xFFFFFF50]  }
0x123: {  	v3 =	vld [tilespmem:s7+$0xFFFFFF50];
	_ =	sdelay $0x4  }
0x124: {  	vm0 =	veq.s32 v2, v3  }
0x125: {  	v2 =	vsel vm0, $0x2710, v3  }
0x126: {  	[tilespmem:$0x4F40] =	vst v2  }
0x127: {  	v2 =	vld [tilespmem:s28+$0xFFFFFF60]  }
0x128: {  	v3 =	vld [tilespmem:s7+$0xFFFFFF60];
	_ =	sdelay $0x4  }
0x129: {  	vm0 =	veq.s32 v2, v3  }
0x12a: {  	v2 =	vsel vm0, $0x2710, v3  }
0x12b: {  	[tilespmem:$0x4F50] =	vst v2  }
0x12c: {  	v2 =	vld [tilespmem:s28+$0xFFFFFF70]  }
0x12d: {  	v3 =	vld [tilespmem:s7+$0xFFFFFF70];
	_ =	sdelay $0x4  }
0x12e: {  	vm0 =	veq.s32 v2, v3  }
0x12f: {  	v2 =	vsel vm0, $0x2710, v3  }
0x130: {  	[tilespmem:$0x4F60] =	vst v2  }
0x131: {  	v2 =	vld [tilespmem:s28+$0xFFFFFF80]  }
0x132: {  	v3 =	vld [tilespmem:s7+$0xFFFFFF80];
	_ =	sdelay $0x4  }
0x133: {  	vm0 =	veq.s32 v2, v3  }
0x134: {  	v2 =	vsel vm0, $0x2710, v3  }
0x135: {  	[tilespmem:$0x4F70] =	vst v2  }
0x136: {  	[spmem:s2] =	stream.indirect.scatter.add.f32 [tilespmem:s18], [sflag:$0x1], $0x1, s17, s16, $0xb8;
	[tilespmem:$0x5580] =	vst v63  }
0x137: {  	_ =	swait.ge [sflag:s21], $0x80  }
0x138: {  	[sflag:s21] =	ssyncset.done $0x0  }
0x139: {  	[sflag:s21] =	ssyncadd.s32 $0xFFFFFF80  }
0x13a: {  	v2 =	vld [tilespmem:s28+$0xFFFFFF90]  }
0x13b: {  	v3 =	vld [tilespmem:s7+$0xFFFFFF90];
	_ =	sdelay $0x4  }
0x13c: {  	vm0 =	veq.s32 v2, v3  }
0x13d: {  	v2 =	vsel vm0, $0x2710, v3  }
0x13e: {  	[tilespmem:$0x4F80] =	vst v2  }
0x13f: {  	v2 =	vld [tilespmem:s28+$0xFFFFFFA0]  }
0x140: {  	v3 =	vld [tilespmem:s7+$0xFFFFFFA0];
	_ =	sdelay $0x4  }
0x141: {  	vm0 =	veq.s32 v2, v3  }
0x142: {  	v2 =	vsel vm0, $0x2710, v3  }
0x143: {  	[tilespmem:$0x4F90] =	vst v2  }
0x144: {  	v2 =	vld [tilespmem:s28+$0xFFFFFFB0]  }
0x145: {  	v3 =	vld [tilespmem:s7+$0xFFFFFFB0];
	_ =	sdelay $0x4  }
0x146: {  	vm0 =	veq.s32 v2, v3  }
0x147: {  	v2 =	vsel vm0, $0x2710, v3  }
0x148: {  	[tilespmem:$0x4FA0] =	vst v2  }
0x149: {  	v2 =	vld [tilespmem:s28+$0xFFFFFFC0]  }
0x14a: {  	v3 =	vld [tilespmem:s7+$0xFFFFFFC0];
	_ =	sdelay $0x4  }
0x14b: {  	vm0 =	veq.s32 v2, v3  }
0x14c: {  	v2 =	vsel vm0, $0x2710, v3  }
0x14d: {  	[tilespmem:$0x4FB0] =	vst v2  }
0x14e: {  	v2 =	vld [tilespmem:s28+$0xFFFFFFD0]  }
0x14f: {  	v3 =	vld [tilespmem:s7+$0xFFFFFFD0];
	_ =	sdelay $0x4  }
0x150: {  	vm0 =	veq.s32 v2, v3  }
0x151: {  	v2 =	vsel vm0, $0x2710, v3  }
0x152: {  	[tilespmem:$0x4FC0] =	vst v2  }
0x153: {  	v2 =	vld [tilespmem:s28+$0xFFFFFFE0]  }
0x154: {  	v3 =	vld [tilespmem:s7+$0xFFFFFFE0];
	_ =	sdelay $0x4  }
.Ltmp1:
0x155: {  	vm0 =	veq.s32 v2, v3;
	(pc) =	sbr.rel @p0 .LBB2_2-.Ltmp1, $4  }
0x156: {  	v2 =	vsel vm0, $0x2710, v3  }
0x157: {  	[tilespmem:$0x4FD0] =	vst v2  }
0x158: {  	v2 =	vld [tilespmem:s28+$0xFFFFFFF0]  }
0x159: {  	v3 =	vld [tilespmem:s7+$0xFFFFFFF0]  }
.LBB2_3:
0x15a: {  	_ =	sdelay $0x3  }
0x15b: {  	vm0 =	veq.s32 v2, v3  }
0x15c: {  	v2 =	vsel vm0, $0x2710, v3  }
0x15d: {  	[tilespmem:$0x4FE0] =	vst v2  }
0x15e: {  	v2 =	vld [tilespmem:s25+$0x0]  }
0x15f: {  	v3 =	vld [tilespmem:s6+$0x0];
	_ =	sdelay $0x4  }
0x160: {  	vm7 =	veq.s32 v2, v3  }
0x161: {  	v2 =	vsel vm7, $0x2710, v3  }
0x162: {  	[tilespmem:$0x4FF0] =	vst v2  }
0x163: {  	[spmem:s2] =	stream.indirect.scatter.add.f32 [tilespmem:s18], [sflag:$0x2], $0x1, s19, s16, $0xb8;
	[tilespmem:$0x5580] =	vst v63  }
0x164: {  	_ =	swait.ge [sflag:s20], $0x80  }
0x165: {  	[sflag:s20] =	ssyncset.done $0x0  }
0x166: {  	[sflag:s20] =	ssyncadd.s32 $0xFFFFFF80  }
0x167: {  	v2 =	vld [tilespmem:s23+$0x0]  }
0x168: {  	v3 =	vld [tilespmem:s23+$0x2780];
	_ =	sdelay $0x4  }
0x169: {  	vm8 =	veq.s32 v2, v3  }
0x16a: {  	v2 =	vsel vm8, $0x2710, v3  }
0x16b: {  	[tilespmem:$0x4F00] =	vst v2  }
0x16c: {  	v2 =	vld [tilespmem:s29+$0x0]  }
0x16d: {  	v3 =	vld [tilespmem:s29+$0x2780];
	_ =	sdelay $0x4  }
0x16e: {  	vm9 =	veq.s32 v2, v3  }
0x16f: {  	v2 =	vsel vm9, $0x2710, v3  }
0x170: {  	[tilespmem:$0x4F10] =	vst v2  }
0x171: {  	v2 =	vld [tilespmem:s30+$0x0]  }
0x172: {  	v3 =	vld [tilespmem:s30+$0x2780];
	_ =	sdelay $0x4  }
0x173: {  	vm10 =	veq.s32 v2, v3  }
0x174: {  	v2 =	vsel vm10, $0x2710, v3  }
0x175: {  	[tilespmem:$0x4F20] =	vst v2  }
0x176: {  	v2 =	vld [tilespmem:s31+$0x0]  }
0x177: {  	v3 =	vld [tilespmem:s31+$0x2780];
	_ =	sdelay $0x4  }
0x178: {  	vm11 =	veq.s32 v2, v3  }
0x179: {  	v2 =	vsel vm11, $0x2710, v3  }
0x17a: {  	[tilespmem:$0x4F30] =	vst v2  }
0x17b: {  	v2 =	vld [tilespmem:s1+$0x0]  }
0x17c: {  	v3 =	vld [tilespmem:s1+$0x2780];
	_ =	sdelay $0x4  }
0x17d: {  	vm12 =	veq.s32 v2, v3  }
0x17e: {  	v2 =	vsel vm12, $0x2710, v3  }
0x17f: {  	[tilespmem:$0x4F40] =	vst v2  }
0x180: {  	v2 =	vld [tilespmem:s0+$0x0]  }
0x181: {  	v3 =	vld [tilespmem:s0+$0x2780];
	_ =	sdelay $0x4  }
0x182: {  	vm13 =	veq.s32 v2, v3  }
0x183: {  	v2 =	vsel vm13, $0x2710, v3  }
0x184: {  	[tilespmem:$0x4F50] =	vst v2  }
0x185: {  	v2 =	vld [tilespmem:s3+$0x0]  }
0x186: {  	v3 =	vld [tilespmem:s3+$0x2780];
	_ =	sdelay $0x4  }
0x187: {  	vm14 =	veq.s32 v2, v3  }
0x188: {  	v2 =	vsel vm14, $0x2710, v3  }
0x189: {  	[tilespmem:$0x4F60] =	vst v2  }
0x18a: {  	v2 =	vld [tilespmem:s5+$0x0]  }
0x18b: {  	v3 =	vld [tilespmem:s5+$0x2780];
	_ =	sdelay $0x4  }
0x18c: {  	vm15 =	veq.s32 v2, v3  }
0x18d: {  	v2 =	vsel vm15, $0x2710, v3  }
0x18e: {  	[tilespmem:$0x4F70] =	vst v2  }
0x18f: {  	[spmem:s2] =	stream.indirect.scatter.add.f32 [tilespmem:s18], [sflag:$0x1], $0x1, s17, s16, $0xb8;
	[tilespmem:$0x5580] =	vst v63  }
0x190: {  	_ =	swait.ge [sflag:s21], $0x80  }
0x191: {  	[sflag:s21] =	ssyncset.done $0x0  }
0x192: {  	[sflag:s21] =	ssyncadd.s32 $0xFFFFFF80  }
0x193: {  	_ =	swait.ge [sflag:s20], $0x80  }
0x194: {  	s26 =	stileid.u32;
	[sflag:s20] =	ssyncset.done $0x0  }
0x195: {  	s7 =	sshrl.u32 s10, $0x3;
	s28 =	simm.s32 $0x10;
	[sflag:s20] =	ssyncadd.s32 $0xFFFFFF80  }
0x196: {  	s6 =	sshll.u32 s26, $0x6;
	s25 =	smov.u32 s10;
	[bflag:$0x0] =	sbarrier.arrive $0xFFFF  }
0x197: {  	s26 =	simm.s32 $0x20;
	s6 =	sor.u32 $0x1C03, s6;
	s10 =	rddreg [dreg:$0xe]  }
0x198: {  	[hbm:s10@s26], [sflag:s6] =	dma.strided [spmem:s7@s28], $0x50, s20, $0x10   }
0x199: {  	_ =	swait.ge [sflag:s15], $0x50  }
0x19a: {  	s24 =	sadd.s32 $0x1, s24;
	s28 =	rddreg [dreg:$0x10]  }
0x19b: {  	p0 =	sne.s32 s24, s28  }
.Ltmp2:
0x19c: {  	_ = 	snop;
	(pc) =	sbr.rel @p0 .LBB2_1-.Ltmp2, $3  }
0x19d: {  	_ =	sdelay $0x1  }
0x19e: {  	[sflag:s15] =	ssyncset.done $0x0  }
0x19f: {  	[sflag:s15] =	ssyncadd.s32 $0xFFFFFFB0  }
0x1a0: {  	_ =	sfence.sel $0x180000  }
0x1a1: {  	[bflag:$0x0] =	sbarrier.arrive $0xFFFF  }
0x1a2: {  	_ =	strace $0x90000047  }
0x1a3: {  	s0 =	stileid.u32;
	[bflag:$0x2] =	sbarrier.arrive $0xFFFF  }
0x1a4: {  	p0 =	sne.s32 s0, $0x0;
	s0 =	rddreg [dreg:$0x3]  }
0x1a5: {  	s0 =	sadd.s32 @!p0 $0x100000, s0  }
0x1a6: {  	[sflag:s0] =	ssyncadd.tile.s32 @!p0 $0x1;
	_ =	shalt  }
.Lfunc_end2:
_tile_overlayer_lowered:
.L_overlay_start_2:
0x1a7: {  	(tag) =	ssettag $0x2  }
0x1a8: {  	s0 =	rddreg [dreg:$0x0];
	s2 =	stileid.u32  }
0x1a9: {  	s1 =	rddreg [dreg:$0x1];
	p0 =	sne.s32 s2, $0x0  }
0x1aa: {  	s3 =	rddreg [dreg:$0x2];
	[bflag:$0x3] =	sbarrier.arrive $0xFFFF;
	s2 =	simm.s32 @!p0 $0x1C03  }
0x1ab: {  	[timem:s3], [sflag:s2] =	dma.local @!p0 [hbm:s0], s1  }
0x1ac: {  	s0 =	simm.s32 @!p0 $0x3  }
0x1ad: {  	_ =	swait.ge @!p0 [sflag:s0], s1  }
0x1ae: {  	s1 =	ssub.s32 @!p0 $0x0, s1;
	[sflag:s0] =	ssyncset.done @!p0 $0x0  }
0x1af: {  	[sflag:s0] =	ssyncadd.s32 @!p0 s1  }
0x1b0: {  	[bflag:$0x3] =	sbarrier.arrive $0xFFFF  }
0x1b1: {  	_ =	shalt  }

// kernel: kernel.9.cloned.1.call-start
scs
__scs_entry_jumppad:
0x0: {  	(pc) =	sbr.rel $0x88, $3  }
0x1: {  	(tag) =	ssettag $0x0;
	lr =	simm.s32 $0x1  }
0x2: {  	[smem:$0x3F9C] =	sst lr;
	_ =	strace $0xD0000000  }
0x3: {  	_ = 	snop  }
0x4: {  	_ = 	snop  }
0x5: {  	_ = 	snop  }
0x6: {  	_ = 	snop  }
0x7: {  	_ = 	snop  }
__scs_overlays_trampoline_lowered:
0x8: {  	[smem:$0x3FAB] =	sst s0  }
0x9: {  	[smem:$0x3FAC] =	sst s1  }
0xa: {  	[smem:$0x3FAD] =	sst s2  }
0xb: {  	[smem:$0x3FAE] =	sst s3  }
0xc: {  	[smem:$0x3FAF] =	sst s4  }
0xd: {  	[smem:$0x3FB0] =	sst s5  }
0xe: {  	[smem:$0x3FB1] =	sst s6  }
0xf: {  	[smem:$0x3FB2] =	sst s7  }
0x10: {  	[smem:$0x3FB3] =	sst s8  }
0x11: {  	[smem:$0x3FB4] =	sst s9;
	s0 =	simm.s32 @!p0 $0x0  }
0x12: {  	s1 =	sld [smem:$0x3F9A];
	s0 =	simm.s32 @p0 $0x1  }
0x13: {  	[smem:$0x3FB5] =	sst s0;
	s0 =	simm.s32 @!p1 $0x0  }
0x14: {  	s2 =	sld [smem:$0x3F99];
	s0 =	simm.s32 @p1 $0x1  }
0x15: {  	[smem:$0x3FB6] =	sst s0;
	s0 =	simm.s32 @!p2 $0x0  }
0x16: {  	s3 =	sld [smem:$0x3FDB];
	s0 =	simm.s32 @p2 $0x1  }
0x17: {  	s4 =	simm.s32 $0x1BF5;
	[smem:$0x3FB8] =	sst s0  }
0x18: {  	s0 =	sld [smem:$0x3F9B];
	_ =	swait.ge [sflag:s4], $0x0  }
0x19: {  	s7 =	sld [smem:$0x3F9C]  }
0x1a: {  	s8 =	sadd.s32 $0xFFFFE003, lr  }
0x1b: {  	s9 =	sadd.s32 $0xFFFFFEF7, lr;
	s5 =	simm.s32 $0xFFFFFFFF;
	p2 =	slt.u32 s8, $0xFFFFF086  }
0x1c: {  	p1 =	slt.u32 s9, $0xF7A;
	s5 =	simm.s32 @!p2 $0x0  }
0x1d: {  	s5 =	simm.s32 @p1 $0x1;
	p0 =	seq.s32 s7, s2  }
0x1e: {  	s7 =	smul.u32 @!p0 $0xF7A, s2;
	p2 =	seq.s32 @!p0 s5, $0x0  }
0x1f: {  	s9 =	smul.u32 $0xF7A, s1;
	s8 =	simm.s32 @!p0 $0x1BF5;
	p2 =	por !p2, p0  }
0x20: {  	[sflag:s8] =	ssyncset.s32 @!p0 $0xFFFFF086;
	s6 =	sadd.s32 @!p0 s3, s7;
	s7 =	simm.s32 @!p0 $0x108  }
0x21: {  	s3 =	sadd.s32 s3, s9;
	s6 =	sadd.s32 @!p0 $0x88, s6;
	s7 =	simm.s32 @p2 $0x1082  }
0x22: {  	[simem:s7], [sflag:s8] =	dma.local @!p0 [hbm:s6], $0xF7A  }
0x23: {  	s9 =	sor.u32 $0xD0000000, s2;
	s6 =	simm.s32 $0x108;
	_ =	swait.ge @!p0 [sflag:s8], $0x0  }
0x24: {  	s3 =	sadd.s32 $0x88, s3;
	s6 =	simm.s32 @!p1 $0x1082;
	[sflag:s4] =	ssyncset.s32 $0xFFFFF086  }
0x25: {  	[simem:s6], [sflag:s4] =	dma.local [hbm:s3], $0xF7A  }
0x26: {  	[smem:$0x3F9C] =	sst s1;
	(tag) =	ssettag s2;
	_ =	strace s9  }
0x27: {  	s1 =	sld [smem:$0x3FAC]  }
0x28: {  	s2 =	sld [smem:$0x3FAD]  }
0x29: {  	s4 =	sld [smem:$0x3FAF]  }
0x2a: {  	p0 =	seq.s32 s5, $0x0;
	s5 =	sld [smem:$0x3FB0]  }
0x2b: {  	s6 =	sld [smem:$0x3FB1]  }
0x2c: {  	s7 =	sld [smem:$0x3FB2]  }
0x2d: {  	s3 =	simm.s32 $0x108;
	s8 =	sld [smem:$0x3FB3]  }
0x2e: {  	s3 =	simm.s32 @!p0 $0x1082;
	s9 =	sld [smem:$0x3FB4]  }
0x2f: {  	lr =	sadd.s32 s0, s3;
	s0 =	sld [smem:$0x3FAB]  }
0x30: {  	s3 =	sld [smem:$0x3FAE]  }
0x31: {  	[smem:$0x3FB7] =	sst s10  }
0x32: {  	s10 =	sld [smem:$0x3FB5];
	_ =	sdelay $0x3  }
0x33: {  	p0 =	seq.s32 s10, $0x1;
	s10 =	sld [smem:$0x3FB7];
	_ =	sdelay $0x3  }
0x34: {  	[smem:$0x3FB7] =	sst s10  }
0x35: {  	s10 =	sld [smem:$0x3FB6];
	_ =	sdelay $0x3  }
0x36: {  	p1 =	seq.s32 s10, $0x1;
	s10 =	sld [smem:$0x3FB7];
	_ =	sdelay $0x3  }
0x37: {  	[smem:$0x3FB7] =	sst s10  }
0x38: {  	s10 =	sld [smem:$0x3FB8]  }
0x39: {  	_ = 	snop;
	(pc) =	sbr.ind lr, $3  }
0x3a: {  	_ = 	snop  }
0x3b: {  	_ = 	snop  }
0x3c: {  	p2 =	seq.s32 s10, $0x1;
	s10 =	sld [smem:$0x3FB7]  }
0x3d: {  	_ =	shalt  }
0x3e: {  	_ =	shalt  }
0x3f: {  	_ =	shalt  }
0x40: {  	_ =	shalt  }
0x41: {  	_ =	shalt  }
0x42: {  	_ =	shalt  }
0x43: {  	_ =	shalt  }
0x44: {  	_ =	shalt  }
0x45: {  	_ =	shalt  }
0x46: {  	_ =	shalt  }
0x47: {  	_ =	shalt  }
0x48: {  	_ =	shalt  }
0x49: {  	_ =	shalt  }
0x4a: {  	_ =	shalt  }
0x4b: {  	_ =	shalt  }
0x4c: {  	_ =	shalt  }
0x4d: {  	_ =	shalt  }
0x4e: {  	_ =	shalt  }
0x4f: {  	_ =	shalt  }
0x50: {  	_ =	shalt  }
0x51: {  	_ =	shalt  }
0x52: {  	_ =	shalt  }
0x53: {  	_ =	shalt  }
0x54: {  	_ =	shalt  }
0x55: {  	_ =	shalt  }
0x56: {  	_ =	shalt  }
0x57: {  	_ =	shalt  }
0x58: {  	_ =	shalt  }
0x59: {  	_ =	shalt  }
0x5a: {  	_ =	shalt  }
0x5b: {  	_ =	shalt  }
0x5c: {  	_ =	shalt  }
0x5d: {  	_ =	shalt  }
0x5e: {  	_ =	shalt  }
0x5f: {  	_ =	shalt  }
0x60: {  	_ =	shalt  }
0x61: {  	_ =	shalt  }
0x62: {  	_ =	shalt  }
0x63: {  	_ =	shalt  }
0x64: {  	_ =	shalt  }
0x65: {  	_ =	shalt  }
0x66: {  	_ =	shalt  }
0x67: {  	_ =	shalt  }
0x68: {  	_ =	shalt  }
0x69: {  	_ =	shalt  }
0x6a: {  	_ =	shalt  }
0x6b: {  	_ =	shalt  }
0x6c: {  	_ =	shalt  }
0x6d: {  	_ =	shalt  }
0x6e: {  	_ =	shalt  }
0x6f: {  	_ =	shalt  }
0x70: {  	_ =	shalt  }
0x71: {  	_ =	shalt  }
0x72: {  	_ =	shalt  }
0x73: {  	_ =	shalt  }
0x74: {  	_ =	shalt  }
0x75: {  	_ =	shalt  }
0x76: {  	_ =	shalt  }
0x77: {  	_ =	shalt  }
0x78: {  	_ =	shalt  }
0x79: {  	_ =	shalt  }
0x7a: {  	_ =	shalt  }
0x7b: {  	_ =	shalt  }
0x7c: {  	_ =	shalt  }
0x7d: {  	_ =	shalt  }
0x7e: {  	_ =	shalt  }
0x7f: {  	_ =	shalt  }
0x80: {  	_ =	shalt  }
0x81: {  	_ =	shalt  }
0x82: {  	_ =	shalt  }
0x83: {  	_ =	shalt  }
0x84: {  	_ =	shalt  }
0x85: {  	_ =	shalt  }
0x86: {  	_ =	shalt  }
0x87: {  	_ =	shalt  }
.Lfunc_end0:
.L_simem_size_0:
called_computation.1_lowered:
.L_overlay_start_0:
0x88: {  	s2 =	sld [smem:$0x3FD9]  }
0x89: {  	s3 =	sld [smem:$0x3FFE];
	_ =	sdelay $0x1  }
0x8a: {  	s1 =	srdreg.scid  }
0x8b: {  	s0 =	sand.u32 $0x1, s1  }
0x8c: {  	s17 =	sshll.u32 s0, $0xA;
	s2 =	sadd.s32 s3, s2  }
0x8d: {  	s2 =	sadd.s32 s2, s17  }
0x8e: {  	[smem:$0x3FC3] =	sst s2  }
0x8f: {  	_ = 	snop  }
0x90: {  	s2 =	sld [smem:$0x3FD0];
	(tm) =	ssettm $0x1  }
0x91: {  	s18 =	sld [smem:$0x3FFB];
	_ =	sdelay $0x3  }
0x92: {  	_ =	strace s18  }
0x93: {  	s3 =	sld [smem:$0x3FFC];
	_ =	sdelay $0x3  }
0x94: {  	_ =	strace s3  }
0x95: {  	s3 =	sld [smem:$0x3FFD];
	_ =	sdelay $0x3  }
0x96: {  	_ =	strace s3  }
0x97: {  	_ =	strace $0x8FFFFFFF  }
0x98: {  	s19 =	sld [smem:$0x3FDB];
	_ =	sdelay $0x1  }
0x99: {  	s4 =	simm.s32 $_scs_section_size  }
0x9a: {  	s5 =	simm.s32 $_size__tile_overlayer_lowered;
	s6 =	simm.s32 $_tile_overlayer_lowered  }
0x9b: {  	s22 =	simm.s32 $0x1BFF;
	s21 =	sshll.u32 s6, $0x1;
	s3 =	sadd.s32 s4, s19  }
0x9c: {  	s7 =	simm.s32 $0x0;
	s20 =	sshll.u32 s5, $0x1;
	s5 =	sadd.s32 s21, s3  }
0x9d: {  	[timem:s7], [sflag:s22] =	dma.local [hbm:s5], s20  }
0x9e: {  	_ =	swait.ge [sflag:s22], s20  }
0x9f: {  	s4 =	ssub.s32 $0x0, s20;
	[sflag:s22] =	ssyncset.done $0x0  }
0xa0: {  	[sflag:s22] =	ssyncadd.s32 s4;
	_ =	sdelay $0x1  }
0xa1: {  	s23 =	simm.s32 $0x1B8B  }
0xa2: {  	_ =	swait.ge [sflag:s23], $0x1  }
0xa3: {  	[sflag:s23] =	ssyncset.done $0x0  }
0xa4: {  	s25 =	simm.s32 $0x1B8E;
	s24 =	sld [smem:$0x3FFE];
	[sflag:s23] =	ssyncadd.s32 $0xFFFFFFFF  }
0xa5: {  	s26 =	simm.s32 $execute0_lowered;
	[smem:$0x3FD2] =	sst s25  }
0xa6: {  	s5 =	sshll.u32 s26, $0x1;
	_ =	strace $0x80000049;
	[dreg:$0x1] =	wrdreg $0xFFFFFFFF  }
0xa7: {  	s28 =	simm.s32 $_size_execute0_lowered;
	s3 =	sadd.s32 s3, s5;
	[dreg:$0x0] =	wrdreg $0x0  }
0xa8: {  	s5 =	sshll.u32 s28, $0x1;
	[dreg:$0x2] =	wrdreg s3  }
0xa9: {  	[dreg:$0x3] =	wrdreg s5  }
0xaa: {  	[dreg:$0x4] =	wrdreg $0xC0  }
0xab: {  	_ =	task [dreg:s7], $0x5FFFF  }
0xac: {  	[dreg:$0x1] =	wrdreg $0xFFFFFFFF  }
0xad: {  	[dreg:$0x0] =	wrdreg $0x60  }
0xae: {  	[dreg:$0x2] =	wrdreg s24  }
0xaf: {  	[dreg:$0x3] =	wrdreg s2  }
0xb0: {  	[dreg:$0x4] =	wrdreg $0xA6000  }
0xb1: {  	[dreg:$0x5] =	wrdreg $0x9  }
0xb2: {  	_ =	task.clear_ibuf [dreg:s7], $0x6FFFF;
	_ =	strace $0x90000049  }
0xb3: {  	s29 =	simm.s32 $0x9;
	_ =	strace $0x8000004B  }
0xb4: {  	_ =	swait.ge [sflag:s29], $0x1  }
0xb5: {  	[sflag:s29] =	ssyncadd.s32 $0xFFFFFFFF  }
0xb6: {  	_ =	strace $0x9000004B  }
0xb7: {  	_ =	sfence  }
0xb8: {  	s30 =	sld [smem:$0x0];
	_ =	sdelay $0x2  }
0xb9: {  	s31 =	sshll.u32 s1, $0xD;
	s1 =	sshrl.u32 s1, $0x2  }
0xba: {  	s3 =	sand.u32 $0x4000, s31;
	s1 =	sadd.s32 s1, s30  }
0xbb: {  	s0 =	sor.u32 s3, s0;
	s1 =	sshll.u32 s1, $0x11  }
0xbc: {  	s0 =	sor.u32 s1, s0  }
0xbd: {  	s0 =	sadd.s32 $0x8F2B, s0  }
0xbe: {  	[sflag:s0] =	ssyncadd.remote.s32 $0x1  }
0xbf: {  	_ =	sfence.sel $0xFFFF  }
0xc0: {  	[dreg:$0x0] =	wrdreg $0xFFFFFFFF;
	(pc) =	sbr.abs _section_cstart, $3  }
0xc1: {  	[dreg:$0x1] =	wrdreg $0xFFFFFFFF  }
0xc2: {  	_ =	task.clear_ibuf [dreg:s7], $0x2FFFF;
	_ =	strace $0x9FFFFFFF  }
0xc3: {  	(tm) =	ssettm $0x7FFFFFFF  }
tec
execute0_lowered:
.L_overlay_start_1:
0x0: {  	(tag) =	ssettag $0x1  }
0x1: {  	s0 =	rddreg [dreg:$0x0]  }
0x2: {  	s1 =	rddreg [dreg:$0x1]  }
0x3: {  	s2 =	rddreg [dreg:$0x2];
	s3 =	simm.s32 $0x0  }
0x4: {  	s14 =	stileid.u32;
	s6 =	srdreg.scid;
	s10 =	simm.s32 $0x6C  }
0x5: {  	s28 =	simm.s32 $0x200;
	s29 =	simm.s32 $0x480;
	s30 =	simm.s32 $0x5  }
0x6: {  	s31 =	simm.s32 $0x3;
	[smem:$0x7FF] =	sst s3;
	s4 =	smul.u32 $0x68, s14  }
0x7: {  	s5 =	smin.u32 s14, $0x8;
	s7 =	sand.u32 $0x1, s6;
	s6 =	smul.u32 $0x90, s14  }
0x8: {  	p1 =	slt.u32 s14, $0x8;
	s23 =	smul.u32 $0x14000, s14;
	_ =	strace $0x8000004A  }
0x9: {  	s5 =	sshll.u32 s5, $0x2;
	p0 =	seq.s32 s7, $0x0;
	s9 =	ssub.s32 $0x2, s7  }
0xa: {  	s10 =	simm.s32 @!p1 $0x68;
	s7 =	smul.u32 $0x140000, s7;
	s5 =	sadd.s32 s5, s4  }
0xb: {  	s4 =	sadd.s32 $0x15200, s0;
	s25 =	sshrl.u32 s9, $0x1;
	s8 =	sadd.s32 $0x900, s5  }
0xc: {  	s10 =	simm.s32 @p0 $0x90;
	s7 =	sadd.s32 s23, s7;
	s8 =	smov.u32 @p0 s6  }
0xd: {  	s5 =	sadd.s32 $0xB400, s0;
	s7 =	sshrl.u32 s7, $0x3;
	s8 =	smul.u32 $0x50, s8  }
0xe: {  	s6 =	sadd.s32 $0x1600, s0;
	s0 =	ssub.s32 s9, s25;
	s1 =	sadd.s32 s1, s7  }
0xf: {  	s0 =	smax.u32 s0, $0x1;
	[dreg:$0x10] =	wrdreg s1;
	s26 =	sshrl.u32 s8, $0x3  }
0x10: {  	s13 =	smul.u32 $0x50, s10;
	[dreg:$0x16] =	wrdreg s0;
	s11 =	sadd.s32 s5, s26  }
0x11: {  	s15 =	sadd.s32 s6, s26;
	s16 =	sadd.s32 $0xA, s26;
	[dreg:$0x4] =	wrdreg s11  }
0x12: {  	s7 =	simm.s32 $0x4;
	[dreg:$0x5] =	wrdreg s15;
	s12 =	sadd.s32 s5, s16  }
0x13: {  	s17 =	sadd.s32 $0x14, s26;
	s11 =	sadd.s32 s6, s16;
	[dreg:$0x6] =	wrdreg s12  }
0x14: {  	s19 =	sadd.s32 $0x1E, s26;
	s18 =	sadd.s32 s5, s17;
	[dreg:$0x7] =	wrdreg s11  }
0x15: {  	s0 =	simm.s32 $0x300;
	s20 =	sadd.s32 s5, s19;
	[dreg:$0x8] =	wrdreg s18  }
0x16: {  	s22 =	sadd.s32 $0x28, s26;
	s21 =	sadd.s32 s6, s19;
	[dreg:$0xa] =	wrdreg s20  }
0x17: {  	s9 =	sadd.s32 $0x32, s26;
	s15 =	sadd.s32 s5, s22;
	[dreg:$0xb] =	wrdreg s21  }
0x18: {  	s25 =	sadd.s32 s8, s13;
	s24 =	sadd.s32 s5, s9;
	[dreg:$0xc] =	wrdreg s15  }
0x19: {  	s13 =	sshrl.u32 s10, $0x2;
	s9 =	sadd.s32 s6, s9;
	[dreg:$0xe] =	wrdreg s24  }
0x1a: {  	s26 =	sadd.s32 $0xFFFFFF60, s25;
	s11 =	sadd.s32 s6, s17;
	[dreg:$0xf] =	wrdreg s9  }
0x1b: {  	s9 =	sshrl.u32 s26, $0x3;
	s17 =	sadd.s32 $0xFFFFFFFE, s13;
	[dreg:$0x9] =	wrdreg s11  }
0x1c: {  	s12 =	smul.u32 $0x50000, s14;
	s18 =	sadd.s32 $0x2D0, s8;
	[dreg:$0x17] =	wrdreg s17  }
0x1d: {  	s14 =	sadd.s32 $0xFFFFFFB0, s25;
	s11 =	sadd.s32 s6, s22;
	[dreg:$0x18] =	wrdreg s18  }
0x1e: {  	s13 =	simm.s32 $0x600;
	s15 =	sadd.s32 s5, s9;
	[dreg:$0xd] =	wrdreg s11  }
0x1f: {  	s9 =	sadd.s32 s6, s9;
	s16 =	sshrl.u32 s14, $0x3;
	[dreg:$0x11] =	wrdreg s15  }
0x20: {  	s8 =	simm.s32 $0x400;
	[dreg:$0x12] =	wrdreg s9;
	s10 =	sadd.s32 s5, s16  }
0x21: {  	s1 =	sshrl.u32 s12, $0x2;
	s9 =	sadd.s32 s6, s16;
	[dreg:$0x13] =	wrdreg s10  }
0x22: {  	s17 =	simm.s32 $0x280;
	[dreg:$0x14] =	wrdreg s9;
	s20 =	sadd.s32 s1, s2  }
0x23: {  	s18 =	simm.s32 $0x100;
	s19 =	sadd.s32 $0x2800, s20;
	[dreg:$0x15] =	wrdreg s20  }
0x24: {  	s14 =	simm.s32 $0x0;
	s21 =	sadd.s32 $0x5000, s20;
	[dreg:$0x19] =	wrdreg s19  }
0x25: {  	s12 =	simm.s32 $0x50;
	s22 =	sadd.s32 $0x7800, s20;
	[dreg:$0x1a] =	wrdreg s21  }
0x26: {  	s15 =	simm.s32 $0x80;
	s23 =	sadd.s32 $0xA000, s20;
	[dreg:$0x1b] =	wrdreg s22  }
0x27: {  	s16 =	simm.s32 $0x2E00;
	s24 =	sadd.s32 $0xC800, s20;
	[dreg:$0x1c] =	wrdreg s23  }
0x28: {  	s10 =	simm.s32 $0x9;
	s25 =	sadd.s32 $0xF000, s20;
	[dreg:$0x1d] =	wrdreg s24  }
0x29: {  	s9 =	simm.s32 $0x380;
	s26 =	sadd.s32 $0x11800, s20;
	[dreg:$0x1e] =	wrdreg s25  }
0x2a: {  	s1 =	simm.s32 $0x6;
	[dreg:$0x1f] =	wrdreg s26;
	s21 =	simm.s32 $0x5600  }
0x2b: {  	s19 =	simm.s32 $0x1;
	s22 =	simm.s32 $0x180;
	s23 =	simm.s32 $0x7E00  }
0x2c: {  	v0 =	vimm.f32 $0.0e+00;
	s25 =	simm.s32 $0x2;
	s26 =	simm.s32 $0x7;
	s24 =	simm.s32 $0x8  }
.LBB2_1:
0x2d: {  	[smem:$0x7FD] =	sst s14;
	s11 =	simm.s32 $0x0;
	s14 =	simm.s32 $0x200  }
.LBB2_2:
0x2e: {  	p0 =	sne.s32 s14, $0x9E00;
	[tilespmem:s11+$0x670] =	vst v0  }
0x2f: {  	[tilespmem:s11+$0x600] =	vst v0  }
0x30: {  	[tilespmem:s11+$0x610] =	vst v0  }
.Ltmp0:
0x31: {  	[tilespmem:s11+$0x620] =	vst v0;
	(pc) =	sbr.rel @p0 .LBB2_2-.Ltmp0, $4  }
0x32: {  	[tilespmem:s11+$0x630] =	vst v0  }
0x33: {  	[tilespmem:s11+$0x640] =	vst v0  }
0x34: {  	[tilespmem:s11+$0x650] =	vst v0  }
0x35: {  	[tilespmem:s11+$0x660] =	vst v0;
	s11 =	sshra.s32 s14, $0x2;
	s14 =	sadd.s32 $0x200, s14  }
0x36: {  	[tilespmem:s11+$0x670] =	vst v0  }
0x37: {  	[tilespmem:s11+$0x600] =	vst v0  }
0x38: {  	[tilespmem:s11+$0x610] =	vst v0  }
0x39: {  	[tilespmem:s11+$0x620] =	vst v0  }
0x3a: {  	[tilespmem:s11+$0x630] =	vst v0  }
0x3b: {  	[tilespmem:s11+$0x640] =	vst v0  }
0x3c: {  	[tilespmem:s11+$0x650] =	vst v0  }
0x3d: {  	[tilespmem:s11+$0x660] =	vst v0  }
0x3e: {  	[spmem:s20] =	stream.linear.scatter [tilespmem:s13], [sflag:$0x9], $0x2800, $0x38;
	[tilespmem:$0x1E600] =	vst v63  }
0x3f: {  	_ =	swait.ge [sflag:s10], $0x2800  }
0x40: {  	[sflag:s10] =	ssyncset.done $0x0  }
0x41: {  	s20 =	rddreg [dreg:$0x19];
	[sflag:s10] =	ssyncadd.s32 $0xFFFFD800  }
0x42: {  	[spmem:s20] =	stream.linear.scatter [tilespmem:s13], [sflag:$0x9], $0x2800, $0x38;
	[tilespmem:$0x1E600] =	vst v63  }
0x43: {  	_ =	swait.ge [sflag:s10], $0x2800  }
0x44: {  	[sflag:s10] =	ssyncset.done $0x0  }
0x45: {  	s14 =	rddreg [dreg:$0x1a];
	[sflag:s10] =	ssyncadd.s32 $0xFFFFD800  }
0x46: {  	[spmem:s14] =	stream.linear.scatter [tilespmem:s13], [sflag:$0x9], $0x2800, $0x38;
	[tilespmem:$0x1E600] =	vst v63  }
0x47: {  	_ =	swait.ge [sflag:s10], $0x2800  }
0x48: {  	[sflag:s10] =	ssyncset.done $0x0  }
0x49: {  	s20 =	rddreg [dreg:$0x1b];
	[sflag:s10] =	ssyncadd.s32 $0xFFFFD800  }
0x4a: {  	[spmem:s20] =	stream.linear.scatter [tilespmem:s13], [sflag:$0x9], $0x2800, $0x38;
	[tilespmem:$0x1E600] =	vst v63  }
0x4b: {  	_ =	swait.ge [sflag:s10], $0x2800  }
0x4c: {  	[sflag:s10] =	ssyncset.done $0x0  }
0x4d: {  	s14 =	rddreg [dreg:$0x1c];
	[sflag:s10] =	ssyncadd.s32 $0xFFFFD800  }
0x4e: {  	[spmem:s14] =	stream.linear.scatter [tilespmem:s13], [sflag:$0x9], $0x2800, $0x38;
	[tilespmem:$0x1E600] =	vst v63  }
0x4f: {  	_ =	swait.ge [sflag:s10], $0x2800  }
0x50: {  	[sflag:s10] =	ssyncset.done $0x0  }
0x51: {  	s20 =	rddreg [dreg:$0x1d];
	[sflag:s10] =	ssyncadd.s32 $0xFFFFD800  }
0x52: {  	[spmem:s20] =	stream.linear.scatter [tilespmem:s13], [sflag:$0x9], $0x2800, $0x38;
	[tilespmem:$0x1E600] =	vst v63  }
0x53: {  	_ =	swait.ge [sflag:s10], $0x2800  }
0x54: {  	[sflag:s10] =	ssyncset.done $0x0  }
0x55: {  	s14 =	rddreg [dreg:$0x1e];
	[sflag:s10] =	ssyncadd.s32 $0xFFFFD800  }
0x56: {  	[spmem:s14] =	stream.linear.scatter [tilespmem:s13], [sflag:$0x9], $0x2800, $0x38;
	[tilespmem:$0x1E600] =	vst v63  }
0x57: {  	_ =	swait.ge [sflag:s10], $0x2800  }
0x58: {  	[sflag:s10] =	ssyncset.done $0x0  }
0x59: {  	s20 =	rddreg [dreg:$0x1f];
	[sflag:s10] =	ssyncadd.s32 $0xFFFFD800  }
0x5a: {  	[spmem:s20] =	stream.linear.scatter [tilespmem:s13], [sflag:$0x9], $0x2800, $0x38;
	[tilespmem:$0x1E600] =	vst v63  }
0x5b: {  	_ =	swait.ge [sflag:s10], $0x2800  }
0x5c: {  	[sflag:s10] =	ssyncset.done $0x0  }
0x5d: {  	[sflag:s10] =	ssyncadd.s32 $0xFFFFD800  }
0x5e: {  	[bflag:$0x0] =	sbarrier.arrive $0xFFFF  }
0x5f: {  	s14 =	rddreg [dreg:$0x4]  }
0x60: {  	[tilespmem:s3], [sflag:$0x9] =	stream.linear.gather [hbm4b:s14+s3], $0x50, $0x38;
	[tilespmem:$0x1E600] =	vst v63  }
0x61: {  	_ =	swait.ge [sflag:s10], $0x50  }
0x62: {  	[sflag:s10] =	ssyncset.done $0x0  }
0x63: {  	s20 =	rddreg [dreg:$0x5];
	[sflag:s10] =	ssyncadd.s32 $0xFFFFFFB0  }
0x64: {  	[tilespmem:s28], [sflag:$0x9] =	stream.linear.gather [hbm4b:s20+s3], $0x50, $0x38;
	[tilespmem:$0x1E600] =	vst v63  }
0x65: {  	_ =	swait.ge [sflag:s10], $0x50  }
0x66: {  	[sflag:s10] =	ssyncset.done $0x0  }
0x67: {  	[sflag:s10] =	ssyncadd.s32 $0xFFFFFFB0  }
0x68: {  	v1 =	vld [tilespmem:$0x0]  }
0x69: {  	v2 =	vld [tilespmem:$0x200]  }
0x6a: {  	v3 =	vld [tilespmem:$0x10]  }
0x6b: {  	v4 =	vld [tilespmem:$0x210]  }
0x6c: {  	v5 =	vld [tilespmem:$0x20]  }
0x6d: {  	v6 =	vld [tilespmem:$0x220]  }
0x6e: {  	v7 =	vld [tilespmem:$0x30]  }
0x6f: {  	v8 =	vld [tilespmem:$0x230]  }
0x70: {  	v9 =	vld [tilespmem:$0x40]  }
0x71: {  	v10 =	vld [tilespmem:$0x240]  }
0x72: {  	vm0 =	veq.s32 v1, v2  }
0x73: {  	vm13 =	veq.s32 v3, v4;
	v1 =	vsel vm0, $0x2710, v2  }
0x74: {  	vm14 =	veq.s32 v5, v6;
	[tilespmem:$0x400] =	vst v1;
	v1 =	vsel vm13, $0x2710, v4  }
0x75: {  	vm15 =	veq.s32 v7, v8;
	[tilespmem:$0x410] =	vst v1;
	v1 =	vsel vm14, $0x2710, v6  }
0x76: {  	vm4 =	veq.s32 v9, v10;
	[tilespmem:$0x420] =	vst v1;
	v1 =	vsel vm15, $0x2710, v8  }
0x77: {  	[tilespmem:$0x430] =	vst v1;
	v1 =	vsel vm4, $0x2710, v10  }
0x78: {  	[tilespmem:$0x440] =	vst v1  }
0x79: {  	[tilespmem:s13], [sflag:$0x1] =	stream.indirect.gather [hbm4b:s4+s12], $0x80, s3, s12, $0xb8;
	[tilespmem:$0x1E600] =	vst v63  }
0x7a: {  	s14 =	rddreg [dreg:$0x6]  }
0x7b: {  	[tilespmem:s15], [sflag:$0x9] =	stream.linear.gather [hbm4b:s14+s3], $0x50, $0x38;
	[tilespmem:$0x1E600] =	vst v63  }
0x7c: {  	_ =	swait.ge [sflag:s10], $0x50  }
0x7d: {  	[sflag:s10] =	ssyncset.done $0x0  }
0x7e: {  	s20 =	rddreg [dreg:$0x7];
	[sflag:s10] =	ssyncadd.s32 $0xFFFFFFB0  }
0x7f: {  	[tilespmem:s17], [sflag:$0x9] =	stream.linear.gather [hbm4b:s20+s3], $0x50, $0x38;
	[tilespmem:$0x1E600] =	vst v63  }
0x80: {  	_ =	swait.ge [sflag:s10], $0x50  }
0x81: {  	[sflag:s10] =	ssyncset.done $0x0  }
0x82: {  	[sflag:s10] =	ssyncadd.s32 $0xFFFFFFB0  }
0x83: {  	v1 =	vld [tilespmem:$0x80]  }
0x84: {  	v2 =	vld [tilespmem:$0x280]  }
0x85: {  	v3 =	vld [tilespmem:$0x90]  }
0x86: {  	v4 =	vld [tilespmem:$0x290]  }
0x87: {  	v5 =	vld [tilespmem:$0xA0]  }
0x88: {  	v6 =	vld [tilespmem:$0x2A0]  }
0x89: {  	v7 =	vld [tilespmem:$0xB0]  }
0x8a: {  	v8 =	vld [tilespmem:$0x2B0]  }
0x8b: {  	v50 =	vld [tilespmem:$0xC0]  }
0x8c: {  	v51 =	vld [tilespmem:$0x2C0]  }
0x8d: {  	vm5 =	veq.s32 v1, v2  }
0x8e: {  	vm6 =	veq.s32 v3, v4;
	v1 =	vsel vm5, $0x2710, v2  }
0x8f: {  	vm7 =	veq.s32 v5, v6;
	[tilespmem:$0x480] =	vst v1;
	v1 =	vsel vm6, $0x2710, v4  }
0x90: {  	vm8 =	veq.s32 v7, v8;
	[tilespmem:$0x490] =	vst v1;
	v1 =	vsel vm7, $0x2710, v6  }
0x91: {  	vm9 =	veq.s32 v50, v51;
	[tilespmem:$0x4A0] =	vst v1;
	v1 =	vsel vm8, $0x2710, v8  }
0x92: {  	[tilespmem:$0x4B0] =	vst v1;
	v1 =	vsel vm9, $0x2710, v51  }
0x93: {  	[tilespmem:$0x4C0] =	vst v1  }
0x94: {  	[tilespmem:s16], [sflag:$0x2] =	stream.indirect.gather [hbm4b:s4+s12], $0x80, s15, s12, $0xb8;
	[tilespmem:$0x1E600] =	vst v63  }
0x95: {  	s14 =	rddreg [dreg:$0x8]  }
0x96: {  	[tilespmem:s18], [sflag:$0x9] =	stream.linear.gather [hbm4b:s14+s3], $0x50, $0x38;
	[tilespmem:$0x1E600] =	vst v63  }
0x97: {  	_ =	swait.ge [sflag:s10], $0x50  }
0x98: {  	[sflag:s10] =	ssyncset.done $0x0  }
0x99: {  	s20 =	rddreg [dreg:$0x9];
	[sflag:s10] =	ssyncadd.s32 $0xFFFFFFB0  }
0x9a: {  	[tilespmem:s0], [sflag:$0x9] =	stream.linear.gather [hbm4b:s20+s3], $0x50, $0x38;
	[tilespmem:$0x1E600] =	vst v63  }
0x9b: {  	_ =	swait.ge [sflag:s10], $0x50  }
0x9c: {  	[sflag:s10] =	ssyncset.done $0x0  }
0x9d: {  	[sflag:s10] =	ssyncadd.s32 $0xFFFFFFB0  }
0x9e: {  	v1 =	vld [tilespmem:$0x100]  }
0x9f: {  	v2 =	vld [tilespmem:$0x300]  }
0xa0: {  	v3 =	vld [tilespmem:$0x110]  }
0xa1: {  	v4 =	vld [tilespmem:$0x310]  }
0xa2: {  	v5 =	vld [tilespmem:$0x120]  }
0xa3: {  	v6 =	vld [tilespmem:$0x320]  }
0xa4: {  	v7 =	vld [tilespmem:$0x130]  }
0xa5: {  	v8 =	vld [tilespmem:$0x330]  }
0xa6: {  	v52 =	vld [tilespmem:$0x140]  }
0xa7: {  	v53 =	vld [tilespmem:$0x340]  }
0xa8: {  	vm10 =	veq.s32 v1, v2  }
0xa9: {  	vm11 =	veq.s32 v3, v4;
	v1 =	vsel vm10, $0x2710, v2  }
0xaa: {  	vm12 =	veq.s32 v5, v6;
	[tilespmem:$0x500] =	vst v1;
	v1 =	vsel vm11, $0x2710, v4  }
0xab: {  	vm13 =	veq.s32 v7, v8;
	[tilespmem:$0x510] =	vst v1;
	v1 =	vsel vm12, $0x2710, v6  }
0xac: {  	vm14 =	veq.s32 v52, v53;
	[tilespmem:$0x520] =	vst v1;
	v1 =	vsel vm13, $0x2710, v8  }
0xad: {  	[tilespmem:$0x530] =	vst v1;
	v1 =	vsel vm14, $0x2710, v53  }
0xae: {  	[tilespmem:$0x540] =	vst v1  }
0xaf: {  	[tilespmem:s21], [sflag:$0x3] =	stream.indirect.gather [hbm4b:s4+s12], $0x80, s18, s12, $0xb8;
	[tilespmem:$0x1E600] =	vst v63  }
0xb0: {  	_ =	swait.ge [sflag:s19], $0x2800  }
0xb1: {  	[sflag:s19] =	ssyncset.done $0x0  }
0xb2: {  	[sflag:s19] =	ssyncadd.s32 $0xFFFFD800  }
0xb3: {  	[spmem:s2] =	stream.indirect.scatter.add.f32 [tilespmem:s13], [sflag:$0x5], $0x80, s8, s12, $0xb8;
	[tilespmem:$0x1E600] =	vst v63  }
0xb4: {  	s14 =	rddreg [dreg:$0xa]  }
0xb5: {  	[tilespmem:s22], [sflag:$0x9] =	stream.linear.gather [hbm4b:s14+s3], $0x50, $0x38;
	[tilespmem:$0x1E600] =	vst v63  }
0xb6: {  	_ =	swait.ge [sflag:s10], $0x50  }
0xb7: {  	[sflag:s10] =	ssyncset.done $0x0  }
0xb8: {  	s20 =	rddreg [dreg:$0xb];
	[sflag:s10] =	ssyncadd.s32 $0xFFFFFFB0  }
0xb9: {  	[tilespmem:s9], [sflag:$0x9] =	stream.linear.gather [hbm4b:s20+s3], $0x50, $0x38;
	[tilespmem:$0x1E600] =	vst v63  }
0xba: {  	_ =	swait.ge [sflag:s10], $0x50  }
0xbb: {  	[sflag:s10] =	ssyncset.done $0x0  }
0xbc: {  	[sflag:s10] =	ssyncadd.s32 $0xFFFFFFB0  }
0xbd: {  	v1 =	vld [tilespmem:$0x180]  }
0xbe: {  	v2 =	vld [tilespmem:$0x380]  }
0xbf: {  	v3 =	vld [tilespmem:$0x190]  }
0xc0: {  	v4 =	vld [tilespmem:$0x390]  }
0xc1: {  	v5 =	vld [tilespmem:$0x1A0]  }
0xc2: {  	v6 =	vld [tilespmem:$0x3A0]  }
0xc3: {  	v7 =	vld [tilespmem:$0x1B0]  }
0xc4: {  	v8 =	vld [tilespmem:$0x3B0]  }
0xc5: {  	v54 =	vld [tilespmem:$0x1C0]  }
0xc6: {  	v55 =	vld [tilespmem:$0x3C0]  }
0xc7: {  	vm15 =	veq.s32 v1, v2  }
0xc8: {  	vm4 =	veq.s32 v3, v4;
	v1 =	vsel vm15, $0x2710, v2  }
0xc9: {  	vm5 =	veq.s32 v5, v6;
	[tilespmem:$0x580] =	vst v1;
	v1 =	vsel vm4, $0x2710, v4  }
0xca: {  	vm6 =	veq.s32 v7, v8;
	[tilespmem:$0x590] =	vst v1;
	v1 =	vsel vm5, $0x2710, v6  }
0xcb: {  	vm7 =	veq.s32 v54, v55;
	[tilespmem:$0x5A0] =	vst v1;
	v1 =	vsel vm6, $0x2710, v8  }
0xcc: {  	[tilespmem:$0x5B0] =	vst v1;
	v1 =	vsel vm7, $0x2710, v55  }
0xcd: {  	[tilespmem:$0x5C0] =	vst v1  }
0xce: {  	[tilespmem:s23], [sflag:$0x4] =	stream.indirect.gather [hbm4b:s4+s12], $0x80, s22, s12, $0xb8;
	[tilespmem:$0x1E600] =	vst v63  }
0xcf: {  	_ =	swait.ge [sflag:s25], $0x2800  }
0xd0: {  	[sflag:s25] =	ssyncset.done $0x0  }
0xd1: {  	[sflag:s25] =	ssyncadd.s32 $0xFFFFD800  }
0xd2: {  	[spmem:s2] =	stream.indirect.scatter.add.f32 [tilespmem:s16], [sflag:$0x6], $0x80, s29, s12, $0xb8;
	[tilespmem:$0x1E600] =	vst v63  }
0xd3: {  	_ =	swait.ge [sflag:s30], $0x2800  }
0xd4: {  	[sflag:s30] =	ssyncset.done $0x0  }
0xd5: {  	s14 =	rddreg [dreg:$0xc];
	[sflag:s30] =	ssyncadd.s32 $0xFFFFD800  }
0xd6: {  	[tilespmem:s3], [sflag:$0x9] =	stream.linear.gather [hbm4b:s14+s3], $0x50, $0x38;
	[tilespmem:$0x1E600] =	vst v63  }
0xd7: {  	_ =	swait.ge [sflag:s10], $0x50  }
0xd8: {  	[sflag:s10] =	ssyncset.done $0x0  }
0xd9: {  	s20 =	rddreg [dreg:$0xd];
	[sflag:s10] =	ssyncadd.s32 $0xFFFFFFB0  }
0xda: {  	[tilespmem:s28], [sflag:$0x9] =	stream.linear.gather [hbm4b:s20+s3], $0x50, $0x38;
	[tilespmem:$0x1E600] =	vst v63  }
0xdb: {  	_ =	swait.ge [sflag:s10], $0x50  }
0xdc: {  	[sflag:s10] =	ssyncset.done $0x0  }
0xdd: {  	[sflag:s10] =	ssyncadd.s32 $0xFFFFFFB0  }
0xde: {  	v1 =	vld [tilespmem:$0x0]  }
0xdf: {  	v2 =	vld [tilespmem:$0x200]  }
0xe0: {  	v3 =	vld [tilespmem:$0x10]  }
0xe1: {  	v4 =	vld [tilespmem:$0x210]  }
0xe2: {  	v5 =	vld [tilespmem:$0x20]  }
0xe3: {  	v6 =	vld [tilespmem:$0x220]  }
0xe4: {  	v7 =	vld [tilespmem:$0x30]  }
0xe5: {  	v8 =	vld [tilespmem:$0x230]  }
0xe6: {  	v56 =	vld [tilespmem:$0x40]  }
0xe7: {  	v57 =	vld [tilespmem:$0x240]  }
0xe8: {  	vm8 =	veq.s32 v1, v2  }
0xe9: {  	vm9 =	veq.s32 v3, v4;
	v1 =	vsel vm8, $0x2710, v2  }
0xea: {  	vm10 =	veq.s32 v5, v6;
	[tilespmem:$0x400] =	vst v1;
	v1 =	vsel vm9, $0x2710, v4  }
0xeb: {  	vm11 =	veq.s32 v7, v8;
	[tilespmem:$0x410] =	vst v1;
	v1 =	vsel vm10, $0x2710, v6  }
0xec: {  	vm12 =	veq.s32 v56, v57;
	[tilespmem:$0x420] =	vst v1;
	v1 =	vsel vm11, $0x2710, v8  }
0xed: {  	[tilespmem:$0x430] =	vst v1;
	v1 =	vsel vm12, $0x2710, v57  }
0xee: {  	[tilespmem:$0x440] =	vst v1  }
0xef: {  	[tilespmem:s13], [sflag:$0x1] =	stream.indirect.gather [hbm4b:s4+s12], $0x80, s3, s12, $0xb8;
	[tilespmem:$0x1E600] =	vst v63  }
0xf0: {  	_ =	swait.ge [sflag:s31], $0x2800  }
0xf1: {  	[sflag:s31] =	ssyncset.done $0x0  }
0xf2: {  	s20 =	simm.s32 $0x500;
	[sflag:s31] =	ssyncadd.s32 $0xFFFFD800  }
0xf3: {  	[spmem:s2] =	stream.indirect.scatter.add.f32 [tilespmem:s21], [sflag:$0x7], $0x80, s20, s12, $0xb8;
	[tilespmem:$0x1E600] =	vst v63  }
0xf4: {  	_ =	swait.ge [sflag:s1], $0x2800  }
0xf5: {  	[sflag:s1] =	ssyncset.done $0x0  }
0xf6: {  	s14 =	rddreg [dreg:$0xe];
	[sflag:s1] =	ssyncadd.s32 $0xFFFFD800  }
0xf7: {  	[tilespmem:s15], [sflag:$0x9] =	stream.linear.gather [hbm4b:s14+s3], $0x50, $0x38;
	[tilespmem:$0x1E600] =	vst v63  }
0xf8: {  	_ =	swait.ge [sflag:s10], $0x50  }
0xf9: {  	[sflag:s10] =	ssyncset.done $0x0  }
0xfa: {  	s14 =	rddreg [dreg:$0xf];
	[sflag:s10] =	ssyncadd.s32 $0xFFFFFFB0  }
0xfb: {  	[tilespmem:s17], [sflag:$0x9] =	stream.linear.gather [hbm4b:s14+s3], $0x50, $0x38;
	[tilespmem:$0x1E600] =	vst v63  }
0xfc: {  	_ =	swait.ge [sflag:s10], $0x50  }
0xfd: {  	[sflag:s10] =	ssyncset.done $0x0  }
0xfe: {  	[sflag:s10] =	ssyncadd.s32 $0xFFFFFFB0  }
0xff: {  	v1 =	vld [tilespmem:$0x80]  }
0x100: {  	v2 =	vld [tilespmem:$0x280]  }
0x101: {  	v3 =	vld [tilespmem:$0x90]  }
0x102: {  	v4 =	vld [tilespmem:$0x290]  }
0x103: {  	v5 =	vld [tilespmem:$0xA0]  }
0x104: {  	v6 =	vld [tilespmem:$0x2A0]  }
0x105: {  	v7 =	vld [tilespmem:$0xB0]  }
0x106: {  	v8 =	vld [tilespmem:$0x2B0]  }
0x107: {  	v58 =	vld [tilespmem:$0xC0]  }
0x108: {  	v59 =	vld [tilespmem:$0x2C0]  }
0x109: {  	vm13 =	veq.s32 v1, v2  }
0x10a: {  	vm14 =	veq.s32 v3, v4;
	v1 =	vsel vm13, $0x2710, v2  }
0x10b: {  	vm15 =	veq.s32 v5, v6;
	[tilespmem:$0x480] =	vst v1;
	v1 =	vsel vm14, $0x2710, v4  }
0x10c: {  	vm4 =	veq.s32 v7, v8;
	[tilespmem:$0x490] =	vst v1;
	v1 =	vsel vm15, $0x2710, v6  }
0x10d: {  	vm5 =	veq.s32 v58, v59;
	[tilespmem:$0x4A0] =	vst v1;
	v1 =	vsel vm4, $0x2710, v8  }
0x10e: {  	[tilespmem:$0x4B0] =	vst v1;
	v1 =	vsel vm5, $0x2710, v59  }
0x10f: {  	[tilespmem:$0x4C0] =	vst v1  }
0x110: {  	[tilespmem:s16], [sflag:$0x2] =	stream.indirect.gather [hbm4b:s4+s12], $0x80, s15, s12, $0xb8;
	[tilespmem:$0x1E600] =	vst v63  }
0x111: {  	_ =	swait.ge [sflag:s7], $0x2800  }
0x112: {  	[sflag:s7] =	ssyncset.done $0x0  }
0x113: {  	s17 =	simm.s32 $0x580;
	[sflag:s7] =	ssyncadd.s32 $0xFFFFD800  }
0x114: {  	[spmem:s2] =	stream.indirect.scatter.add.f32 [tilespmem:s23], [sflag:$0x8], $0x80, s17, s12, $0xb8;
	[tilespmem:$0x1E600] =	vst v63  }
0x115: {  	_ =	swait.ge [sflag:s26], $0x2800  }
0x116: {  	s17 =	rddreg [dreg:$0x18]  }
0x117: {  	s14 =	sadd.s32 $0xFFFFFF10, s17  }
0x118: {  	[sflag:s26] =	ssyncset.done $0x0;
	s11 =	sshrl.u32 s14, $0x3  }
0x119: {  	[sflag:s26] =	ssyncadd.s32 $0xFFFFD800;
	s14 =	sadd.s32 s5, s11  }
0x11a: {  	[tilespmem:s18], [sflag:$0x9] =	stream.linear.gather [hbm4b:s14+s3], $0x50, $0x38;
	[tilespmem:$0x1E600] =	vst v63  }
0x11b: {  	_ =	swait.ge [sflag:s10], $0x50  }
0x11c: {  	[sflag:s10] =	ssyncset.done $0x0  }
0x11d: {  	s11 =	sadd.s32 s6, s11;
	[sflag:s10] =	ssyncadd.s32 $0xFFFFFFB0  }
0x11e: {  	[tilespmem:s0], [sflag:$0x9] =	stream.linear.gather [hbm4b:s11+s3], $0x50, $0x38;
	[tilespmem:$0x1E600] =	vst v63  }
0x11f: {  	_ =	swait.ge [sflag:s10], $0x50  }
0x120: {  	[sflag:s10] =	ssyncset.done $0x0  }
0x121: {  	[sflag:s10] =	ssyncadd.s32 $0xFFFFFFB0  }
0x122: {  	v1 =	vld [tilespmem:$0x340]  }
0x123: {  	v2 =	vld [tilespmem:$0x330]  }
0x124: {  	v3 =	vld [tilespmem:$0x320]  }
0x125: {  	v4 =	vld [tilespmem:$0x120]  }
0x126: {  	v5 =	vld [tilespmem:$0x300]  }
0x127: {  	v6 =	vld [tilespmem:$0x110]  }
0x128: {  	v8 =	vld [tilespmem:$0x130]  }
0x129: {  	v61 =	vld [tilespmem:$0x140]  }
0x12a: {  	v7 =	vld [tilespmem:$0x100]  }
0x12b: {  	v60 =	vld [tilespmem:$0x310]  }
0x12c: {  	vm6 =	veq.s32 v4, v3  }
0x12d: {  	vm8 =	veq.s32 v8, v2;
	v3 =	vsel vm6, $0x2710, v3  }
0x12e: {  	vm9 =	veq.s32 v61, v1;
	v2 =	vsel vm8, $0x2710, v2;
	[tilespmem:$0x520] =	vst v3  }
0x12f: {  	vm7 =	veq.s32 v7, v5;
	v1 =	vsel vm9, $0x2710, v1;
	[tilespmem:$0x530] =	vst v2  }
0x130: {  	vm1 =	veq.s32 v6, v60;
	v3 =	vsel vm7, $0x2710, v5;
	[tilespmem:$0x540] =	vst v1  }
0x131: {  	[tilespmem:$0x500] =	vst v3;
	v3 =	vsel vm1, $0x2710, v60  }
0x132: {  	[tilespmem:$0x510] =	vst v3  }
0x133: {  	[tilespmem:s21], [sflag:$0x3] =	stream.indirect.gather [hbm4b:s4+s12], $0x80, s18, s12, $0xb8;
	[tilespmem:$0x1E600] =	vst v63  }
0x134: {  	_ =	swait.ge [sflag:s19], $0x2800  }
0x135: {  	[sflag:s19] =	ssyncset.done $0x0  }
0x136: {  	[sflag:s19] =	ssyncadd.s32 $0xFFFFD800  }
0x137: {  	[spmem:s2] =	stream.indirect.scatter.add.f32 [tilespmem:s13], [sflag:$0x5], $0x80, s8, s12, $0xb8;
	[tilespmem:$0x1E600] =	vst v63  }
0x138: {  	s15 =	sadd.s32 $0xFFFFFF60, s17;
	_ =	swait.ge [sflag:s24], $0x2800  }
0x139: {  	s11 =	sshrl.u32 s15, $0x3;
	[sflag:s24] =	ssyncset.done $0x0  }
0x13a: {  	s18 =	sadd.s32 s5, s11;
	[sflag:s24] =	ssyncadd.s32 $0xFFFFD800  }
0x13b: {  	[tilespmem:s22], [sflag:$0x9] =	stream.linear.gather [hbm4b:s18+s3], $0x50, $0x38;
	[tilespmem:$0x1E600] =	vst v63  }
0x13c: {  	_ =	swait.ge [sflag:s10], $0x50  }
0x13d: {  	[sflag:s10] =	ssyncset.done $0x0  }
0x13e: {  	s11 =	sadd.s32 s6, s11;
	[sflag:s10] =	ssyncadd.s32 $0xFFFFFFB0  }
0x13f: {  	[tilespmem:s9], [sflag:$0x9] =	stream.linear.gather [hbm4b:s11+s3], $0x50, $0x38;
	[tilespmem:$0x1E600] =	vst v63  }
0x140: {  	_ =	swait.ge [sflag:s10], $0x50  }
0x141: {  	[sflag:s10] =	ssyncset.done $0x0  }
0x142: {  	[sflag:s10] =	ssyncadd.s32 $0xFFFFFFB0  }
0x143: {  	v1 =	vld [tilespmem:$0x380]  }
0x144: {  	v2 =	vld [tilespmem:$0x1B0]  }
0x145: {  	v3 =	vld [tilespmem:$0x3A0]  }
0x146: {  	v4 =	vld [tilespmem:$0x3B0]  }
0x147: {  	v5 =	vld [tilespmem:$0x1A0]  }
0x148: {  	v6 =	vld [tilespmem:$0x1C0]  }
0x149: {  	v7 =	vld [tilespmem:$0x3C0]  }
0x14a: {  	v63 =	vld [tilespmem:$0x180]  }
0x14b: {  	v8 =	vld [tilespmem:$0x390]  }
0x14c: {  	v62 =	vld [tilespmem:$0x190]  }
0x14d: {  	vm10 =	veq.s32 v2, v4  }
0x14e: {  	vm11 =	veq.s32 v5, v3;
	v2 =	vsel vm10, $0x2710, v4  }
0x14f: {  	vm14 =	veq.s32 v63, v1;
	v3 =	vsel vm11, $0x2710, v3;
	[tilespmem:$0x5B0] =	vst v2  }
0x150: {  	vm12 =	veq.s32 v6, v7;
	v1 =	vsel vm14, $0x2710, v1;
	[tilespmem:$0x5A0] =	vst v3  }
0x151: {  	vm13 =	veq.s32 v62, v8;
	v2 =	vsel vm12, $0x2710, v7;
	[tilespmem:$0x580] =	vst v1  }
0x152: {  	[tilespmem:$0x5C0] =	vst v2;
	v2 =	vsel vm13, $0x2710, v8  }
0x153: {  	[tilespmem:$0x590] =	vst v2  }
0x154: {  	[tilespmem:s23], [sflag:$0x4] =	stream.indirect.gather [hbm4b:s4+s12], $0x80, s22, s12, $0xb8;
	[tilespmem:$0x1E600] =	vst v63  }
0x155: {  	_ =	swait.ge [sflag:s25], $0x2800  }
0x156: {  	[sflag:s25] =	ssyncset.done $0x0  }
0x157: {  	[sflag:s25] =	ssyncadd.s32 $0xFFFFD800  }
0x158: {  	[spmem:s2] =	stream.indirect.scatter.add.f32 [tilespmem:s16], [sflag:$0x6], $0x80, s29, s12, $0xb8;
	[tilespmem:$0x1E600] =	vst v63  }
0x159: {  	s21 =	sadd.s32 $0xFFFFFFB0, s17;
	_ =	swait.ge [sflag:s30], $0x2800  }
0x15a: {  	s11 =	sshrl.u32 s21, $0x3;
	[sflag:s30] =	ssyncset.done $0x0  }
0x15b: {  	s22 =	sadd.s32 s5, s11;
	[sflag:s30] =	ssyncadd.s32 $0xFFFFD800  }
0x15c: {  	[tilespmem:s3], [sflag:$0x9] =	stream.linear.gather [hbm4b:s22+s3], $0x50, $0x38;
	[tilespmem:$0x1E600] =	vst v63  }
0x15d: {  	_ =	swait.ge [sflag:s10], $0x50  }
0x15e: {  	[sflag:s10] =	ssyncset.done $0x0  }
0x15f: {  	s11 =	sadd.s32 s6, s11;
	[sflag:s10] =	ssyncadd.s32 $0xFFFFFFB0  }
0x160: {  	[tilespmem:s28], [sflag:$0x9] =	stream.linear.gather [hbm4b:s11+s3], $0x50, $0x38;
	[tilespmem:$0x1E600] =	vst v63  }
0x161: {  	_ =	swait.ge [sflag:s10], $0x50  }
0x162: {  	[sflag:s10] =	ssyncset.done $0x0  }
0x163: {  	[sflag:s10] =	ssyncadd.s32 $0xFFFFFFB0  }
0x164: {  	v2 =	vld [tilespmem:$0x40]  }
0x165: {  	s23 =	rddreg [dreg:$0x17];
	v4 =	vld [tilespmem:$0x240]  }
0x166: {  	p0 =	sne.s32 s23, $0x1;
	v3 =	vld [tilespmem:$0x10]  }
.Ltmp1:
0x167: {  	s14 =	smov.u32 s17;
	s0 =	simm.s32 $0x300;
	v1 =	vld [tilespmem:$0x220];
	(pc) =	sbr.rel @!p0 .LBB2_5-.Ltmp1, $4  }
0x168: {  	s15 =	simm.s32 $0x80;
	s8 =	simm.s32 $0x400;
	s13 =	simm.s32 $0x600;
	v7 =	vld [tilespmem:$0x30]  }
0x169: {  	s18 =	simm.s32 $0x100;
	s9 =	simm.s32 $0x7E00;
	s21 =	simm.s32 $0x5600;
	v5 =	vld [tilespmem:$0x230]  }
0x16a: {  	s29 =	simm.s32 $0x280;
	s16 =	simm.s32 $0x2E00;
	s22 =	simm.s32 $0x200;
	v6 =	vld [tilespmem:$0x210];
	vm15 =	veq.s32 v2, v4  }
0x16b: {  	s28 =	sshrl.u32 s17, $0x3;
	s11 =	sadd.s32 $0xFFFFFFFF, s23;
	s23 =	simm.s32 $0x180;
	v2 =	vld [tilespmem:$0x200];
	v4 =	vsel vm15, $0x2710, v4  }
.LBB2_4:
0x16c: {  	p0 =	sne.s32 s11, $0x1;
	s11 =	sadd.s32 $0xFFFFFFFF, s11;
	v8 =	vld [tilespmem:$0x20];
	s14 =	sadd.s32 $0x140, s14  }
0x16d: {  	s17 =	sshrl.u32 s14, $0x3;
	v9 =	vld [tilespmem:$0x0]  }
0x16e: {  	vm0 =	veq.s32 v7, v5  }
0x16f: {  	vm1 =	veq.s32 v3, v6;
	v3 =	vsel vm0, $0x2710, v5  }
0x170: {  	v5 =	vsel vm1, $0x2710, v6;
	[tilespmem:$0x430] =	vst v3  }
0x171: {  	[tilespmem:$0x410] =	vst v5;
	vm0 =	veq.s32 v8, v1  }
0x172: {  	vm1 =	veq.s32 v9, v2;
	v1 =	vsel vm0, $0x2710, v1;
	[tilespmem:$0x440] =	vst v4  }
0x173: {  	v2 =	vsel vm1, $0x2710, v2;
	[tilespmem:$0x420] =	vst v1  }
0x174: {  	[tilespmem:$0x400] =	vst v2  }
0x175: {  	[tilespmem:s13], [sflag:$0x1] =	stream.indirect.gather [hbm4b:s4+s12], $0x80, s3, s12, $0xb8;
	[tilespmem:$0x1E600] =	vst v63  }
0x176: {  	_ =	swait.ge [sflag:s31], $0x2800  }
0x177: {  	[sflag:s31] =	ssyncset.done $0x0  }
0x178: {  	[sflag:s31] =	ssyncadd.s32 $0xFFFFD800  }
0x179: {  	[spmem:s2] =	stream.indirect.scatter.add.f32 [tilespmem:s21], [sflag:$0x7], $0x80, s20, s12, $0xb8;
	[tilespmem:$0x1E600] =	vst v63  }
0x17a: {  	_ =	swait.ge [sflag:s1], $0x2800  }
0x17b: {  	[sflag:s1] =	ssyncset.done $0x0  }
0x17c: {  	s20 =	sadd.s32 s5, s28;
	[sflag:s1] =	ssyncadd.s32 $0xFFFFD800  }
0x17d: {  	[tilespmem:s15], [sflag:$0x9] =	stream.linear.gather [hbm4b:s20+s3], $0x50, $0x38;
	[tilespmem:$0x1E600] =	vst v63  }
0x17e: {  	_ =	swait.ge [sflag:s10], $0x50  }
0x17f: {  	[sflag:s10] =	ssyncset.done $0x0  }
0x180: {  	s20 =	sadd.s32 s6, s28;
	s28 =	smov.u32 s17;
	[sflag:s10] =	ssyncadd.s32 $0xFFFFFFB0  }
0x181: {  	[tilespmem:s29], [sflag:$0x9] =	stream.linear.gather [hbm4b:s20+s3], $0x50, $0x38;
	[tilespmem:$0x1E600] =	vst v63  }
0x182: {  	_ =	swait.ge [sflag:s10], $0x50  }
0x183: {  	[sflag:s10] =	ssyncset.done $0x0  }
0x184: {  	[sflag:s10] =	ssyncadd.s32 $0xFFFFFFB0  }
0x185: {  	v1 =	vld [tilespmem:$0x80]  }
0x186: {  	v2 =	vld [tilespmem:$0x280]  }
0x187: {  	v3 =	vld [tilespmem:$0x90]  }
0x188: {  	v4 =	vld [tilespmem:$0xA0]  }
0x189: {  	v5 =	vld [tilespmem:$0x2A0]  }
0x18a: {  	v6 =	vld [tilespmem:$0xB0]  }
0x18b: {  	vm0 =	veq.s32 v1, v2;
	v1 =	vld [tilespmem:$0xC0]  }
0x18c: {  	v2 =	vsel vm0, $0x2710, v2;
	v7 =	vld [tilespmem:$0x290]  }
0x18d: {  	[tilespmem:$0x480] =	vst v2;
	v2 =	vld [tilespmem:$0x2C0]  }
0x18e: {  	vm0 =	veq.s32 v4, v5;
	v4 =	vld [tilespmem:$0x2B0]  }
0x18f: {  	v5 =	vsel vm0, $0x2710, v5  }
0x190: {  	[tilespmem:$0x4A0] =	vst v5  }
0x191: {  	vm0 =	veq.s32 v3, v7  }
0x192: {  	v3 =	vsel vm0, $0x2710, v7;
	vm0 =	veq.s32 v1, v2  }
0x193: {  	[tilespmem:$0x490] =	vst v3;
	vm1 =	veq.s32 v6, v4;
	v1 =	vsel vm0, $0x2710, v2  }
0x194: {  	v2 =	vsel vm1, $0x2710, v4;
	[tilespmem:$0x4C0] =	vst v1  }
0x195: {  	[tilespmem:$0x4B0] =	vst v2  }
0x196: {  	[tilespmem:s16], [sflag:$0x2] =	stream.indirect.gather [hbm4b:s4+s12], $0x80, s15, s12, $0xb8;
	[tilespmem:$0x1E600] =	vst v63  }
0x197: {  	_ =	swait.ge [sflag:s7], $0x2800  }
0x198: {  	[sflag:s7] =	ssyncset.done $0x0  }
0x199: {  	s17 =	simm.s32 $0x580;
	[sflag:s7] =	ssyncadd.s32 $0xFFFFD800  }
0x19a: {  	[spmem:s2] =	stream.indirect.scatter.add.f32 [tilespmem:s9], [sflag:$0x8], $0x80, s17, s12, $0xb8;
	[tilespmem:$0x1E600] =	vst v63  }
0x19b: {  	s17 =	sadd.s32 $0xFFFFFF10, s14;
	_ =	swait.ge [sflag:s26], $0x2800  }
0x19c: {  	s17 =	sshrl.u32 s17, $0x3;
	[sflag:s26] =	ssyncset.done $0x0  }
0x19d: {  	s20 =	sadd.s32 s5, s17;
	[sflag:s26] =	ssyncadd.s32 $0xFFFFD800  }
0x19e: {  	[tilespmem:s18], [sflag:$0x9] =	stream.linear.gather [hbm4b:s20+s3], $0x50, $0x38;
	[tilespmem:$0x1E600] =	vst v63  }
0x19f: {  	_ =	swait.ge [sflag:s10], $0x50  }
0x1a0: {  	[sflag:s10] =	ssyncset.done $0x0  }
0x1a1: {  	s17 =	sadd.s32 s6, s17;
	[sflag:s10] =	ssyncadd.s32 $0xFFFFFFB0  }
0x1a2: {  	[tilespmem:s0], [sflag:$0x9] =	stream.linear.gather [hbm4b:s17+s3], $0x50, $0x38;
	[tilespmem:$0x1E600] =	vst v63  }
0x1a3: {  	_ =	swait.ge [sflag:s10], $0x50  }
0x1a4: {  	[sflag:s10] =	ssyncset.done $0x0  }
0x1a5: {  	[sflag:s10] =	ssyncadd.s32 $0xFFFFFFB0  }
0x1a6: {  	v1 =	vld [tilespmem:$0x340]  }
0x1a7: {  	v2 =	vld [tilespmem:$0x330]  }
0x1a8: {  	v3 =	vld [tilespmem:$0x320]  }
0x1a9: {  	v4 =	vld [tilespmem:$0x120]  }
0x1aa: {  	v5 =	vld [tilespmem:$0x300]  }
0x1ab: {  	v6 =	vld [tilespmem:$0x110]  }
0x1ac: {  	v7 =	vld [tilespmem:$0x100]  }
0x1ad: {  	v8 =	vld [tilespmem:$0x130]  }
0x1ae: {  	v9 =	vld [tilespmem:$0x310];
	vm0 =	veq.s32 v4, v3  }
0x1af: {  	v3 =	vsel vm0, $0x2710, v3;
	v4 =	vld [tilespmem:$0x140]  }
0x1b0: {  	[tilespmem:$0x520] =	vst v3  }
0x1b1: {  	vm0 =	veq.s32 v7, v5  }
0x1b2: {  	v3 =	vsel vm0, $0x2710, v5;
	vm0 =	veq.s32 v8, v2  }
0x1b3: {  	[tilespmem:$0x500] =	vst v3;
	vm1 =	veq.s32 v6, v9;
	v2 =	vsel vm0, $0x2710, v2  }
0x1b4: {  	v3 =	vsel vm1, $0x2710, v9;
	[tilespmem:$0x530] =	vst v2;
	vm0 =	veq.s32 v4, v1  }
0x1b5: {  	[tilespmem:$0x510] =	vst v3;
	v1 =	vsel vm0, $0x2710, v1  }
0x1b6: {  	[tilespmem:$0x540] =	vst v1  }
0x1b7: {  	[tilespmem:s21], [sflag:$0x3] =	stream.indirect.gather [hbm4b:s4+s12], $0x80, s18, s12, $0xb8;
	[tilespmem:$0x1E600] =	vst v63  }
0x1b8: {  	_ =	swait.ge [sflag:s19], $0x2800  }
0x1b9: {  	[sflag:s19] =	ssyncset.done $0x0  }
0x1ba: {  	[sflag:s19] =	ssyncadd.s32 $0xFFFFD800  }
0x1bb: {  	[spmem:s2] =	stream.indirect.scatter.add.f32 [tilespmem:s13], [sflag:$0x5], $0x80, s8, s12, $0xb8;
	[tilespmem:$0x1E600] =	vst v63  }
0x1bc: {  	s17 =	sadd.s32 $0xFFFFFF60, s14;
	_ =	swait.ge [sflag:s24], $0x2800  }
0x1bd: {  	s17 =	sshrl.u32 s17, $0x3;
	[sflag:s24] =	ssyncset.done $0x0  }
0x1be: {  	s20 =	sadd.s32 s5, s17;
	[sflag:s24] =	ssyncadd.s32 $0xFFFFD800  }
0x1bf: {  	[tilespmem:s23], [sflag:$0x9] =	stream.linear.gather [hbm4b:s20+s3], $0x50, $0x38;
	[tilespmem:$0x1E600] =	vst v63  }
0x1c0: {  	_ =	swait.ge [sflag:s10], $0x50  }
0x1c1: {  	[sflag:s10] =	ssyncset.done $0x0  }
0x1c2: {  	s17 =	sadd.s32 s6, s17;
	s20 =	simm.s32 $0x380;
	[sflag:s10] =	ssyncadd.s32 $0xFFFFFFB0  }
0x1c3: {  	[tilespmem:s20], [sflag:$0x9] =	stream.linear.gather [hbm4b:s17+s3], $0x50, $0x38;
	[tilespmem:$0x1E600] =	vst v63  }
0x1c4: {  	_ =	swait.ge [sflag:s10], $0x50  }
0x1c5: {  	[sflag:s10] =	ssyncset.done $0x0  }
0x1c6: {  	[sflag:s10] =	ssyncadd.s32 $0xFFFFFFB0  }
0x1c7: {  	v1 =	vld [tilespmem:$0x380]  }
0x1c8: {  	v2 =	vld [tilespmem:$0x1B0]  }
0x1c9: {  	v3 =	vld [tilespmem:$0x3A0]  }
0x1ca: {  	v4 =	vld [tilespmem:$0x3B0]  }
0x1cb: {  	v5 =	vld [tilespmem:$0x1A0]  }
0x1cc: {  	v6 =	vld [tilespmem:$0x1C0]  }
0x1cd: {  	v7 =	vld [tilespmem:$0x3C0]  }
0x1ce: {  	v8 =	vld [tilespmem:$0x390]  }
0x1cf: {  	v9 =	vld [tilespmem:$0x190];
	vm0 =	veq.s32 v2, v4  }
0x1d0: {  	v2 =	vld [tilespmem:$0x180];
	vm1 =	veq.s32 v5, v3;
	v4 =	vsel vm0, $0x2710, v4  }
0x1d1: {  	v3 =	vsel vm1, $0x2710, v3;
	[tilespmem:$0x5B0] =	vst v4  }
0x1d2: {  	[tilespmem:$0x5A0] =	vst v3;
	vm0 =	veq.s32 v6, v7  }
0x1d3: {  	v3 =	vsel vm0, $0x2710, v7  }
0x1d4: {  	vm0 =	veq.s32 v9, v8;
	[tilespmem:$0x5C0] =	vst v3  }
0x1d5: {  	vm1 =	veq.s32 v2, v1;
	v2 =	vsel vm0, $0x2710, v8  }
0x1d6: {  	v1 =	vsel vm1, $0x2710, v1;
	[tilespmem:$0x590] =	vst v2  }
0x1d7: {  	[tilespmem:$0x580] =	vst v1  }
0x1d8: {  	[tilespmem:s9], [sflag:$0x4] =	stream.indirect.gather [hbm4b:s4+s12], $0x80, s23, s12, $0xb8;
	[tilespmem:$0x1E600] =	vst v63  }
0x1d9: {  	_ =	swait.ge [sflag:s25], $0x2800  }
0x1da: {  	[sflag:s25] =	ssyncset.done $0x0  }
0x1db: {  	s17 =	simm.s32 $0x480;
	[sflag:s25] =	ssyncadd.s32 $0xFFFFD800  }
0x1dc: {  	[spmem:s2] =	stream.indirect.scatter.add.f32 [tilespmem:s16], [sflag:$0x6], $0x80, s17, s12, $0xb8;
	[tilespmem:$0x1E600] =	vst v63  }
0x1dd: {  	s17 =	sadd.s32 $0xFFFFFFB0, s14;
	_ =	swait.ge [sflag:s30], $0x2800  }
0x1de: {  	s17 =	sshrl.u32 s17, $0x3;
	[sflag:s30] =	ssyncset.done $0x0  }
0x1df: {  	s20 =	sadd.s32 s5, s17;
	[sflag:s30] =	ssyncadd.s32 $0xFFFFD800  }
0x1e0: {  	[tilespmem:s3], [sflag:$0x9] =	stream.linear.gather [hbm4b:s20+s3], $0x50, $0x38;
	[tilespmem:$0x1E600] =	vst v63  }
0x1e1: {  	s20 =	simm.s32 $0x500  }
0x1e2: {  	_ =	swait.ge [sflag:s10], $0x50  }
0x1e3: {  	[sflag:s10] =	ssyncset.done $0x0  }
0x1e4: {  	s17 =	sadd.s32 s6, s17;
	[sflag:s10] =	ssyncadd.s32 $0xFFFFFFB0  }
0x1e5: {  	[tilespmem:s22], [sflag:$0x9] =	stream.linear.gather [hbm4b:s17+s3], $0x50, $0x38;
	[tilespmem:$0x1E600] =	vst v63  }
0x1e6: {  	_ =	swait.ge [sflag:s10], $0x50  }
0x1e7: {  	[sflag:s10] =	ssyncset.done $0x0  }
0x1e8: {  	[sflag:s10] =	ssyncadd.s32 $0xFFFFFFB0  }
0x1e9: {  	v2 =	vld [tilespmem:$0x40]  }
0x1ea: {  	v4 =	vld [tilespmem:$0x240]  }
0x1eb: {  	v3 =	vld [tilespmem:$0x10]  }
.Ltmp2:
0x1ec: {  	v1 =	vld [tilespmem:$0x220];
	(pc) =	sbr.rel @p0 .LBB2_4-.Ltmp2, $4  }
0x1ed: {  	v7 =	vld [tilespmem:$0x30]  }
0x1ee: {  	v5 =	vld [tilespmem:$0x230]  }
0x1ef: {  	v6 =	vld [tilespmem:$0x210];
	vm0 =	veq.s32 v2, v4  }
0x1f0: {  	v2 =	vld [tilespmem:$0x200];
	v4 =	vsel vm0, $0x2710, v4  }
.LBB2_5:
0x1f1: {  	v8 =	vld [tilespmem:$0x20]  }
0x1f2: {  	v9 =	vld [tilespmem:$0x0];
	_ =	sdelay $0x1  }
0x1f3: {  	vm0 =	veq.s32 v7, v5  }
0x1f4: {  	[tilespmem:$0x440] =	vst v4;
	vm1 =	veq.s32 v3, v6;
	v3 =	vsel vm0, $0x2710, v5  }
0x1f5: {  	v43 =	vsel vm1, $0x2710, v6;
	[tilespmem:$0x430] =	vst v3;
	vm11 =	veq.s32 v8, v1  }
0x1f6: {  	[tilespmem:$0x410] =	vst v43;
	vm12 =	veq.s32 v9, v2;
	v1 =	vsel vm11, $0x2710, v1  }
0x1f7: {  	v2 =	vsel vm12, $0x2710, v2;
	[tilespmem:$0x420] =	vst v1  }
0x1f8: {  	[tilespmem:$0x400] =	vst v2  }
0x1f9: {  	[tilespmem:s13], [sflag:$0x1] =	stream.indirect.gather [hbm4b:s4+s12], $0x80, s3, s12, $0xb8;
	[tilespmem:$0x1E600] =	vst v63  }
0x1fa: {  	_ =	swait.ge [sflag:s31], $0x2800  }
0x1fb: {  	[sflag:s31] =	ssyncset.done $0x0  }
0x1fc: {  	[sflag:s31] =	ssyncadd.s32 $0xFFFFD800  }
0x1fd: {  	[spmem:s2] =	stream.indirect.scatter.add.f32 [tilespmem:s21], [sflag:$0x7], $0x80, s20, s12, $0xb8;
	[tilespmem:$0x1E600] =	vst v63  }
0x1fe: {  	_ =	swait.ge [sflag:s1], $0x2800  }
0x1ff: {  	[sflag:s1] =	ssyncset.done $0x0  }
0x200: {  	s11 =	sadd.s32 s5, s28;
	[sflag:s1] =	ssyncadd.s32 $0xFFFFD800  }
0x201: {  	[tilespmem:s15], [sflag:$0x9] =	stream.linear.gather [hbm4b:s11+s3], $0x50, $0x38;
	[tilespmem:$0x1E600] =	vst v63  }
0x202: {  	_ =	swait.ge [sflag:s10], $0x50  }
0x203: {  	[sflag:s10] =	ssyncset.done $0x0  }
0x204: {  	s14 =	sadd.s32 s6, s28;
	[sflag:s10] =	ssyncadd.s32 $0xFFFFFFB0  }
0x205: {  	[tilespmem:s29], [sflag:$0x9] =	stream.linear.gather [hbm4b:s14+s3], $0x50, $0x38;
	[tilespmem:$0x1E600] =	vst v63  }
0x206: {  	_ =	swait.ge [sflag:s10], $0x50  }
0x207: {  	[sflag:s10] =	ssyncset.done $0x0  }
0x208: {  	[sflag:s10] =	ssyncadd.s32 $0xFFFFFFB0  }
0x209: {  	v1 =	vld [tilespmem:$0x80]  }
0x20a: {  	v2 =	vld [tilespmem:$0x280]  }
0x20b: {  	v3 =	vld [tilespmem:$0x90]  }
0x20c: {  	v44 =	vld [tilespmem:$0xA0]  }
0x20d: {  	v45 =	vld [tilespmem:$0x2A0]  }
0x20e: {  	v46 =	vld [tilespmem:$0xB0]  }
0x20f: {  	v10 =	vld [tilespmem:$0x2B0]  }
0x210: {  	v47 =	vld [tilespmem:$0xC0]  }
0x211: {  	v48 =	vld [tilespmem:$0x290]  }
0x212: {  	v49 =	vld [tilespmem:$0x2C0]  }
0x213: {  	vm13 =	veq.s32 v1, v2  }
0x214: {  	vm5 =	veq.s32 v46, v10;
	v1 =	vsel vm13, $0x2710, v2  }
0x215: {  	vm14 =	veq.s32 v44, v45;
	v2 =	vsel vm5, $0x2710, v10;
	[tilespmem:$0x480] =	vst v1  }
0x216: {  	vm15 =	veq.s32 v3, v48;
	v1 =	vsel vm14, $0x2710, v45;
	[tilespmem:$0x4B0] =	vst v2  }
0x217: {  	vm4 =	veq.s32 v47, v49;
	[tilespmem:$0x4A0] =	vst v1;
	v1 =	vsel vm15, $0x2710, v48  }
0x218: {  	[tilespmem:$0x490] =	vst v1;
	v1 =	vsel vm4, $0x2710, v49  }
0x219: {  	[tilespmem:$0x4C0] =	vst v1  }
0x21a: {  	[tilespmem:s16], [sflag:$0x2] =	stream.indirect.gather [hbm4b:s4+s12], $0x80, s15, s12, $0xb8;
	[tilespmem:$0x1E600] =	vst v63  }
0x21b: {  	_ =	swait.ge [sflag:s7], $0x2800  }
0x21c: {  	[sflag:s7] =	ssyncset.done $0x0  }
0x21d: {  	s14 =	simm.s32 $0x580;
	[sflag:s7] =	ssyncadd.s32 $0xFFFFD800  }
0x21e: {  	[spmem:s2] =	stream.indirect.scatter.add.f32 [tilespmem:s9], [sflag:$0x8], $0x80, s14, s12, $0xb8;
	[tilespmem:$0x1E600] =	vst v63  }
0x21f: {  	_ =	swait.ge [sflag:s26], $0x2800  }
0x220: {  	[sflag:s26] =	ssyncset.done $0x0  }
0x221: {  	s17 =	rddreg [dreg:$0x11];
	[sflag:s26] =	ssyncadd.s32 $0xFFFFD800  }
0x222: {  	[tilespmem:s18], [sflag:$0x9] =	stream.linear.gather [hbm4b:s17+s3], $0x50, $0x38;
	[tilespmem:$0x1E600] =	vst v63  }
0x223: {  	_ =	swait.ge [sflag:s10], $0x50  }
0x224: {  	[sflag:s10] =	ssyncset.done $0x0  }
0x225: {  	s22 =	rddreg [dreg:$0x12];
	[sflag:s10] =	ssyncadd.s32 $0xFFFFFFB0  }
0x226: {  	[tilespmem:s0], [sflag:$0x9] =	stream.linear.gather [hbm4b:s22+s3], $0x50, $0x38;
	[tilespmem:$0x1E600] =	vst v63  }
0x227: {  	_ =	swait.ge [sflag:s10], $0x50  }
0x228: {  	[sflag:s10] =	ssyncset.done $0x0  }
0x229: {  	[sflag:s10] =	ssyncadd.s32 $0xFFFFFFB0  }
0x22a: {  	v1 =	vld [tilespmem:$0x100]  }
0x22b: {  	v2 =	vld [tilespmem:$0x300]  }
0x22c: {  	v3 =	vld [tilespmem:$0x110]  }
0x22d: {  	v50 =	vld [tilespmem:$0x310]  }
0x22e: {  	v51 =	vld [tilespmem:$0x120]  }
0x22f: {  	v52 =	vld [tilespmem:$0x320]  }
0x230: {  	v53 =	vld [tilespmem:$0x130]  }
0x231: {  	v54 =	vld [tilespmem:$0x330]  }
0x232: {  	v55 =	vld [tilespmem:$0x140]  }
0x233: {  	v56 =	vld [tilespmem:$0x340]  }
0x234: {  	vm6 =	veq.s32 v1, v2  }
0x235: {  	vm7 =	veq.s32 v3, v50;
	v1 =	vsel vm6, $0x2710, v2  }
0x236: {  	vm8 =	veq.s32 v51, v52;
	[tilespmem:$0x500] =	vst v1;
	v1 =	vsel vm7, $0x2710, v50  }
0x237: {  	vm9 =	veq.s32 v53, v54;
	[tilespmem:$0x510] =	vst v1;
	v1 =	vsel vm8, $0x2710, v52  }
0x238: {  	vm10 =	veq.s32 v55, v56;
	[tilespmem:$0x520] =	vst v1;
	v1 =	vsel vm9, $0x2710, v54  }
0x239: {  	[tilespmem:$0x530] =	vst v1;
	v1 =	vsel vm10, $0x2710, v56  }
0x23a: {  	[tilespmem:$0x540] =	vst v1  }
0x23b: {  	[tilespmem:s21], [sflag:$0x3] =	stream.indirect.gather [hbm4b:s4+s12], $0x80, s18, s12, $0xb8;
	[tilespmem:$0x1E600] =	vst v63  }
0x23c: {  	_ =	swait.ge [sflag:s19], $0x2800  }
0x23d: {  	[sflag:s19] =	ssyncset.done $0x0  }
0x23e: {  	[sflag:s19] =	ssyncadd.s32 $0xFFFFD800  }
0x23f: {  	[spmem:s2] =	stream.indirect.scatter.add.f32 [tilespmem:s13], [sflag:$0x5], $0x80, s8, s12, $0xb8;
	[tilespmem:$0x1E600] =	vst v63  }
0x240: {  	_ =	swait.ge [sflag:s24], $0x2800  }
0x241: {  	[sflag:s24] =	ssyncset.done $0x0  }
0x242: {  	s13 =	rddreg [dreg:$0x13];
	[sflag:s24] =	ssyncadd.s32 $0xFFFFD800  }
0x243: {  	[tilespmem:s23], [sflag:$0x9] =	stream.linear.gather [hbm4b:s13+s3], $0x50, $0x38;
	[tilespmem:$0x1E600] =	vst v63  }
0x244: {  	_ =	swait.ge [sflag:s10], $0x50  }
0x245: {  	[sflag:s10] =	ssyncset.done $0x0  }
0x246: {  	s17 =	simm.s32 $0x380;
	s15 =	rddreg [dreg:$0x14];
	[sflag:s10] =	ssyncadd.s32 $0xFFFFFFB0  }
0x247: {  	[tilespmem:s17], [sflag:$0x9] =	stream.linear.gather [hbm4b:s15+s3], $0x50, $0x38;
	[tilespmem:$0x1E600] =	vst v63  }
0x248: {  	_ =	swait.ge [sflag:s10], $0x50  }
0x249: {  	[sflag:s10] =	ssyncset.done $0x0  }
0x24a: {  	[sflag:s10] =	ssyncadd.s32 $0xFFFFFFB0  }
0x24b: {  	v1 =	vld [tilespmem:$0x180]  }
0x24c: {  	v2 =	vld [tilespmem:$0x380]  }
0x24d: {  	v3 =	vld [tilespmem:$0x190]  }
0x24e: {  	v57 =	vld [tilespmem:$0x390]  }
0x24f: {  	v58 =	vld [tilespmem:$0x1A0]  }
0x250: {  	v59 =	vld [tilespmem:$0x3A0]  }
0x251: {  	v60 =	vld [tilespmem:$0x1B0]  }
0x252: {  	v61 =	vld [tilespmem:$0x3B0]  }
0x253: {  	v62 =	vld [tilespmem:$0x1C0]  }
0x254: {  	v63 =	vld [tilespmem:$0x3C0]  }
0x255: {  	vm11 =	veq.s32 v1, v2  }
0x256: {  	vm12 =	veq.s32 v3, v57;
	v1 =	vsel vm11, $0x2710, v2  }
0x257: {  	vm13 =	veq.s32 v58, v59;
	[tilespmem:$0x580] =	vst v1;
	v1 =	vsel vm12, $0x2710, v57  }
0x258: {  	vm14 =	veq.s32 v60, v61;
	[tilespmem:$0x590] =	vst v1;
	v1 =	vsel vm13, $0x2710, v59  }
0x259: {  	vm15 =	veq.s32 v62, v63;
	[tilespmem:$0x5A0] =	vst v1;
	v1 =	vsel vm14, $0x2710, v61  }
0x25a: {  	[tilespmem:$0x5B0] =	vst v1;
	v1 =	vsel vm15, $0x2710, v63  }
0x25b: {  	[tilespmem:$0x5C0] =	vst v1  }
0x25c: {  	[tilespmem:s9], [sflag:$0x4] =	stream.indirect.gather [hbm4b:s4+s12], $0x80, s23, s12, $0xb8;
	[tilespmem:$0x1E600] =	vst v63  }
0x25d: {  	_ =	swait.ge [sflag:s25], $0x2800  }
0x25e: {  	[sflag:s25] =	ssyncset.done $0x0  }
0x25f: {  	s18 =	simm.s32 $0x480;
	[sflag:s25] =	ssyncadd.s32 $0xFFFFD800  }
0x260: {  	[spmem:s2] =	stream.indirect.scatter.add.f32 [tilespmem:s16], [sflag:$0x6], $0x80, s18, s12, $0xb8;
	[tilespmem:$0x1E600] =	vst v63  }
0x261: {  	_ =	swait.ge [sflag:s30], $0x2800  }
0x262: {  	[sflag:s30] =	ssyncset.done $0x0  }
0x263: {  	[sflag:s30] =	ssyncadd.s32 $0xFFFFD800  }
0x264: {  	_ =	swait.ge [sflag:s31], $0x2800  }
0x265: {  	[sflag:s31] =	ssyncset.done $0x0  }
0x266: {  	[sflag:s31] =	ssyncadd.s32 $0xFFFFD800  }
0x267: {  	[spmem:s2] =	stream.indirect.scatter.add.f32 [tilespmem:s21], [sflag:$0x7], $0x80, s20, s12, $0xb8;
	[tilespmem:$0x1E600] =	vst v63  }
0x268: {  	_ =	swait.ge [sflag:s1], $0x2800  }
0x269: {  	[sflag:s1] =	ssyncset.done $0x0  }
0x26a: {  	[sflag:s1] =	ssyncadd.s32 $0xFFFFD800  }
0x26b: {  	_ =	swait.ge [sflag:s7], $0x2800  }
0x26c: {  	[sflag:s7] =	ssyncset.done $0x0  }
0x26d: {  	[sflag:s7] =	ssyncadd.s32 $0xFFFFD800  }
0x26e: {  	[spmem:s2] =	stream.indirect.scatter.add.f32 [tilespmem:s9], [sflag:$0x8], $0x80, s14, s12, $0xb8;
	[tilespmem:$0x1E600] =	vst v63  }
0x26f: {  	_ =	swait.ge [sflag:s26], $0x2800  }
0x270: {  	[sflag:s26] =	ssyncset.done $0x0  }
0x271: {  	[sflag:s26] =	ssyncadd.s32 $0xFFFFD800  }
0x272: {  	_ =	swait.ge [sflag:s24], $0x2800  }
0x273: {  	[sflag:s24] =	ssyncset.done $0x0  }
0x274: {  	[sflag:s24] =	ssyncadd.s32 $0xFFFFD800  }
0x275: {  	s20 =	stileid.u32;
	[bflag:$0x0] =	sbarrier.arrive $0xFFFF  }
0x276: {  	s11 =	sshll.u32 s20, $0x6;
	s20 =	rddreg [dreg:$0x15]  }
0x277: {  	s11 =	sor.u32 $0x1C09, s11;
	s17 =	rddreg [dreg:$0x10];
	s21 =	sshrl.u32 s20, $0x3  }
0x278: {  	[hbm:s17], [sflag:s11] =	dma.local [spmem:s21], $0x2800  }
0x279: {  	_ =	swait.ge [sflag:s10], $0x2800  }
0x27a: {  	s22 =	sld [smem:$0x7FD];
	_ =	sdelay $0x2  }
0x27b: {  	s23 =	rddreg [dreg:$0x16];
	s14 =	sadd.s32 $0x1, s22  }
0x27c: {  	s28 =	simm.s32 $0x200;
	p0 =	sne.s32 s14, s23  }
.Ltmp3:
0x27d: {  	s29 =	simm.s32 $0x480;
	s0 =	simm.s32 $0x300;
	(pc) =	sbr.rel @p0 .LBB2_1-.Ltmp3, $4  }
0x27e: {  	s8 =	simm.s32 $0x400;
	s13 =	simm.s32 $0x600;
	s15 =	simm.s32 $0x80  }
0x27f: {  	s16 =	simm.s32 $0x2E00;
	s18 =	simm.s32 $0x100;
	s9 =	simm.s32 $0x380  }
0x280: {  	s17 =	simm.s32 $0x280;
	s21 =	simm.s32 $0x5600;
	[sflag:s10] =	ssyncset.done $0x0  }
0x281: {  	[sflag:s10] =	ssyncadd.s32 $0xFFFFD800;
	s22 =	simm.s32 $0x180;
	s23 =	simm.s32 $0x7E00  }
0x282: {  	_ =	sfence.sel $0x180000  }
0x283: {  	[bflag:$0x0] =	sbarrier.arrive $0xFFFF  }
0x284: {  	_ =	strace $0x9000004A  }
0x285: {  	s0 =	stileid.u32;
	[bflag:$0x2] =	sbarrier.arrive $0xFFFF  }
0x286: {  	p0 =	sne.s32 s0, $0x0;
	s0 =	rddreg [dreg:$0x3]  }
0x287: {  	s0 =	sadd.s32 @!p0 $0x100000, s0  }
0x288: {  	[sflag:s0] =	ssyncadd.tile.s32 @!p0 $0x1;
	_ =	shalt  }
.Lfunc_end2:
_tile_overlayer_lowered:
.L_overlay_start_2:
0x289: {  	(tag) =	ssettag $0x2  }
0x28a: {  	s0 =	rddreg [dreg:$0x0];
	s2 =	stileid.u32  }
0x28b: {  	s1 =	rddreg [dreg:$0x1];
	p0 =	sne.s32 s2, $0x0  }
0x28c: {  	s3 =	rddreg [dreg:$0x2];
	[bflag:$0x3] =	sbarrier.arrive $0xFFFF;
	s2 =	simm.s32 @!p0 $0x1C09  }
0x28d: {  	[timem:s3], [sflag:s2] =	dma.local @!p0 [hbm:s0], s1  }
0x28e: {  	s0 =	simm.s32 @!p0 $0x9  }
0x28f: {  	_ =	swait.ge @!p0 [sflag:s0], s1  }
0x290: {  	s1 =	ssub.s32 @!p0 $0x0, s1;
	[sflag:s0] =	ssyncset.done @!p0 $0x0  }
0x291: {  	[sflag:s0] =	ssyncadd.s32 @!p0 s1  }
0x292: {  	[bflag:$0x3] =	sbarrier.arrive $0xFFFF  }
0x293: {  	_ =	shalt  }

</sc_bundles>
